<compile_context>
chip_gen: v7x
topology: tpu7x:2x2x1
jax: 0.10.2.dev20260603
libtpu: 0.0.44.dev20260713+nightly
codegen_flags: <defaults>
</compile_context>

<pallas_src>
import functools

import jax
import jax.numpy as jnp
from jax import lax
from jax.experimental import pallas as pl
from jax.experimental.pallas import tpu as pltpu
from jax.experimental.pallas import tpu_sc as plsc

N = 10000
D = 128
NPAD = 10240
NC = 2
NS = 16
NW = NC * NS
C = 128
NCHUNKS = 80
EPW = NCHUNKS * C
EPAD = NW * EPW
ROWS_PT = NPAD // NS
TCB = 1024
PACK_BITS = 14
PACK_MASK = (1 << PACK_BITS) - 1


def _sc_mesh():
  return plsc.VectorSubcoreMesh(core_axis_name="c", subcore_axis_name="s")


def _unpack_chunk(packed_v, j, src_c, dst_c):
  for k in range(C // 16):
    v = packed_v[j, pl.ds(k * 16, 16)]
    src_c[pl.ds(k * 16, 16)] = v & PACK_MASK
    dst_c[pl.ds(k * 16, 16)] = lax.shift_right_logical(v, PACK_BITS)


@functools.partial(
    pl.kernel,
    mesh=_sc_mesh(),
    out_type=jax.ShapeDtypeStruct((NC, NPAD, D), jnp.float32),
    scratch_types=[
        pltpu.VMEM_SHARED((NPAD, D), jnp.float32),
        pltpu.VMEM((NCHUNKS, C), jnp.int32),
        pltpu.VMEM((C,), jnp.int32),
        pltpu.VMEM((C,), jnp.int32),
        pltpu.VMEM((C,), jnp.int32),
        pltpu.VMEM((C,), jnp.int32),
        pltpu.VMEM((C,), jnp.int32),
        pltpu.VMEM((C, D), jnp.float32),
        pltpu.SemaphoreType.DMA,
        pltpu.SemaphoreType.DMA,
        pltpu.SemaphoreType.DMA,
        pltpu.SemaphoreType.DMA,
        pltpu.SemaphoreType.DMA,
    ],
)
def _deg_sc(edges_hbm, ones_hbm, zeros_hbm, out_hbm,
            acc, packed_v, junk_c, dst_c0, dst_c1, dst_c2, dst_c3, ones_v,
            semA, semB, semC, semD, semL):
  cid = lax.axis_index("c")
  sid = lax.axis_index("s")
  wid = sid * NC + cid
  base = sid * ROWS_PT
  pltpu.async_copy(zeros_hbm.at[pl.ds(base, ROWS_PT)],
                   acc.at[pl.ds(base, ROWS_PT)], semL)
  pltpu.sync_copy(edges_hbm.at[wid], packed_v)
  pltpu.sync_copy(ones_hbm, ones_v)
  pltpu.make_async_copy(zeros_hbm.at[pl.ds(base, ROWS_PT)],
                        acc.at[pl.ds(base, ROWS_PT)], semL).wait()
  plsc.subcore_barrier()

  dst_c = (dst_c0, dst_c1, dst_c2, dst_c3)
  sems = (semA, semB, semC, semD)
  for b in range(4):
    _unpack_chunk(packed_v, b, junk_c, dst_c[b])
    pltpu.async_copy(ones_v, acc.at[dst_c[b]], sems[b], add=True)

  def body(i, carry):
    j = 4 * i
    for b in range(4):
      pltpu.make_async_copy(ones_v, acc.at[dst_c[b]], sems[b]).wait()

      @pl.when(j + 4 + b < NCHUNKS)
      def _():
        _unpack_chunk(packed_v, j + 4 + b, junk_c, dst_c[b])
        pltpu.async_copy(ones_v, acc.at[dst_c[b]], sems[b], add=True)

    return carry

  lax.fori_loop(0, NCHUNKS // 4, body, None)
  plsc.subcore_barrier()
  pltpu.sync_copy(acc.at[pl.ds(base, ROWS_PT)],
                  out_hbm.at[cid, pl.ds(base, ROWS_PT)])


@functools.partial(
    pl.kernel,
    mesh=_sc_mesh(),
    out_type=jax.ShapeDtypeStruct((NC, NPAD, D), jnp.float32),
    scratch_types=[
        pltpu.VMEM_SHARED((NPAD, D), jnp.float32),
        pltpu.VMEM((NCHUNKS, C), jnp.int32),
        pltpu.VMEM((C,), jnp.int32),
        pltpu.VMEM((C,), jnp.int32),
        pltpu.VMEM((C,), jnp.int32),
        pltpu.VMEM((C,), jnp.int32),
        pltpu.VMEM((C, D), jnp.float32),
        pltpu.VMEM((C, D), jnp.float32),
        pltpu.SemaphoreType.DMA,
        pltpu.SemaphoreType.DMA,
    ],
)
def _scat_sc(g_hbm, edges_hbm, zeros_hbm, out_hbm,
             acc, packed_v, src_c0, src_c1, dst_c0, dst_c1,
             rows0, rows1, sem0, sem1):
  cid = lax.axis_index("c")
  sid = lax.axis_index("s")
  wid = sid * NC + cid
  base = sid * ROWS_PT

  @pl.when(cid == 0)
  def _():
    pltpu.async_copy(g_hbm.at[pl.ds(base, ROWS_PT)],
                     acc.at[pl.ds(base, ROWS_PT)], sem0)

  @pl.when(cid == 1)
  def _():
    pltpu.async_copy(zeros_hbm.at[pl.ds(base, ROWS_PT)],
                     acc.at[pl.ds(base, ROWS_PT)], sem0)

  pltpu.sync_copy(edges_hbm.at[wid], packed_v)

  @pl.when(cid == 0)
  def _():
    pltpu.make_async_copy(g_hbm.at[pl.ds(base, ROWS_PT)],
                          acc.at[pl.ds(base, ROWS_PT)], sem0).wait()

  @pl.when(cid == 1)
  def _():
    pltpu.make_async_copy(zeros_hbm.at[pl.ds(base, ROWS_PT)],
                          acc.at[pl.ds(base, ROWS_PT)], sem0).wait()

  plsc.subcore_barrier()

  _unpack_chunk(packed_v, 0, src_c0, dst_c0)
  pltpu.async_copy(g_hbm.at[src_c0], rows0, sem0)
  _unpack_chunk(packed_v, 1, src_c1, dst_c1)

  def body(i, carry):
    j = 2 * i
    pltpu.async_copy(g_hbm.at[src_c1], rows1, sem1)
    pltpu.make_async_copy(g_hbm.at[src_c0], rows0, sem0).wait()
    pltpu.sync_copy(rows0, acc.at[dst_c0], add=True)

    @pl.when(j + 2 < NCHUNKS)
    def _():
      _unpack_chunk(packed_v, j + 2, src_c0, dst_c0)
      pltpu.async_copy(g_hbm.at[src_c0], rows0, sem0)

    pltpu.make_async_copy(g_hbm.at[src_c1], rows1, sem1).wait()
    pltpu.sync_copy(rows1, acc.at[dst_c1], add=True)

    @pl.when(j + 3 < NCHUNKS)
    def _():
      _unpack_chunk(packed_v, j + 3, src_c1, dst_c1)

    return carry

  lax.fori_loop(0, NCHUNKS // 2, body, None)
  plsc.subcore_barrier()
  pltpu.sync_copy(acc.at[pl.ds(base, ROWS_PT)],
                  out_hbm.at[cid, pl.ds(base, ROWS_PT)])


def _tc1_body(dref, xref, wref, gref, dvref):
  deg = dref[0, :, 0:1] + dref[1, :, 0:1] + 1.0
  dv = lax.rsqrt(deg)
  dvb = jnp.broadcast_to(dv, (TCB, D))
  gref[...] = dvb * jnp.dot(xref[...], wref[...],
                            preferred_element_type=jnp.float32)
  dvref[...] = dv


_tc1 = pl.pallas_call(
    _tc1_body,
    grid=(NPAD // TCB,),
    in_specs=[
        pl.BlockSpec((2, TCB, D), lambda i: (0, i, 0)),
        pl.BlockSpec((TCB, D), lambda i: (i, 0)),
        pl.BlockSpec((D, D), lambda i: (0, 0)),
    ],
    out_specs=[
        pl.BlockSpec((TCB, D), lambda i: (i, 0)),
        pl.BlockSpec((TCB, 1), lambda i: (i, 0)),
    ],
    out_shape=[
        jax.ShapeDtypeStruct((NPAD, D), jnp.float32),
        jax.ShapeDtypeStruct((NPAD, 1), jnp.float32),
    ],
)


def _tc2_body(pref, dvref, bref, wref, oref):
  dvb = jnp.broadcast_to(dvref[...], (TCB, D))
  t = dvb * (pref[0] + pref[1]) + bref[...]
  h = jnp.maximum(t, 0.0)
  oref[...] = dvb * jnp.dot(h, wref[...],
                            preferred_element_type=jnp.float32)


_tc2 = pl.pallas_call(
    _tc2_body,
    grid=(NPAD // TCB,),
    in_specs=[
        pl.BlockSpec((2, TCB, D), lambda i: (0, i, 0)),
        pl.BlockSpec((TCB, 1), lambda i: (i, 0)),
        pl.BlockSpec((1, D), lambda i: (0, 0)),
        pl.BlockSpec((D, D), lambda i: (0, 0)),
    ],
    out_specs=pl.BlockSpec((TCB, D), lambda i: (i, 0)),
    out_shape=jax.ShapeDtypeStruct((NPAD, D), jnp.float32),
)


def _tc3_body(pref, dvref, bref, oref):
  dvb = jnp.broadcast_to(dvref[...], (TCB, D))
  oref[...] = dvb * (pref[0] + pref[1]) + bref[...]


_tc3 = pl.pallas_call(
    _tc3_body,
    grid=(NPAD // TCB,),
    in_specs=[
        pl.BlockSpec((2, TCB, D), lambda i: (0, i, 0)),
        pl.BlockSpec((TCB, 1), lambda i: (i, 0)),
        pl.BlockSpec((1, D), lambda i: (0, 0)),
    ],
    out_specs=pl.BlockSpec((TCB, D), lambda i: (i, 0)),
    out_shape=jax.ShapeDtypeStruct((NPAD, D), jnp.float32),
)


def kernel(x, edge_index, W1, b1, W2, b2):
  src = edge_index[0].astype(jnp.int32)
  dst = edge_index[1].astype(jnp.int32)
  e = src.shape[0]
  npadrows = 16
  padidx = N + (jnp.arange(EPAD - e, dtype=jnp.int32) % npadrows)
  srcp = jnp.concatenate([src, padidx])
  dstp = jnp.concatenate([dst, padidx])
  edges = (srcp | (dstp << PACK_BITS)).reshape(NW, NCHUNKS, C)
  xp = jnp.pad(x, ((0, NPAD - N), (0, 0)))
  zeros_d = jnp.zeros((NPAD, D), jnp.float32)
  ones_d = jnp.ones((C, D), jnp.float32)

  degp = _deg_sc(edges, ones_d, zeros_d)
  g1, dv = _tc1(degp, xp, W1)
  p = _scat_sc(g1, edges, zeros_d)
  g2 = _tc2(p, dv, b1.reshape(1, D), W2)
  q = _scat_sc(g2, edges, zeros_d)
  out = _tc3(q, dv, b2.reshape(1, D))
  return out[:N]

# --- scband reference (transcript-rebuilt; emitter-appended) ---
"""Pipeline reference for scband-encoder-41197326303332 (READ-ONLY COPY).

The authoritative reference and input builder live on the scoring server;
editing this copy changes nothing except your own understanding.
"""

import jax, jax.numpy as jnp
import numpy as np

N_NODES = 10000
N_EDGES = 320000
D_IN = 128
D_HID = 128


def glorot(key, shape):
    fan_in, fan_out = shape[0], shape[1]
    limit = jnp.sqrt(6.0 / (fan_in + fan_out))
    return jax.random.uniform(key, shape, dtype=jnp.float32, minval=-limit, maxval=limit)


def setup_inputs(seed: int = 0) -> dict:
    key = jax.random.key(seed)
    k_x, k_e, k_w1, k_w2 = jax.random.split(key, 4)
    x = jax.random.normal(k_x, (N_NODES, D_IN), dtype=jnp.float32)
    edge_index = jax.random.randint(k_e, (2, N_EDGES), 0, N_NODES, dtype=jnp.int64)
    W1 = glorot(k_w1, (D_IN, D_HID))
    b1 = jnp.zeros((D_HID,), dtype=jnp.float32)
    W2 = glorot(k_w2, (D_HID, D_HID))
    b2 = jnp.zeros((D_HID,), dtype=jnp.float32)
    return {"x": x, "edge_index": edge_index, "W1": W1, "b1": b1, "W2": W2, "b2": b2}


def reference(x, edge_index, W1, b1, W2, b2):
    N = x.shape[0]
    loop = jnp.arange(N, dtype=edge_index.dtype)
    src = jnp.concatenate([edge_index[0], loop])
    dst = jnp.concatenate([edge_index[1], loop])
    # symmetric GCN normalization with self-loops (PyG GCNConv default)
    deg = jax.ops.segment_sum(jnp.ones_like(src, dtype=x.dtype), dst, num_segments=N)
    dinv = jnp.where(deg > 0, 1.0 / jnp.sqrt(deg), 0.0)
    norm = dinv[src] * dinv[dst]

    def gcn_conv(h, W, b):
        h = h @ W
        msg = h[src] * norm[:, None]
        out = jax.ops.segment_sum(msg, dst, num_segments=N)
        return out + b

    h = gcn_conv(x, W1, b1)
    h = jax.nn.relu(h)
    out = gcn_conv(h, W2, b2)
    return out

if __name__ == "__main__":
    import jax
    _d = setup_inputs()
    print(jax.jit(kernel)(*tuple(_d.values())))

</pallas_src>

<mosaic_0001>
#map = affine_map<(d0, d1) -> (0, 0)>
#map1 = affine_map<(d0, d1) -> (0, 0, 0)>
module attributes {stable_mosaic.version = 14 : i64} {
  func.func @_scat_sc(%arg0: i32, %arg1: i32, %arg2: memref<10240x128xf32, #tpu.memory_space<hbm>>, %arg3: memref<32x80x128xi32, #tpu.memory_space<hbm>>, %arg4: memref<10240x128xf32, #tpu.memory_space<hbm>>, %arg5: memref<2x10240x128xf32, #tpu.memory_space<hbm>>, %arg6: memref<10240x128xf32, #tpu.memory_space<vmem_shared>>, %arg7: memref<80x128xi32, #tpu.memory_space<vmem>>, %arg8: memref<128xi32, #tpu.memory_space<vmem>>, %arg9: memref<128xi32, #tpu.memory_space<vmem>>, %arg10: memref<128xi32, #tpu.memory_space<vmem>>, %arg11: memref<128xi32, #tpu.memory_space<vmem>>, %arg12: memref<128x128xf32, #tpu.memory_space<vmem>>, %arg13: memref<128x128xf32, #tpu.memory_space<vmem>>, %arg14: memref<!tpu.dma_semaphore, #tpu.memory_space<semaphore_mem>>, %arg15: memref<!tpu.dma_semaphore, #tpu.memory_space<semaphore_mem>>) attributes {dimension_semantics = [#tpu.dimension_semantics<core_parallel>, #tpu.dimension_semantics<subcore_parallel>], iteration_bounds = array<i64: 2, 16>, scalar_prefetch = 0 : i64, scratch_operands = 10 : i64, tpu.core_type = #tpu.core_type<sc_vector_subcore>, window_params = [{transform_indices = #map}, {transform_indices = #map1}, {transform_indices = #map}, {transform_indices = #map1}]} {
    %mul3A = arith.constant 2 : i32
    %mul3A_0 = arith.muli %arg1, %mul3A : i32
    %add3A = arith.addi %mul3A_0, %arg0 : i32
    %mul3A_1 = arith.constant 640 : i32
    %mul3A_2 = arith.muli %arg1, %mul3A_1 : i32
    %eq3A = arith.constant 0 : i32
    %eq3A_3 = arith.cmpi eq, %arg0, %eq3A : i32
    %convert_element_type3A = arith.extui %eq3A_3 : i1 to i32
    %cond3A = arith.constant 0 : i32
    %cond3A_4 = arith.cmpi ne, %convert_element_type3A, %cond3A : i32
    scf.if %cond3A_4 {
      %dma_start3A_327 = arith.constant 0 : i32
      %dma_start3A_328 = tpu.memref_slice %arg6[%mul3A_2, %dma_start3A_327] : memref<10240x128xf32, #tpu.memory_space<vmem_shared>> -> memref<640x128xf32, #tpu.memory_space<vmem_shared>>
      %dma_start3A_329 = arith.constant 0 : i32
      %dma_start3A_330 = tpu.memref_slice %arg2[%mul3A_2, %dma_start3A_329] : memref<10240x128xf32, #tpu.memory_space<hbm>> -> memref<640x128xf32, #tpu.memory_space<hbm>>
      tpu.enqueue_dma source(%dma_start3A_330 : memref<640x128xf32, #tpu.memory_space<hbm>>) target(%dma_start3A_328 : memref<640x128xf32, #tpu.memory_space<vmem_shared>>) target_semaphore(%arg14 : memref<!tpu.dma_semaphore, #tpu.memory_space<semaphore_mem>>)
    } else {
    }
    %eq3A_5 = arith.constant 1 : i32
    %eq3A_6 = arith.cmpi eq, %arg0, %eq3A_5 : i32
    %convert_element_type3A_7 = arith.extui %eq3A_6 : i1 to i32
    %cond3A_8 = arith.constant 0 : i32
    %cond3A_9 = arith.cmpi ne, %convert_element_type3A_7, %cond3A_8 : i32
    scf.if %cond3A_9 {
      %dma_start3A_327 = arith.constant 0 : i32
      %dma_start3A_328 = tpu.memref_slice %arg6[%mul3A_2, %dma_start3A_327] : memref<10240x128xf32, #tpu.memory_space<vmem_shared>> -> memref<640x128xf32, #tpu.memory_space<vmem_shared>>
      %dma_start3A_329 = arith.constant 0 : i32
      %dma_start3A_330 = tpu.memref_slice %arg4[%mul3A_2, %dma_start3A_329] : memref<10240x128xf32, #tpu.memory_space<hbm>> -> memref<640x128xf32, #tpu.memory_space<hbm>>
      tpu.enqueue_dma source(%dma_start3A_330 : memref<640x128xf32, #tpu.memory_space<hbm>>) target(%dma_start3A_328 : memref<640x128xf32, #tpu.memory_space<vmem_shared>>) target_semaphore(%arg14 : memref<!tpu.dma_semaphore, #tpu.memory_space<semaphore_mem>>)
    } else {
    }
    "tpu.region"() ({
      %run_scoped3A = tpu.sem_alloc : memref<!tpu.dma_semaphore, #tpu.memory_space<semaphore_mem>>
      %dma_start3A_327 = arith.constant 0 : i32
      %dma_start3A_328 = arith.constant 0 : i32
      %dma_start3A_329 = tpu.memref_slice %arg3[%add3A, %dma_start3A_327, %dma_start3A_328] : memref<32x80x128xi32, #tpu.memory_space<hbm>> -> memref<1x80x128xi32, #tpu.memory_space<hbm>>
      %dma_start3A_330 = tpu.memref_squeeze %dma_start3A_329 : memref<1x80x128xi32, #tpu.memory_space<hbm>> -> memref<80x128xi32, #tpu.memory_space<hbm>>
      %dma_start3A_331 = arith.constant 0 : i32
      %dma_start3A_332 = arith.constant 0 : i32
      %dma_start3A_333 = tpu.memref_slice %arg3[%add3A, %dma_start3A_331, %dma_start3A_332] : memref<32x80x128xi32, #tpu.memory_space<hbm>> -> memref<1x80x128xi32, #tpu.memory_space<hbm>>
      %dma_start3A_334 = tpu.memref_squeeze %dma_start3A_333 : memref<1x80x128xi32, #tpu.memory_space<hbm>> -> memref<80x128xi32, #tpu.memory_space<hbm>>
      tpu.enqueue_dma source(%dma_start3A_334 : memref<80x128xi32, #tpu.memory_space<hbm>>) target(%arg7 : memref<80x128xi32, #tpu.memory_space<vmem>>) target_semaphore(%run_scoped3A : memref<!tpu.dma_semaphore, #tpu.memory_space<semaphore_mem>>)
      %dma_wait3A = arith.constant 0 : i32
      %dma_wait3A_335 = arith.constant 0 : i32
      %dma_wait3A_336 = tpu.memref_slice %arg3[%add3A, %dma_wait3A, %dma_wait3A_335] : memref<32x80x128xi32, #tpu.memory_space<hbm>> -> memref<1x80x128xi32, #tpu.memory_space<hbm>>
      %dma_wait3A_337 = tpu.memref_squeeze %dma_wait3A_336 : memref<1x80x128xi32, #tpu.memory_space<hbm>> -> memref<80x128xi32, #tpu.memory_space<hbm>>
      %dma_wait3A_338 = arith.constant 0 : i32
      %dma_wait3A_339 = arith.constant 0 : i32
      %dma_wait3A_340 = tpu.memref_slice %arg3[%add3A, %dma_wait3A_338, %dma_wait3A_339] : memref<32x80x128xi32, #tpu.memory_space<hbm>> -> memref<1x80x128xi32, #tpu.memory_space<hbm>>
      %dma_wait3A_341 = tpu.memref_squeeze %dma_wait3A_340 : memref<1x80x128xi32, #tpu.memory_space<hbm>> -> memref<80x128xi32, #tpu.memory_space<hbm>>
      tpu.wait_dma2 semaphore(%run_scoped3A : memref<!tpu.dma_semaphore, #tpu.memory_space<semaphore_mem>>) src(%dma_wait3A_341 : memref<80x128xi32, #tpu.memory_space<hbm>>) dst(%arg7 : memref<80x128xi32, #tpu.memory_space<vmem>>)
      tpu.yield
    }) : () -> ()
    %eq3A_10 = arith.constant 0 : i32
    %eq3A_11 = arith.cmpi eq, %arg0, %eq3A_10 : i32
    %convert_element_type3A_12 = arith.extui %eq3A_11 : i1 to i32
    %cond3A_13 = arith.constant 0 : i32
    %cond3A_14 = arith.cmpi ne, %convert_element_type3A_12, %cond3A_13 : i32
    scf.if %cond3A_14 {
      %dma_wait3A = arith.constant 0 : i32
      %dma_wait3A_327 = tpu.memref_slice %arg6[%mul3A_2, %dma_wait3A] : memref<10240x128xf32, #tpu.memory_space<vmem_shared>> -> memref<640x128xf32, #tpu.memory_space<vmem_shared>>
      %dma_wait3A_328 = arith.constant 0 : i32
      %dma_wait3A_329 = tpu.memref_slice %arg2[%mul3A_2, %dma_wait3A_328] : memref<10240x128xf32, #tpu.memory_space<hbm>> -> memref<640x128xf32, #tpu.memory_space<hbm>>
      tpu.wait_dma2 semaphore(%arg14 : memref<!tpu.dma_semaphore, #tpu.memory_space<semaphore_mem>>) src(%dma_wait3A_329 : memref<640x128xf32, #tpu.memory_space<hbm>>) dst(%dma_wait3A_327 : memref<640x128xf32, #tpu.memory_space<vmem_shared>>)
    } else {
    }
    %eq3A_15 = arith.constant 1 : i32
    %eq3A_16 = arith.cmpi eq, %arg0, %eq3A_15 : i32
    %convert_element_type3A_17 = arith.extui %eq3A_16 : i1 to i32
    %cond3A_18 = arith.constant 0 : i32
    %cond3A_19 = arith.cmpi ne, %convert_element_type3A_17, %cond3A_18 : i32
    scf.if %cond3A_19 {
      %dma_wait3A = arith.constant 0 : i32
      %dma_wait3A_327 = tpu.memref_slice %arg6[%mul3A_2, %dma_wait3A] : memref<10240x128xf32, #tpu.memory_space<vmem_shared>> -> memref<640x128xf32, #tpu.memory_space<vmem_shared>>
      %dma_wait3A_328 = arith.constant 0 : i32
      %dma_wait3A_329 = tpu.memref_slice %arg4[%mul3A_2, %dma_wait3A_328] : memref<10240x128xf32, #tpu.memory_space<hbm>> -> memref<640x128xf32, #tpu.memory_space<hbm>>
      tpu.wait_dma2 semaphore(%arg14 : memref<!tpu.dma_semaphore, #tpu.memory_space<semaphore_mem>>) src(%dma_wait3A_329 : memref<640x128xf32, #tpu.memory_space<hbm>>) dst(%dma_wait3A_327 : memref<640x128xf32, #tpu.memory_space<vmem_shared>>)
    } else {
    }
    %barrier3A = arith.constant 0 : index
    tpu.barrier barrier_id(%barrier3A)
    %get3A = arith.constant 0 : i32
    %get3A_20 = arith.index_cast %get3A : i32 to index
    %get3A_21 = arith.constant 0 : index
    %get3A_22 = tpu.vector_load %arg7[%get3A_20, %get3A_21] {strides = array<i32>} : memref<80x128xi32, #tpu.memory_space<vmem>>, vector<1x16xi32>,
    %get3A_23 = vector.shape_cast %get3A_22 : vector<1x16xi32> to vector<16xi32>
    %and3A = arith.constant 16383 : i32
    %and3A_24 = vector.broadcast %and3A : i32 to vector<16xi32>
    %and3A_25 = arith.andi %get3A_23, %and3A_24 : vector<16xi32>
    %swap3A = arith.constant 0 : index
    %swap3A_26 = tpu.vector_load %arg8[%swap3A] {strides = array<i32>} : memref<128xi32, #tpu.memory_space<vmem>>, vector<16xi32>,
    %swap3A_27 = vector.shape_cast %swap3A_26 : vector<16xi32> to vector<16xi32>
    %swap3A_28 = vector.shape_cast %and3A_25 : vector<16xi32> to vector<16xi32>
    tpu.vector_store %arg8[%swap3A], %swap3A_28 {strides = array<i32>} : memref<128xi32, #tpu.memory_space<vmem>>, vector<16xi32>,
    %shift_right_logical3A = arith.constant 14 : i32
    %shift_right_logical3A_29 = vector.broadcast %shift_right_logical3A : i32 to vector<16xi32>
    %shift_right_logical3A_30 = arith.shrui %get3A_23, %shift_right_logical3A_29 : vector<16xi32>
    %swap3A_31 = arith.constant 0 : index
    %swap3A_32 = tpu.vector_load %arg10[%swap3A_31] {strides = array<i32>} : memref<128xi32, #tpu.memory_space<vmem>>, vector<16xi32>,
    %swap3A_33 = vector.shape_cast %swap3A_32 : vector<16xi32> to vector<16xi32>
    %swap3A_34 = vector.shape_cast %shift_right_logical3A_30 : vector<16xi32> to vector<16xi32>
    tpu.vector_store %arg10[%swap3A_31], %swap3A_34 {strides = array<i32>} : memref<128xi32, #tpu.memory_space<vmem>>, vector<16xi32>,
    %get3A_35 = arith.constant 0 : i32
    %get3A_36 = arith.index_cast %get3A_35 : i32 to index
    %get3A_37 = arith.constant 16 : index
    %get3A_38 = tpu.vector_load %arg7[%get3A_36, %get3A_37] {strides = array<i32>} : memref<80x128xi32, #tpu.memory_space<vmem>>, vector<1x16xi32>,
    %get3A_39 = vector.shape_cast %get3A_38 : vector<1x16xi32> to vector<16xi32>
    %and3A_40 = arith.constant 16383 : i32
    %and3A_41 = vector.broadcast %and3A_40 : i32 to vector<16xi32>
    %and3A_42 = arith.andi %get3A_39, %and3A_41 : vector<16xi32>
    %swap3A_43 = arith.constant 16 : index
    %swap3A_44 = tpu.vector_load %arg8[%swap3A_43] {strides = array<i32>} : memref<128xi32, #tpu.memory_space<vmem>>, vector<16xi32>,
    %swap3A_45 = vector.shape_cast %swap3A_44 : vector<16xi32> to vector<16xi32>
    %swap3A_46 = vector.shape_cast %and3A_42 : vector<16xi32> to vector<16xi32>
    tpu.vector_store %arg8[%swap3A_43], %swap3A_46 {strides = array<i32>} : memref<128xi32, #tpu.memory_space<vmem>>, vector<16xi32>,
    %shift_right_logical3A_47 = arith.constant 14 : i32
    %shift_right_logical3A_48 = vector.broadcast %shift_right_logical3A_47 : i32 to vector<16xi32>
    %shift_right_logical3A_49 = arith.shrui %get3A_39, %shift_right_logical3A_48 : vector<16xi32>
    %swap3A_50 = arith.constant 16 : index
    %swap3A_51 = tpu.vector_load %arg10[%swap3A_50] {strides = array<i32>} : memref<128xi32, #tpu.memory_space<vmem>>, vector<16xi32>,
    %swap3A_52 = vector.shape_cast %swap3A_51 : vector<16xi32> to vector<16xi32>
    %swap3A_53 = vector.shape_cast %shift_right_logical3A_49 : vector<16xi32> to vector<16xi32>
    tpu.vector_store %arg10[%swap3A_50], %swap3A_53 {strides = array<i32>} : memref<128xi32, #tpu.memory_space<vmem>>, vector<16xi32>,
    %get3A_54 = arith.constant 0 : i32
    %get3A_55 = arith.index_cast %get3A_54 : i32 to index
    %get3A_56 = arith.constant 32 : index
    %get3A_57 = tpu.vector_load %arg7[%get3A_55, %get3A_56] {strides = array<i32>} : memref<80x128xi32, #tpu.memory_space<vmem>>, vector<1x16xi32>,
    %get3A_58 = vector.shape_cast %get3A_57 : vector<1x16xi32> to vector<16xi32>
    %and3A_59 = arith.constant 16383 : i32
    %and3A_60 = vector.broadcast %and3A_59 : i32 to vector<16xi32>
    %and3A_61 = arith.andi %get3A_58, %and3A_60 : vector<16xi32>
    %swap3A_62 = arith.constant 32 : index
    %swap3A_63 = tpu.vector_load %arg8[%swap3A_62] {strides = array<i32>} : memref<128xi32, #tpu.memory_space<vmem>>, vector<16xi32>,
    %swap3A_64 = vector.shape_cast %swap3A_63 : vector<16xi32> to vector<16xi32>
    %swap3A_65 = vector.shape_cast %and3A_61 : vector<16xi32> to vector<16xi32>
    tpu.vector_store %arg8[%swap3A_62], %swap3A_65 {strides = array<i32>} : memref<128xi32, #tpu.memory_space<vmem>>, vector<16xi32>,
    %shift_right_logical3A_66 = arith.constant 14 : i32
    %shift_right_logical3A_67 = vector.broadcast %shift_right_logical3A_66 : i32 to vector<16xi32>
    %shift_right_logical3A_68 = arith.shrui %get3A_58, %shift_right_logical3A_67 : vector<16xi32>
    %swap3A_69 = arith.constant 32 : index
    %swap3A_70 = tpu.vector_load %arg10[%swap3A_69] {strides = array<i32>} : memref<128xi32, #tpu.memory_space<vmem>>, vector<16xi32>,
    %swap3A_71 = vector.shape_cast %swap3A_70 : vector<16xi32> to vector<16xi32>
    %swap3A_72 = vector.shape_cast %shift_right_logical3A_68 : vector<16xi32> to vector<16xi32>
    tpu.vector_store %arg10[%swap3A_69], %swap3A_72 {strides = array<i32>} : memref<128xi32, #tpu.memory_space<vmem>>, vector<16xi32>,
    %get3A_73 = arith.constant 0 : i32
    %get3A_74 = arith.index_cast %get3A_73 : i32 to index
    %get3A_75 = arith.constant 48 : index
    %get3A_76 = tpu.vector_load %arg7[%get3A_74, %get3A_75] {strides = array<i32>} : memref<80x128xi32, #tpu.memory_space<vmem>>, vector<1x16xi32>,
    %get3A_77 = vector.shape_cast %get3A_76 : vector<1x16xi32> to vector<16xi32>
    %and3A_78 = arith.constant 16383 : i32
    %and3A_79 = vector.broadcast %and3A_78 : i32 to vector<16xi32>
    %and3A_80 = arith.andi %get3A_77, %and3A_79 : vector<16xi32>
    %swap3A_81 = arith.constant 48 : index
    %swap3A_82 = tpu.vector_load %arg8[%swap3A_81] {strides = array<i32>} : memref<128xi32, #tpu.memory_space<vmem>>, vector<16xi32>,
    %swap3A_83 = vector.shape_cast %swap3A_82 : vector<16xi32> to vector<16xi32>
    %swap3A_84 = vector.shape_cast %and3A_80 : vector<16xi32> to vector<16xi32>
    tpu.vector_store %arg8[%swap3A_81], %swap3A_84 {strides = array<i32>} : memref<128xi32, #tpu.memory_space<vmem>>, vector<16xi32>,
    %shift_right_logical3A_85 = arith.constant 14 : i32
    %shift_right_logical3A_86 = vector.broadcast %shift_right_logical3A_85 : i32 to vector<16xi32>
    %shift_right_logical3A_87 = arith.shrui %get3A_77, %shift_right_logical3A_86 : vector<16xi32>
    %swap3A_88 = arith.constant 48 : index
    %swap3A_89 = tpu.vector_load %arg10[%swap3A_88] {strides = array<i32>} : memref<128xi32, #tpu.memory_space<vmem>>, vector<16xi32>,
    %swap3A_90 = vector.shape_cast %swap3A_89 : vector<16xi32> to vector<16xi32>
    %swap3A_91 = vector.shape_cast %shift_right_logical3A_87 : vector<16xi32> to vector<16xi32>
    tpu.vector_store %arg10[%swap3A_88], %swap3A_91 {strides = array<i32>} : memref<128xi32, #tpu.memory_space<vmem>>, vector<16xi32>,
    %get3A_92 = arith.constant 0 : i32
    %get3A_93 = arith.index_cast %get3A_92 : i32 to index
    %get3A_94 = arith.constant 64 : index
    %get3A_95 = tpu.vector_load %arg7[%get3A_93, %get3A_94] {strides = array<i32>} : memref<80x128xi32, #tpu.memory_space<vmem>>, vector<1x16xi32>,
    %get3A_96 = vector.shape_cast %get3A_95 : vector<1x16xi32> to vector<16xi32>
    %and3A_97 = arith.constant 16383 : i32
    %and3A_98 = vector.broadcast %and3A_97 : i32 to vector<16xi32>
    %and3A_99 = arith.andi %get3A_96, %and3A_98 : vector<16xi32>
    %swap3A_100 = arith.constant 64 : index
    %swap3A_101 = tpu.vector_load %arg8[%swap3A_100] {strides = array<i32>} : memref<128xi32, #tpu.memory_space<vmem>>, vector<16xi32>,
    %swap3A_102 = vector.shape_cast %swap3A_101 : vector<16xi32> to vector<16xi32>
    %swap3A_103 = vector.shape_cast %and3A_99 : vector<16xi32> to vector<16xi32>
    tpu.vector_store %arg8[%swap3A_100], %swap3A_103 {strides = array<i32>} : memref<128xi32, #tpu.memory_space<vmem>>, vector<16xi32>,
    %shift_right_logical3A_104 = arith.constant 14 : i32
    %shift_right_logical3A_105 = vector.broadcast %shift_right_logical3A_104 : i32 to vector<16xi32>
    %shift_right_logical3A_106 = arith.shrui %get3A_96, %shift_right_logical3A_105 : vector<16xi32>
    %swap3A_107 = arith.constant 64 : index
    %swap3A_108 = tpu.vector_load %arg10[%swap3A_107] {strides = array<i32>} : memref<128xi32, #tpu.memory_space<vmem>>, vector<16xi32>,
    %swap3A_109 = vector.shape_cast %swap3A_108 : vector<16xi32> to vector<16xi32>
    %swap3A_110 = vector.shape_cast %shift_right_logical3A_106 : vector<16xi32> to vector<16xi32>
    tpu.vector_store %arg10[%swap3A_107], %swap3A_110 {strides = array<i32>} : memref<128xi32, #tpu.memory_space<vmem>>, vector<16xi32>,
    %get3A_111 = arith.constant 0 : i32
    %get3A_112 = arith.index_cast %get3A_111 : i32 to index
    %get3A_113 = arith.constant 80 : index
    %get3A_114 = tpu.vector_load %arg7[%get3A_112, %get3A_113] {strides = array<i32>} : memref<80x128xi32, #tpu.memory_space<vmem>>, vector<1x16xi32>,
    %get3A_115 = vector.shape_cast %get3A_114 : vector<1x16xi32> to vector<16xi32>
    %and3A_116 = arith.constant 16383 : i32
    %and3A_117 = vector.broadcast %and3A_116 : i32 to vector<16xi32>
    %and3A_118 = arith.andi %get3A_115, %and3A_117 : vector<16xi32>
    %swap3A_119 = arith.constant 80 : index
    %swap3A_120 = tpu.vector_load %arg8[%swap3A_119] {strides = array<i32>} : memref<128xi32, #tpu.memory_space<vmem>>, vector<16xi32>,
    %swap3A_121 = vector.shape_cast %swap3A_120 : vector<16xi32> to vector<16xi32>
    %swap3A_122 = vector.shape_cast %and3A_118 : vector<16xi32> to vector<16xi32>
    tpu.vector_store %arg8[%swap3A_119], %swap3A_122 {strides = array<i32>} : memref<128xi32, #tpu.memory_space<vmem>>, vector<16xi32>,
    %shift_right_logical3A_123 = arith.constant 14 : i32
    %shift_right_logical3A_124 = vector.broadcast %shift_right_logical3A_123 : i32 to vector<16xi32>
    %shift_right_logical3A_125 = arith.shrui %get3A_115, %shift_right_logical3A_124 : vector<16xi32>
    %swap3A_126 = arith.constant 80 : index
    %swap3A_127 = tpu.vector_load %arg10[%swap3A_126] {strides = array<i32>} : memref<128xi32, #tpu.memory_space<vmem>>, vector<16xi32>,
    %swap3A_128 = vector.shape_cast %swap3A_127 : vector<16xi32> to vector<16xi32>
    %swap3A_129 = vector.shape_cast %shift_right_logical3A_125 : vector<16xi32> to vector<16xi32>
    tpu.vector_store %arg10[%swap3A_126], %swap3A_129 {strides = array<i32>} : memref<128xi32, #tpu.memory_space<vmem>>, vector<16xi32>,
    %get3A_130 = arith.constant 0 : i32
    %get3A_131 = arith.index_cast %get3A_130 : i32 to index
    %get3A_132 = arith.constant 96 : index
    %get3A_133 = tpu.vector_load %arg7[%get3A_131, %get3A_132] {strides = array<i32>} : memref<80x128xi32, #tpu.memory_space<vmem>>, vector<1x16xi32>,
    %get3A_134 = vector.shape_cast %get3A_133 : vector<1x16xi32> to vector<16xi32>
    %and3A_135 = arith.constant 16383 : i32
    %and3A_136 = vector.broadcast %and3A_135 : i32 to vector<16xi32>
    %and3A_137 = arith.andi %get3A_134, %and3A_136 : vector<16xi32>
    %swap3A_138 = arith.constant 96 : index
    %swap3A_139 = tpu.vector_load %arg8[%swap3A_138] {strides = array<i32>} : memref<128xi32, #tpu.memory_space<vmem>>, vector<16xi32>,
    %swap3A_140 = vector.shape_cast %swap3A_139 : vector<16xi32> to vector<16xi32>
    %swap3A_141 = vector.shape_cast %and3A_137 : vector<16xi32> to vector<16xi32>
    tpu.vector_store %arg8[%swap3A_138], %swap3A_141 {strides = array<i32>} : memref<128xi32, #tpu.memory_space<vmem>>, vector<16xi32>,
    %shift_right_logical3A_142 = arith.constant 14 : i32
    %shift_right_logical3A_143 = vector.broadcast %shift_right_logical3A_142 : i32 to vector<16xi32>
    %shift_right_logical3A_144 = arith.shrui %get3A_134, %shift_right_logical3A_143 : vector<16xi32>
    %swap3A_145 = arith.constant 96 : index
    %swap3A_146 = tpu.vector_load %arg10[%swap3A_145] {strides = array<i32>} : memref<128xi32, #tpu.memory_space<vmem>>, vector<16xi32>,
    %swap3A_147 = vector.shape_cast %swap3A_146 : vector<16xi32> to vector<16xi32>
    %swap3A_148 = vector.shape_cast %shift_right_logical3A_144 : vector<16xi32> to vector<16xi32>
    tpu.vector_store %arg10[%swap3A_145], %swap3A_148 {strides = array<i32>} : memref<128xi32, #tpu.memory_space<vmem>>, vector<16xi32>,
    %get3A_149 = arith.constant 0 : i32
    %get3A_150 = arith.index_cast %get3A_149 : i32 to index
    %get3A_151 = arith.constant 112 : index
    %get3A_152 = tpu.vector_load %arg7[%get3A_150, %get3A_151] {strides = array<i32>} : memref<80x128xi32, #tpu.memory_space<vmem>>, vector<1x16xi32>,
    %get3A_153 = vector.shape_cast %get3A_152 : vector<1x16xi32> to vector<16xi32>
    %and3A_154 = arith.constant 16383 : i32
    %and3A_155 = vector.broadcast %and3A_154 : i32 to vector<16xi32>
    %and3A_156 = arith.andi %get3A_153, %and3A_155 : vector<16xi32>
    %swap3A_157 = arith.constant 112 : index
    %swap3A_158 = tpu.vector_load %arg8[%swap3A_157] {strides = array<i32>} : memref<128xi32, #tpu.memory_space<vmem>>, vector<16xi32>,
    %swap3A_159 = vector.shape_cast %swap3A_158 : vector<16xi32> to vector<16xi32>
    %swap3A_160 = vector.shape_cast %and3A_156 : vector<16xi32> to vector<16xi32>
    tpu.vector_store %arg8[%swap3A_157], %swap3A_160 {strides = array<i32>} : memref<128xi32, #tpu.memory_space<vmem>>, vector<16xi32>,
    %shift_right_logical3A_161 = arith.constant 14 : i32
    %shift_right_logical3A_162 = vector.broadcast %shift_right_logical3A_161 : i32 to vector<16xi32>
    %shift_right_logical3A_163 = arith.shrui %get3A_153, %shift_right_logical3A_162 : vector<16xi32>
    %swap3A_164 = arith.constant 112 : index
    %swap3A_165 = tpu.vector_load %arg10[%swap3A_164] {strides = array<i32>} : memref<128xi32, #tpu.memory_space<vmem>>, vector<16xi32>,
    %swap3A_166 = vector.shape_cast %swap3A_165 : vector<16xi32> to vector<16xi32>
    %swap3A_167 = vector.shape_cast %shift_right_logical3A_163 : vector<16xi32> to vector<16xi32>
    tpu.vector_store %arg10[%swap3A_164], %swap3A_167 {strides = array<i32>} : memref<128xi32, #tpu.memory_space<vmem>>, vector<16xi32>,
    %dma_start3A = arith.constant 0 : i32
    %dma_start3A_168 = arith.constant 0 : i32
    %dma_start3A_169 = tpu.memref_slice %arg2[%dma_start3A, %dma_start3A_168] : memref<10240x128xf32, #tpu.memory_space<hbm>> -> memref<10240x128xf32, #tpu.memory_space<hbm>>
    tpu.enqueue_indirect_dma source(%dma_start3A_169 : memref<10240x128xf32, #tpu.memory_space<hbm>>) target(%arg12 : memref<128x128xf32, #tpu.memory_space<vmem>>) offsets(%arg8 : memref<128xi32, #tpu.memory_space<vmem>>) semaphore(%arg14 : memref<!tpu.dma_semaphore, #tpu.memory_space<semaphore_mem>>)
    %get3A_170 = arith.constant 1 : i32
    %get3A_171 = arith.index_cast %get3A_170 : i32 to index
    %get3A_172 = arith.constant 0 : index
    %get3A_173 = tpu.vector_load %arg7[%get3A_171, %get3A_172] {strides = array<i32>} : memref<80x128xi32, #tpu.memory_space<vmem>>, vector<1x16xi32>,
    %get3A_174 = vector.shape_cast %get3A_173 : vector<1x16xi32> to vector<16xi32>
    %and3A_175 = arith.constant 16383 : i32
    %and3A_176 = vector.broadcast %and3A_175 : i32 to vector<16xi32>
    %and3A_177 = arith.andi %get3A_174, %and3A_176 : vector<16xi32>
    %swap3A_178 = arith.constant 0 : index
    %swap3A_179 = tpu.vector_load %arg9[%swap3A_178] {strides = array<i32>} : memref<128xi32, #tpu.memory_space<vmem>>, vector<16xi32>,
    %swap3A_180 = vector.shape_cast %swap3A_179 : vector<16xi32> to vector<16xi32>
    %swap3A_181 = vector.shape_cast %and3A_177 : vector<16xi32> to vector<16xi32>
    tpu.vector_store %arg9[%swap3A_178], %swap3A_181 {strides = array<i32>} : memref<128xi32, #tpu.memory_space<vmem>>, vector<16xi32>,
    %shift_right_logical3A_182 = arith.constant 14 : i32
    %shift_right_logical3A_183 = vector.broadcast %shift_right_logical3A_182 : i32 to vector<16xi32>
    %shift_right_logical3A_184 = arith.shrui %get3A_174, %shift_right_logical3A_183 : vector<16xi32>
    %swap3A_185 = arith.constant 0 : index
    %swap3A_186 = tpu.vector_load %arg11[%swap3A_185] {strides = array<i32>} : memref<128xi32, #tpu.memory_space<vmem>>, vector<16xi32>,
    %swap3A_187 = vector.shape_cast %swap3A_186 : vector<16xi32> to vector<16xi32>
    %swap3A_188 = vector.shape_cast %shift_right_logical3A_184 : vector<16xi32> to vector<16xi32>
    tpu.vector_store %arg11[%swap3A_185], %swap3A_188 {strides = array<i32>} : memref<128xi32, #tpu.memory_space<vmem>>, vector<16xi32>,
    %get3A_189 = arith.constant 1 : i32
    %get3A_190 = arith.index_cast %get3A_189 : i32 to index
    %get3A_191 = arith.constant 16 : index
    %get3A_192 = tpu.vector_load %arg7[%get3A_190, %get3A_191] {strides = array<i32>} : memref<80x128xi32, #tpu.memory_space<vmem>>, vector<1x16xi32>,
    %get3A_193 = vector.shape_cast %get3A_192 : vector<1x16xi32> to vector<16xi32>
    %and3A_194 = arith.constant 16383 : i32
    %and3A_195 = vector.broadcast %and3A_194 : i32 to vector<16xi32>
    %and3A_196 = arith.andi %get3A_193, %and3A_195 : vector<16xi32>
    %swap3A_197 = arith.constant 16 : index
    %swap3A_198 = tpu.vector_load %arg9[%swap3A_197] {strides = array<i32>} : memref<128xi32, #tpu.memory_space<vmem>>, vector<16xi32>,
    %swap3A_199 = vector.shape_cast %swap3A_198 : vector<16xi32> to vector<16xi32>
    %swap3A_200 = vector.shape_cast %and3A_196 : vector<16xi32> to vector<16xi32>
    tpu.vector_store %arg9[%swap3A_197], %swap3A_200 {strides = array<i32>} : memref<128xi32, #tpu.memory_space<vmem>>, vector<16xi32>,
    %shift_right_logical3A_201 = arith.constant 14 : i32
    %shift_right_logical3A_202 = vector.broadcast %shift_right_logical3A_201 : i32 to vector<16xi32>
    %shift_right_logical3A_203 = arith.shrui %get3A_193, %shift_right_logical3A_202 : vector<16xi32>
    %swap3A_204 = arith.constant 16 : index
    %swap3A_205 = tpu.vector_load %arg11[%swap3A_204] {strides = array<i32>} : memref<128xi32, #tpu.memory_space<vmem>>, vector<16xi32>,
    %swap3A_206 = vector.shape_cast %swap3A_205 : vector<16xi32> to vector<16xi32>
    %swap3A_207 = vector.shape_cast %shift_right_logical3A_203 : vector<16xi32> to vector<16xi32>
    tpu.vector_store %arg11[%swap3A_204], %swap3A_207 {strides = array<i32>} : memref<128xi32, #tpu.memory_space<vmem>>, vector<16xi32>,
    %get3A_208 = arith.constant 1 : i32
    %get3A_209 = arith.index_cast %get3A_208 : i32 to index
    %get3A_210 = arith.constant 32 : index
    %get3A_211 = tpu.vector_load %arg7[%get3A_209, %get3A_210] {strides = array<i32>} : memref<80x128xi32, #tpu.memory_space<vmem>>, vector<1x16xi32>,
    %get3A_212 = vector.shape_cast %get3A_211 : vector<1x16xi32> to vector<16xi32>
    %and3A_213 = arith.constant 16383 : i32
    %and3A_214 = vector.broadcast %and3A_213 : i32 to vector<16xi32>
    %and3A_215 = arith.andi %get3A_212, %and3A_214 : vector<16xi32>
    %swap3A_216 = arith.constant 32 : index
    %swap3A_217 = tpu.vector_load %arg9[%swap3A_216] {strides = array<i32>} : memref<128xi32, #tpu.memory_space<vmem>>, vector<16xi32>,
    %swap3A_218 = vector.shape_cast %swap3A_217 : vector<16xi32> to vector<16xi32>
    %swap3A_219 = vector.shape_cast %and3A_215 : vector<16xi32> to vector<16xi32>
    tpu.vector_store %arg9[%swap3A_216], %swap3A_219 {strides = array<i32>} : memref<128xi32, #tpu.memory_space<vmem>>, vector<16xi32>,
    %shift_right_logical3A_220 = arith.constant 14 : i32
    %shift_right_logical3A_221 = vector.broadcast %shift_right_logical3A_220 : i32 to vector<16xi32>
    %shift_right_logical3A_222 = arith.shrui %get3A_212, %shift_right_logical3A_221 : vector<16xi32>
    %swap3A_223 = arith.constant 32 : index
    %swap3A_224 = tpu.vector_load %arg11[%swap3A_223] {strides = array<i32>} : memref<128xi32, #tpu.memory_space<vmem>>, vector<16xi32>,
    %swap3A_225 = vector.shape_cast %swap3A_224 : vector<16xi32> to vector<16xi32>
    %swap3A_226 = vector.shape_cast %shift_right_logical3A_222 : vector<16xi32> to vector<16xi32>
    tpu.vector_store %arg11[%swap3A_223], %swap3A_226 {strides = array<i32>} : memref<128xi32, #tpu.memory_space<vmem>>, vector<16xi32>,
    %get3A_227 = arith.constant 1 : i32
    %get3A_228 = arith.index_cast %get3A_227 : i32 to index
    %get3A_229 = arith.constant 48 : index
    %get3A_230 = tpu.vector_load %arg7[%get3A_228, %get3A_229] {strides = array<i32>} : memref<80x128xi32, #tpu.memory_space<vmem>>, vector<1x16xi32>,
    %get3A_231 = vector.shape_cast %get3A_230 : vector<1x16xi32> to vector<16xi32>
    %and3A_232 = arith.constant 16383 : i32
    %and3A_233 = vector.broadcast %and3A_232 : i32 to vector<16xi32>
    %and3A_234 = arith.andi %get3A_231, %and3A_233 : vector<16xi32>
    %swap3A_235 = arith.constant 48 : index
    %swap3A_236 = tpu.vector_load %arg9[%swap3A_235] {strides = array<i32>} : memref<128xi32, #tpu.memory_space<vmem>>, vector<16xi32>,
    %swap3A_237 = vector.shape_cast %swap3A_236 : vector<16xi32> to vector<16xi32>
    %swap3A_238 = vector.shape_cast %and3A_234 : vector<16xi32> to vector<16xi32>
    tpu.vector_store %arg9[%swap3A_235], %swap3A_238 {strides = array<i32>} : memref<128xi32, #tpu.memory_space<vmem>>, vector<16xi32>,
    %shift_right_logical3A_239 = arith.constant 14 : i32
    %shift_right_logical3A_240 = vector.broadcast %shift_right_logical3A_239 : i32 to vector<16xi32>
    %shift_right_logical3A_241 = arith.shrui %get3A_231, %shift_right_logical3A_240 : vector<16xi32>
    %swap3A_242 = arith.constant 48 : index
    %swap3A_243 = tpu.vector_load %arg11[%swap3A_242] {strides = array<i32>} : memref<128xi32, #tpu.memory_space<vmem>>, vector<16xi32>,
    %swap3A_244 = vector.shape_cast %swap3A_243 : vector<16xi32> to vector<16xi32>
    %swap3A_245 = vector.shape_cast %shift_right_logical3A_241 : vector<16xi32> to vector<16xi32>
    tpu.vector_store %arg11[%swap3A_242], %swap3A_245 {strides = array<i32>} : memref<128xi32, #tpu.memory_space<vmem>>, vector<16xi32>,
    %get3A_246 = arith.constant 1 : i32
    %get3A_247 = arith.index_cast %get3A_246 : i32 to index
    %get3A_248 = arith.constant 64 : index
    %get3A_249 = tpu.vector_load %arg7[%get3A_247, %get3A_248] {strides = array<i32>} : memref<80x128xi32, #tpu.memory_space<vmem>>, vector<1x16xi32>,
    %get3A_250 = vector.shape_cast %get3A_249 : vector<1x16xi32> to vector<16xi32>
    %and3A_251 = arith.constant 16383 : i32
    %and3A_252 = vector.broadcast %and3A_251 : i32 to vector<16xi32>
    %and3A_253 = arith.andi %get3A_250, %and3A_252 : vector<16xi32>
    %swap3A_254 = arith.constant 64 : index
    %swap3A_255 = tpu.vector_load %arg9[%swap3A_254] {strides = array<i32>} : memref<128xi32, #tpu.memory_space<vmem>>, vector<16xi32>,
    %swap3A_256 = vector.shape_cast %swap3A_255 : vector<16xi32> to vector<16xi32>
    %swap3A_257 = vector.shape_cast %and3A_253 : vector<16xi32> to vector<16xi32>
    tpu.vector_store %arg9[%swap3A_254], %swap3A_257 {strides = array<i32>} : memref<128xi32, #tpu.memory_space<vmem>>, vector<16xi32>,
    %shift_right_logical3A_258 = arith.constant 14 : i32
    %shift_right_logical3A_259 = vector.broadcast %shift_right_logical3A_258 : i32 to vector<16xi32>
    %shift_right_logical3A_260 = arith.shrui %get3A_250, %shift_right_logical3A_259 : vector<16xi32>
    %swap3A_261 = arith.constant 64 : index
    %swap3A_262 = tpu.vector_load %arg11[%swap3A_261] {strides = array<i32>} : memref<128xi32, #tpu.memory_space<vmem>>, vector<16xi32>,
    %swap3A_263 = vector.shape_cast %swap3A_262 : vector<16xi32> to vector<16xi32>
    %swap3A_264 = vector.shape_cast %shift_right_logical3A_260 : vector<16xi32> to vector<16xi32>
    tpu.vector_store %arg11[%swap3A_261], %swap3A_264 {strides = array<i32>} : memref<128xi32, #tpu.memory_space<vmem>>, vector<16xi32>,
    %get3A_265 = arith.constant 1 : i32
    %get3A_266 = arith.index_cast %get3A_265 : i32 to index
    %get3A_267 = arith.constant 80 : index
    %get3A_268 = tpu.vector_load %arg7[%get3A_266, %get3A_267] {strides = array<i32>} : memref<80x128xi32, #tpu.memory_space<vmem>>, vector<1x16xi32>,
    %get3A_269 = vector.shape_cast %get3A_268 : vector<1x16xi32> to vector<16xi32>
    %and3A_270 = arith.constant 16383 : i32
    %and3A_271 = vector.broadcast %and3A_270 : i32 to vector<16xi32>
    %and3A_272 = arith.andi %get3A_269, %and3A_271 : vector<16xi32>
    %swap3A_273 = arith.constant 80 : index
    %swap3A_274 = tpu.vector_load %arg9[%swap3A_273] {strides = array<i32>} : memref<128xi32, #tpu.memory_space<vmem>>, vector<16xi32>,
    %swap3A_275 = vector.shape_cast %swap3A_274 : vector<16xi32> to vector<16xi32>
    %swap3A_276 = vector.shape_cast %and3A_272 : vector<16xi32> to vector<16xi32>
    tpu.vector_store %arg9[%swap3A_273], %swap3A_276 {strides = array<i32>} : memref<128xi32, #tpu.memory_space<vmem>>, vector<16xi32>,
    %shift_right_logical3A_277 = arith.constant 14 : i32
    %shift_right_logical3A_278 = vector.broadcast %shift_right_logical3A_277 : i32 to vector<16xi32>
    %shift_right_logical3A_279 = arith.shrui %get3A_269, %shift_right_logical3A_278 : vector<16xi32>
    %swap3A_280 = arith.constant 80 : index
    %swap3A_281 = tpu.vector_load %arg11[%swap3A_280] {strides = array<i32>} : memref<128xi32, #tpu.memory_space<vmem>>, vector<16xi32>,
    %swap3A_282 = vector.shape_cast %swap3A_281 : vector<16xi32> to vector<16xi32>
    %swap3A_283 = vector.shape_cast %shift_right_logical3A_279 : vector<16xi32> to vector<16xi32>
    tpu.vector_store %arg11[%swap3A_280], %swap3A_283 {strides = array<i32>} : memref<128xi32, #tpu.memory_space<vmem>>, vector<16xi32>,
    %get3A_284 = arith.constant 1 : i32
    %get3A_285 = arith.index_cast %get3A_284 : i32 to index
    %get3A_286 = arith.constant 96 : index
    %get3A_287 = tpu.vector_load %arg7[%get3A_285, %get3A_286] {strides = array<i32>} : memref<80x128xi32, #tpu.memory_space<vmem>>, vector<1x16xi32>,
    %get3A_288 = vector.shape_cast %get3A_287 : vector<1x16xi32> to vector<16xi32>
    %and3A_289 = arith.constant 16383 : i32
    %and3A_290 = vector.broadcast %and3A_289 : i32 to vector<16xi32>
    %and3A_291 = arith.andi %get3A_288, %and3A_290 : vector<16xi32>
    %swap3A_292 = arith.constant 96 : index
    %swap3A_293 = tpu.vector_load %arg9[%swap3A_292] {strides = array<i32>} : memref<128xi32, #tpu.memory_space<vmem>>, vector<16xi32>,
    %swap3A_294 = vector.shape_cast %swap3A_293 : vector<16xi32> to vector<16xi32>
    %swap3A_295 = vector.shape_cast %and3A_291 : vector<16xi32> to vector<16xi32>
    tpu.vector_store %arg9[%swap3A_292], %swap3A_295 {strides = array<i32>} : memref<128xi32, #tpu.memory_space<vmem>>, vector<16xi32>,
    %shift_right_logical3A_296 = arith.constant 14 : i32
    %shift_right_logical3A_297 = vector.broadcast %shift_right_logical3A_296 : i32 to vector<16xi32>
    %shift_right_logical3A_298 = arith.shrui %get3A_288, %shift_right_logical3A_297 : vector<16xi32>
    %swap3A_299 = arith.constant 96 : index
    %swap3A_300 = tpu.vector_load %arg11[%swap3A_299] {strides = array<i32>} : memref<128xi32, #tpu.memory_space<vmem>>, vector<16xi32>,
    %swap3A_301 = vector.shape_cast %swap3A_300 : vector<16xi32> to vector<16xi32>
    %swap3A_302 = vector.shape_cast %shift_right_logical3A_298 : vector<16xi32> to vector<16xi32>
    tpu.vector_store %arg11[%swap3A_299], %swap3A_302 {strides = array<i32>} : memref<128xi32, #tpu.memory_space<vmem>>, vector<16xi32>,
    %get3A_303 = arith.constant 1 : i32
    %get3A_304 = arith.index_cast %get3A_303 : i32 to index
    %get3A_305 = arith.constant 112 : index
    %get3A_306 = tpu.vector_load %arg7[%get3A_304, %get3A_305] {strides = array<i32>} : memref<80x128xi32, #tpu.memory_space<vmem>>, vector<1x16xi32>,
    %get3A_307 = vector.shape_cast %get3A_306 : vector<1x16xi32> to vector<16xi32>
    %and3A_308 = arith.constant 16383 : i32
    %and3A_309 = vector.broadcast %and3A_308 : i32 to vector<16xi32>
    %and3A_310 = arith.andi %get3A_307, %and3A_309 : vector<16xi32>
    %swap3A_311 = arith.constant 112 : index
    %swap3A_312 = tpu.vector_load %arg9[%swap3A_311] {strides = array<i32>} : memref<128xi32, #tpu.memory_space<vmem>>, vector<16xi32>,
    %swap3A_313 = vector.shape_cast %swap3A_312 : vector<16xi32> to vector<16xi32>
    %swap3A_314 = vector.shape_cast %and3A_310 : vector<16xi32> to vector<16xi32>
    tpu.vector_store %arg9[%swap3A_311], %swap3A_314 {strides = array<i32>} : memref<128xi32, #tpu.memory_space<vmem>>, vector<16xi32>,
    %shift_right_logical3A_315 = arith.constant 14 : i32
    %shift_right_logical3A_316 = vector.broadcast %shift_right_logical3A_315 : i32 to vector<16xi32>
    %shift_right_logical3A_317 = arith.shrui %get3A_307, %shift_right_logical3A_316 : vector<16xi32>
    %swap3A_318 = arith.constant 112 : index
    %swap3A_319 = tpu.vector_load %arg11[%swap3A_318] {strides = array<i32>} : memref<128xi32, #tpu.memory_space<vmem>>, vector<16xi32>,
    %swap3A_320 = vector.shape_cast %swap3A_319 : vector<16xi32> to vector<16xi32>
    %swap3A_321 = vector.shape_cast %shift_right_logical3A_317 : vector<16xi32> to vector<16xi32>
    tpu.vector_store %arg11[%swap3A_318], %swap3A_321 {strides = array<i32>} : memref<128xi32, #tpu.memory_space<vmem>>, vector<16xi32>,
    %scan3A = arith.constant 0 : i32
    %scan3A_322 = arith.constant 40 : i32
    %scan3A_323 = arith.addi %scan3A, %scan3A_322 : i32
    %scan3A_324 = arith.constant 1 : i32
    scf.for %scan3A_327 = %scan3A to %scan3A_323 step %scan3A_324  : i32 {
      %mul3A_328 = arith.constant 2 : i32
      %mul3A_329 = arith.muli %mul3A_328, %scan3A_327 : i32
      %dma_start3A_330 = arith.constant 0 : i32
      %dma_start3A_331 = arith.constant 0 : i32
      %dma_start3A_332 = tpu.memref_slice %arg2[%dma_start3A_330, %dma_start3A_331] : memref<10240x128xf32, #tpu.memory_space<hbm>> -> memref<10240x128xf32, #tpu.memory_space<hbm>>
      tpu.enqueue_indirect_dma source(%dma_start3A_332 : memref<10240x128xf32, #tpu.memory_space<hbm>>) target(%arg13 : memref<128x128xf32, #tpu.memory_space<vmem>>) offsets(%arg9 : memref<128xi32, #tpu.memory_space<vmem>>) semaphore(%arg15 : memref<!tpu.dma_semaphore, #tpu.memory_space<semaphore_mem>>)
      %dma_wait3A = arith.constant 0 : i32
      %dma_wait3A_333 = arith.constant 0 : i32
      %dma_wait3A_334 = tpu.memref_slice %arg2[%dma_wait3A, %dma_wait3A_333] : memref<10240x128xf32, #tpu.memory_space<hbm>> -> memref<10240x128xf32, #tpu.memory_space<hbm>>
      tpu.wait_indirect_dma semaphore(%arg14 : memref<!tpu.dma_semaphore, #tpu.memory_space<semaphore_mem>>) src(%dma_wait3A_334 : memref<10240x128xf32, #tpu.memory_space<hbm>>) dst(%arg12 : memref<128x128xf32, #tpu.memory_space<vmem>>)
      "tpu.region"() ({
        %run_scoped3A = tpu.sem_alloc : memref<!tpu.dma_semaphore, #tpu.memory_space<semaphore_mem>>
        %dma_start3A_351 = arith.constant 0 : i32
        %dma_start3A_352 = arith.constant 0 : i32
        %dma_start3A_353 = tpu.memref_slice %arg6[%dma_start3A_351, %dma_start3A_352] : memref<10240x128xf32, #tpu.memory_space<vmem_shared>> -> memref<10240x128xf32, #tpu.memory_space<vmem_shared>>
        tpu.enqueue_indirect_dma source(%arg12 : memref<128x128xf32, #tpu.memory_space<vmem>>) target(%dma_start3A_353 : memref<10240x128xf32, #tpu.memory_space<vmem_shared>>) offsets(%arg10 : memref<128xi32, #tpu.memory_space<vmem>>) semaphore(%run_scoped3A : memref<!tpu.dma_semaphore, #tpu.memory_space<semaphore_mem>>) {add = true}
        %dma_wait3A_354 = arith.constant 0 : i32
        %dma_wait3A_355 = arith.constant 0 : i32
        %dma_wait3A_356 = tpu.memref_slice %arg6[%dma_wait3A_354, %dma_wait3A_355] : memref<10240x128xf32, #tpu.memory_space<vmem_shared>> -> memref<10240x128xf32, #tpu.memory_space<vmem_shared>>
        tpu.wait_indirect_dma semaphore(%run_scoped3A : memref<!tpu.dma_semaphore, #tpu.memory_space<semaphore_mem>>) src(%arg12 : memref<128x128xf32, #tpu.memory_space<vmem>>) dst(%dma_wait3A_356 : memref<10240x128xf32, #tpu.memory_space<vmem_shared>>)
        tpu.yield
      }) : () -> ()
      %add3A_335 = arith.constant 2 : i32
      %add3A_336 = arith.addi %mul3A_329, %add3A_335 : i32
      %lt3A = arith.constant 80 : i32
      %lt3A_337 = arith.cmpi slt, %add3A_336, %lt3A : i32
      %convert_element_type3A_338 = arith.extui %lt3A_337 : i1 to i32
      %cond3A_339 = arith.constant 0 : i32
      %cond3A_340 = arith.cmpi ne, %convert_element_type3A_338, %cond3A_339 : i32
      scf.if %cond3A_340 {
        %add3A_351 = arith.constant 2 : i32
        %add3A_352 = arith.addi %mul3A_329, %add3A_351 : i32
        %get3A_353 = arith.index_cast %add3A_352 : i32 to index
        %get3A_354 = arith.constant 0 : index
        %get3A_355 = tpu.vector_load %arg7[%get3A_353, %get3A_354] {strides = array<i32>} : memref<80x128xi32, #tpu.memory_space<vmem>>, vector<1x16xi32>,
        %get3A_356 = vector.shape_cast %get3A_355 : vector<1x16xi32> to vector<16xi32>
        %and3A_357 = arith.constant 16383 : i32
        %and3A_358 = vector.broadcast %and3A_357 : i32 to vector<16xi32>
        %and3A_359 = arith.andi %get3A_356, %and3A_358 : vector<16xi32>
        %swap3A_360 = arith.constant 0 : index
        %swap3A_361 = tpu.vector_load %arg8[%swap3A_360] {strides = array<i32>} : memref<128xi32, #tpu.memory_space<vmem>>, vector<16xi32>,
        %swap3A_362 = vector.shape_cast %swap3A_361 : vector<16xi32> to vector<16xi32>
        %swap3A_363 = vector.shape_cast %and3A_359 : vector<16xi32> to vector<16xi32>
        tpu.vector_store %arg8[%swap3A_360], %swap3A_363 {strides = array<i32>} : memref<128xi32, #tpu.memory_space<vmem>>, vector<16xi32>,
        %shift_right_logical3A_364 = arith.constant 14 : i32
        %shift_right_logical3A_365 = vector.broadcast %shift_right_logical3A_364 : i32 to vector<16xi32>
        %shift_right_logical3A_366 = arith.shrui %get3A_356, %shift_right_logical3A_365 : vector<16xi32>
        %swap3A_367 = arith.constant 0 : index
        %swap3A_368 = tpu.vector_load %arg10[%swap3A_367] {strides = array<i32>} : memref<128xi32, #tpu.memory_space<vmem>>, vector<16xi32>,
        %swap3A_369 = vector.shape_cast %swap3A_368 : vector<16xi32> to vector<16xi32>
        %swap3A_370 = vector.shape_cast %shift_right_logical3A_366 : vector<16xi32> to vector<16xi32>
        tpu.vector_store %arg10[%swap3A_367], %swap3A_370 {strides = array<i32>} : memref<128xi32, #tpu.memory_space<vmem>>, vector<16xi32>,
        %get3A_371 = arith.index_cast %add3A_352 : i32 to index
        %get3A_372 = arith.constant 16 : index
        %get3A_373 = tpu.vector_load %arg7[%get3A_371, %get3A_372] {strides = array<i32>} : memref<80x128xi32, #tpu.memory_space<vmem>>, vector<1x16xi32>,
        %get3A_374 = vector.shape_cast %get3A_373 : vector<1x16xi32> to vector<16xi32>
        %and3A_375 = arith.constant 16383 : i32
        %and3A_376 = vector.broadcast %and3A_375 : i32 to vector<16xi32>
        %and3A_377 = arith.andi %get3A_374, %and3A_376 : vector<16xi32>
        %swap3A_378 = arith.constant 16 : index
        %swap3A_379 = tpu.vector_load %arg8[%swap3A_378] {strides = array<i32>} : memref<128xi32, #tpu.memory_space<vmem>>, vector<16xi32>,
        %swap3A_380 = vector.shape_cast %swap3A_379 : vector<16xi32> to vector<16xi32>
        %swap3A_381 = vector.shape_cast %and3A_377 : vector<16xi32> to vector<16xi32>
        tpu.vector_store %arg8[%swap3A_378], %swap3A_381 {strides = array<i32>} : memref<128xi32, #tpu.memory_space<vmem>>, vector<16xi32>,
        %shift_right_logical3A_382 = arith.constant 14 : i32
        %shift_right_logical3A_383 = vector.broadcast %shift_right_logical3A_382 : i32 to vector<16xi32>
        %shift_right_logical3A_384 = arith.shrui %get3A_374, %shift_right_logical3A_383 : vector<16xi32>
        %swap3A_385 = arith.constant 16 : index
        %swap3A_386 = tpu.vector_load %arg10[%swap3A_385] {strides = array<i32>} : memref<128xi32, #tpu.memory_space<vmem>>, vector<16xi32>,
        %swap3A_387 = vector.shape_cast %swap3A_386 : vector<16xi32> to vector<16xi32>
        %swap3A_388 = vector.shape_cast %shift_right_logical3A_384 : vector<16xi32> to vector<16xi32>
        tpu.vector_store %arg10[%swap3A_385], %swap3A_388 {strides = array<i32>} : memref<128xi32, #tpu.memory_space<vmem>>, vector<16xi32>,
        %get3A_389 = arith.index_cast %add3A_352 : i32 to index
        %get3A_390 = arith.constant 32 : index
        %get3A_391 = tpu.vector_load %arg7[%get3A_389, %get3A_390] {strides = array<i32>} : memref<80x128xi32, #tpu.memory_space<vmem>>, vector<1x16xi32>,
        %get3A_392 = vector.shape_cast %get3A_391 : vector<1x16xi32> to vector<16xi32>
        %and3A_393 = arith.constant 16383 : i32
        %and3A_394 = vector.broadcast %and3A_393 : i32 to vector<16xi32>
        %and3A_395 = arith.andi %get3A_392, %and3A_394 : vector<16xi32>
        %swap3A_396 = arith.constant 32 : index
        %swap3A_397 = tpu.vector_load %arg8[%swap3A_396] {strides = array<i32>} : memref<128xi32, #tpu.memory_space<vmem>>, vector<16xi32>,
        %swap3A_398 = vector.shape_cast %swap3A_397 : vector<16xi32> to vector<16xi32>
        %swap3A_399 = vector.shape_cast %and3A_395 : vector<16xi32> to vector<16xi32>
        tpu.vector_store %arg8[%swap3A_396], %swap3A_399 {strides = array<i32>} : memref<128xi32, #tpu.memory_space<vmem>>, vector<16xi32>,
        %shift_right_logical3A_400 = arith.constant 14 : i32
        %shift_right_logical3A_401 = vector.broadcast %shift_right_logical3A_400 : i32 to vector<16xi32>
        %shift_right_logical3A_402 = arith.shrui %get3A_392, %shift_right_logical3A_401 : vector<16xi32>
        %swap3A_403 = arith.constant 32 : index
        %swap3A_404 = tpu.vector_load %arg10[%swap3A_403] {strides = array<i32>} : memref<128xi32, #tpu.memory_space<vmem>>, vector<16xi32>,
        %swap3A_405 = vector.shape_cast %swap3A_404 : vector<16xi32> to vector<16xi32>
        %swap3A_406 = vector.shape_cast %shift_right_logical3A_402 : vector<16xi32> to vector<16xi32>
        tpu.vector_store %arg10[%swap3A_403], %swap3A_406 {strides = array<i32>} : memref<128xi32, #tpu.memory_space<vmem>>, vector<16xi32>,
        %get3A_407 = arith.index_cast %add3A_352 : i32 to index
        %get3A_408 = arith.constant 48 : index
        %get3A_409 = tpu.vector_load %arg7[%get3A_407, %get3A_408] {strides = array<i32>} : memref<80x128xi32, #tpu.memory_space<vmem>>, vector<1x16xi32>,
        %get3A_410 = vector.shape_cast %get3A_409 : vector<1x16xi32> to vector<16xi32>
        %and3A_411 = arith.constant 16383 : i32
        %and3A_412 = vector.broadcast %and3A_411 : i32 to vector<16xi32>
        %and3A_413 = arith.andi %get3A_410, %and3A_412 : vector<16xi32>
        %swap3A_414 = arith.constant 48 : index
        %swap3A_415 = tpu.vector_load %arg8[%swap3A_414] {strides = array<i32>} : memref<128xi32, #tpu.memory_space<vmem>>, vector<16xi32>,
        %swap3A_416 = vector.shape_cast %swap3A_415 : vector<16xi32> to vector<16xi32>
        %swap3A_417 = vector.shape_cast %and3A_413 : vector<16xi32> to vector<16xi32>
        tpu.vector_store %arg8[%swap3A_414], %swap3A_417 {strides = array<i32>} : memref<128xi32, #tpu.memory_space<vmem>>, vector<16xi32>,
        %shift_right_logical3A_418 = arith.constant 14 : i32
        %shift_right_logical3A_419 = vector.broadcast %shift_right_logical3A_418 : i32 to vector<16xi32>
        %shift_right_logical3A_420 = arith.shrui %get3A_410, %shift_right_logical3A_419 : vector<16xi32>
        %swap3A_421 = arith.constant 48 : index
        %swap3A_422 = tpu.vector_load %arg10[%swap3A_421] {strides = array<i32>} : memref<128xi32, #tpu.memory_space<vmem>>, vector<16xi32>,
        %swap3A_423 = vector.shape_cast %swap3A_422 : vector<16xi32> to vector<16xi32>
        %swap3A_424 = vector.shape_cast %shift_right_logical3A_420 : vector<16xi32> to vector<16xi32>
        tpu.vector_store %arg10[%swap3A_421], %swap3A_424 {strides = array<i32>} : memref<128xi32, #tpu.memory_space<vmem>>, vector<16xi32>,
        %get3A_425 = arith.index_cast %add3A_352 : i32 to index
        %get3A_426 = arith.constant 64 : index
        %get3A_427 = tpu.vector_load %arg7[%get3A_425, %get3A_426] {strides = array<i32>} : memref<80x128xi32, #tpu.memory_space<vmem>>, vector<1x16xi32>,
        %get3A_428 = vector.shape_cast %get3A_427 : vector<1x16xi32> to vector<16xi32>
        %and3A_429 = arith.constant 16383 : i32
        %and3A_430 = vector.broadcast %and3A_429 : i32 to vector<16xi32>
        %and3A_431 = arith.andi %get3A_428, %and3A_430 : vector<16xi32>
        %swap3A_432 = arith.constant 64 : index
        %swap3A_433 = tpu.vector_load %arg8[%swap3A_432] {strides = array<i32>} : memref<128xi32, #tpu.memory_space<vmem>>, vector<16xi32>,
        %swap3A_434 = vector.shape_cast %swap3A_433 : vector<16xi32> to vector<16xi32>
        %swap3A_435 = vector.shape_cast %and3A_431 : vector<16xi32> to vector<16xi32>
        tpu.vector_store %arg8[%swap3A_432], %swap3A_435 {strides = array<i32>} : memref<128xi32, #tpu.memory_space<vmem>>, vector<16xi32>,
        %shift_right_logical3A_436 = arith.constant 14 : i32
        %shift_right_logical3A_437 = vector.broadcast %shift_right_logical3A_436 : i32 to vector<16xi32>
        %shift_right_logical3A_438 = arith.shrui %get3A_428, %shift_right_logical3A_437 : vector<16xi32>
        %swap3A_439 = arith.constant 64 : index
        %swap3A_440 = tpu.vector_load %arg10[%swap3A_439] {strides = array<i32>} : memref<128xi32, #tpu.memory_space<vmem>>, vector<16xi32>,
        %swap3A_441 = vector.shape_cast %swap3A_440 : vector<16xi32> to vector<16xi32>
        %swap3A_442 = vector.shape_cast %shift_right_logical3A_438 : vector<16xi32> to vector<16xi32>
        tpu.vector_store %arg10[%swap3A_439], %swap3A_442 {strides = array<i32>} : memref<128xi32, #tpu.memory_space<vmem>>, vector<16xi32>,
        %get3A_443 = arith.index_cast %add3A_352 : i32 to index
        %get3A_444 = arith.constant 80 : index
        %get3A_445 = tpu.vector_load %arg7[%get3A_443, %get3A_444] {strides = array<i32>} : memref<80x128xi32, #tpu.memory_space<vmem>>, vector<1x16xi32>,
        %get3A_446 = vector.shape_cast %get3A_445 : vector<1x16xi32> to vector<16xi32>
        %and3A_447 = arith.constant 16383 : i32
        %and3A_448 = vector.broadcast %and3A_447 : i32 to vector<16xi32>
        %and3A_449 = arith.andi %get3A_446, %and3A_448 : vector<16xi32>
        %swap3A_450 = arith.constant 80 : index
        %swap3A_451 = tpu.vector_load %arg8[%swap3A_450] {strides = array<i32>} : memref<128xi32, #tpu.memory_space<vmem>>, vector<16xi32>,
        %swap3A_452 = vector.shape_cast %swap3A_451 : vector<16xi32> to vector<16xi32>
        %swap3A_453 = vector.shape_cast %and3A_449 : vector<16xi32> to vector<16xi32>
        tpu.vector_store %arg8[%swap3A_450], %swap3A_453 {strides = array<i32>} : memref<128xi32, #tpu.memory_space<vmem>>, vector<16xi32>,
        %shift_right_logical3A_454 = arith.constant 14 : i32
        %shift_right_logical3A_455 = vector.broadcast %shift_right_logical3A_454 : i32 to vector<16xi32>
        %shift_right_logical3A_456 = arith.shrui %get3A_446, %shift_right_logical3A_455 : vector<16xi32>
        %swap3A_457 = arith.constant 80 : index
        %swap3A_458 = tpu.vector_load %arg10[%swap3A_457] {strides = array<i32>} : memref<128xi32, #tpu.memory_space<vmem>>, vector<16xi32>,
        %swap3A_459 = vector.shape_cast %swap3A_458 : vector<16xi32> to vector<16xi32>
        %swap3A_460 = vector.shape_cast %shift_right_logical3A_456 : vector<16xi32> to vector<16xi32>
        tpu.vector_store %arg10[%swap3A_457], %swap3A_460 {strides = array<i32>} : memref<128xi32, #tpu.memory_space<vmem>>, vector<16xi32>,
        %get3A_461 = arith.index_cast %add3A_352 : i32 to index
        %get3A_462 = arith.constant 96 : index
        %get3A_463 = tpu.vector_load %arg7[%get3A_461, %get3A_462] {strides = array<i32>} : memref<80x128xi32, #tpu.memory_space<vmem>>, vector<1x16xi32>,
        %get3A_464 = vector.shape_cast %get3A_463 : vector<1x16xi32> to vector<16xi32>
        %and3A_465 = arith.constant 16383 : i32
        %and3A_466 = vector.broadcast %and3A_465 : i32 to vector<16xi32>
        %and3A_467 = arith.andi %get3A_464, %and3A_466 : vector<16xi32>
        %swap3A_468 = arith.constant 96 : index
        %swap3A_469 = tpu.vector_load %arg8[%swap3A_468] {strides = array<i32>} : memref<128xi32, #tpu.memory_space<vmem>>, vector<16xi32>,
        %swap3A_470 = vector.shape_cast %swap3A_469 : vector<16xi32> to vector<16xi32>
        %swap3A_471 = vector.shape_cast %and3A_467 : vector<16xi32> to vector<16xi32>
        tpu.vector_store %arg8[%swap3A_468], %swap3A_471 {strides = array<i32>} : memref<128xi32, #tpu.memory_space<vmem>>, vector<16xi32>,
        %shift_right_logical3A_472 = arith.constant 14 : i32
        %shift_right_logical3A_473 = vector.broadcast %shift_right_logical3A_472 : i32 to vector<16xi32>
        %shift_right_logical3A_474 = arith.shrui %get3A_464, %shift_right_logical3A_473 : vector<16xi32>
        %swap3A_475 = arith.constant 96 : index
        %swap3A_476 = tpu.vector_load %arg10[%swap3A_475] {strides = array<i32>} : memref<128xi32, #tpu.memory_space<vmem>>, vector<16xi32>,
        %swap3A_477 = vector.shape_cast %swap3A_476 : vector<16xi32> to vector<16xi32>
        %swap3A_478 = vector.shape_cast %shift_right_logical3A_474 : vector<16xi32> to vector<16xi32>
        tpu.vector_store %arg10[%swap3A_475], %swap3A_478 {strides = array<i32>} : memref<128xi32, #tpu.memory_space<vmem>>, vector<16xi32>,
        %get3A_479 = arith.index_cast %add3A_352 : i32 to index
        %get3A_480 = arith.constant 112 : index
        %get3A_481 = tpu.vector_load %arg7[%get3A_479, %get3A_480] {strides = array<i32>} : memref<80x128xi32, #tpu.memory_space<vmem>>, vector<1x16xi32>,
        %get3A_482 = vector.shape_cast %get3A_481 : vector<1x16xi32> to vector<16xi32>
        %and3A_483 = arith.constant 16383 : i32
        %and3A_484 = vector.broadcast %and3A_483 : i32 to vector<16xi32>
        %and3A_485 = arith.andi %get3A_482, %and3A_484 : vector<16xi32>
        %swap3A_486 = arith.constant 112 : index
        %swap3A_487 = tpu.vector_load %arg8[%swap3A_486] {strides = array<i32>} : memref<128xi32, #tpu.memory_space<vmem>>, vector<16xi32>,
        %swap3A_488 = vector.shape_cast %swap3A_487 : vector<16xi32> to vector<16xi32>
        %swap3A_489 = vector.shape_cast %and3A_485 : vector<16xi32> to vector<16xi32>
        tpu.vector_store %arg8[%swap3A_486], %swap3A_489 {strides = array<i32>} : memref<128xi32, #tpu.memory_space<vmem>>, vector<16xi32>,
        %shift_right_logical3A_490 = arith.constant 14 : i32
        %shift_right_logical3A_491 = vector.broadcast %shift_right_logical3A_490 : i32 to vector<16xi32>
        %shift_right_logical3A_492 = arith.shrui %get3A_482, %shift_right_logical3A_491 : vector<16xi32>
        %swap3A_493 = arith.constant 112 : index
        %swap3A_494 = tpu.vector_load %arg10[%swap3A_493] {strides = array<i32>} : memref<128xi32, #tpu.memory_space<vmem>>, vector<16xi32>,
        %swap3A_495 = vector.shape_cast %swap3A_494 : vector<16xi32> to vector<16xi32>
        %swap3A_496 = vector.shape_cast %shift_right_logical3A_492 : vector<16xi32> to vector<16xi32>
        tpu.vector_store %arg10[%swap3A_493], %swap3A_496 {strides = array<i32>} : memref<128xi32, #tpu.memory_space<vmem>>, vector<16xi32>,
        %dma_start3A_497 = arith.constant 0 : i32
        %dma_start3A_498 = arith.constant 0 : i32
        %dma_start3A_499 = tpu.memref_slice %arg2[%dma_start3A_497, %dma_start3A_498] : memref<10240x128xf32, #tpu.memory_space<hbm>> -> memref<10240x128xf32, #tpu.memory_space<hbm>>
        tpu.enqueue_indirect_dma source(%dma_start3A_499 : memref<10240x128xf32, #tpu.memory_space<hbm>>) target(%arg12 : memref<128x128xf32, #tpu.memory_space<vmem>>) offsets(%arg8 : memref<128xi32, #tpu.memory_space<vmem>>) semaphore(%arg14 : memref<!tpu.dma_semaphore, #tpu.memory_space<semaphore_mem>>)
      } else {
      }
      %dma_wait3A_341 = arith.constant 0 : i32
      %dma_wait3A_342 = arith.constant 0 : i32
      %dma_wait3A_343 = tpu.memref_slice %arg2[%dma_wait3A_341, %dma_wait3A_342] : memref<10240x128xf32, #tpu.memory_space<hbm>> -> memref<10240x128xf32, #tpu.memory_space<hbm>>
      tpu.wait_indirect_dma semaphore(%arg15 : memref<!tpu.dma_semaphore, #tpu.memory_space<semaphore_mem>>) src(%dma_wait3A_343 : memref<10240x128xf32, #tpu.memory_space<hbm>>) dst(%arg13 : memref<128x128xf32, #tpu.memory_space<vmem>>)
      "tpu.region"() ({
        %run_scoped3A = tpu.sem_alloc : memref<!tpu.dma_semaphore, #tpu.memory_space<semaphore_mem>>
        %dma_start3A_351 = arith.constant 0 : i32
        %dma_start3A_352 = arith.constant 0 : i32
        %dma_start3A_353 = tpu.memref_slice %arg6[%dma_start3A_351, %dma_start3A_352] : memref<10240x128xf32, #tpu.memory_space<vmem_shared>> -> memref<10240x128xf32, #tpu.memory_space<vmem_shared>>
        tpu.enqueue_indirect_dma source(%arg13 : memref<128x128xf32, #tpu.memory_space<vmem>>) target(%dma_start3A_353 : memref<10240x128xf32, #tpu.memory_space<vmem_shared>>) offsets(%arg11 : memref<128xi32, #tpu.memory_space<vmem>>) semaphore(%run_scoped3A : memref<!tpu.dma_semaphore, #tpu.memory_space<semaphore_mem>>) {add = true}
        %dma_wait3A_354 = arith.constant 0 : i32
        %dma_wait3A_355 = arith.constant 0 : i32
        %dma_wait3A_356 = tpu.memref_slice %arg6[%dma_wait3A_354, %dma_wait3A_355] : memref<10240x128xf32, #tpu.memory_space<vmem_shared>> -> memref<10240x128xf32, #tpu.memory_space<vmem_shared>>
        tpu.wait_indirect_dma semaphore(%run_scoped3A : memref<!tpu.dma_semaphore, #tpu.memory_space<semaphore_mem>>) src(%arg13 : memref<128x128xf32, #tpu.memory_space<vmem>>) dst(%dma_wait3A_356 : memref<10240x128xf32, #tpu.memory_space<vmem_shared>>)
        tpu.yield
      }) : () -> ()
      %add3A_344 = arith.constant 3 : i32
      %add3A_345 = arith.addi %mul3A_329, %add3A_344 : i32
      %lt3A_346 = arith.constant 80 : i32
      %lt3A_347 = arith.cmpi slt, %add3A_345, %lt3A_346 : i32
      %convert_element_type3A_348 = arith.extui %lt3A_347 : i1 to i32
      %cond3A_349 = arith.constant 0 : i32
      %cond3A_350 = arith.cmpi ne, %convert_element_type3A_348, %cond3A_349 : i32
      scf.if %cond3A_350 {
        %add3A_351 = arith.constant 3 : i32
        %add3A_352 = arith.addi %mul3A_329, %add3A_351 : i32
        %get3A_353 = arith.index_cast %add3A_352 : i32 to index
        %get3A_354 = arith.constant 0 : index
        %get3A_355 = tpu.vector_load %arg7[%get3A_353, %get3A_354] {strides = array<i32>} : memref<80x128xi32, #tpu.memory_space<vmem>>, vector<1x16xi32>,
        %get3A_356 = vector.shape_cast %get3A_355 : vector<1x16xi32> to vector<16xi32>
        %and3A_357 = arith.constant 16383 : i32
        %and3A_358 = vector.broadcast %and3A_357 : i32 to vector<16xi32>
        %and3A_359 = arith.andi %get3A_356, %and3A_358 : vector<16xi32>
        %swap3A_360 = arith.constant 0 : index
        %swap3A_361 = tpu.vector_load %arg9[%swap3A_360] {strides = array<i32>} : memref<128xi32, #tpu.memory_space<vmem>>, vector<16xi32>,
        %swap3A_362 = vector.shape_cast %swap3A_361 : vector<16xi32> to vector<16xi32>
        %swap3A_363 = vector.shape_cast %and3A_359 : vector<16xi32> to vector<16xi32>
        tpu.vector_store %arg9[%swap3A_360], %swap3A_363 {strides = array<i32>} : memref<128xi32, #tpu.memory_space<vmem>>, vector<16xi32>,
        %shift_right_logical3A_364 = arith.constant 14 : i32
        %shift_right_logical3A_365 = vector.broadcast %shift_right_logical3A_364 : i32 to vector<16xi32>
        %shift_right_logical3A_366 = arith.shrui %get3A_356, %shift_right_logical3A_365 : vector<16xi32>
        %swap3A_367 = arith.constant 0 : index
        %swap3A_368 = tpu.vector_load %arg11[%swap3A_367] {strides = array<i32>} : memref<128xi32, #tpu.memory_space<vmem>>, vector<16xi32>,
        %swap3A_369 = vector.shape_cast %swap3A_368 : vector<16xi32> to vector<16xi32>
        %swap3A_370 = vector.shape_cast %shift_right_logical3A_366 : vector<16xi32> to vector<16xi32>
        tpu.vector_store %arg11[%swap3A_367], %swap3A_370 {strides = array<i32>} : memref<128xi32, #tpu.memory_space<vmem>>, vector<16xi32>,
        %get3A_371 = arith.index_cast %add3A_352 : i32 to index
        %get3A_372 = arith.constant 16 : index
        %get3A_373 = tpu.vector_load %arg7[%get3A_371, %get3A_372] {strides = array<i32>} : memref<80x128xi32, #tpu.memory_space<vmem>>, vector<1x16xi32>,
        %get3A_374 = vector.shape_cast %get3A_373 : vector<1x16xi32> to vector<16xi32>
        %and3A_375 = arith.constant 16383 : i32
        %and3A_376 = vector.broadcast %and3A_375 : i32 to vector<16xi32>
        %and3A_377 = arith.andi %get3A_374, %and3A_376 : vector<16xi32>
        %swap3A_378 = arith.constant 16 : index
        %swap3A_379 = tpu.vector_load %arg9[%swap3A_378] {strides = array<i32>} : memref<128xi32, #tpu.memory_space<vmem>>, vector<16xi32>,
        %swap3A_380 = vector.shape_cast %swap3A_379 : vector<16xi32> to vector<16xi32>
        %swap3A_381 = vector.shape_cast %and3A_377 : vector<16xi32> to vector<16xi32>
        tpu.vector_store %arg9[%swap3A_378], %swap3A_381 {strides = array<i32>} : memref<128xi32, #tpu.memory_space<vmem>>, vector<16xi32>,
        %shift_right_logical3A_382 = arith.constant 14 : i32
        %shift_right_logical3A_383 = vector.broadcast %shift_right_logical3A_382 : i32 to vector<16xi32>
        %shift_right_logical3A_384 = arith.shrui %get3A_374, %shift_right_logical3A_383 : vector<16xi32>
        %swap3A_385 = arith.constant 16 : index
        %swap3A_386 = tpu.vector_load %arg11[%swap3A_385] {strides = array<i32>} : memref<128xi32, #tpu.memory_space<vmem>>, vector<16xi32>,
        %swap3A_387 = vector.shape_cast %swap3A_386 : vector<16xi32> to vector<16xi32>
        %swap3A_388 = vector.shape_cast %shift_right_logical3A_384 : vector<16xi32> to vector<16xi32>
        tpu.vector_store %arg11[%swap3A_385], %swap3A_388 {strides = array<i32>} : memref<128xi32, #tpu.memory_space<vmem>>, vector<16xi32>,
        %get3A_389 = arith.index_cast %add3A_352 : i32 to index
        %get3A_390 = arith.constant 32 : index
        %get3A_391 = tpu.vector_load %arg7[%get3A_389, %get3A_390] {strides = array<i32>} : memref<80x128xi32, #tpu.memory_space<vmem>>, vector<1x16xi32>,
        %get3A_392 = vector.shape_cast %get3A_391 : vector<1x16xi32> to vector<16xi32>
        %and3A_393 = arith.constant 16383 : i32
        %and3A_394 = vector.broadcast %and3A_393 : i32 to vector<16xi32>
        %and3A_395 = arith.andi %get3A_392, %and3A_394 : vector<16xi32>
        %swap3A_396 = arith.constant 32 : index
        %swap3A_397 = tpu.vector_load %arg9[%swap3A_396] {strides = array<i32>} : memref<128xi32, #tpu.memory_space<vmem>>, vector<16xi32>,
        %swap3A_398 = vector.shape_cast %swap3A_397 : vector<16xi32> to vector<16xi32>
        %swap3A_399 = vector.shape_cast %and3A_395 : vector<16xi32> to vector<16xi32>
        tpu.vector_store %arg9[%swap3A_396], %swap3A_399 {strides = array<i32>} : memref<128xi32, #tpu.memory_space<vmem>>, vector<16xi32>,
        %shift_right_logical3A_400 = arith.constant 14 : i32
        %shift_right_logical3A_401 = vector.broadcast %shift_right_logical3A_400 : i32 to vector<16xi32>
        %shift_right_logical3A_402 = arith.shrui %get3A_392, %shift_right_logical3A_401 : vector<16xi32>
        %swap3A_403 = arith.constant 32 : index
        %swap3A_404 = tpu.vector_load %arg11[%swap3A_403] {strides = array<i32>} : memref<128xi32, #tpu.memory_space<vmem>>, vector<16xi32>,
        %swap3A_405 = vector.shape_cast %swap3A_404 : vector<16xi32> to vector<16xi32>
        %swap3A_406 = vector.shape_cast %shift_right_logical3A_402 : vector<16xi32> to vector<16xi32>
        tpu.vector_store %arg11[%swap3A_403], %swap3A_406 {strides = array<i32>} : memref<128xi32, #tpu.memory_space<vmem>>, vector<16xi32>,
        %get3A_407 = arith.index_cast %add3A_352 : i32 to index
        %get3A_408 = arith.constant 48 : index
        %get3A_409 = tpu.vector_load %arg7[%get3A_407, %get3A_408] {strides = array<i32>} : memref<80x128xi32, #tpu.memory_space<vmem>>, vector<1x16xi32>,
        %get3A_410 = vector.shape_cast %get3A_409 : vector<1x16xi32> to vector<16xi32>
        %and3A_411 = arith.constant 16383 : i32
        %and3A_412 = vector.broadcast %and3A_411 : i32 to vector<16xi32>
        %and3A_413 = arith.andi %get3A_410, %and3A_412 : vector<16xi32>
        %swap3A_414 = arith.constant 48 : index
        %swap3A_415 = tpu.vector_load %arg9[%swap3A_414] {strides = array<i32>} : memref<128xi32, #tpu.memory_space<vmem>>, vector<16xi32>,
        %swap3A_416 = vector.shape_cast %swap3A_415 : vector<16xi32> to vector<16xi32>
        %swap3A_417 = vector.shape_cast %and3A_413 : vector<16xi32> to vector<16xi32>
        tpu.vector_store %arg9[%swap3A_414], %swap3A_417 {strides = array<i32>} : memref<128xi32, #tpu.memory_space<vmem>>, vector<16xi32>,
        %shift_right_logical3A_418 = arith.constant 14 : i32
        %shift_right_logical3A_419 = vector.broadcast %shift_right_logical3A_418 : i32 to vector<16xi32>
        %shift_right_logical3A_420 = arith.shrui %get3A_410, %shift_right_logical3A_419 : vector<16xi32>
        %swap3A_421 = arith.constant 48 : index
        %swap3A_422 = tpu.vector_load %arg11[%swap3A_421] {strides = array<i32>} : memref<128xi32, #tpu.memory_space<vmem>>, vector<16xi32>,
        %swap3A_423 = vector.shape_cast %swap3A_422 : vector<16xi32> to vector<16xi32>
        %swap3A_424 = vector.shape_cast %shift_right_logical3A_420 : vector<16xi32> to vector<16xi32>
        tpu.vector_store %arg11[%swap3A_421], %swap3A_424 {strides = array<i32>} : memref<128xi32, #tpu.memory_space<vmem>>, vector<16xi32>,
        %get3A_425 = arith.index_cast %add3A_352 : i32 to index
        %get3A_426 = arith.constant 64 : index
        %get3A_427 = tpu.vector_load %arg7[%get3A_425, %get3A_426] {strides = array<i32>} : memref<80x128xi32, #tpu.memory_space<vmem>>, vector<1x16xi32>,
        %get3A_428 = vector.shape_cast %get3A_427 : vector<1x16xi32> to vector<16xi32>
        %and3A_429 = arith.constant 16383 : i32
        %and3A_430 = vector.broadcast %and3A_429 : i32 to vector<16xi32>
        %and3A_431 = arith.andi %get3A_428, %and3A_430 : vector<16xi32>
        %swap3A_432 = arith.constant 64 : index
        %swap3A_433 = tpu.vector_load %arg9[%swap3A_432] {strides = array<i32>} : memref<128xi32, #tpu.memory_space<vmem>>, vector<16xi32>,
        %swap3A_434 = vector.shape_cast %swap3A_433 : vector<16xi32> to vector<16xi32>
        %swap3A_435 = vector.shape_cast %and3A_431 : vector<16xi32> to vector<16xi32>
        tpu.vector_store %arg9[%swap3A_432], %swap3A_435 {strides = array<i32>} : memref<128xi32, #tpu.memory_space<vmem>>, vector<16xi32>,
        %shift_right_logical3A_436 = arith.constant 14 : i32
        %shift_right_logical3A_437 = vector.broadcast %shift_right_logical3A_436 : i32 to vector<16xi32>
        %shift_right_logical3A_438 = arith.shrui %get3A_428, %shift_right_logical3A_437 : vector<16xi32>
        %swap3A_439 = arith.constant 64 : index
        %swap3A_440 = tpu.vector_load %arg11[%swap3A_439] {strides = array<i32>} : memref<128xi32, #tpu.memory_space<vmem>>, vector<16xi32>,
        %swap3A_441 = vector.shape_cast %swap3A_440 : vector<16xi32> to vector<16xi32>
        %swap3A_442 = vector.shape_cast %shift_right_logical3A_438 : vector<16xi32> to vector<16xi32>
        tpu.vector_store %arg11[%swap3A_439], %swap3A_442 {strides = array<i32>} : memref<128xi32, #tpu.memory_space<vmem>>, vector<16xi32>,
        %get3A_443 = arith.index_cast %add3A_352 : i32 to index
        %get3A_444 = arith.constant 80 : index
        %get3A_445 = tpu.vector_load %arg7[%get3A_443, %get3A_444] {strides = array<i32>} : memref<80x128xi32, #tpu.memory_space<vmem>>, vector<1x16xi32>,
        %get3A_446 = vector.shape_cast %get3A_445 : vector<1x16xi32> to vector<16xi32>
        %and3A_447 = arith.constant 16383 : i32
        %and3A_448 = vector.broadcast %and3A_447 : i32 to vector<16xi32>
        %and3A_449 = arith.andi %get3A_446, %and3A_448 : vector<16xi32>
        %swap3A_450 = arith.constant 80 : index
        %swap3A_451 = tpu.vector_load %arg9[%swap3A_450] {strides = array<i32>} : memref<128xi32, #tpu.memory_space<vmem>>, vector<16xi32>,
        %swap3A_452 = vector.shape_cast %swap3A_451 : vector<16xi32> to vector<16xi32>
        %swap3A_453 = vector.shape_cast %and3A_449 : vector<16xi32> to vector<16xi32>
        tpu.vector_store %arg9[%swap3A_450], %swap3A_453 {strides = array<i32>} : memref<128xi32, #tpu.memory_space<vmem>>, vector<16xi32>,
        %shift_right_logical3A_454 = arith.constant 14 : i32
        %shift_right_logical3A_455 = vector.broadcast %shift_right_logical3A_454 : i32 to vector<16xi32>
        %shift_right_logical3A_456 = arith.shrui %get3A_446, %shift_right_logical3A_455 : vector<16xi32>
        %swap3A_457 = arith.constant 80 : index
        %swap3A_458 = tpu.vector_load %arg11[%swap3A_457] {strides = array<i32>} : memref<128xi32, #tpu.memory_space<vmem>>, vector<16xi32>,
        %swap3A_459 = vector.shape_cast %swap3A_458 : vector<16xi32> to vector<16xi32>
        %swap3A_460 = vector.shape_cast %shift_right_logical3A_456 : vector<16xi32> to vector<16xi32>
        tpu.vector_store %arg11[%swap3A_457], %swap3A_460 {strides = array<i32>} : memref<128xi32, #tpu.memory_space<vmem>>, vector<16xi32>,
        %get3A_461 = arith.index_cast %add3A_352 : i32 to index
        %get3A_462 = arith.constant 96 : index
        %get3A_463 = tpu.vector_load %arg7[%get3A_461, %get3A_462] {strides = array<i32>} : memref<80x128xi32, #tpu.memory_space<vmem>>, vector<1x16xi32>,
        %get3A_464 = vector.shape_cast %get3A_463 : vector<1x16xi32> to vector<16xi32>
        %and3A_465 = arith.constant 16383 : i32
        %and3A_466 = vector.broadcast %and3A_465 : i32 to vector<16xi32>
        %and3A_467 = arith.andi %get3A_464, %and3A_466 : vector<16xi32>
        %swap3A_468 = arith.constant 96 : index
        %swap3A_469 = tpu.vector_load %arg9[%swap3A_468] {strides = array<i32>} : memref<128xi32, #tpu.memory_space<vmem>>, vector<16xi32>,
        %swap3A_470 = vector.shape_cast %swap3A_469 : vector<16xi32> to vector<16xi32>
        %swap3A_471 = vector.shape_cast %and3A_467 : vector<16xi32> to vector<16xi32>
        tpu.vector_store %arg9[%swap3A_468], %swap3A_471 {strides = array<i32>} : memref<128xi32, #tpu.memory_space<vmem>>, vector<16xi32>,
        %shift_right_logical3A_472 = arith.constant 14 : i32
        %shift_right_logical3A_473 = vector.broadcast %shift_right_logical3A_472 : i32 to vector<16xi32>
        %shift_right_logical3A_474 = arith.shrui %get3A_464, %shift_right_logical3A_473 : vector<16xi32>
        %swap3A_475 = arith.constant 96 : index
        %swap3A_476 = tpu.vector_load %arg11[%swap3A_475] {strides = array<i32>} : memref<128xi32, #tpu.memory_space<vmem>>, vector<16xi32>,
        %swap3A_477 = vector.shape_cast %swap3A_476 : vector<16xi32> to vector<16xi32>
        %swap3A_478 = vector.shape_cast %shift_right_logical3A_474 : vector<16xi32> to vector<16xi32>
        tpu.vector_store %arg11[%swap3A_475], %swap3A_478 {strides = array<i32>} : memref<128xi32, #tpu.memory_space<vmem>>, vector<16xi32>,
        %get3A_479 = arith.index_cast %add3A_352 : i32 to index
        %get3A_480 = arith.constant 112 : index
        %get3A_481 = tpu.vector_load %arg7[%get3A_479, %get3A_480] {strides = array<i32>} : memref<80x128xi32, #tpu.memory_space<vmem>>, vector<1x16xi32>,
        %get3A_482 = vector.shape_cast %get3A_481 : vector<1x16xi32> to vector<16xi32>
        %and3A_483 = arith.constant 16383 : i32
        %and3A_484 = vector.broadcast %and3A_483 : i32 to vector<16xi32>
        %and3A_485 = arith.andi %get3A_482, %and3A_484 : vector<16xi32>
        %swap3A_486 = arith.constant 112 : index
        %swap3A_487 = tpu.vector_load %arg9[%swap3A_486] {strides = array<i32>} : memref<128xi32, #tpu.memory_space<vmem>>, vector<16xi32>,
        %swap3A_488 = vector.shape_cast %swap3A_487 : vector<16xi32> to vector<16xi32>
        %swap3A_489 = vector.shape_cast %and3A_485 : vector<16xi32> to vector<16xi32>
        tpu.vector_store %arg9[%swap3A_486], %swap3A_489 {strides = array<i32>} : memref<128xi32, #tpu.memory_space<vmem>>, vector<16xi32>,
        %shift_right_logical3A_490 = arith.constant 14 : i32
        %shift_right_logical3A_491 = vector.broadcast %shift_right_logical3A_490 : i32 to vector<16xi32>
        %shift_right_logical3A_492 = arith.shrui %get3A_482, %shift_right_logical3A_491 : vector<16xi32>
        %swap3A_493 = arith.constant 112 : index
        %swap3A_494 = tpu.vector_load %arg11[%swap3A_493] {strides = array<i32>} : memref<128xi32, #tpu.memory_space<vmem>>, vector<16xi32>,
        %swap3A_495 = vector.shape_cast %swap3A_494 : vector<16xi32> to vector<16xi32>
        %swap3A_496 = vector.shape_cast %shift_right_logical3A_492 : vector<16xi32> to vector<16xi32>
        tpu.vector_store %arg11[%swap3A_493], %swap3A_496 {strides = array<i32>} : memref<128xi32, #tpu.memory_space<vmem>>, vector<16xi32>,
      } else {
      }
    }
    %scan3A_325 = arith.constant 40 : i32
    %barrier3A_326 = arith.constant 0 : index
    tpu.barrier barrier_id(%barrier3A_326)
    "tpu.region"() ({
      %run_scoped3A = tpu.sem_alloc : memref<!tpu.dma_semaphore, #tpu.memory_space<semaphore_mem>>
      %dma_start3A_327 = arith.constant 0 : i32
      %dma_start3A_328 = tpu.memref_slice %arg5[%arg0, %mul3A_2, %dma_start3A_327] : memref<2x10240x128xf32, #tpu.memory_space<hbm>> -> memref<1x640x128xf32, #tpu.memory_space<hbm>>
      %dma_start3A_329 = tpu.memref_squeeze %dma_start3A_328 : memref<1x640x128xf32, #tpu.memory_space<hbm>> -> memref<640x128xf32, #tpu.memory_space<hbm>>
      %dma_start3A_330 = arith.constant 0 : i32
      %dma_start3A_331 = tpu.memref_slice %arg6[%mul3A_2, %dma_start3A_330] : memref<10240x128xf32, #tpu.memory_space<vmem_shared>> -> memref<640x128xf32, #tpu.memory_space<vmem_shared>>
      tpu.enqueue_dma source(%dma_start3A_331 : memref<640x128xf32, #tpu.memory_space<vmem_shared>>) target(%dma_start3A_329 : memref<640x128xf32, #tpu.memory_space<hbm>>) target_semaphore(%run_scoped3A : memref<!tpu.dma_semaphore, #tpu.memory_space<semaphore_mem>>)
      %dma_wait3A = arith.constant 0 : i32
      %dma_wait3A_332 = tpu.memref_slice %arg5[%arg0, %mul3A_2, %dma_wait3A] : memref<2x10240x128xf32, #tpu.memory_space<hbm>> -> memref<1x640x128xf32, #tpu.memory_space<hbm>>
      %dma_wait3A_333 = tpu.memref_squeeze %dma_wait3A_332 : memref<1x640x128xf32, #tpu.memory_space<hbm>> -> memref<640x128xf32, #tpu.memory_space<hbm>>
      %dma_wait3A_334 = arith.constant 0 : i32
      %dma_wait3A_335 = tpu.memref_slice %arg6[%mul3A_2, %dma_wait3A_334] : memref<10240x128xf32, #tpu.memory_space<vmem_shared>> -> memref<640x128xf32, #tpu.memory_space<vmem_shared>>
      tpu.wait_dma2 semaphore(%run_scoped3A : memref<!tpu.dma_semaphore, #tpu.memory_space<semaphore_mem>>) src(%dma_wait3A_335 : memref<640x128xf32, #tpu.memory_space<vmem_shared>>) dst(%dma_wait3A_333 : memref<640x128xf32, #tpu.memory_space<hbm>>)
      tpu.yield
    }) : () -> ()
    return
  }
}

#map = affine_map<(d0, d1) -> (0, 0)>
#map1 = affine_map<(d0, d1) -> (0, 0, 0)>
module attributes {stable_mosaic.version = 14 : i64} {
  func.func @_scat_sc(%arg0: i32, %arg1: i32, %arg2: memref<10240x128xf32, #tpu.memory_space<hbm>>, %arg3: memref<32x80x128xi32, #tpu.memory_space<hbm>>, %arg4: memref<10240x128xf32, #tpu.memory_space<hbm>>, %arg5: memref<2x10240x128xf32, #tpu.memory_space<hbm>>, %arg6: memref<10240x128xf32, #tpu.memory_space<vmem_shared>>, %arg7: memref<80x128xi32, #tpu.memory_space<vmem>>, %arg8: memref<128xi32, #tpu.memory_space<vmem>>, %arg9: memref<128xi32, #tpu.memory_space<vmem>>, %arg10: memref<128xi32, #tpu.memory_space<vmem>>, %arg11: memref<128xi32, #tpu.memory_space<vmem>>, %arg12: memref<128x128xf32, #tpu.memory_space<vmem>>, %arg13: memref<128x128xf32, #tpu.memory_space<vmem>>, %arg14: memref<!tpu.dma_semaphore, #tpu.memory_space<semaphore_mem>>, %arg15: memref<!tpu.dma_semaphore, #tpu.memory_space<semaphore_mem>>) attributes {dimension_semantics = [#tpu.dimension_semantics<core_parallel>, #tpu.dimension_semantics<subcore_parallel>], iteration_bounds = array<i64: 2, 16>, scalar_prefetch = 0 : i64, scratch_operands = 10 : i64, tpu.core_type = #tpu.core_type<sc_vector_subcore>, window_params = [{transform_indices = #map}, {transform_indices = #map1}, {transform_indices = #map}, {transform_indices = #map1}]} {
    %mul3A = arith.constant 2 : i32
    %mul3A_0 = arith.muli %arg1, %mul3A : i32
    %add3A = arith.addi %mul3A_0, %arg0 : i32
    %mul3A_1 = arith.constant 640 : i32
    %mul3A_2 = arith.muli %arg1, %mul3A_1 : i32
    %eq3A = arith.constant 0 : i32
    %eq3A_3 = arith.cmpi eq, %arg0, %eq3A : i32
    %convert_element_type3A = arith.extui %eq3A_3 : i1 to i32
    %cond3A = arith.constant 0 : i32
    %cond3A_4 = arith.cmpi ne, %convert_element_type3A, %cond3A : i32
    scf.if %cond3A_4 {
      %dma_start3A_327 = arith.constant 0 : i32
      %dma_start3A_328 = tpu.memref_slice %arg6[%mul3A_2, %dma_start3A_327] : memref<10240x128xf32, #tpu.memory_space<vmem_shared>> -> memref<640x128xf32, #tpu.memory_space<vmem_shared>>
      %dma_start3A_329 = arith.constant 0 : i32
      %dma_start3A_330 = tpu.memref_slice %arg2[%mul3A_2, %dma_start3A_329] : memref<10240x128xf32, #tpu.memory_space<hbm>> -> memref<640x128xf32, #tpu.memory_space<hbm>>
      tpu.enqueue_dma source(%dma_start3A_330 : memref<640x128xf32, #tpu.memory_space<hbm>>) target(%dma_start3A_328 : memref<640x128xf32, #tpu.memory_space<vmem_shared>>) target_semaphore(%arg14 : memref<!tpu.dma_semaphore, #tpu.memory_space<semaphore_mem>>)
    } else {
    }
    %eq3A_5 = arith.constant 1 : i32
    %eq3A_6 = arith.cmpi eq, %arg0, %eq3A_5 : i32
    %convert_element_type3A_7 = arith.extui %eq3A_6 : i1 to i32
    %cond3A_8 = arith.constant 0 : i32
    %cond3A_9 = arith.cmpi ne, %convert_element_type3A_7, %cond3A_8 : i32
    scf.if %cond3A_9 {
      %dma_start3A_327 = arith.constant 0 : i32
      %dma_start3A_328 = tpu.memref_slice %arg6[%mul3A_2, %dma_start3A_327] : memref<10240x128xf32, #tpu.memory_space<vmem_shared>> -> memref<640x128xf32, #tpu.memory_space<vmem_shared>>
      %dma_start3A_329 = arith.constant 0 : i32
      %dma_start3A_330 = tpu.memref_slice %arg4[%mul3A_2, %dma_start3A_329] : memref<10240x128xf32, #tpu.memory_space<hbm>> -> memref<640x128xf32, #tpu.memory_space<hbm>>
      tpu.enqueue_dma source(%dma_start3A_330 : memref<640x128xf32, #tpu.memory_space<hbm>>) target(%dma_start3A_328 : memref<640x128xf32, #tpu.memory_space<vmem_shared>>) target_semaphore(%arg14 : memref<!tpu.dma_semaphore, #tpu.memory_space<semaphore_mem>>)
    } else {
    }
    "tpu.region"() ({
      %run_scoped3A = tpu.sem_alloc : memref<!tpu.dma_semaphore, #tpu.memory_space<semaphore_mem>>
      %dma_start3A_327 = arith.constant 0 : i32
      %dma_start3A_328 = arith.constant 0 : i32
      %dma_start3A_329 = tpu.memref_slice %arg3[%add3A, %dma_start3A_327, %dma_start3A_328] : memref<32x80x128xi32, #tpu.memory_space<hbm>> -> memref<1x80x128xi32, #tpu.memory_space<hbm>>
      %dma_start3A_330 = tpu.memref_squeeze %dma_start3A_329 : memref<1x80x128xi32, #tpu.memory_space<hbm>> -> memref<80x128xi32, #tpu.memory_space<hbm>>
      %dma_start3A_331 = arith.constant 0 : i32
      %dma_start3A_332 = arith.constant 0 : i32
      %dma_start3A_333 = tpu.memref_slice %arg3[%add3A, %dma_start3A_331, %dma_start3A_332] : memref<32x80x128xi32, #tpu.memory_space<hbm>> -> memref<1x80x128xi32, #tpu.memory_space<hbm>>
      %dma_start3A_334 = tpu.memref_squeeze %dma_start3A_333 : memref<1x80x128xi32, #tpu.memory_space<hbm>> -> memref<80x128xi32, #tpu.memory_space<hbm>>
      tpu.enqueue_dma source(%dma_start3A_334 : memref<80x128xi32, #tpu.memory_space<hbm>>) target(%arg7 : memref<80x128xi32, #tpu.memory_space<vmem>>) target_semaphore(%run_scoped3A : memref<!tpu.dma_semaphore, #tpu.memory_space<semaphore_mem>>)
      %dma_wait3A = arith.constant 0 : i32
      %dma_wait3A_335 = arith.constant 0 : i32
      %dma_wait3A_336 = tpu.memref_slice %arg3[%add3A, %dma_wait3A, %dma_wait3A_335] : memref<32x80x128xi32, #tpu.memory_space<hbm>> -> memref<1x80x128xi32, #tpu.memory_space<hbm>>
      %dma_wait3A_337 = tpu.memref_squeeze %dma_wait3A_336 : memref<1x80x128xi32, #tpu.memory_space<hbm>> -> memref<80x128xi32, #tpu.memory_space<hbm>>
      %dma_wait3A_338 = arith.constant 0 : i32
      %dma_wait3A_339 = arith.constant 0 : i32
      %dma_wait3A_340 = tpu.memref_slice %arg3[%add3A, %dma_wait3A_338, %dma_wait3A_339] : memref<32x80x128xi32, #tpu.memory_space<hbm>> -> memref<1x80x128xi32, #tpu.memory_space<hbm>>
      %dma_wait3A_341 = tpu.memref_squeeze %dma_wait3A_340 : memref<1x80x128xi32, #tpu.memory_space<hbm>> -> memref<80x128xi32, #tpu.memory_space<hbm>>
      tpu.wait_dma2 semaphore(%run_scoped3A : memref<!tpu.dma_semaphore, #tpu.memory_space<semaphore_mem>>) src(%dma_wait3A_341 : memref<80x128xi32, #tpu.memory_space<hbm>>) dst(%arg7 : memref<80x128xi32, #tpu.memory_space<vmem>>)
      tpu.yield
    }) : () -> ()
    %eq3A_10 = arith.constant 0 : i32
    %eq3A_11 = arith.cmpi eq, %arg0, %eq3A_10 : i32
    %convert_element_type3A_12 = arith.extui %eq3A_11 : i1 to i32
    %cond3A_13 = arith.constant 0 : i32
    %cond3A_14 = arith.cmpi ne, %convert_element_type3A_12, %cond3A_13 : i32
    scf.if %cond3A_14 {
      %dma_wait3A = arith.constant 0 : i32
      %dma_wait3A_327 = tpu.memref_slice %arg6[%mul3A_2, %dma_wait3A] : memref<10240x128xf32, #tpu.memory_space<vmem_shared>> -> memref<640x128xf32, #tpu.memory_space<vmem_shared>>
      %dma_wait3A_328 = arith.constant 0 : i32
      %dma_wait3A_329 = tpu.memref_slice %arg2[%mul3A_2, %dma_wait3A_328] : memref<10240x128xf32, #tpu.memory_space<hbm>> -> memref<640x128xf32, #tpu.memory_space<hbm>>
      tpu.wait_dma2 semaphore(%arg14 : memref<!tpu.dma_semaphore, #tpu.memory_space<semaphore_mem>>) src(%dma_wait3A_329 : memref<640x128xf32, #tpu.memory_space<hbm>>) dst(%dma_wait3A_327 : memref<640x128xf32, #tpu.memory_space<vmem_shared>>)
    } else {
    }
    %eq3A_15 = arith.constant 1 : i32
    %eq3A_16 = arith.cmpi eq, %arg0, %eq3A_15 : i32
    %convert_element_type3A_17 = arith.extui %eq3A_16 : i1 to i32
    %cond3A_18 = arith.constant 0 : i32
    %cond3A_19 = arith.cmpi ne, %convert_element_type3A_17, %cond3A_18 : i32
    scf.if %cond3A_19 {
      %dma_wait3A = arith.constant 0 : i32
      %dma_wait3A_327 = tpu.memref_slice %arg6[%mul3A_2, %dma_wait3A] : memref<10240x128xf32, #tpu.memory_space<vmem_shared>> -> memref<640x128xf32, #tpu.memory_space<vmem_shared>>
      %dma_wait3A_328 = arith.constant 0 : i32
      %dma_wait3A_329 = tpu.memref_slice %arg4[%mul3A_2, %dma_wait3A_328] : memref<10240x128xf32, #tpu.memory_space<hbm>> -> memref<640x128xf32, #tpu.memory_space<hbm>>
      tpu.wait_dma2 semaphore(%arg14 : memref<!tpu.dma_semaphore, #tpu.memory_space<semaphore_mem>>) src(%dma_wait3A_329 : memref<640x128xf32, #tpu.memory_space<hbm>>) dst(%dma_wait3A_327 : memref<640x128xf32, #tpu.memory_space<vmem_shared>>)
    } else {
    }
    %barrier3A = arith.constant 0 : index
    tpu.barrier barrier_id(%barrier3A)
    %get3A = arith.constant 0 : i32
    %get3A_20 = arith.index_cast %get3A : i32 to index
    %get3A_21 = arith.constant 0 : index
    %get3A_22 = tpu.vector_load %arg7[%get3A_20, %get3A_21] {strides = array<i32>} : memref<80x128xi32, #tpu.memory_space<vmem>>, vector<1x16xi32>,
    %get3A_23 = vector.shape_cast %get3A_22 : vector<1x16xi32> to vector<16xi32>
    %and3A = arith.constant 16383 : i32
    %and3A_24 = vector.broadcast %and3A : i32 to vector<16xi32>
    %and3A_25 = arith.andi %get3A_23, %and3A_24 : vector<16xi32>
    %swap3A = arith.constant 0 : index
    %swap3A_26 = tpu.vector_load %arg8[%swap3A] {strides = array<i32>} : memref<128xi32, #tpu.memory_space<vmem>>, vector<16xi32>,
    %swap3A_27 = vector.shape_cast %swap3A_26 : vector<16xi32> to vector<16xi32>
    %swap3A_28 = vector.shape_cast %and3A_25 : vector<16xi32> to vector<16xi32>
    tpu.vector_store %arg8[%swap3A], %swap3A_28 {strides = array<i32>} : memref<128xi32, #tpu.memory_space<vmem>>, vector<16xi32>,
    %shift_right_logical3A = arith.constant 14 : i32
    %shift_right_logical3A_29 = vector.broadcast %shift_right_logical3A : i32 to vector<16xi32>
    %shift_right_logical3A_30 = arith.shrui %get3A_23, %shift_right_logical3A_29 : vector<16xi32>
    %swap3A_31 = arith.constant 0 : index
    %swap3A_32 = tpu.vector_load %arg10[%swap3A_31] {strides = array<i32>} : memref<128xi32, #tpu.memory_space<vmem>>, vector<16xi32>,
    %swap3A_33 = vector.shape_cast %swap3A_32 : vector<16xi32> to vector<16xi32>
    %swap3A_34 = vector.shape_cast %shift_right_logical3A_30 : vector<16xi32> to vector<16xi32>
    tpu.vector_store %arg10[%swap3A_31], %swap3A_34 {strides = array<i32>} : memref<128xi32, #tpu.memory_space<vmem>>, vector<16xi32>,
    %get3A_35 = arith.constant 0 : i32
    %get3A_36 = arith.index_cast %get3A_35 : i32 to index
    %get3A_37 = arith.constant 16 : index
    %get3A_38 = tpu.vector_load %arg7[%get3A_36, %get3A_37] {strides = array<i32>} : memref<80x128xi32, #tpu.memory_space<vmem>>, vector<1x16xi32>,
    %get3A_39 = vector.shape_cast %get3A_38 : vector<1x16xi32> to vector<16xi32>
    %and3A_40 = arith.constant 16383 : i32
    %and3A_41 = vector.broadcast %and3A_40 : i32 to vector<16xi32>
    %and3A_42 = arith.andi %get3A_39, %and3A_41 : vector<16xi32>
    %swap3A_43 = arith.constant 16 : index
    %swap3A_44 = tpu.vector_load %arg8[%swap3A_43] {strides = array<i32>} : memref<128xi32, #tpu.memory_space<vmem>>, vector<16xi32>,
    %swap3A_45 = vector.shape_cast %swap3A_44 : vector<16xi32> to vector<16xi32>
    %swap3A_46 = vector.shape_cast %and3A_42 : vector<16xi32> to vector<16xi32>
    tpu.vector_store %arg8[%swap3A_43], %swap3A_46 {strides = array<i32>} : memref<128xi32, #tpu.memory_space<vmem>>, vector<16xi32>,
    %shift_right_logical3A_47 = arith.constant 14 : i32
    %shift_right_logical3A_48 = vector.broadcast %shift_right_logical3A_47 : i32 to vector<16xi32>
    %shift_right_logical3A_49 = arith.shrui %get3A_39, %shift_right_logical3A_48 : vector<16xi32>
    %swap3A_50 = arith.constant 16 : index
    %swap3A_51 = tpu.vector_load %arg10[%swap3A_50] {strides = array<i32>} : memref<128xi32, #tpu.memory_space<vmem>>, vector<16xi32>,
    %swap3A_52 = vector.shape_cast %swap3A_51 : vector<16xi32> to vector<16xi32>
    %swap3A_53 = vector.shape_cast %shift_right_logical3A_49 : vector<16xi32> to vector<16xi32>
    tpu.vector_store %arg10[%swap3A_50], %swap3A_53 {strides = array<i32>} : memref<128xi32, #tpu.memory_space<vmem>>, vector<16xi32>,
    %get3A_54 = arith.constant 0 : i32
    %get3A_55 = arith.index_cast %get3A_54 : i32 to index
    %get3A_56 = arith.constant 32 : index
    %get3A_57 = tpu.vector_load %arg7[%get3A_55, %get3A_56] {strides = array<i32>} : memref<80x128xi32, #tpu.memory_space<vmem>>, vector<1x16xi32>,
    %get3A_58 = vector.shape_cast %get3A_57 : vector<1x16xi32> to vector<16xi32>
    %and3A_59 = arith.constant 16383 : i32
    %and3A_60 = vector.broadcast %and3A_59 : i32 to vector<16xi32>
    %and3A_61 = arith.andi %get3A_58, %and3A_60 : vector<16xi32>
    %swap3A_62 = arith.constant 32 : index
    %swap3A_63 = tpu.vector_load %arg8[%swap3A_62] {strides = array<i32>} : memref<128xi32, #tpu.memory_space<vmem>>, vector<16xi32>,
    %swap3A_64 = vector.shape_cast %swap3A_63 : vector<16xi32> to vector<16xi32>
    %swap3A_65 = vector.shape_cast %and3A_61 : vector<16xi32> to vector<16xi32>
    tpu.vector_store %arg8[%swap3A_62], %swap3A_65 {strides = array<i32>} : memref<128xi32, #tpu.memory_space<vmem>>, vector<16xi32>,
    %shift_right_logical3A_66 = arith.constant 14 : i32
    %shift_right_logical3A_67 = vector.broadcast %shift_right_logical3A_66 : i32 to vector<16xi32>
    %shift_right_logical3A_68 = arith.shrui %get3A_58, %shift_right_logical3A_67 : vector<16xi32>
    %swap3A_69 = arith.constant 32 : index
    %swap3A_70 = tpu.vector_load %arg10[%swap3A_69] {strides = array<i32>} : memref<128xi32, #tpu.memory_space<vmem>>, vector<16xi32>,
    %swap3A_71 = vector.shape_cast %swap3A_70 : vector<16xi32> to vector<16xi32>
    %swap3A_72 = vector.shape_cast %shift_right_logical3A_68 : vector<16xi32> to vector<16xi32>
    tpu.vector_store %arg10[%swap3A_69], %swap3A_72 {strides = array<i32>} : memref<128xi32, #tpu.memory_space<vmem>>, vector<16xi32>,
    %get3A_73 = arith.constant 0 : i32
    %get3A_74 = arith.index_cast %get3A_73 : i32 to index
    %get3A_75 = arith.constant 48 : index
    %get3A_76 = tpu.vector_load %arg7[%get3A_74, %get3A_75] {strides = array<i32>} : memref<80x128xi32, #tpu.memory_space<vmem>>, vector<1x16xi32>,
    %get3A_77 = vector.shape_cast %get3A_76 : vector<1x16xi32> to vector<16xi32>
    %and3A_78 = arith.constant 16383 : i32
    %and3A_79 = vector.broadcast %and3A_78 : i32 to vector<16xi32>
    %and3A_80 = arith.andi %get3A_77, %and3A_79 : vector<16xi32>
    %swap3A_81 = arith.constant 48 : index
    %swap3A_82 = tpu.vector_load %arg8[%swap3A_81] {strides = array<i32>} : memref<128xi32, #tpu.memory_space<vmem>>, vector<16xi32>,
    %swap3A_83 = vector.shape_cast %swap3A_82 : vector<16xi32> to vector<16xi32>
    %swap3A_84 = vector.shape_cast %and3A_80 : vector<16xi32> to vector<16xi32>
    tpu.vector_store %arg8[%swap3A_81], %swap3A_84 {strides = array<i32>} : memref<128xi32, #tpu.memory_space<vmem>>, vector<16xi32>,
    %shift_right_logical3A_85 = arith.constant 14 : i32
    %shift_right_logical3A_86 = vector.broadcast %shift_right_logical3A_85 : i32 to vector<16xi32>
    %shift_right_logical3A_87 = arith.shrui %get3A_77, %shift_right_logical3A_86 : vector<16xi32>
    %swap3A_88 = arith.constant 48 : index
    %swap3A_89 = tpu.vector_load %arg10[%swap3A_88] {strides = array<i32>} : memref<128xi32, #tpu.memory_space<vmem>>, vector<16xi32>,
    %swap3A_90 = vector.shape_cast %swap3A_89 : vector<16xi32> to vector<16xi32>
    %swap3A_91 = vector.shape_cast %shift_right_logical3A_87 : vector<16xi32> to vector<16xi32>
    tpu.vector_store %arg10[%swap3A_88], %swap3A_91 {strides = array<i32>} : memref<128xi32, #tpu.memory_space<vmem>>, vector<16xi32>,
    %get3A_92 = arith.constant 0 : i32
    %get3A_93 = arith.index_cast %get3A_92 : i32 to index
    %get3A_94 = arith.constant 64 : index
    %get3A_95 = tpu.vector_load %arg7[%get3A_93, %get3A_94] {strides = array<i32>} : memref<80x128xi32, #tpu.memory_space<vmem>>, vector<1x16xi32>,
    %get3A_96 = vector.shape_cast %get3A_95 : vector<1x16xi32> to vector<16xi32>
    %and3A_97 = arith.constant 16383 : i32
    %and3A_98 = vector.broadcast %and3A_97 : i32 to vector<16xi32>
    %and3A_99 = arith.andi %get3A_96, %and3A_98 : vector<16xi32>
    %swap3A_100 = arith.constant 64 : index
    %swap3A_101 = tpu.vector_load %arg8[%swap3A_100] {strides = array<i32>} : memref<128xi32, #tpu.memory_space<vmem>>, vector<16xi32>,
    %swap3A_102 = vector.shape_cast %swap3A_101 : vector<16xi32> to vector<16xi32>
    %swap3A_103 = vector.shape_cast %and3A_99 : vector<16xi32> to vector<16xi32>
    tpu.vector_store %arg8[%swap3A_100], %swap3A_103 {strides = array<i32>} : memref<128xi32, #tpu.memory_space<vmem>>, vector<16xi32>,
    %shift_right_logical3A_104 = arith.constant 14 : i32
    %shift_right_logical3A_105 = vector.broadcast %shift_right_logical3A_104 : i32 to vector<16xi32>
    %shift_right_logical3A_106 = arith.shrui %get3A_96, %shift_right_logical3A_105 : vector<16xi32>
    %swap3A_107 = arith.constant 64 : index
    %swap3A_108 = tpu.vector_load %arg10[%swap3A_107] {strides = array<i32>} : memref<128xi32, #tpu.memory_space<vmem>>, vector<16xi32>,
    %swap3A_109 = vector.shape_cast %swap3A_108 : vector<16xi32> to vector<16xi32>
    %swap3A_110 = vector.shape_cast %shift_right_logical3A_106 : vector<16xi32> to vector<16xi32>
    tpu.vector_store %arg10[%swap3A_107], %swap3A_110 {strides = array<i32>} : memref<128xi32, #tpu.memory_space<vmem>>, vector<16xi32>,
    %get3A_111 = arith.constant 0 : i32
    %get3A_112 = arith.index_cast %get3A_111 : i32 to index
    %get3A_113 = arith.constant 80 : index
    %get3A_114 = tpu.vector_load %arg7[%get3A_112, %get3A_113] {strides = array<i32>} : memref<80x128xi32, #tpu.memory_space<vmem>>, vector<1x16xi32>,
    %get3A_115 = vector.shape_cast %get3A_114 : vector<1x16xi32> to vector<16xi32>
    %and3A_116 = arith.constant 16383 : i32
    %and3A_117 = vector.broadcast %and3A_116 : i32 to vector<16xi32>
    %and3A_118 = arith.andi %get3A_115, %and3A_117 : vector<16xi32>
    %swap3A_119 = arith.constant 80 : index
    %swap3A_120 = tpu.vector_load %arg8[%swap3A_119] {strides = array<i32>} : memref<128xi32, #tpu.memory_space<vmem>>, vector<16xi32>,
    %swap3A_121 = vector.shape_cast %swap3A_120 : vector<16xi32> to vector<16xi32>
    %swap3A_122 = vector.shape_cast %and3A_118 : vector<16xi32> to vector<16xi32>
    tpu.vector_store %arg8[%swap3A_119], %swap3A_122 {strides = array<i32>} : memref<128xi32, #tpu.memory_space<vmem>>, vector<16xi32>,
    %shift_right_logical3A_123 = arith.constant 14 : i32
    %shift_right_logical3A_124 = vector.broadcast %shift_right_logical3A_123 : i32 to vector<16xi32>
    %shift_right_logical3A_125 = arith.shrui %get3A_115, %shift_right_logical3A_124 : vector<16xi32>
    %swap3A_126 = arith.constant 80 : index
    %swap3A_127 = tpu.vector_load %arg10[%swap3A_126] {strides = array<i32>} : memref<128xi32, #tpu.memory_space<vmem>>, vector<16xi32>,
    %swap3A_128 = vector.shape_cast %swap3A_127 : vector<16xi32> to vector<16xi32>
    %swap3A_129 = vector.shape_cast %shift_right_logical3A_125 : vector<16xi32> to vector<16xi32>
    tpu.vector_store %arg10[%swap3A_126], %swap3A_129 {strides = array<i32>} : memref<128xi32, #tpu.memory_space<vmem>>, vector<16xi32>,
    %get3A_130 = arith.constant 0 : i32
    %get3A_131 = arith.index_cast %get3A_130 : i32 to index
    %get3A_132 = arith.constant 96 : index
    %get3A_133 = tpu.vector_load %arg7[%get3A_131, %get3A_132] {strides = array<i32>} : memref<80x128xi32, #tpu.memory_space<vmem>>, vector<1x16xi32>,
    %get3A_134 = vector.shape_cast %get3A_133 : vector<1x16xi32> to vector<16xi32>
    %and3A_135 = arith.constant 16383 : i32
    %and3A_136 = vector.broadcast %and3A_135 : i32 to vector<16xi32>
    %and3A_137 = arith.andi %get3A_134, %and3A_136 : vector<16xi32>
    %swap3A_138 = arith.constant 96 : index
    %swap3A_139 = tpu.vector_load %arg8[%swap3A_138] {strides = array<i32>} : memref<128xi32, #tpu.memory_space<vmem>>, vector<16xi32>,
    %swap3A_140 = vector.shape_cast %swap3A_139 : vector<16xi32> to vector<16xi32>
    %swap3A_141 = vector.shape_cast %and3A_137 : vector<16xi32> to vector<16xi32>
    tpu.vector_store %arg8[%swap3A_138], %swap3A_141 {strides = array<i32>} : memref<128xi32, #tpu.memory_space<vmem>>, vector<16xi32>,
    %shift_right_logical3A_142 = arith.constant 14 : i32
    %shift_right_logical3A_143 = vector.broadcast %shift_right_logical3A_142 : i32 to vector<16xi32>
    %shift_right_logical3A_144 = arith.shrui %get3A_134, %shift_right_logical3A_143 : vector<16xi32>
    %swap3A_145 = arith.constant 96 : index
    %swap3A_146 = tpu.vector_load %arg10[%swap3A_145] {strides = array<i32>} : memref<128xi32, #tpu.memory_space<vmem>>, vector<16xi32>,
    %swap3A_147 = vector.shape_cast %swap3A_146 : vector<16xi32> to vector<16xi32>
    %swap3A_148 = vector.shape_cast %shift_right_logical3A_144 : vector<16xi32> to vector<16xi32>
    tpu.vector_store %arg10[%swap3A_145], %swap3A_148 {strides = array<i32>} : memref<128xi32, #tpu.memory_space<vmem>>, vector<16xi32>,
    %get3A_149 = arith.constant 0 : i32
    %get3A_150 = arith.index_cast %get3A_149 : i32 to index
    %get3A_151 = arith.constant 112 : index
    %get3A_152 = tpu.vector_load %arg7[%get3A_150, %get3A_151] {strides = array<i32>} : memref<80x128xi32, #tpu.memory_space<vmem>>, vector<1x16xi32>,
    %get3A_153 = vector.shape_cast %get3A_152 : vector<1x16xi32> to vector<16xi32>
    %and3A_154 = arith.constant 16383 : i32
    %and3A_155 = vector.broadcast %and3A_154 : i32 to vector<16xi32>
    %and3A_156 = arith.andi %get3A_153, %and3A_155 : vector<16xi32>
    %swap3A_157 = arith.constant 112 : index
    %swap3A_158 = tpu.vector_load %arg8[%swap3A_157] {strides = array<i32>} : memref<128xi32, #tpu.memory_space<vmem>>, vector<16xi32>,
    %swap3A_159 = vector.shape_cast %swap3A_158 : vector<16xi32> to vector<16xi32>
    %swap3A_160 = vector.shape_cast %and3A_156 : vector<16xi32> to vector<16xi32>
    tpu.vector_store %arg8[%swap3A_157], %swap3A_160 {strides = array<i32>} : memref<128xi32, #tpu.memory_space<vmem>>, vector<16xi32>,
    %shift_right_logical3A_161 = arith.constant 14 : i32
    %shift_right_logical3A_162 = vector.broadcast %shift_right_logical3A_161 : i32 to vector<16xi32>
    %shift_right_logical3A_163 = arith.shrui %get3A_153, %shift_right_logical3A_162 : vector<16xi32>
    %swap3A_164 = arith.constant 112 : index
    %swap3A_165 = tpu.vector_load %arg10[%swap3A_164] {strides = array<i32>} : memref<128xi32, #tpu.memory_space<vmem>>, vector<16xi32>,
    %swap3A_166 = vector.shape_cast %swap3A_165 : vector<16xi32> to vector<16xi32>
    %swap3A_167 = vector.shape_cast %shift_right_logical3A_163 : vector<16xi32> to vector<16xi32>
    tpu.vector_store %arg10[%swap3A_164], %swap3A_167 {strides = array<i32>} : memref<128xi32, #tpu.memory_space<vmem>>, vector<16xi32>,
    %dma_start3A = arith.constant 0 : i32
    %dma_start3A_168 = arith.constant 0 : i32
    %dma_start3A_169 = tpu.memref_slice %arg2[%dma_start3A, %dma_start3A_168] : memref<10240x128xf32, #tpu.memory_space<hbm>> -> memref<10240x128xf32, #tpu.memory_space<hbm>>
    tpu.enqueue_indirect_dma source(%dma_start3A_169 : memref<10240x128xf32, #tpu.memory_space<hbm>>) target(%arg12 : memref<128x128xf32, #tpu.memory_space<vmem>>) offsets(%arg8 : memref<128xi32, #tpu.memory_space<vmem>>) semaphore(%arg14 : memref<!tpu.dma_semaphore, #tpu.memory_space<semaphore_mem>>)
    %get3A_170 = arith.constant 1 : i32
    %get3A_171 = arith.index_cast %get3A_170 : i32 to index
    %get3A_172 = arith.constant 0 : index
    %get3A_173 = tpu.vector_load %arg7[%get3A_171, %get3A_172] {strides = array<i32>} : memref<80x128xi32, #tpu.memory_space<vmem>>, vector<1x16xi32>,
    %get3A_174 = vector.shape_cast %get3A_173 : vector<1x16xi32> to vector<16xi32>
    %and3A_175 = arith.constant 16383 : i32
    %and3A_176 = vector.broadcast %and3A_175 : i32 to vector<16xi32>
    %and3A_177 = arith.andi %get3A_174, %and3A_176 : vector<16xi32>
    %swap3A_178 = arith.constant 0 : index
    %swap3A_179 = tpu.vector_load %arg9[%swap3A_178] {strides = array<i32>} : memref<128xi32, #tpu.memory_space<vmem>>, vector<16xi32>,
    %swap3A_180 = vector.shape_cast %swap3A_179 : vector<16xi32> to vector<16xi32>
    %swap3A_181 = vector.shape_cast %and3A_177 : vector<16xi32> to vector<16xi32>
    tpu.vector_store %arg9[%swap3A_178], %swap3A_181 {strides = array<i32>} : memref<128xi32, #tpu.memory_space<vmem>>, vector<16xi32>,
    %shift_right_logical3A_182 = arith.constant 14 : i32
    %shift_right_logical3A_183 = vector.broadcast %shift_right_logical3A_182 : i32 to vector<16xi32>
    %shift_right_logical3A_184 = arith.shrui %get3A_174, %shift_right_logical3A_183 : vector<16xi32>
    %swap3A_185 = arith.constant 0 : index
    %swap3A_186 = tpu.vector_load %arg11[%swap3A_185] {strides = array<i32>} : memref<128xi32, #tpu.memory_space<vmem>>, vector<16xi32>,
    %swap3A_187 = vector.shape_cast %swap3A_186 : vector<16xi32> to vector<16xi32>
    %swap3A_188 = vector.shape_cast %shift_right_logical3A_184 : vector<16xi32> to vector<16xi32>
    tpu.vector_store %arg11[%swap3A_185], %swap3A_188 {strides = array<i32>} : memref<128xi32, #tpu.memory_space<vmem>>, vector<16xi32>,
    %get3A_189 = arith.constant 1 : i32
    %get3A_190 = arith.index_cast %get3A_189 : i32 to index
    %get3A_191 = arith.constant 16 : index
    %get3A_192 = tpu.vector_load %arg7[%get3A_190, %get3A_191] {strides = array<i32>} : memref<80x128xi32, #tpu.memory_space<vmem>>, vector<1x16xi32>,
    %get3A_193 = vector.shape_cast %get3A_192 : vector<1x16xi32> to vector<16xi32>
    %and3A_194 = arith.constant 16383 : i32
    %and3A_195 = vector.broadcast %and3A_194 : i32 to vector<16xi32>
    %and3A_196 = arith.andi %get3A_193, %and3A_195 : vector<16xi32>
    %swap3A_197 = arith.constant 16 : index
    %swap3A_198 = tpu.vector_load %arg9[%swap3A_197] {strides = array<i32>} : memref<128xi32, #tpu.memory_space<vmem>>, vector<16xi32>,
    %swap3A_199 = vector.shape_cast %swap3A_198 : vector<16xi32> to vector<16xi32>
    %swap3A_200 = vector.shape_cast %and3A_196 : vector<16xi32> to vector<16xi32>
    tpu.vector_store %arg9[%swap3A_197], %swap3A_200 {strides = array<i32>} : memref<128xi32, #tpu.memory_space<vmem>>, vector<16xi32>,
    %shift_right_logical3A_201 = arith.constant 14 : i32
    %shift_right_logical3A_202 = vector.broadcast %shift_right_logical3A_201 : i32 to vector<16xi32>
    %shift_right_logical3A_203 = arith.shrui %get3A_193, %shift_right_logical3A_202 : vector<16xi32>
    %swap3A_204 = arith.constant 16 : index
    %swap3A_205 = tpu.vector_load %arg11[%swap3A_204] {strides = array<i32>} : memref<128xi32, #tpu.memory_space<vmem>>, vector<16xi32>,
    %swap3A_206 = vector.shape_cast %swap3A_205 : vector<16xi32> to vector<16xi32>
    %swap3A_207 = vector.shape_cast %shift_right_logical3A_203 : vector<16xi32> to vector<16xi32>
    tpu.vector_store %arg11[%swap3A_204], %swap3A_207 {strides = array<i32>} : memref<128xi32, #tpu.memory_space<vmem>>, vector<16xi32>,
    %get3A_208 = arith.constant 1 : i32
    %get3A_209 = arith.index_cast %get3A_208 : i32 to index
    %get3A_210 = arith.constant 32 : index
    %get3A_211 = tpu.vector_load %arg7[%get3A_209, %get3A_210] {strides = array<i32>} : memref<80x128xi32, #tpu.memory_space<vmem>>, vector<1x16xi32>,
    %get3A_212 = vector.shape_cast %get3A_211 : vector<1x16xi32> to vector<16xi32>
    %and3A_213 = arith.constant 16383 : i32
    %and3A_214 = vector.broadcast %and3A_213 : i32 to vector<16xi32>
    %and3A_215 = arith.andi %get3A_212, %and3A_214 : vector<16xi32>
    %swap3A_216 = arith.constant 32 : index
    %swap3A_217 = tpu.vector_load %arg9[%swap3A_216] {strides = array<i32>} : memref<128xi32, #tpu.memory_space<vmem>>, vector<16xi32>,
    %swap3A_218 = vector.shape_cast %swap3A_217 : vector<16xi32> to vector<16xi32>
    %swap3A_219 = vector.shape_cast %and3A_215 : vector<16xi32> to vector<16xi32>
    tpu.vector_store %arg9[%swap3A_216], %swap3A_219 {strides = array<i32>} : memref<128xi32, #tpu.memory_space<vmem>>, vector<16xi32>,
    %shift_right_logical3A_220 = arith.constant 14 : i32
    %shift_right_logical3A_221 = vector.broadcast %shift_right_logical3A_220 : i32 to vector<16xi32>
    %shift_right_logical3A_222 = arith.shrui %get3A_212, %shift_right_logical3A_221 : vector<16xi32>
    %swap3A_223 = arith.constant 32 : index
    %swap3A_224 = tpu.vector_load %arg11[%swap3A_223] {strides = array<i32>} : memref<128xi32, #tpu.memory_space<vmem>>, vector<16xi32>,
    %swap3A_225 = vector.shape_cast %swap3A_224 : vector<16xi32> to vector<16xi32>
    %swap3A_226 = vector.shape_cast %shift_right_logical3A_222 : vector<16xi32> to vector<16xi32>
    tpu.vector_store %arg11[%swap3A_223], %swap3A_226 {strides = array<i32>} : memref<128xi32, #tpu.memory_space<vmem>>, vector<16xi32>,
    %get3A_227 = arith.constant 1 : i32
    %get3A_228 = arith.index_cast %get3A_227 : i32 to index
    %get3A_229 = arith.constant 48 : index
    %get3A_230 = tpu.vector_load %arg7[%get3A_228, %get3A_229] {strides = array<i32>} : memref<80x128xi32, #tpu.memory_space<vmem>>, vector<1x16xi32>,
    %get3A_231 = vector.shape_cast %get3A_230 : vector<1x16xi32> to vector<16xi32>
    %and3A_232 = arith.constant 16383 : i32
    %and3A_233 = vector.broadcast %and3A_232 : i32 to vector<16xi32>
    %and3A_234 = arith.andi %get3A_231, %and3A_233 : vector<16xi32>
    %swap3A_235 = arith.constant 48 : index
    %swap3A_236 = tpu.vector_load %arg9[%swap3A_235] {strides = array<i32>} : memref<128xi32, #tpu.memory_space<vmem>>, vector<16xi32>,
    %swap3A_237 = vector.shape_cast %swap3A_236 : vector<16xi32> to vector<16xi32>
    %swap3A_238 = vector.shape_cast %and3A_234 : vector<16xi32> to vector<16xi32>
    tpu.vector_store %arg9[%swap3A_235], %swap3A_238 {strides = array<i32>} : memref<128xi32, #tpu.memory_space<vmem>>, vector<16xi32>,
    %shift_right_logical3A_239 = arith.constant 14 : i32
    %shift_right_logical3A_240 = vector.broadcast %shift_right_logical3A_239 : i32 to vector<16xi32>
    %shift_right_logical3A_241 = arith.shrui %get3A_231, %shift_right_logical3A_240 : vector<16xi32>
    %swap3A_242 = arith.constant 48 : index
    %swap3A_243 = tpu.vector_load %arg11[%swap3A_242] {strides = array<i32>} : memref<128xi32, #tpu.memory_space<vmem>>, vector<16xi32>,
    %swap3A_244 = vector.shape_cast %swap3A_243 : vector<16xi32> to vector<16xi32>
    %swap3A_245 = vector.shape_cast %shift_right_logical3A_241 : vector<16xi32> to vector<16xi32>
    tpu.vector_store %arg11[%swap3A_242], %swap3A_245 {strides = array<i32>} : memref<128xi32, #tpu.memory_space<vmem>>, vector<16xi32>,
    %get3A_246 = arith.constant 1 : i32
    %get3A_247 = arith.index_cast %get3A_246 : i32 to index
    %get3A_248 = arith.constant 64 : index
    %get3A_249 = tpu.vector_load %arg7[%get3A_247, %get3A_248] {strides = array<i32>} : memref<80x128xi32, #tpu.memory_space<vmem>>, vector<1x16xi32>,
    %get3A_250 = vector.shape_cast %get3A_249 : vector<1x16xi32> to vector<16xi32>
    %and3A_251 = arith.constant 16383 : i32
    %and3A_252 = vector.broadcast %and3A_251 : i32 to vector<16xi32>
    %and3A_253 = arith.andi %get3A_250, %and3A_252 : vector<16xi32>
    %swap3A_254 = arith.constant 64 : index
    %swap3A_255 = tpu.vector_load %arg9[%swap3A_254] {strides = array<i32>} : memref<128xi32, #tpu.memory_space<vmem>>, vector<16xi32>,
    %swap3A_256 = vector.shape_cast %swap3A_255 : vector<16xi32> to vector<16xi32>
    %swap3A_257 = vector.shape_cast %and3A_253 : vector<16xi32> to vector<16xi32>
    tpu.vector_store %arg9[%swap3A_254], %swap3A_257 {strides = array<i32>} : memref<128xi32, #tpu.memory_space<vmem>>, vector<16xi32>,
    %shift_right_logical3A_258 = arith.constant 14 : i32
    %shift_right_logical3A_259 = vector.broadcast %shift_right_logical3A_258 : i32 to vector<16xi32>
    %shift_right_logical3A_260 = arith.shrui %get3A_250, %shift_right_logical3A_259 : vector<16xi32>
    %swap3A_261 = arith.constant 64 : index
    %swap3A_262 = tpu.vector_load %arg11[%swap3A_261] {strides = array<i32>} : memref<128xi32, #tpu.memory_space<vmem>>, vector<16xi32>,
    %swap3A_263 = vector.shape_cast %swap3A_262 : vector<16xi32> to vector<16xi32>
    %swap3A_264 = vector.shape_cast %shift_right_logical3A_260 : vector<16xi32> to vector<16xi32>
    tpu.vector_store %arg11[%swap3A_261], %swap3A_264 {strides = array<i32>} : memref<128xi32, #tpu.memory_space<vmem>>, vector<16xi32>,
    %get3A_265 = arith.constant 1 : i32
    %get3A_266 = arith.index_cast %get3A_265 : i32 to index
    %get3A_267 = arith.constant 80 : index
    %get3A_268 = tpu.vector_load %arg7[%get3A_266, %get3A_267] {strides = array<i32>} : memref<80x128xi32, #tpu.memory_space<vmem>>, vector<1x16xi32>,
    %get3A_269 = vector.shape_cast %get3A_268 : vector<1x16xi32> to vector<16xi32>
    %and3A_270 = arith.constant 16383 : i32
    %and3A_271 = vector.broadcast %and3A_270 : i32 to vector<16xi32>
    %and3A_272 = arith.andi %get3A_269, %and3A_271 : vector<16xi32>
    %swap3A_273 = arith.constant 80 : index
    %swap3A_274 = tpu.vector_load %arg9[%swap3A_273] {strides = array<i32>} : memref<128xi32, #tpu.memory_space<vmem>>, vector<16xi32>,
    %swap3A_275 = vector.shape_cast %swap3A_274 : vector<16xi32> to vector<16xi32>
    %swap3A_276 = vector.shape_cast %and3A_272 : vector<16xi32> to vector<16xi32>
    tpu.vector_store %arg9[%swap3A_273], %swap3A_276 {strides = array<i32>} : memref<128xi32, #tpu.memory_space<vmem>>, vector<16xi32>,
    %shift_right_logical3A_277 = arith.constant 14 : i32
    %shift_right_logical3A_278 = vector.broadcast %shift_right_logical3A_277 : i32 to vector<16xi32>
    %shift_right_logical3A_279 = arith.shrui %get3A_269, %shift_right_logical3A_278 : vector<16xi32>
    %swap3A_280 = arith.constant 80 : index
    %swap3A_281 = tpu.vector_load %arg11[%swap3A_280] {strides = array<i32>} : memref<128xi32, #tpu.memory_space<vmem>>, vector<16xi32>,
    %swap3A_282 = vector.shape_cast %swap3A_281 : vector<16xi32> to vector<16xi32>
    %swap3A_283 = vector.shape_cast %shift_right_logical3A_279 : vector<16xi32> to vector<16xi32>
    tpu.vector_store %arg11[%swap3A_280], %swap3A_283 {strides = array<i32>} : memref<128xi32, #tpu.memory_space<vmem>>, vector<16xi32>,
    %get3A_284 = arith.constant 1 : i32
    %get3A_285 = arith.index_cast %get3A_284 : i32 to index
    %get3A_286 = arith.constant 96 : index
    %get3A_287 = tpu.vector_load %arg7[%get3A_285, %get3A_286] {strides = array<i32>} : memref<80x128xi32, #tpu.memory_space<vmem>>, vector<1x16xi32>,
    %get3A_288 = vector.shape_cast %get3A_287 : vector<1x16xi32> to vector<16xi32>
    %and3A_289 = arith.constant 16383 : i32
    %and3A_290 = vector.broadcast %and3A_289 : i32 to vector<16xi32>
    %and3A_291 = arith.andi %get3A_288, %and3A_290 : vector<16xi32>
    %swap3A_292 = arith.constant 96 : index
    %swap3A_293 = tpu.vector_load %arg9[%swap3A_292] {strides = array<i32>} : memref<128xi32, #tpu.memory_space<vmem>>, vector<16xi32>,
    %swap3A_294 = vector.shape_cast %swap3A_293 : vector<16xi32> to vector<16xi32>
    %swap3A_295 = vector.shape_cast %and3A_291 : vector<16xi32> to vector<16xi32>
    tpu.vector_store %arg9[%swap3A_292], %swap3A_295 {strides = array<i32>} : memref<128xi32, #tpu.memory_space<vmem>>, vector<16xi32>,
    %shift_right_logical3A_296 = arith.constant 14 : i32
    %shift_right_logical3A_297 = vector.broadcast %shift_right_logical3A_296 : i32 to vector<16xi32>
    %shift_right_logical3A_298 = arith.shrui %get3A_288, %shift_right_logical3A_297 : vector<16xi32>
    %swap3A_299 = arith.constant 96 : index
    %swap3A_300 = tpu.vector_load %arg11[%swap3A_299] {strides = array<i32>} : memref<128xi32, #tpu.memory_space<vmem>>, vector<16xi32>,
    %swap3A_301 = vector.shape_cast %swap3A_300 : vector<16xi32> to vector<16xi32>
    %swap3A_302 = vector.shape_cast %shift_right_logical3A_298 : vector<16xi32> to vector<16xi32>
    tpu.vector_store %arg11[%swap3A_299], %swap3A_302 {strides = array<i32>} : memref<128xi32, #tpu.memory_space<vmem>>, vector<16xi32>,
    %get3A_303 = arith.constant 1 : i32
    %get3A_304 = arith.index_cast %get3A_303 : i32 to index
    %get3A_305 = arith.constant 112 : index
    %get3A_306 = tpu.vector_load %arg7[%get3A_304, %get3A_305] {strides = array<i32>} : memref<80x128xi32, #tpu.memory_space<vmem>>, vector<1x16xi32>,
    %get3A_307 = vector.shape_cast %get3A_306 : vector<1x16xi32> to vector<16xi32>
    %and3A_308 = arith.constant 16383 : i32
    %and3A_309 = vector.broadcast %and3A_308 : i32 to vector<16xi32>
    %and3A_310 = arith.andi %get3A_307, %and3A_309 : vector<16xi32>
    %swap3A_311 = arith.constant 112 : index
    %swap3A_312 = tpu.vector_load %arg9[%swap3A_311] {strides = array<i32>} : memref<128xi32, #tpu.memory_space<vmem>>, vector<16xi32>,
    %swap3A_313 = vector.shape_cast %swap3A_312 : vector<16xi32> to vector<16xi32>
    %swap3A_314 = vector.shape_cast %and3A_310 : vector<16xi32> to vector<16xi32>
    tpu.vector_store %arg9[%swap3A_311], %swap3A_314 {strides = array<i32>} : memref<128xi32, #tpu.memory_space<vmem>>, vector<16xi32>,
    %shift_right_logical3A_315 = arith.constant 14 : i32
    %shift_right_logical3A_316 = vector.broadcast %shift_right_logical3A_315 : i32 to vector<16xi32>
    %shift_right_logical3A_317 = arith.shrui %get3A_307, %shift_right_logical3A_316 : vector<16xi32>
    %swap3A_318 = arith.constant 112 : index
    %swap3A_319 = tpu.vector_load %arg11[%swap3A_318] {strides = array<i32>} : memref<128xi32, #tpu.memory_space<vmem>>, vector<16xi32>,
    %swap3A_320 = vector.shape_cast %swap3A_319 : vector<16xi32> to vector<16xi32>
    %swap3A_321 = vector.shape_cast %shift_right_logical3A_317 : vector<16xi32> to vector<16xi32>
    tpu.vector_store %arg11[%swap3A_318], %swap3A_321 {strides = array<i32>} : memref<128xi32, #tpu.memory_space<vmem>>, vector<16xi32>,
    %scan3A = arith.constant 0 : i32
    %scan3A_322 = arith.constant 40 : i32
    %scan3A_323 = arith.addi %scan3A, %scan3A_322 : i32
    %scan3A_324 = arith.constant 1 : i32
    scf.for %scan3A_327 = %scan3A to %scan3A_323 step %scan3A_324  : i32 {
      %mul3A_328 = arith.constant 2 : i32
      %mul3A_329 = arith.muli %mul3A_328, %scan3A_327 : i32
      %dma_start3A_330 = arith.constant 0 : i32
      %dma_start3A_331 = arith.constant 0 : i32
      %dma_start3A_332 = tpu.memref_slice %arg2[%dma_start3A_330, %dma_start3A_331] : memref<10240x128xf32, #tpu.memory_space<hbm>> -> memref<10240x128xf32, #tpu.memory_space<hbm>>
      tpu.enqueue_indirect_dma source(%dma_start3A_332 : memref<10240x128xf32, #tpu.memory_space<hbm>>) target(%arg13 : memref<128x128xf32, #tpu.memory_space<vmem>>) offsets(%arg9 : memref<128xi32, #tpu.memory_space<vmem>>) semaphore(%arg15 : memref<!tpu.dma_semaphore, #tpu.memory_space<semaphore_mem>>)
      %dma_wait3A = arith.constant 0 : i32
      %dma_wait3A_333 = arith.constant 0 : i32
      %dma_wait3A_334 = tpu.memref_slice %arg2[%dma_wait3A, %dma_wait3A_333] : memref<10240x128xf32, #tpu.memory_space<hbm>> -> memref<10240x128xf32, #tpu.memory_space<hbm>>
      tpu.wait_indirect_dma semaphore(%arg14 : memref<!tpu.dma_semaphore, #tpu.memory_space<semaphore_mem>>) src(%dma_wait3A_334 : memref<10240x128xf32, #tpu.memory_space<hbm>>) dst(%arg12 : memref<128x128xf32, #tpu.memory_space<vmem>>)
      "tpu.region"() ({
        %run_scoped3A = tpu.sem_alloc : memref<!tpu.dma_semaphore, #tpu.memory_space<semaphore_mem>>
        %dma_start3A_351 = arith.constant 0 : i32
        %dma_start3A_352 = arith.constant 0 : i32
        %dma_start3A_353 = tpu.memref_slice %arg6[%dma_start3A_351, %dma_start3A_352] : memref<10240x128xf32, #tpu.memory_space<vmem_shared>> -> memref<10240x128xf32, #tpu.memory_space<vmem_shared>>
        tpu.enqueue_indirect_dma source(%arg12 : memref<128x128xf32, #tpu.memory_space<vmem>>) target(%dma_start3A_353 : memref<10240x128xf32, #tpu.memory_space<vmem_shared>>) offsets(%arg10 : memref<128xi32, #tpu.memory_space<vmem>>) semaphore(%run_scoped3A : memref<!tpu.dma_semaphore, #tpu.memory_space<semaphore_mem>>) {add = true}
        %dma_wait3A_354 = arith.constant 0 : i32
        %dma_wait3A_355 = arith.constant 0 : i32
        %dma_wait3A_356 = tpu.memref_slice %arg6[%dma_wait3A_354, %dma_wait3A_355] : memref<10240x128xf32, #tpu.memory_space<vmem_shared>> -> memref<10240x128xf32, #tpu.memory_space<vmem_shared>>
        tpu.wait_indirect_dma semaphore(%run_scoped3A : memref<!tpu.dma_semaphore, #tpu.memory_space<semaphore_mem>>) src(%arg12 : memref<128x128xf32, #tpu.memory_space<vmem>>) dst(%dma_wait3A_356 : memref<10240x128xf32, #tpu.memory_space<vmem_shared>>)
        tpu.yield
      }) : () -> ()
      %add3A_335 = arith.constant 2 : i32
      %add3A_336 = arith.addi %mul3A_329, %add3A_335 : i32
      %lt3A = arith.constant 80 : i32
      %lt3A_337 = arith.cmpi slt, %add3A_336, %lt3A : i32
      %convert_element_type3A_338 = arith.extui %lt3A_337 : i1 to i32
      %cond3A_339 = arith.constant 0 : i32
      %cond3A_340 = arith.cmpi ne, %convert_element_type3A_338, %cond3A_339 : i32
      scf.if %cond3A_340 {
        %add3A_351 = arith.constant 2 : i32
        %add3A_352 = arith.addi %mul3A_329, %add3A_351 : i32
        %get3A_353 = arith.index_cast %add3A_352 : i32 to index
        %get3A_354 = arith.constant 0 : index
        %get3A_355 = tpu.vector_load %arg7[%get3A_353, %get3A_354] {strides = array<i32>} : memref<80x128xi32, #tpu.memory_space<vmem>>, vector<1x16xi32>,
        %get3A_356 = vector.shape_cast %get3A_355 : vector<1x16xi32> to vector<16xi32>
        %and3A_357 = arith.constant 16383 : i32
        %and3A_358 = vector.broadcast %and3A_357 : i32 to vector<16xi32>
        %and3A_359 = arith.andi %get3A_356, %and3A_358 : vector<16xi32>
        %swap3A_360 = arith.constant 0 : index
        %swap3A_361 = tpu.vector_load %arg8[%swap3A_360] {strides = array<i32>} : memref<128xi32, #tpu.memory_space<vmem>>, vector<16xi32>,
        %swap3A_362 = vector.shape_cast %swap3A_361 : vector<16xi32> to vector<16xi32>
        %swap3A_363 = vector.shape_cast %and3A_359 : vector<16xi32> to vector<16xi32>
        tpu.vector_store %arg8[%swap3A_360], %swap3A_363 {strides = array<i32>} : memref<128xi32, #tpu.memory_space<vmem>>, vector<16xi32>,
        %shift_right_logical3A_364 = arith.constant 14 : i32
        %shift_right_logical3A_365 = vector.broadcast %shift_right_logical3A_364 : i32 to vector<16xi32>
        %shift_right_logical3A_366 = arith.shrui %get3A_356, %shift_right_logical3A_365 : vector<16xi32>
        %swap3A_367 = arith.constant 0 : index
        %swap3A_368 = tpu.vector_load %arg10[%swap3A_367] {strides = array<i32>} : memref<128xi32, #tpu.memory_space<vmem>>, vector<16xi32>,
        %swap3A_369 = vector.shape_cast %swap3A_368 : vector<16xi32> to vector<16xi32>
        %swap3A_370 = vector.shape_cast %shift_right_logical3A_366 : vector<16xi32> to vector<16xi32>
        tpu.vector_store %arg10[%swap3A_367], %swap3A_370 {strides = array<i32>} : memref<128xi32, #tpu.memory_space<vmem>>, vector<16xi32>,
        %get3A_371 = arith.index_cast %add3A_352 : i32 to index
        %get3A_372 = arith.constant 16 : index
        %get3A_373 = tpu.vector_load %arg7[%get3A_371, %get3A_372] {strides = array<i32>} : memref<80x128xi32, #tpu.memory_space<vmem>>, vector<1x16xi32>,
        %get3A_374 = vector.shape_cast %get3A_373 : vector<1x16xi32> to vector<16xi32>
        %and3A_375 = arith.constant 16383 : i32
        %and3A_376 = vector.broadcast %and3A_375 : i32 to vector<16xi32>
        %and3A_377 = arith.andi %get3A_374, %and3A_376 : vector<16xi32>
        %swap3A_378 = arith.constant 16 : index
        %swap3A_379 = tpu.vector_load %arg8[%swap3A_378] {strides = array<i32>} : memref<128xi32, #tpu.memory_space<vmem>>, vector<16xi32>,
        %swap3A_380 = vector.shape_cast %swap3A_379 : vector<16xi32> to vector<16xi32>
        %swap3A_381 = vector.shape_cast %and3A_377 : vector<16xi32> to vector<16xi32>
        tpu.vector_store %arg8[%swap3A_378], %swap3A_381 {strides = array<i32>} : memref<128xi32, #tpu.memory_space<vmem>>, vector<16xi32>,
        %shift_right_logical3A_382 = arith.constant 14 : i32
        %shift_right_logical3A_383 = vector.broadcast %shift_right_logical3A_382 : i32 to vector<16xi32>
        %shift_right_logical3A_384 = arith.shrui %get3A_374, %shift_right_logical3A_383 : vector<16xi32>
        %swap3A_385 = arith.constant 16 : index
        %swap3A_386 = tpu.vector_load %arg10[%swap3A_385] {strides = array<i32>} : memref<128xi32, #tpu.memory_space<vmem>>, vector<16xi32>,
        %swap3A_387 = vector.shape_cast %swap3A_386 : vector<16xi32> to vector<16xi32>
        %swap3A_388 = vector.shape_cast %shift_right_logical3A_384 : vector<16xi32> to vector<16xi32>
        tpu.vector_store %arg10[%swap3A_385], %swap3A_388 {strides = array<i32>} : memref<128xi32, #tpu.memory_space<vmem>>, vector<16xi32>,
        %get3A_389 = arith.index_cast %add3A_352 : i32 to index
        %get3A_390 = arith.constant 32 : index
        %get3A_391 = tpu.vector_load %arg7[%get3A_389, %get3A_390] {strides = array<i32>} : memref<80x128xi32, #tpu.memory_space<vmem>>, vector<1x16xi32>,
        %get3A_392 = vector.shape_cast %get3A_391 : vector<1x16xi32> to vector<16xi32>
        %and3A_393 = arith.constant 16383 : i32
        %and3A_394 = vector.broadcast %and3A_393 : i32 to vector<16xi32>
        %and3A_395 = arith.andi %get3A_392, %and3A_394 : vector<16xi32>
        %swap3A_396 = arith.constant 32 : index
        %swap3A_397 = tpu.vector_load %arg8[%swap3A_396] {strides = array<i32>} : memref<128xi32, #tpu.memory_space<vmem>>, vector<16xi32>,
        %swap3A_398 = vector.shape_cast %swap3A_397 : vector<16xi32> to vector<16xi32>
        %swap3A_399 = vector.shape_cast %and3A_395 : vector<16xi32> to vector<16xi32>
        tpu.vector_store %arg8[%swap3A_396], %swap3A_399 {strides = array<i32>} : memref<128xi32, #tpu.memory_space<vmem>>, vector<16xi32>,
        %shift_right_logical3A_400 = arith.constant 14 : i32
        %shift_right_logical3A_401 = vector.broadcast %shift_right_logical3A_400 : i32 to vector<16xi32>
        %shift_right_logical3A_402 = arith.shrui %get3A_392, %shift_right_logical3A_401 : vector<16xi32>
        %swap3A_403 = arith.constant 32 : index
        %swap3A_404 = tpu.vector_load %arg10[%swap3A_403] {strides = array<i32>} : memref<128xi32, #tpu.memory_space<vmem>>, vector<16xi32>,
        %swap3A_405 = vector.shape_cast %swap3A_404 : vector<16xi32> to vector<16xi32>
        %swap3A_406 = vector.shape_cast %shift_right_logical3A_402 : vector<16xi32> to vector<16xi32>
        tpu.vector_store %arg10[%swap3A_403], %swap3A_406 {strides = array<i32>} : memref<128xi32, #tpu.memory_space<vmem>>, vector<16xi32>,
        %get3A_407 = arith.index_cast %add3A_352 : i32 to index
        %get3A_408 = arith.constant 48 : index
        %get3A_409 = tpu.vector_load %arg7[%get3A_407, %get3A_408] {strides = array<i32>} : memref<80x128xi32, #tpu.memory_space<vmem>>, vector<1x16xi32>,
        %get3A_410 = vector.shape_cast %get3A_409 : vector<1x16xi32> to vector<16xi32>
        %and3A_411 = arith.constant 16383 : i32
        %and3A_412 = vector.broadcast %and3A_411 : i32 to vector<16xi32>
        %and3A_413 = arith.andi %get3A_410, %and3A_412 : vector<16xi32>
        %swap3A_414 = arith.constant 48 : index
        %swap3A_415 = tpu.vector_load %arg8[%swap3A_414] {strides = array<i32>} : memref<128xi32, #tpu.memory_space<vmem>>, vector<16xi32>,
        %swap3A_416 = vector.shape_cast %swap3A_415 : vector<16xi32> to vector<16xi32>
        %swap3A_417 = vector.shape_cast %and3A_413 : vector<16xi32> to vector<16xi32>
        tpu.vector_store %arg8[%swap3A_414], %swap3A_417 {strides = array<i32>} : memref<128xi32, #tpu.memory_space<vmem>>, vector<16xi32>,
        %shift_right_logical3A_418 = arith.constant 14 : i32
        %shift_right_logical3A_419 = vector.broadcast %shift_right_logical3A_418 : i32 to vector<16xi32>
        %shift_right_logical3A_420 = arith.shrui %get3A_410, %shift_right_logical3A_419 : vector<16xi32>
        %swap3A_421 = arith.constant 48 : index
        %swap3A_422 = tpu.vector_load %arg10[%swap3A_421] {strides = array<i32>} : memref<128xi32, #tpu.memory_space<vmem>>, vector<16xi32>,
        %swap3A_423 = vector.shape_cast %swap3A_422 : vector<16xi32> to vector<16xi32>
        %swap3A_424 = vector.shape_cast %shift_right_logical3A_420 : vector<16xi32> to vector<16xi32>
        tpu.vector_store %arg10[%swap3A_421], %swap3A_424 {strides = array<i32>} : memref<128xi32, #tpu.memory_space<vmem>>, vector<16xi32>,
        %get3A_425 = arith.index_cast %add3A_352 : i32 to index
        %get3A_426 = arith.constant 64 : index
        %get3A_427 = tpu.vector_load %arg7[%get3A_425, %get3A_426] {strides = array<i32>} : memref<80x128xi32, #tpu.memory_space<vmem>>, vector<1x16xi32>,
        %get3A_428 = vector.shape_cast %get3A_427 : vector<1x16xi32> to vector<16xi32>
        %and3A_429 = arith.constant 16383 : i32
        %and3A_430 = vector.broadcast %and3A_429 : i32 to vector<16xi32>
        %and3A_431 = arith.andi %get3A_428, %and3A_430 : vector<16xi32>
        %swap3A_432 = arith.constant 64 : index
        %swap3A_433 = tpu.vector_load %arg8[%swap3A_432] {strides = array<i32>} : memref<128xi32, #tpu.memory_space<vmem>>, vector<16xi32>,
        %swap3A_434 = vector.shape_cast %swap3A_433 : vector<16xi32> to vector<16xi32>
        %swap3A_435 = vector.shape_cast %and3A_431 : vector<16xi32> to vector<16xi32>
        tpu.vector_store %arg8[%swap3A_432], %swap3A_435 {strides = array<i32>} : memref<128xi32, #tpu.memory_space<vmem>>, vector<16xi32>,
        %shift_right_logical3A_436 = arith.constant 14 : i32
        %shift_right_logical3A_437 = vector.broadcast %shift_right_logical3A_436 : i32 to vector<16xi32>
        %shift_right_logical3A_438 = arith.shrui %get3A_428, %shift_right_logical3A_437 : vector<16xi32>
        %swap3A_439 = arith.constant 64 : index
        %swap3A_440 = tpu.vector_load %arg10[%swap3A_439] {strides = array<i32>} : memref<128xi32, #tpu.memory_space<vmem>>, vector<16xi32>,
        %swap3A_441 = vector.shape_cast %swap3A_440 : vector<16xi32> to vector<16xi32>
        %swap3A_442 = vector.shape_cast %shift_right_logical3A_438 : vector<16xi32> to vector<16xi32>
        tpu.vector_store %arg10[%swap3A_439], %swap3A_442 {strides = array<i32>} : memref<128xi32, #tpu.memory_space<vmem>>, vector<16xi32>,
        %get3A_443 = arith.index_cast %add3A_352 : i32 to index
        %get3A_444 = arith.constant 80 : index
        %get3A_445 = tpu.vector_load %arg7[%get3A_443, %get3A_444] {strides = array<i32>} : memref<80x128xi32, #tpu.memory_space<vmem>>, vector<1x16xi32>,
        %get3A_446 = vector.shape_cast %get3A_445 : vector<1x16xi32> to vector<16xi32>
        %and3A_447 = arith.constant 16383 : i32
        %and3A_448 = vector.broadcast %and3A_447 : i32 to vector<16xi32>
        %and3A_449 = arith.andi %get3A_446, %and3A_448 : vector<16xi32>
        %swap3A_450 = arith.constant 80 : index
        %swap3A_451 = tpu.vector_load %arg8[%swap3A_450] {strides = array<i32>} : memref<128xi32, #tpu.memory_space<vmem>>, vector<16xi32>,
        %swap3A_452 = vector.shape_cast %swap3A_451 : vector<16xi32> to vector<16xi32>
        %swap3A_453 = vector.shape_cast %and3A_449 : vector<16xi32> to vector<16xi32>
        tpu.vector_store %arg8[%swap3A_450], %swap3A_453 {strides = array<i32>} : memref<128xi32, #tpu.memory_space<vmem>>, vector<16xi32>,
        %shift_right_logical3A_454 = arith.constant 14 : i32
        %shift_right_logical3A_455 = vector.broadcast %shift_right_logical3A_454 : i32 to vector<16xi32>
        %shift_right_logical3A_456 = arith.shrui %get3A_446, %shift_right_logical3A_455 : vector<16xi32>
        %swap3A_457 = arith.constant 80 : index
        %swap3A_458 = tpu.vector_load %arg10[%swap3A_457] {strides = array<i32>} : memref<128xi32, #tpu.memory_space<vmem>>, vector<16xi32>,
        %swap3A_459 = vector.shape_cast %swap3A_458 : vector<16xi32> to vector<16xi32>
        %swap3A_460 = vector.shape_cast %shift_right_logical3A_456 : vector<16xi32> to vector<16xi32>
        tpu.vector_store %arg10[%swap3A_457], %swap3A_460 {strides = array<i32>} : memref<128xi32, #tpu.memory_space<vmem>>, vector<16xi32>,
        %get3A_461 = arith.index_cast %add3A_352 : i32 to index
        %get3A_462 = arith.constant 96 : index
        %get3A_463 = tpu.vector_load %arg7[%get3A_461, %get3A_462] {strides = array<i32>} : memref<80x128xi32, #tpu.memory_space<vmem>>, vector<1x16xi32>,
        %get3A_464 = vector.shape_cast %get3A_463 : vector<1x16xi32> to vector<16xi32>
        %and3A_465 = arith.constant 16383 : i32
        %and3A_466 = vector.broadcast %and3A_465 : i32 to vector<16xi32>
        %and3A_467 = arith.andi %get3A_464, %and3A_466 : vector<16xi32>
        %swap3A_468 = arith.constant 96 : index
        %swap3A_469 = tpu.vector_load %arg8[%swap3A_468] {strides = array<i32>} : memref<128xi32, #tpu.memory_space<vmem>>, vector<16xi32>,
        %swap3A_470 = vector.shape_cast %swap3A_469 : vector<16xi32> to vector<16xi32>
        %swap3A_471 = vector.shape_cast %and3A_467 : vector<16xi32> to vector<16xi32>
        tpu.vector_store %arg8[%swap3A_468], %swap3A_471 {strides = array<i32>} : memref<128xi32, #tpu.memory_space<vmem>>, vector<16xi32>,
        %shift_right_logical3A_472 = arith.constant 14 : i32
        %shift_right_logical3A_473 = vector.broadcast %shift_right_logical3A_472 : i32 to vector<16xi32>
        %shift_right_logical3A_474 = arith.shrui %get3A_464, %shift_right_logical3A_473 : vector<16xi32>
        %swap3A_475 = arith.constant 96 : index
        %swap3A_476 = tpu.vector_load %arg10[%swap3A_475] {strides = array<i32>} : memref<128xi32, #tpu.memory_space<vmem>>, vector<16xi32>,
        %swap3A_477 = vector.shape_cast %swap3A_476 : vector<16xi32> to vector<16xi32>
        %swap3A_478 = vector.shape_cast %shift_right_logical3A_474 : vector<16xi32> to vector<16xi32>
        tpu.vector_store %arg10[%swap3A_475], %swap3A_478 {strides = array<i32>} : memref<128xi32, #tpu.memory_space<vmem>>, vector<16xi32>,
        %get3A_479 = arith.index_cast %add3A_352 : i32 to index
        %get3A_480 = arith.constant 112 : index
        %get3A_481 = tpu.vector_load %arg7[%get3A_479, %get3A_480] {strides = array<i32>} : memref<80x128xi32, #tpu.memory_space<vmem>>, vector<1x16xi32>,
        %get3A_482 = vector.shape_cast %get3A_481 : vector<1x16xi32> to vector<16xi32>
        %and3A_483 = arith.constant 16383 : i32
        %and3A_484 = vector.broadcast %and3A_483 : i32 to vector<16xi32>
        %and3A_485 = arith.andi %get3A_482, %and3A_484 : vector<16xi32>
        %swap3A_486 = arith.constant 112 : index
        %swap3A_487 = tpu.vector_load %arg8[%swap3A_486] {strides = array<i32>} : memref<128xi32, #tpu.memory_space<vmem>>, vector<16xi32>,
        %swap3A_488 = vector.shape_cast %swap3A_487 : vector<16xi32> to vector<16xi32>
        %swap3A_489 = vector.shape_cast %and3A_485 : vector<16xi32> to vector<16xi32>
        tpu.vector_store %arg8[%swap3A_486], %swap3A_489 {strides = array<i32>} : memref<128xi32, #tpu.memory_space<vmem>>, vector<16xi32>,
        %shift_right_logical3A_490 = arith.constant 14 : i32
        %shift_right_logical3A_491 = vector.broadcast %shift_right_logical3A_490 : i32 to vector<16xi32>
        %shift_right_logical3A_492 = arith.shrui %get3A_482, %shift_right_logical3A_491 : vector<16xi32>
        %swap3A_493 = arith.constant 112 : index
        %swap3A_494 = tpu.vector_load %arg10[%swap3A_493] {strides = array<i32>} : memref<128xi32, #tpu.memory_space<vmem>>, vector<16xi32>,
        %swap3A_495 = vector.shape_cast %swap3A_494 : vector<16xi32> to vector<16xi32>
        %swap3A_496 = vector.shape_cast %shift_right_logical3A_492 : vector<16xi32> to vector<16xi32>
        tpu.vector_store %arg10[%swap3A_493], %swap3A_496 {strides = array<i32>} : memref<128xi32, #tpu.memory_space<vmem>>, vector<16xi32>,
        %dma_start3A_497 = arith.constant 0 : i32
        %dma_start3A_498 = arith.constant 0 : i32
        %dma_start3A_499 = tpu.memref_slice %arg2[%dma_start3A_497, %dma_start3A_498] : memref<10240x128xf32, #tpu.memory_space<hbm>> -> memref<10240x128xf32, #tpu.memory_space<hbm>>
        tpu.enqueue_indirect_dma source(%dma_start3A_499 : memref<10240x128xf32, #tpu.memory_space<hbm>>) target(%arg12 : memref<128x128xf32, #tpu.memory_space<vmem>>) offsets(%arg8 : memref<128xi32, #tpu.memory_space<vmem>>) semaphore(%arg14 : memref<!tpu.dma_semaphore, #tpu.memory_space<semaphore_mem>>)
      } else {
      }
      %dma_wait3A_341 = arith.constant 0 : i32
      %dma_wait3A_342 = arith.constant 0 : i32
      %dma_wait3A_343 = tpu.memref_slice %arg2[%dma_wait3A_341, %dma_wait3A_342] : memref<10240x128xf32, #tpu.memory_space<hbm>> -> memref<10240x128xf32, #tpu.memory_space<hbm>>
      tpu.wait_indirect_dma semaphore(%arg15 : memref<!tpu.dma_semaphore, #tpu.memory_space<semaphore_mem>>) src(%dma_wait3A_343 : memref<10240x128xf32, #tpu.memory_space<hbm>>) dst(%arg13 : memref<128x128xf32, #tpu.memory_space<vmem>>)
      "tpu.region"() ({
        %run_scoped3A = tpu.sem_alloc : memref<!tpu.dma_semaphore, #tpu.memory_space<semaphore_mem>>
        %dma_start3A_351 = arith.constant 0 : i32
        %dma_start3A_352 = arith.constant 0 : i32
        %dma_start3A_353 = tpu.memref_slice %arg6[%dma_start3A_351, %dma_start3A_352] : memref<10240x128xf32, #tpu.memory_space<vmem_shared>> -> memref<10240x128xf32, #tpu.memory_space<vmem_shared>>
        tpu.enqueue_indirect_dma source(%arg13 : memref<128x128xf32, #tpu.memory_space<vmem>>) target(%dma_start3A_353 : memref<10240x128xf32, #tpu.memory_space<vmem_shared>>) offsets(%arg11 : memref<128xi32, #tpu.memory_space<vmem>>) semaphore(%run_scoped3A : memref<!tpu.dma_semaphore, #tpu.memory_space<semaphore_mem>>) {add = true}
        %dma_wait3A_354 = arith.constant 0 : i32
        %dma_wait3A_355 = arith.constant 0 : i32
        %dma_wait3A_356 = tpu.memref_slice %arg6[%dma_wait3A_354, %dma_wait3A_355] : memref<10240x128xf32, #tpu.memory_space<vmem_shared>> -> memref<10240x128xf32, #tpu.memory_space<vmem_shared>>
        tpu.wait_indirect_dma semaphore(%run_scoped3A : memref<!tpu.dma_semaphore, #tpu.memory_space<semaphore_mem>>) src(%arg13 : memref<128x128xf32, #tpu.memory_space<vmem>>) dst(%dma_wait3A_356 : memref<10240x128xf32, #tpu.memory_space<vmem_shared>>)
        tpu.yield
      }) : () -> ()
      %add3A_344 = arith.constant 3 : i32
      %add3A_345 = arith.addi %mul3A_329, %add3A_344 : i32
      %lt3A_346 = arith.constant 80 : i32
      %lt3A_347 = arith.cmpi slt, %add3A_345, %lt3A_346 : i32
      %convert_element_type3A_348 = arith.extui %lt3A_347 : i1 to i32
      %cond3A_349 = arith.constant 0 : i32
      %cond3A_350 = arith.cmpi ne, %convert_element_type3A_348, %cond3A_349 : i32
      scf.if %cond3A_350 {
        %add3A_351 = arith.constant 3 : i32
        %add3A_352 = arith.addi %mul3A_329, %add3A_351 : i32
        %get3A_353 = arith.index_cast %add3A_352 : i32 to index
        %get3A_354 = arith.constant 0 : index
        %get3A_355 = tpu.vector_load %arg7[%get3A_353, %get3A_354] {strides = array<i32>} : memref<80x128xi32, #tpu.memory_space<vmem>>, vector<1x16xi32>,
        %get3A_356 = vector.shape_cast %get3A_355 : vector<1x16xi32> to vector<16xi32>
        %and3A_357 = arith.constant 16383 : i32
        %and3A_358 = vector.broadcast %and3A_357 : i32 to vector<16xi32>
        %and3A_359 = arith.andi %get3A_356, %and3A_358 : vector<16xi32>
        %swap3A_360 = arith.constant 0 : index
        %swap3A_361 = tpu.vector_load %arg9[%swap3A_360] {strides = array<i32>} : memref<128xi32, #tpu.memory_space<vmem>>, vector<16xi32>,
        %swap3A_362 = vector.shape_cast %swap3A_361 : vector<16xi32> to vector<16xi32>
        %swap3A_363 = vector.shape_cast %and3A_359 : vector<16xi32> to vector<16xi32>
        tpu.vector_store %arg9[%swap3A_360], %swap3A_363 {strides = array<i32>} : memref<128xi32, #tpu.memory_space<vmem>>, vector<16xi32>,
        %shift_right_logical3A_364 = arith.constant 14 : i32
        %shift_right_logical3A_365 = vector.broadcast %shift_right_logical3A_364 : i32 to vector<16xi32>
        %shift_right_logical3A_366 = arith.shrui %get3A_356, %shift_right_logical3A_365 : vector<16xi32>
        %swap3A_367 = arith.constant 0 : index
        %swap3A_368 = tpu.vector_load %arg11[%swap3A_367] {strides = array<i32>} : memref<128xi32, #tpu.memory_space<vmem>>, vector<16xi32>,
        %swap3A_369 = vector.shape_cast %swap3A_368 : vector<16xi32> to vector<16xi32>
        %swap3A_370 = vector.shape_cast %shift_right_logical3A_366 : vector<16xi32> to vector<16xi32>
        tpu.vector_store %arg11[%swap3A_367], %swap3A_370 {strides = array<i32>} : memref<128xi32, #tpu.memory_space<vmem>>, vector<16xi32>,
        %get3A_371 = arith.index_cast %add3A_352 : i32 to index
        %get3A_372 = arith.constant 16 : index
        %get3A_373 = tpu.vector_load %arg7[%get3A_371, %get3A_372] {strides = array<i32>} : memref<80x128xi32, #tpu.memory_space<vmem>>, vector<1x16xi32>,
        %get3A_374 = vector.shape_cast %get3A_373 : vector<1x16xi32> to vector<16xi32>
        %and3A_375 = arith.constant 16383 : i32
        %and3A_376 = vector.broadcast %and3A_375 : i32 to vector<16xi32>
        %and3A_377 = arith.andi %get3A_374, %and3A_376 : vector<16xi32>
        %swap3A_378 = arith.constant 16 : index
        %swap3A_379 = tpu.vector_load %arg9[%swap3A_378] {strides = array<i32>} : memref<128xi32, #tpu.memory_space<vmem>>, vector<16xi32>,
        %swap3A_380 = vector.shape_cast %swap3A_379 : vector<16xi32> to vector<16xi32>
        %swap3A_381 = vector.shape_cast %and3A_377 : vector<16xi32> to vector<16xi32>
        tpu.vector_store %arg9[%swap3A_378], %swap3A_381 {strides = array<i32>} : memref<128xi32, #tpu.memory_space<vmem>>, vector<16xi32>,
        %shift_right_logical3A_382 = arith.constant 14 : i32
        %shift_right_logical3A_383 = vector.broadcast %shift_right_logical3A_382 : i32 to vector<16xi32>
        %shift_right_logical3A_384 = arith.shrui %get3A_374, %shift_right_logical3A_383 : vector<16xi32>
        %swap3A_385 = arith.constant 16 : index
        %swap3A_386 = tpu.vector_load %arg11[%swap3A_385] {strides = array<i32>} : memref<128xi32, #tpu.memory_space<vmem>>, vector<16xi32>,
        %swap3A_387 = vector.shape_cast %swap3A_386 : vector<16xi32> to vector<16xi32>
        %swap3A_388 = vector.shape_cast %shift_right_logical3A_384 : vector<16xi32> to vector<16xi32>
        tpu.vector_store %arg11[%swap3A_385], %swap3A_388 {strides = array<i32>} : memref<128xi32, #tpu.memory_space<vmem>>, vector<16xi32>,
        %get3A_389 = arith.index_cast %add3A_352 : i32 to index
        %get3A_390 = arith.constant 32 : index
        %get3A_391 = tpu.vector_load %arg7[%get3A_389, %get3A_390] {strides = array<i32>} : memref<80x128xi32, #tpu.memory_space<vmem>>, vector<1x16xi32>,
        %get3A_392 = vector.shape_cast %get3A_391 : vector<1x16xi32> to vector<16xi32>
        %and3A_393 = arith.constant 16383 : i32
        %and3A_394 = vector.broadcast %and3A_393 : i32 to vector<16xi32>
        %and3A_395 = arith.andi %get3A_392, %and3A_394 : vector<16xi32>
        %swap3A_396 = arith.constant 32 : index
        %swap3A_397 = tpu.vector_load %arg9[%swap3A_396] {strides = array<i32>} : memref<128xi32, #tpu.memory_space<vmem>>, vector<16xi32>,
        %swap3A_398 = vector.shape_cast %swap3A_397 : vector<16xi32> to vector<16xi32>
        %swap3A_399 = vector.shape_cast %and3A_395 : vector<16xi32> to vector<16xi32>
        tpu.vector_store %arg9[%swap3A_396], %swap3A_399 {strides = array<i32>} : memref<128xi32, #tpu.memory_space<vmem>>, vector<16xi32>,
        %shift_right_logical3A_400 = arith.constant 14 : i32
        %shift_right_logical3A_401 = vector.broadcast %shift_right_logical3A_400 : i32 to vector<16xi32>
        %shift_right_logical3A_402 = arith.shrui %get3A_392, %shift_right_logical3A_401 : vector<16xi32>
        %swap3A_403 = arith.constant 32 : index
        %swap3A_404 = tpu.vector_load %arg11[%swap3A_403] {strides = array<i32>} : memref<128xi32, #tpu.memory_space<vmem>>, vector<16xi32>,
        %swap3A_405 = vector.shape_cast %swap3A_404 : vector<16xi32> to vector<16xi32>
        %swap3A_406 = vector.shape_cast %shift_right_logical3A_402 : vector<16xi32> to vector<16xi32>
        tpu.vector_store %arg11[%swap3A_403], %swap3A_406 {strides = array<i32>} : memref<128xi32, #tpu.memory_space<vmem>>, vector<16xi32>,
        %get3A_407 = arith.index_cast %add3A_352 : i32 to index
        %get3A_408 = arith.constant 48 : index
        %get3A_409 = tpu.vector_load %arg7[%get3A_407, %get3A_408] {strides = array<i32>} : memref<80x128xi32, #tpu.memory_space<vmem>>, vector<1x16xi32>,
        %get3A_410 = vector.shape_cast %get3A_409 : vector<1x16xi32> to vector<16xi32>
        %and3A_411 = arith.constant 16383 : i32
        %and3A_412 = vector.broadcast %and3A_411 : i32 to vector<16xi32>
        %and3A_413 = arith.andi %get3A_410, %and3A_412 : vector<16xi32>
        %swap3A_414 = arith.constant 48 : index
        %swap3A_415 = tpu.vector_load %arg9[%swap3A_414] {strides = array<i32>} : memref<128xi32, #tpu.memory_space<vmem>>, vector<16xi32>,
        %swap3A_416 = vector.shape_cast %swap3A_415 : vector<16xi32> to vector<16xi32>
        %swap3A_417 = vector.shape_cast %and3A_413 : vector<16xi32> to vector<16xi32>
        tpu.vector_store %arg9[%swap3A_414], %swap3A_417 {strides = array<i32>} : memref<128xi32, #tpu.memory_space<vmem>>, vector<16xi32>,
        %shift_right_logical3A_418 = arith.constant 14 : i32
        %shift_right_logical3A_419 = vector.broadcast %shift_right_logical3A_418 : i32 to vector<16xi32>
        %shift_right_logical3A_420 = arith.shrui %get3A_410, %shift_right_logical3A_419 : vector<16xi32>
        %swap3A_421 = arith.constant 48 : index
        %swap3A_422 = tpu.vector_load %arg11[%swap3A_421] {strides = array<i32>} : memref<128xi32, #tpu.memory_space<vmem>>, vector<16xi32>,
        %swap3A_423 = vector.shape_cast %swap3A_422 : vector<16xi32> to vector<16xi32>
        %swap3A_424 = vector.shape_cast %shift_right_logical3A_420 : vector<16xi32> to vector<16xi32>
        tpu.vector_store %arg11[%swap3A_421], %swap3A_424 {strides = array<i32>} : memref<128xi32, #tpu.memory_space<vmem>>, vector<16xi32>,
        %get3A_425 = arith.index_cast %add3A_352 : i32 to index
        %get3A_426 = arith.constant 64 : index
        %get3A_427 = tpu.vector_load %arg7[%get3A_425, %get3A_426] {strides = array<i32>} : memref<80x128xi32, #tpu.memory_space<vmem>>, vector<1x16xi32>,
        %get3A_428 = vector.shape_cast %get3A_427 : vector<1x16xi32> to vector<16xi32>
        %and3A_429 = arith.constant 16383 : i32
        %and3A_430 = vector.broadcast %and3A_429 : i32 to vector<16xi32>
        %and3A_431 = arith.andi %get3A_428, %and3A_430 : vector<16xi32>
        %swap3A_432 = arith.constant 64 : index
        %swap3A_433 = tpu.vector_load %arg9[%swap3A_432] {strides = array<i32>} : memref<128xi32, #tpu.memory_space<vmem>>, vector<16xi32>,
        %swap3A_434 = vector.shape_cast %swap3A_433 : vector<16xi32> to vector<16xi32>
        %swap3A_435 = vector.shape_cast %and3A_431 : vector<16xi32> to vector<16xi32>
        tpu.vector_store %arg9[%swap3A_432], %swap3A_435 {strides = array<i32>} : memref<128xi32, #tpu.memory_space<vmem>>, vector<16xi32>,
        %shift_right_logical3A_436 = arith.constant 14 : i32
        %shift_right_logical3A_437 = vector.broadcast %shift_right_logical3A_436 : i32 to vector<16xi32>
        %shift_right_logical3A_438 = arith.shrui %get3A_428, %shift_right_logical3A_437 : vector<16xi32>
        %swap3A_439 = arith.constant 64 : index
        %swap3A_440 = tpu.vector_load %arg11[%swap3A_439] {strides = array<i32>} : memref<128xi32, #tpu.memory_space<vmem>>, vector<16xi32>,
        %swap3A_441 = vector.shape_cast %swap3A_440 : vector<16xi32> to vector<16xi32>
        %swap3A_442 = vector.shape_cast %shift_right_logical3A_438 : vector<16xi32> to vector<16xi32>
        tpu.vector_store %arg11[%swap3A_439], %swap3A_442 {strides = array<i32>} : memref<128xi32, #tpu.memory_space<vmem>>, vector<16xi32>,
        %get3A_443 = arith.index_cast %add3A_352 : i32 to index
        %get3A_444 = arith.constant 80 : index
        %get3A_445 = tpu.vector_load %arg7[%get3A_443, %get3A_444] {strides = array<i32>} : memref<80x128xi32, #tpu.memory_space<vmem>>, vector<1x16xi32>,
        %get3A_446 = vector.shape_cast %get3A_445 : vector<1x16xi32> to vector<16xi32>
        %and3A_447 = arith.constant 16383 : i32
        %and3A_448 = vector.broadcast %and3A_447 : i32 to vector<16xi32>
        %and3A_449 = arith.andi %get3A_446, %and3A_448 : vector<16xi32>
        %swap3A_450 = arith.constant 80 : index
        %swap3A_451 = tpu.vector_load %arg9[%swap3A_450] {strides = array<i32>} : memref<128xi32, #tpu.memory_space<vmem>>, vector<16xi32>,
        %swap3A_452 = vector.shape_cast %swap3A_451 : vector<16xi32> to vector<16xi32>
        %swap3A_453 = vector.shape_cast %and3A_449 : vector<16xi32> to vector<16xi32>
        tpu.vector_store %arg9[%swap3A_450], %swap3A_453 {strides = array<i32>} : memref<128xi32, #tpu.memory_space<vmem>>, vector<16xi32>,
        %shift_right_logical3A_454 = arith.constant 14 : i32
        %shift_right_logical3A_455 = vector.broadcast %shift_right_logical3A_454 : i32 to vector<16xi32>
        %shift_right_logical3A_456 = arith.shrui %get3A_446, %shift_right_logical3A_455 : vector<16xi32>
        %swap3A_457 = arith.constant 80 : index
        %swap3A_458 = tpu.vector_load %arg11[%swap3A_457] {strides = array<i32>} : memref<128xi32, #tpu.memory_space<vmem>>, vector<16xi32>,
        %swap3A_459 = vector.shape_cast %swap3A_458 : vector<16xi32> to vector<16xi32>
        %swap3A_460 = vector.shape_cast %shift_right_logical3A_456 : vector<16xi32> to vector<16xi32>
        tpu.vector_store %arg11[%swap3A_457], %swap3A_460 {strides = array<i32>} : memref<128xi32, #tpu.memory_space<vmem>>, vector<16xi32>,
        %get3A_461 = arith.index_cast %add3A_352 : i32 to index
        %get3A_462 = arith.constant 96 : index
        %get3A_463 = tpu.vector_load %arg7[%get3A_461, %get3A_462] {strides = array<i32>} : memref<80x128xi32, #tpu.memory_space<vmem>>, vector<1x16xi32>,
        %get3A_464 = vector.shape_cast %get3A_463 : vector<1x16xi32> to vector<16xi32>
        %and3A_465 = arith.constant 16383 : i32
        %and3A_466 = vector.broadcast %and3A_465 : i32 to vector<16xi32>
        %and3A_467 = arith.andi %get3A_464, %and3A_466 : vector<16xi32>
        %swap3A_468 = arith.constant 96 : index
        %swap3A_469 = tpu.vector_load %arg9[%swap3A_468] {strides = array<i32>} : memref<128xi32, #tpu.memory_space<vmem>>, vector<16xi32>,
        %swap3A_470 = vector.shape_cast %swap3A_469 : vector<16xi32> to vector<16xi32>
        %swap3A_471 = vector.shape_cast %and3A_467 : vector<16xi32> to vector<16xi32>
        tpu.vector_store %arg9[%swap3A_468], %swap3A_471 {strides = array<i32>} : memref<128xi32, #tpu.memory_space<vmem>>, vector<16xi32>,
        %shift_right_logical3A_472 = arith.constant 14 : i32
        %shift_right_logical3A_473 = vector.broadcast %shift_right_logical3A_472 : i32 to vector<16xi32>
        %shift_right_logical3A_474 = arith.shrui %get3A_464, %shift_right_logical3A_473 : vector<16xi32>
        %swap3A_475 = arith.constant 96 : index
        %swap3A_476 = tpu.vector_load %arg11[%swap3A_475] {strides = array<i32>} : memref<128xi32, #tpu.memory_space<vmem>>, vector<16xi32>,
        %swap3A_477 = vector.shape_cast %swap3A_476 : vector<16xi32> to vector<16xi32>
        %swap3A_478 = vector.shape_cast %shift_right_logical3A_474 : vector<16xi32> to vector<16xi32>
        tpu.vector_store %arg11[%swap3A_475], %swap3A_478 {strides = array<i32>} : memref<128xi32, #tpu.memory_space<vmem>>, vector<16xi32>,
        %get3A_479 = arith.index_cast %add3A_352 : i32 to index
        %get3A_480 = arith.constant 112 : index
        %get3A_481 = tpu.vector_load %arg7[%get3A_479, %get3A_480] {strides = array<i32>} : memref<80x128xi32, #tpu.memory_space<vmem>>, vector<1x16xi32>,
        %get3A_482 = vector.shape_cast %get3A_481 : vector<1x16xi32> to vector<16xi32>
        %and3A_483 = arith.constant 16383 : i32
        %and3A_484 = vector.broadcast %and3A_483 : i32 to vector<16xi32>
        %and3A_485 = arith.andi %get3A_482, %and3A_484 : vector<16xi32>
        %swap3A_486 = arith.constant 112 : index
        %swap3A_487 = tpu.vector_load %arg9[%swap3A_486] {strides = array<i32>} : memref<128xi32, #tpu.memory_space<vmem>>, vector<16xi32>,
        %swap3A_488 = vector.shape_cast %swap3A_487 : vector<16xi32> to vector<16xi32>
        %swap3A_489 = vector.shape_cast %and3A_485 : vector<16xi32> to vector<16xi32>
        tpu.vector_store %arg9[%swap3A_486], %swap3A_489 {strides = array<i32>} : memref<128xi32, #tpu.memory_space<vmem>>, vector<16xi32>,
        %shift_right_logical3A_490 = arith.constant 14 : i32
        %shift_right_logical3A_491 = vector.broadcast %shift_right_logical3A_490 : i32 to vector<16xi32>
        %shift_right_logical3A_492 = arith.shrui %get3A_482, %shift_right_logical3A_491 : vector<16xi32>
        %swap3A_493 = arith.constant 112 : index
        %swap3A_494 = tpu.vector_load %arg11[%swap3A_493] {strides = array<i32>} : memref<128xi32, #tpu.memory_space<vmem>>, vector<16xi32>,
        %swap3A_495 = vector.shape_cast %swap3A_494 : vector<16xi32> to vector<16xi32>
        %swap3A_496 = vector.shape_cast %shift_right_logical3A_492 : vector<16xi32> to vector<16xi32>
        tpu.vector_store %arg11[%swap3A_493], %swap3A_496 {strides = array<i32>} : memref<128xi32, #tpu.memory_space<vmem>>, vector<16xi32>,
      } else {
      }
    }
    %scan3A_325 = arith.constant 40 : i32
    %barrier3A_326 = arith.constant 0 : index
    tpu.barrier barrier_id(%barrier3A_326)
    "tpu.region"() ({
      %run_scoped3A = tpu.sem_alloc : memref<!tpu.dma_semaphore, #tpu.memory_space<semaphore_mem>>
      %dma_start3A_327 = arith.constant 0 : i32
      %dma_start3A_328 = tpu.memref_slice %arg5[%arg0, %mul3A_2, %dma_start3A_327] : memref<2x10240x128xf32, #tpu.memory_space<hbm>> -> memref<1x640x128xf32, #tpu.memory_space<hbm>>
      %dma_start3A_329 = tpu.memref_squeeze %dma_start3A_328 : memref<1x640x128xf32, #tpu.memory_space<hbm>> -> memref<640x128xf32, #tpu.memory_space<hbm>>
      %dma_start3A_330 = arith.constant 0 : i32
      %dma_start3A_331 = tpu.memref_slice %arg6[%mul3A_2, %dma_start3A_330] : memref<10240x128xf32, #tpu.memory_space<vmem_shared>> -> memref<640x128xf32, #tpu.memory_space<vmem_shared>>
      tpu.enqueue_dma source(%dma_start3A_331 : memref<640x128xf32, #tpu.memory_space<vmem_shared>>) target(%dma_start3A_329 : memref<640x128xf32, #tpu.memory_space<hbm>>) target_semaphore(%run_scoped3A : memref<!tpu.dma_semaphore, #tpu.memory_space<semaphore_mem>>)
      %dma_wait3A = arith.constant 0 : i32
      %dma_wait3A_332 = tpu.memref_slice %arg5[%arg0, %mul3A_2, %dma_wait3A] : memref<2x10240x128xf32, #tpu.memory_space<hbm>> -> memref<1x640x128xf32, #tpu.memory_space<hbm>>
      %dma_wait3A_333 = tpu.memref_squeeze %dma_wait3A_332 : memref<1x640x128xf32, #tpu.memory_space<hbm>> -> memref<640x128xf32, #tpu.memory_space<hbm>>
      %dma_wait3A_334 = arith.constant 0 : i32
      %dma_wait3A_335 = tpu.memref_slice %arg6[%mul3A_2, %dma_wait3A_334] : memref<10240x128xf32, #tpu.memory_space<vmem_shared>> -> memref<640x128xf32, #tpu.memory_space<vmem_shared>>
      tpu.wait_dma2 semaphore(%run_scoped3A : memref<!tpu.dma_semaphore, #tpu.memory_space<semaphore_mem>>) src(%dma_wait3A_335 : memref<640x128xf32, #tpu.memory_space<vmem_shared>>) dst(%dma_wait3A_333 : memref<640x128xf32, #tpu.memory_space<hbm>>)
      tpu.yield
    }) : () -> ()
    return
  }
}

#map = affine_map<(d0, d1) -> (0, 0, 0)>
#map1 = affine_map<(d0, d1) -> (0, 0)>
module attributes {stable_mosaic.version = 14 : i64} {
  func.func @_deg_sc(%arg0: i32, %arg1: i32, %arg2: memref<32x80x128xi32, #tpu.memory_space<hbm>>, %arg3: memref<128x128xf32, #tpu.memory_space<hbm>>, %arg4: memref<10240x128xf32, #tpu.memory_space<hbm>>, %arg5: memref<2x10240x128xf32, #tpu.memory_space<hbm>>, %arg6: memref<10240x128xf32, #tpu.memory_space<vmem_shared>>, %arg7: memref<80x128xi32, #tpu.memory_space<vmem>>, %arg8: memref<128xi32, #tpu.memory_space<vmem>>, %arg9: memref<128xi32, #tpu.memory_space<vmem>>, %arg10: memref<128xi32, #tpu.memory_space<vmem>>, %arg11: memref<128xi32, #tpu.memory_space<vmem>>, %arg12: memref<128xi32, #tpu.memory_space<vmem>>, %arg13: memref<128x128xf32, #tpu.memory_space<vmem>>, %arg14: memref<!tpu.dma_semaphore, #tpu.memory_space<semaphore_mem>>, %arg15: memref<!tpu.dma_semaphore, #tpu.memory_space<semaphore_mem>>, %arg16: memref<!tpu.dma_semaphore, #tpu.memory_space<semaphore_mem>>, %arg17: memref<!tpu.dma_semaphore, #tpu.memory_space<semaphore_mem>>, %arg18: memref<!tpu.dma_semaphore, #tpu.memory_space<semaphore_mem>>) attributes {dimension_semantics = [#tpu.dimension_semantics<core_parallel>, #tpu.dimension_semantics<subcore_parallel>], iteration_bounds = array<i64: 2, 16>, scalar_prefetch = 0 : i64, scratch_operands = 13 : i64, tpu.core_type = #tpu.core_type<sc_vector_subcore>, window_params = [{transform_indices = #map}, {transform_indices = #map1}, {transform_indices = #map1}, {transform_indices = #map}]} {
    %mul3A = arith.constant 2 : i32
    %mul3A_0 = arith.muli %arg1, %mul3A : i32
    %add3A = arith.addi %mul3A_0, %arg0 : i32
    %mul3A_1 = arith.constant 640 : i32
    %mul3A_2 = arith.muli %arg1, %mul3A_1 : i32
    %dma_start3A = arith.constant 0 : i32
    %dma_start3A_3 = tpu.memref_slice %arg6[%mul3A_2, %dma_start3A] : memref<10240x128xf32, #tpu.memory_space<vmem_shared>> -> memref<640x128xf32, #tpu.memory_space<vmem_shared>>
    %dma_start3A_4 = arith.constant 0 : i32
    %dma_start3A_5 = tpu.memref_slice %arg4[%mul3A_2, %dma_start3A_4] : memref<10240x128xf32, #tpu.memory_space<hbm>> -> memref<640x128xf32, #tpu.memory_space<hbm>>
    tpu.enqueue_dma source(%dma_start3A_5 : memref<640x128xf32, #tpu.memory_space<hbm>>) target(%dma_start3A_3 : memref<640x128xf32, #tpu.memory_space<vmem_shared>>) target_semaphore(%arg18 : memref<!tpu.dma_semaphore, #tpu.memory_space<semaphore_mem>>)
    "tpu.region"() ({
      %run_scoped3A = tpu.sem_alloc : memref<!tpu.dma_semaphore, #tpu.memory_space<semaphore_mem>>
      %dma_start3A_630 = arith.constant 0 : i32
      %dma_start3A_631 = arith.constant 0 : i32
      %dma_start3A_632 = tpu.memref_slice %arg2[%add3A, %dma_start3A_630, %dma_start3A_631] : memref<32x80x128xi32, #tpu.memory_space<hbm>> -> memref<1x80x128xi32, #tpu.memory_space<hbm>>
      %dma_start3A_633 = tpu.memref_squeeze %dma_start3A_632 : memref<1x80x128xi32, #tpu.memory_space<hbm>> -> memref<80x128xi32, #tpu.memory_space<hbm>>
      %dma_start3A_634 = arith.constant 0 : i32
      %dma_start3A_635 = arith.constant 0 : i32
      %dma_start3A_636 = tpu.memref_slice %arg2[%add3A, %dma_start3A_634, %dma_start3A_635] : memref<32x80x128xi32, #tpu.memory_space<hbm>> -> memref<1x80x128xi32, #tpu.memory_space<hbm>>
      %dma_start3A_637 = tpu.memref_squeeze %dma_start3A_636 : memref<1x80x128xi32, #tpu.memory_space<hbm>> -> memref<80x128xi32, #tpu.memory_space<hbm>>
      tpu.enqueue_dma source(%dma_start3A_637 : memref<80x128xi32, #tpu.memory_space<hbm>>) target(%arg7 : memref<80x128xi32, #tpu.memory_space<vmem>>) target_semaphore(%run_scoped3A : memref<!tpu.dma_semaphore, #tpu.memory_space<semaphore_mem>>)
      %dma_wait3A_638 = arith.constant 0 : i32
      %dma_wait3A_639 = arith.constant 0 : i32
      %dma_wait3A_640 = tpu.memref_slice %arg2[%add3A, %dma_wait3A_638, %dma_wait3A_639] : memref<32x80x128xi32, #tpu.memory_space<hbm>> -> memref<1x80x128xi32, #tpu.memory_space<hbm>>
      %dma_wait3A_641 = tpu.memref_squeeze %dma_wait3A_640 : memref<1x80x128xi32, #tpu.memory_space<hbm>> -> memref<80x128xi32, #tpu.memory_space<hbm>>
      %dma_wait3A_642 = arith.constant 0 : i32
      %dma_wait3A_643 = arith.constant 0 : i32
      %dma_wait3A_644 = tpu.memref_slice %arg2[%add3A, %dma_wait3A_642, %dma_wait3A_643] : memref<32x80x128xi32, #tpu.memory_space<hbm>> -> memref<1x80x128xi32, #tpu.memory_space<hbm>>
      %dma_wait3A_645 = tpu.memref_squeeze %dma_wait3A_644 : memref<1x80x128xi32, #tpu.memory_space<hbm>> -> memref<80x128xi32, #tpu.memory_space<hbm>>
      tpu.wait_dma2 semaphore(%run_scoped3A : memref<!tpu.dma_semaphore, #tpu.memory_space<semaphore_mem>>) src(%dma_wait3A_645 : memref<80x128xi32, #tpu.memory_space<hbm>>) dst(%arg7 : memref<80x128xi32, #tpu.memory_space<vmem>>)
      tpu.yield
    }) : () -> ()
    "tpu.region"() ({
      %run_scoped3A = tpu.sem_alloc : memref<!tpu.dma_semaphore, #tpu.memory_space<semaphore_mem>>
      tpu.enqueue_dma source(%arg3 : memref<128x128xf32, #tpu.memory_space<hbm>>) target(%arg13 : memref<128x128xf32, #tpu.memory_space<vmem>>) target_semaphore(%run_scoped3A : memref<!tpu.dma_semaphore, #tpu.memory_space<semaphore_mem>>)
      tpu.wait_dma2 semaphore(%run_scoped3A : memref<!tpu.dma_semaphore, #tpu.memory_space<semaphore_mem>>) src(%arg3 : memref<128x128xf32, #tpu.memory_space<hbm>>) dst(%arg13 : memref<128x128xf32, #tpu.memory_space<vmem>>)
      tpu.yield
    }) : () -> ()
    %dma_wait3A = arith.constant 0 : i32
    %dma_wait3A_6 = tpu.memref_slice %arg6[%mul3A_2, %dma_wait3A] : memref<10240x128xf32, #tpu.memory_space<vmem_shared>> -> memref<640x128xf32, #tpu.memory_space<vmem_shared>>
    %dma_wait3A_7 = arith.constant 0 : i32
    %dma_wait3A_8 = tpu.memref_slice %arg4[%mul3A_2, %dma_wait3A_7] : memref<10240x128xf32, #tpu.memory_space<hbm>> -> memref<640x128xf32, #tpu.memory_space<hbm>>
    tpu.wait_dma2 semaphore(%arg18 : memref<!tpu.dma_semaphore, #tpu.memory_space<semaphore_mem>>) src(%dma_wait3A_8 : memref<640x128xf32, #tpu.memory_space<hbm>>) dst(%dma_wait3A_6 : memref<640x128xf32, #tpu.memory_space<vmem_shared>>)
    %barrier3A = arith.constant 0 : index
    tpu.barrier barrier_id(%barrier3A)
    %get3A = arith.constant 0 : i32
    %get3A_9 = arith.index_cast %get3A : i32 to index
    %get3A_10 = arith.constant 0 : index
    %get3A_11 = tpu.vector_load %arg7[%get3A_9, %get3A_10] {strides = array<i32>} : memref<80x128xi32, #tpu.memory_space<vmem>>, vector<1x16xi32>,
    %get3A_12 = vector.shape_cast %get3A_11 : vector<1x16xi32> to vector<16xi32>
    %and3A = arith.constant 16383 : i32
    %and3A_13 = vector.broadcast %and3A : i32 to vector<16xi32>
    %and3A_14 = arith.andi %get3A_12, %and3A_13 : vector<16xi32>
    %swap3A = arith.constant 0 : index
    %swap3A_15 = tpu.vector_load %arg8[%swap3A] {strides = array<i32>} : memref<128xi32, #tpu.memory_space<vmem>>, vector<16xi32>,
    %swap3A_16 = vector.shape_cast %swap3A_15 : vector<16xi32> to vector<16xi32>
    %swap3A_17 = vector.shape_cast %and3A_14 : vector<16xi32> to vector<16xi32>
    tpu.vector_store %arg8[%swap3A], %swap3A_17 {strides = array<i32>} : memref<128xi32, #tpu.memory_space<vmem>>, vector<16xi32>,
    %shift_right_logical3A = arith.constant 14 : i32
    %shift_right_logical3A_18 = vector.broadcast %shift_right_logical3A : i32 to vector<16xi32>
    %shift_right_logical3A_19 = arith.shrui %get3A_12, %shift_right_logical3A_18 : vector<16xi32>
    %swap3A_20 = arith.constant 0 : index
    %swap3A_21 = tpu.vector_load %arg9[%swap3A_20] {strides = array<i32>} : memref<128xi32, #tpu.memory_space<vmem>>, vector<16xi32>,
    %swap3A_22 = vector.shape_cast %swap3A_21 : vector<16xi32> to vector<16xi32>
    %swap3A_23 = vector.shape_cast %shift_right_logical3A_19 : vector<16xi32> to vector<16xi32>
    tpu.vector_store %arg9[%swap3A_20], %swap3A_23 {strides = array<i32>} : memref<128xi32, #tpu.memory_space<vmem>>, vector<16xi32>,
    %get3A_24 = arith.constant 0 : i32
    %get3A_25 = arith.index_cast %get3A_24 : i32 to index
    %get3A_26 = arith.constant 16 : index
    %get3A_27 = tpu.vector_load %arg7[%get3A_25, %get3A_26] {strides = array<i32>} : memref<80x128xi32, #tpu.memory_space<vmem>>, vector<1x16xi32>,
    %get3A_28 = vector.shape_cast %get3A_27 : vector<1x16xi32> to vector<16xi32>
    %and3A_29 = arith.constant 16383 : i32
    %and3A_30 = vector.broadcast %and3A_29 : i32 to vector<16xi32>
    %and3A_31 = arith.andi %get3A_28, %and3A_30 : vector<16xi32>
    %swap3A_32 = arith.constant 16 : index
    %swap3A_33 = tpu.vector_load %arg8[%swap3A_32] {strides = array<i32>} : memref<128xi32, #tpu.memory_space<vmem>>, vector<16xi32>,
    %swap3A_34 = vector.shape_cast %swap3A_33 : vector<16xi32> to vector<16xi32>
    %swap3A_35 = vector.shape_cast %and3A_31 : vector<16xi32> to vector<16xi32>
    tpu.vector_store %arg8[%swap3A_32], %swap3A_35 {strides = array<i32>} : memref<128xi32, #tpu.memory_space<vmem>>, vector<16xi32>,
    %shift_right_logical3A_36 = arith.constant 14 : i32
    %shift_right_logical3A_37 = vector.broadcast %shift_right_logical3A_36 : i32 to vector<16xi32>
    %shift_right_logical3A_38 = arith.shrui %get3A_28, %shift_right_logical3A_37 : vector<16xi32>
    %swap3A_39 = arith.constant 16 : index
    %swap3A_40 = tpu.vector_load %arg9[%swap3A_39] {strides = array<i32>} : memref<128xi32, #tpu.memory_space<vmem>>, vector<16xi32>,
    %swap3A_41 = vector.shape_cast %swap3A_40 : vector<16xi32> to vector<16xi32>
    %swap3A_42 = vector.shape_cast %shift_right_logical3A_38 : vector<16xi32> to vector<16xi32>
    tpu.vector_store %arg9[%swap3A_39], %swap3A_42 {strides = array<i32>} : memref<128xi32, #tpu.memory_space<vmem>>, vector<16xi32>,
    %get3A_43 = arith.constant 0 : i32
    %get3A_44 = arith.index_cast %get3A_43 : i32 to index
    %get3A_45 = arith.constant 32 : index
    %get3A_46 = tpu.vector_load %arg7[%get3A_44, %get3A_45] {strides = array<i32>} : memref<80x128xi32, #tpu.memory_space<vmem>>, vector<1x16xi32>,
    %get3A_47 = vector.shape_cast %get3A_46 : vector<1x16xi32> to vector<16xi32>
    %and3A_48 = arith.constant 16383 : i32
    %and3A_49 = vector.broadcast %and3A_48 : i32 to vector<16xi32>
    %and3A_50 = arith.andi %get3A_47, %and3A_49 : vector<16xi32>
    %swap3A_51 = arith.constant 32 : index
    %swap3A_52 = tpu.vector_load %arg8[%swap3A_51] {strides = array<i32>} : memref<128xi32, #tpu.memory_space<vmem>>, vector<16xi32>,
    %swap3A_53 = vector.shape_cast %swap3A_52 : vector<16xi32> to vector<16xi32>
    %swap3A_54 = vector.shape_cast %and3A_50 : vector<16xi32> to vector<16xi32>
    tpu.vector_store %arg8[%swap3A_51], %swap3A_54 {strides = array<i32>} : memref<128xi32, #tpu.memory_space<vmem>>, vector<16xi32>,
    %shift_right_logical3A_55 = arith.constant 14 : i32
    %shift_right_logical3A_56 = vector.broadcast %shift_right_logical3A_55 : i32 to vector<16xi32>
    %shift_right_logical3A_57 = arith.shrui %get3A_47, %shift_right_logical3A_56 : vector<16xi32>
    %swap3A_58 = arith.constant 32 : index
    %swap3A_59 = tpu.vector_load %arg9[%swap3A_58] {strides = array<i32>} : memref<128xi32, #tpu.memory_space<vmem>>, vector<16xi32>,
    %swap3A_60 = vector.shape_cast %swap3A_59 : vector<16xi32> to vector<16xi32>
    %swap3A_61 = vector.shape_cast %shift_right_logical3A_57 : vector<16xi32> to vector<16xi32>
    tpu.vector_store %arg9[%swap3A_58], %swap3A_61 {strides = array<i32>} : memref<128xi32, #tpu.memory_space<vmem>>, vector<16xi32>,
    %get3A_62 = arith.constant 0 : i32
    %get3A_63 = arith.index_cast %get3A_62 : i32 to index
    %get3A_64 = arith.constant 48 : index
    %get3A_65 = tpu.vector_load %arg7[%get3A_63, %get3A_64] {strides = array<i32>} : memref<80x128xi32, #tpu.memory_space<vmem>>, vector<1x16xi32>,
    %get3A_66 = vector.shape_cast %get3A_65 : vector<1x16xi32> to vector<16xi32>
    %and3A_67 = arith.constant 16383 : i32
    %and3A_68 = vector.broadcast %and3A_67 : i32 to vector<16xi32>
    %and3A_69 = arith.andi %get3A_66, %and3A_68 : vector<16xi32>
    %swap3A_70 = arith.constant 48 : index
    %swap3A_71 = tpu.vector_load %arg8[%swap3A_70] {strides = array<i32>} : memref<128xi32, #tpu.memory_space<vmem>>, vector<16xi32>,
    %swap3A_72 = vector.shape_cast %swap3A_71 : vector<16xi32> to vector<16xi32>
    %swap3A_73 = vector.shape_cast %and3A_69 : vector<16xi32> to vector<16xi32>
    tpu.vector_store %arg8[%swap3A_70], %swap3A_73 {strides = array<i32>} : memref<128xi32, #tpu.memory_space<vmem>>, vector<16xi32>,
    %shift_right_logical3A_74 = arith.constant 14 : i32
    %shift_right_logical3A_75 = vector.broadcast %shift_right_logical3A_74 : i32 to vector<16xi32>
    %shift_right_logical3A_76 = arith.shrui %get3A_66, %shift_right_logical3A_75 : vector<16xi32>
    %swap3A_77 = arith.constant 48 : index
    %swap3A_78 = tpu.vector_load %arg9[%swap3A_77] {strides = array<i32>} : memref<128xi32, #tpu.memory_space<vmem>>, vector<16xi32>,
    %swap3A_79 = vector.shape_cast %swap3A_78 : vector<16xi32> to vector<16xi32>
    %swap3A_80 = vector.shape_cast %shift_right_logical3A_76 : vector<16xi32> to vector<16xi32>
    tpu.vector_store %arg9[%swap3A_77], %swap3A_80 {strides = array<i32>} : memref<128xi32, #tpu.memory_space<vmem>>, vector<16xi32>,
    %get3A_81 = arith.constant 0 : i32
    %get3A_82 = arith.index_cast %get3A_81 : i32 to index
    %get3A_83 = arith.constant 64 : index
    %get3A_84 = tpu.vector_load %arg7[%get3A_82, %get3A_83] {strides = array<i32>} : memref<80x128xi32, #tpu.memory_space<vmem>>, vector<1x16xi32>,
    %get3A_85 = vector.shape_cast %get3A_84 : vector<1x16xi32> to vector<16xi32>
    %and3A_86 = arith.constant 16383 : i32
    %and3A_87 = vector.broadcast %and3A_86 : i32 to vector<16xi32>
    %and3A_88 = arith.andi %get3A_85, %and3A_87 : vector<16xi32>
    %swap3A_89 = arith.constant 64 : index
    %swap3A_90 = tpu.vector_load %arg8[%swap3A_89] {strides = array<i32>} : memref<128xi32, #tpu.memory_space<vmem>>, vector<16xi32>,
    %swap3A_91 = vector.shape_cast %swap3A_90 : vector<16xi32> to vector<16xi32>
    %swap3A_92 = vector.shape_cast %and3A_88 : vector<16xi32> to vector<16xi32>
    tpu.vector_store %arg8[%swap3A_89], %swap3A_92 {strides = array<i32>} : memref<128xi32, #tpu.memory_space<vmem>>, vector<16xi32>,
    %shift_right_logical3A_93 = arith.constant 14 : i32
    %shift_right_logical3A_94 = vector.broadcast %shift_right_logical3A_93 : i32 to vector<16xi32>
    %shift_right_logical3A_95 = arith.shrui %get3A_85, %shift_right_logical3A_94 : vector<16xi32>
    %swap3A_96 = arith.constant 64 : index
    %swap3A_97 = tpu.vector_load %arg9[%swap3A_96] {strides = array<i32>} : memref<128xi32, #tpu.memory_space<vmem>>, vector<16xi32>,
    %swap3A_98 = vector.shape_cast %swap3A_97 : vector<16xi32> to vector<16xi32>
    %swap3A_99 = vector.shape_cast %shift_right_logical3A_95 : vector<16xi32> to vector<16xi32>
    tpu.vector_store %arg9[%swap3A_96], %swap3A_99 {strides = array<i32>} : memref<128xi32, #tpu.memory_space<vmem>>, vector<16xi32>,
    %get3A_100 = arith.constant 0 : i32
    %get3A_101 = arith.index_cast %get3A_100 : i32 to index
    %get3A_102 = arith.constant 80 : index
    %get3A_103 = tpu.vector_load %arg7[%get3A_101, %get3A_102] {strides = array<i32>} : memref<80x128xi32, #tpu.memory_space<vmem>>, vector<1x16xi32>,
    %get3A_104 = vector.shape_cast %get3A_103 : vector<1x16xi32> to vector<16xi32>
    %and3A_105 = arith.constant 16383 : i32
    %and3A_106 = vector.broadcast %and3A_105 : i32 to vector<16xi32>
    %and3A_107 = arith.andi %get3A_104, %and3A_106 : vector<16xi32>
    %swap3A_108 = arith.constant 80 : index
    %swap3A_109 = tpu.vector_load %arg8[%swap3A_108] {strides = array<i32>} : memref<128xi32, #tpu.memory_space<vmem>>, vector<16xi32>,
    %swap3A_110 = vector.shape_cast %swap3A_109 : vector<16xi32> to vector<16xi32>
    %swap3A_111 = vector.shape_cast %and3A_107 : vector<16xi32> to vector<16xi32>
    tpu.vector_store %arg8[%swap3A_108], %swap3A_111 {strides = array<i32>} : memref<128xi32, #tpu.memory_space<vmem>>, vector<16xi32>,
    %shift_right_logical3A_112 = arith.constant 14 : i32
    %shift_right_logical3A_113 = vector.broadcast %shift_right_logical3A_112 : i32 to vector<16xi32>
    %shift_right_logical3A_114 = arith.shrui %get3A_104, %shift_right_logical3A_113 : vector<16xi32>
    %swap3A_115 = arith.constant 80 : index
    %swap3A_116 = tpu.vector_load %arg9[%swap3A_115] {strides = array<i32>} : memref<128xi32, #tpu.memory_space<vmem>>, vector<16xi32>,
    %swap3A_117 = vector.shape_cast %swap3A_116 : vector<16xi32> to vector<16xi32>
    %swap3A_118 = vector.shape_cast %shift_right_logical3A_114 : vector<16xi32> to vector<16xi32>
    tpu.vector_store %arg9[%swap3A_115], %swap3A_118 {strides = array<i32>} : memref<128xi32, #tpu.memory_space<vmem>>, vector<16xi32>,
    %get3A_119 = arith.constant 0 : i32
    %get3A_120 = arith.index_cast %get3A_119 : i32 to index
    %get3A_121 = arith.constant 96 : index
    %get3A_122 = tpu.vector_load %arg7[%get3A_120, %get3A_121] {strides = array<i32>} : memref<80x128xi32, #tpu.memory_space<vmem>>, vector<1x16xi32>,
    %get3A_123 = vector.shape_cast %get3A_122 : vector<1x16xi32> to vector<16xi32>
    %and3A_124 = arith.constant 16383 : i32
    %and3A_125 = vector.broadcast %and3A_124 : i32 to vector<16xi32>
    %and3A_126 = arith.andi %get3A_123, %and3A_125 : vector<16xi32>
    %swap3A_127 = arith.constant 96 : index
    %swap3A_128 = tpu.vector_load %arg8[%swap3A_127] {strides = array<i32>} : memref<128xi32, #tpu.memory_space<vmem>>, vector<16xi32>,
    %swap3A_129 = vector.shape_cast %swap3A_128 : vector<16xi32> to vector<16xi32>
    %swap3A_130 = vector.shape_cast %and3A_126 : vector<16xi32> to vector<16xi32>
    tpu.vector_store %arg8[%swap3A_127], %swap3A_130 {strides = array<i32>} : memref<128xi32, #tpu.memory_space<vmem>>, vector<16xi32>,
    %shift_right_logical3A_131 = arith.constant 14 : i32
    %shift_right_logical3A_132 = vector.broadcast %shift_right_logical3A_131 : i32 to vector<16xi32>
    %shift_right_logical3A_133 = arith.shrui %get3A_123, %shift_right_logical3A_132 : vector<16xi32>
    %swap3A_134 = arith.constant 96 : index
    %swap3A_135 = tpu.vector_load %arg9[%swap3A_134] {strides = array<i32>} : memref<128xi32, #tpu.memory_space<vmem>>, vector<16xi32>,
    %swap3A_136 = vector.shape_cast %swap3A_135 : vector<16xi32> to vector<16xi32>
    %swap3A_137 = vector.shape_cast %shift_right_logical3A_133 : vector<16xi32> to vector<16xi32>
    tpu.vector_store %arg9[%swap3A_134], %swap3A_137 {strides = array<i32>} : memref<128xi32, #tpu.memory_space<vmem>>, vector<16xi32>,
    %get3A_138 = arith.constant 0 : i32
    %get3A_139 = arith.index_cast %get3A_138 : i32 to index
    %get3A_140 = arith.constant 112 : index
    %get3A_141 = tpu.vector_load %arg7[%get3A_139, %get3A_140] {strides = array<i32>} : memref<80x128xi32, #tpu.memory_space<vmem>>, vector<1x16xi32>,
    %get3A_142 = vector.shape_cast %get3A_141 : vector<1x16xi32> to vector<16xi32>
    %and3A_143 = arith.constant 16383 : i32
    %and3A_144 = vector.broadcast %and3A_143 : i32 to vector<16xi32>
    %and3A_145 = arith.andi %get3A_142, %and3A_144 : vector<16xi32>
    %swap3A_146 = arith.constant 112 : index
    %swap3A_147 = tpu.vector_load %arg8[%swap3A_146] {strides = array<i32>} : memref<128xi32, #tpu.memory_space<vmem>>, vector<16xi32>,
    %swap3A_148 = vector.shape_cast %swap3A_147 : vector<16xi32> to vector<16xi32>
    %swap3A_149 = vector.shape_cast %and3A_145 : vector<16xi32> to vector<16xi32>
    tpu.vector_store %arg8[%swap3A_146], %swap3A_149 {strides = array<i32>} : memref<128xi32, #tpu.memory_space<vmem>>, vector<16xi32>,
    %shift_right_logical3A_150 = arith.constant 14 : i32
    %shift_right_logical3A_151 = vector.broadcast %shift_right_logical3A_150 : i32 to vector<16xi32>
    %shift_right_logical3A_152 = arith.shrui %get3A_142, %shift_right_logical3A_151 : vector<16xi32>
    %swap3A_153 = arith.constant 112 : index
    %swap3A_154 = tpu.vector_load %arg9[%swap3A_153] {strides = array<i32>} : memref<128xi32, #tpu.memory_space<vmem>>, vector<16xi32>,
    %swap3A_155 = vector.shape_cast %swap3A_154 : vector<16xi32> to vector<16xi32>
    %swap3A_156 = vector.shape_cast %shift_right_logical3A_152 : vector<16xi32> to vector<16xi32>
    tpu.vector_store %arg9[%swap3A_153], %swap3A_156 {strides = array<i32>} : memref<128xi32, #tpu.memory_space<vmem>>, vector<16xi32>,
    %dma_start3A_157 = arith.constant 0 : i32
    %dma_start3A_158 = arith.constant 0 : i32
    %dma_start3A_159 = tpu.memref_slice %arg6[%dma_start3A_157, %dma_start3A_158] : memref<10240x128xf32, #tpu.memory_space<vmem_shared>> -> memref<10240x128xf32, #tpu.memory_space<vmem_shared>>
    tpu.enqueue_indirect_dma source(%arg13 : memref<128x128xf32, #tpu.memory_space<vmem>>) target(%dma_start3A_159 : memref<10240x128xf32, #tpu.memory_space<vmem_shared>>) offsets(%arg9 : memref<128xi32, #tpu.memory_space<vmem>>) semaphore(%arg14 : memref<!tpu.dma_semaphore, #tpu.memory_space<semaphore_mem>>) {add = true}
    %get3A_160 = arith.constant 1 : i32
    %get3A_161 = arith.index_cast %get3A_160 : i32 to index
    %get3A_162 = arith.constant 0 : index
    %get3A_163 = tpu.vector_load %arg7[%get3A_161, %get3A_162] {strides = array<i32>} : memref<80x128xi32, #tpu.memory_space<vmem>>, vector<1x16xi32>,
    %get3A_164 = vector.shape_cast %get3A_163 : vector<1x16xi32> to vector<16xi32>
    %and3A_165 = arith.constant 16383 : i32
    %and3A_166 = vector.broadcast %and3A_165 : i32 to vector<16xi32>
    %and3A_167 = arith.andi %get3A_164, %and3A_166 : vector<16xi32>
    %swap3A_168 = arith.constant 0 : index
    %swap3A_169 = tpu.vector_load %arg8[%swap3A_168] {strides = array<i32>} : memref<128xi32, #tpu.memory_space<vmem>>, vector<16xi32>,
    %swap3A_170 = vector.shape_cast %swap3A_169 : vector<16xi32> to vector<16xi32>
    %swap3A_171 = vector.shape_cast %and3A_167 : vector<16xi32> to vector<16xi32>
    tpu.vector_store %arg8[%swap3A_168], %swap3A_171 {strides = array<i32>} : memref<128xi32, #tpu.memory_space<vmem>>, vector<16xi32>,
    %shift_right_logical3A_172 = arith.constant 14 : i32
    %shift_right_logical3A_173 = vector.broadcast %shift_right_logical3A_172 : i32 to vector<16xi32>
    %shift_right_logical3A_174 = arith.shrui %get3A_164, %shift_right_logical3A_173 : vector<16xi32>
    %swap3A_175 = arith.constant 0 : index
    %swap3A_176 = tpu.vector_load %arg10[%swap3A_175] {strides = array<i32>} : memref<128xi32, #tpu.memory_space<vmem>>, vector<16xi32>,
    %swap3A_177 = vector.shape_cast %swap3A_176 : vector<16xi32> to vector<16xi32>
    %swap3A_178 = vector.shape_cast %shift_right_logical3A_174 : vector<16xi32> to vector<16xi32>
    tpu.vector_store %arg10[%swap3A_175], %swap3A_178 {strides = array<i32>} : memref<128xi32, #tpu.memory_space<vmem>>, vector<16xi32>,
    %get3A_179 = arith.constant 1 : i32
    %get3A_180 = arith.index_cast %get3A_179 : i32 to index
    %get3A_181 = arith.constant 16 : index
    %get3A_182 = tpu.vector_load %arg7[%get3A_180, %get3A_181] {strides = array<i32>} : memref<80x128xi32, #tpu.memory_space<vmem>>, vector<1x16xi32>,
    %get3A_183 = vector.shape_cast %get3A_182 : vector<1x16xi32> to vector<16xi32>
    %and3A_184 = arith.constant 16383 : i32
    %and3A_185 = vector.broadcast %and3A_184 : i32 to vector<16xi32>
    %and3A_186 = arith.andi %get3A_183, %and3A_185 : vector<16xi32>
    %swap3A_187 = arith.constant 16 : index
    %swap3A_188 = tpu.vector_load %arg8[%swap3A_187] {strides = array<i32>} : memref<128xi32, #tpu.memory_space<vmem>>, vector<16xi32>,
    %swap3A_189 = vector.shape_cast %swap3A_188 : vector<16xi32> to vector<16xi32>
    %swap3A_190 = vector.shape_cast %and3A_186 : vector<16xi32> to vector<16xi32>
    tpu.vector_store %arg8[%swap3A_187], %swap3A_190 {strides = array<i32>} : memref<128xi32, #tpu.memory_space<vmem>>, vector<16xi32>,
    %shift_right_logical3A_191 = arith.constant 14 : i32
    %shift_right_logical3A_192 = vector.broadcast %shift_right_logical3A_191 : i32 to vector<16xi32>
    %shift_right_logical3A_193 = arith.shrui %get3A_183, %shift_right_logical3A_192 : vector<16xi32>
    %swap3A_194 = arith.constant 16 : index
    %swap3A_195 = tpu.vector_load %arg10[%swap3A_194] {strides = array<i32>} : memref<128xi32, #tpu.memory_space<vmem>>, vector<16xi32>,
    %swap3A_196 = vector.shape_cast %swap3A_195 : vector<16xi32> to vector<16xi32>
    %swap3A_197 = vector.shape_cast %shift_right_logical3A_193 : vector<16xi32> to vector<16xi32>
    tpu.vector_store %arg10[%swap3A_194], %swap3A_197 {strides = array<i32>} : memref<128xi32, #tpu.memory_space<vmem>>, vector<16xi32>,
    %get3A_198 = arith.constant 1 : i32
    %get3A_199 = arith.index_cast %get3A_198 : i32 to index
    %get3A_200 = arith.constant 32 : index
    %get3A_201 = tpu.vector_load %arg7[%get3A_199, %get3A_200] {strides = array<i32>} : memref<80x128xi32, #tpu.memory_space<vmem>>, vector<1x16xi32>,
    %get3A_202 = vector.shape_cast %get3A_201 : vector<1x16xi32> to vector<16xi32>
    %and3A_203 = arith.constant 16383 : i32
    %and3A_204 = vector.broadcast %and3A_203 : i32 to vector<16xi32>
    %and3A_205 = arith.andi %get3A_202, %and3A_204 : vector<16xi32>
    %swap3A_206 = arith.constant 32 : index
    %swap3A_207 = tpu.vector_load %arg8[%swap3A_206] {strides = array<i32>} : memref<128xi32, #tpu.memory_space<vmem>>, vector<16xi32>,
    %swap3A_208 = vector.shape_cast %swap3A_207 : vector<16xi32> to vector<16xi32>
    %swap3A_209 = vector.shape_cast %and3A_205 : vector<16xi32> to vector<16xi32>
    tpu.vector_store %arg8[%swap3A_206], %swap3A_209 {strides = array<i32>} : memref<128xi32, #tpu.memory_space<vmem>>, vector<16xi32>,
    %shift_right_logical3A_210 = arith.constant 14 : i32
    %shift_right_logical3A_211 = vector.broadcast %shift_right_logical3A_210 : i32 to vector<16xi32>
    %shift_right_logical3A_212 = arith.shrui %get3A_202, %shift_right_logical3A_211 : vector<16xi32>
    %swap3A_213 = arith.constant 32 : index
    %swap3A_214 = tpu.vector_load %arg10[%swap3A_213] {strides = array<i32>} : memref<128xi32, #tpu.memory_space<vmem>>, vector<16xi32>,
    %swap3A_215 = vector.shape_cast %swap3A_214 : vector<16xi32> to vector<16xi32>
    %swap3A_216 = vector.shape_cast %shift_right_logical3A_212 : vector<16xi32> to vector<16xi32>
    tpu.vector_store %arg10[%swap3A_213], %swap3A_216 {strides = array<i32>} : memref<128xi32, #tpu.memory_space<vmem>>, vector<16xi32>,
    %get3A_217 = arith.constant 1 : i32
    %get3A_218 = arith.index_cast %get3A_217 : i32 to index
    %get3A_219 = arith.constant 48 : index
    %get3A_220 = tpu.vector_load %arg7[%get3A_218, %get3A_219] {strides = array<i32>} : memref<80x128xi32, #tpu.memory_space<vmem>>, vector<1x16xi32>,
    %get3A_221 = vector.shape_cast %get3A_220 : vector<1x16xi32> to vector<16xi32>
    %and3A_222 = arith.constant 16383 : i32
    %and3A_223 = vector.broadcast %and3A_222 : i32 to vector<16xi32>
    %and3A_224 = arith.andi %get3A_221, %and3A_223 : vector<16xi32>
    %swap3A_225 = arith.constant 48 : index
    %swap3A_226 = tpu.vector_load %arg8[%swap3A_225] {strides = array<i32>} : memref<128xi32, #tpu.memory_space<vmem>>, vector<16xi32>,
    %swap3A_227 = vector.shape_cast %swap3A_226 : vector<16xi32> to vector<16xi32>
    %swap3A_228 = vector.shape_cast %and3A_224 : vector<16xi32> to vector<16xi32>
    tpu.vector_store %arg8[%swap3A_225], %swap3A_228 {strides = array<i32>} : memref<128xi32, #tpu.memory_space<vmem>>, vector<16xi32>,
    %shift_right_logical3A_229 = arith.constant 14 : i32
    %shift_right_logical3A_230 = vector.broadcast %shift_right_logical3A_229 : i32 to vector<16xi32>
    %shift_right_logical3A_231 = arith.shrui %get3A_221, %shift_right_logical3A_230 : vector<16xi32>
    %swap3A_232 = arith.constant 48 : index
    %swap3A_233 = tpu.vector_load %arg10[%swap3A_232] {strides = array<i32>} : memref<128xi32, #tpu.memory_space<vmem>>, vector<16xi32>,
    %swap3A_234 = vector.shape_cast %swap3A_233 : vector<16xi32> to vector<16xi32>
    %swap3A_235 = vector.shape_cast %shift_right_logical3A_231 : vector<16xi32> to vector<16xi32>
    tpu.vector_store %arg10[%swap3A_232], %swap3A_235 {strides = array<i32>} : memref<128xi32, #tpu.memory_space<vmem>>, vector<16xi32>,
    %get3A_236 = arith.constant 1 : i32
    %get3A_237 = arith.index_cast %get3A_236 : i32 to index
    %get3A_238 = arith.constant 64 : index
    %get3A_239 = tpu.vector_load %arg7[%get3A_237, %get3A_238] {strides = array<i32>} : memref<80x128xi32, #tpu.memory_space<vmem>>, vector<1x16xi32>,
    %get3A_240 = vector.shape_cast %get3A_239 : vector<1x16xi32> to vector<16xi32>
    %and3A_241 = arith.constant 16383 : i32
    %and3A_242 = vector.broadcast %and3A_241 : i32 to vector<16xi32>
    %and3A_243 = arith.andi %get3A_240, %and3A_242 : vector<16xi32>
    %swap3A_244 = arith.constant 64 : index
    %swap3A_245 = tpu.vector_load %arg8[%swap3A_244] {strides = array<i32>} : memref<128xi32, #tpu.memory_space<vmem>>, vector<16xi32>,
    %swap3A_246 = vector.shape_cast %swap3A_245 : vector<16xi32> to vector<16xi32>
    %swap3A_247 = vector.shape_cast %and3A_243 : vector<16xi32> to vector<16xi32>
    tpu.vector_store %arg8[%swap3A_244], %swap3A_247 {strides = array<i32>} : memref<128xi32, #tpu.memory_space<vmem>>, vector<16xi32>,
    %shift_right_logical3A_248 = arith.constant 14 : i32
    %shift_right_logical3A_249 = vector.broadcast %shift_right_logical3A_248 : i32 to vector<16xi32>
    %shift_right_logical3A_250 = arith.shrui %get3A_240, %shift_right_logical3A_249 : vector<16xi32>
    %swap3A_251 = arith.constant 64 : index
    %swap3A_252 = tpu.vector_load %arg10[%swap3A_251] {strides = array<i32>} : memref<128xi32, #tpu.memory_space<vmem>>, vector<16xi32>,
    %swap3A_253 = vector.shape_cast %swap3A_252 : vector<16xi32> to vector<16xi32>
    %swap3A_254 = vector.shape_cast %shift_right_logical3A_250 : vector<16xi32> to vector<16xi32>
    tpu.vector_store %arg10[%swap3A_251], %swap3A_254 {strides = array<i32>} : memref<128xi32, #tpu.memory_space<vmem>>, vector<16xi32>,
    %get3A_255 = arith.constant 1 : i32
    %get3A_256 = arith.index_cast %get3A_255 : i32 to index
    %get3A_257 = arith.constant 80 : index
    %get3A_258 = tpu.vector_load %arg7[%get3A_256, %get3A_257] {strides = array<i32>} : memref<80x128xi32, #tpu.memory_space<vmem>>, vector<1x16xi32>,
    %get3A_259 = vector.shape_cast %get3A_258 : vector<1x16xi32> to vector<16xi32>
    %and3A_260 = arith.constant 16383 : i32
    %and3A_261 = vector.broadcast %and3A_260 : i32 to vector<16xi32>
    %and3A_262 = arith.andi %get3A_259, %and3A_261 : vector<16xi32>
    %swap3A_263 = arith.constant 80 : index
    %swap3A_264 = tpu.vector_load %arg8[%swap3A_263] {strides = array<i32>} : memref<128xi32, #tpu.memory_space<vmem>>, vector<16xi32>,
    %swap3A_265 = vector.shape_cast %swap3A_264 : vector<16xi32> to vector<16xi32>
    %swap3A_266 = vector.shape_cast %and3A_262 : vector<16xi32> to vector<16xi32>
    tpu.vector_store %arg8[%swap3A_263], %swap3A_266 {strides = array<i32>} : memref<128xi32, #tpu.memory_space<vmem>>, vector<16xi32>,
    %shift_right_logical3A_267 = arith.constant 14 : i32
    %shift_right_logical3A_268 = vector.broadcast %shift_right_logical3A_267 : i32 to vector<16xi32>
    %shift_right_logical3A_269 = arith.shrui %get3A_259, %shift_right_logical3A_268 : vector<16xi32>
    %swap3A_270 = arith.constant 80 : index
    %swap3A_271 = tpu.vector_load %arg10[%swap3A_270] {strides = array<i32>} : memref<128xi32, #tpu.memory_space<vmem>>, vector<16xi32>,
    %swap3A_272 = vector.shape_cast %swap3A_271 : vector<16xi32> to vector<16xi32>
    %swap3A_273 = vector.shape_cast %shift_right_logical3A_269 : vector<16xi32> to vector<16xi32>
    tpu.vector_store %arg10[%swap3A_270], %swap3A_273 {strides = array<i32>} : memref<128xi32, #tpu.memory_space<vmem>>, vector<16xi32>,
    %get3A_274 = arith.constant 1 : i32
    %get3A_275 = arith.index_cast %get3A_274 : i32 to index
    %get3A_276 = arith.constant 96 : index
    %get3A_277 = tpu.vector_load %arg7[%get3A_275, %get3A_276] {strides = array<i32>} : memref<80x128xi32, #tpu.memory_space<vmem>>, vector<1x16xi32>,
    %get3A_278 = vector.shape_cast %get3A_277 : vector<1x16xi32> to vector<16xi32>
    %and3A_279 = arith.constant 16383 : i32
    %and3A_280 = vector.broadcast %and3A_279 : i32 to vector<16xi32>
    %and3A_281 = arith.andi %get3A_278, %and3A_280 : vector<16xi32>
    %swap3A_282 = arith.constant 96 : index
    %swap3A_283 = tpu.vector_load %arg8[%swap3A_282] {strides = array<i32>} : memref<128xi32, #tpu.memory_space<vmem>>, vector<16xi32>,
    %swap3A_284 = vector.shape_cast %swap3A_283 : vector<16xi32> to vector<16xi32>
    %swap3A_285 = vector.shape_cast %and3A_281 : vector<16xi32> to vector<16xi32>
    tpu.vector_store %arg8[%swap3A_282], %swap3A_285 {strides = array<i32>} : memref<128xi32, #tpu.memory_space<vmem>>, vector<16xi32>,
    %shift_right_logical3A_286 = arith.constant 14 : i32
    %shift_right_logical3A_287 = vector.broadcast %shift_right_logical3A_286 : i32 to vector<16xi32>
    %shift_right_logical3A_288 = arith.shrui %get3A_278, %shift_right_logical3A_287 : vector<16xi32>
    %swap3A_289 = arith.constant 96 : index
    %swap3A_290 = tpu.vector_load %arg10[%swap3A_289] {strides = array<i32>} : memref<128xi32, #tpu.memory_space<vmem>>, vector<16xi32>,
    %swap3A_291 = vector.shape_cast %swap3A_290 : vector<16xi32> to vector<16xi32>
    %swap3A_292 = vector.shape_cast %shift_right_logical3A_288 : vector<16xi32> to vector<16xi32>
    tpu.vector_store %arg10[%swap3A_289], %swap3A_292 {strides = array<i32>} : memref<128xi32, #tpu.memory_space<vmem>>, vector<16xi32>,
    %get3A_293 = arith.constant 1 : i32
    %get3A_294 = arith.index_cast %get3A_293 : i32 to index
    %get3A_295 = arith.constant 112 : index
    %get3A_296 = tpu.vector_load %arg7[%get3A_294, %get3A_295] {strides = array<i32>} : memref<80x128xi32, #tpu.memory_space<vmem>>, vector<1x16xi32>,
    %get3A_297 = vector.shape_cast %get3A_296 : vector<1x16xi32> to vector<16xi32>
    %and3A_298 = arith.constant 16383 : i32
    %and3A_299 = vector.broadcast %and3A_298 : i32 to vector<16xi32>
    %and3A_300 = arith.andi %get3A_297, %and3A_299 : vector<16xi32>
    %swap3A_301 = arith.constant 112 : index
    %swap3A_302 = tpu.vector_load %arg8[%swap3A_301] {strides = array<i32>} : memref<128xi32, #tpu.memory_space<vmem>>, vector<16xi32>,
    %swap3A_303 = vector.shape_cast %swap3A_302 : vector<16xi32> to vector<16xi32>
    %swap3A_304 = vector.shape_cast %and3A_300 : vector<16xi32> to vector<16xi32>
    tpu.vector_store %arg8[%swap3A_301], %swap3A_304 {strides = array<i32>} : memref<128xi32, #tpu.memory_space<vmem>>, vector<16xi32>,
    %shift_right_logical3A_305 = arith.constant 14 : i32
    %shift_right_logical3A_306 = vector.broadcast %shift_right_logical3A_305 : i32 to vector<16xi32>
    %shift_right_logical3A_307 = arith.shrui %get3A_297, %shift_right_logical3A_306 : vector<16xi32>
    %swap3A_308 = arith.constant 112 : index
    %swap3A_309 = tpu.vector_load %arg10[%swap3A_308] {strides = array<i32>} : memref<128xi32, #tpu.memory_space<vmem>>, vector<16xi32>,
    %swap3A_310 = vector.shape_cast %swap3A_309 : vector<16xi32> to vector<16xi32>
    %swap3A_311 = vector.shape_cast %shift_right_logical3A_307 : vector<16xi32> to vector<16xi32>
    tpu.vector_store %arg10[%swap3A_308], %swap3A_311 {strides = array<i32>} : memref<128xi32, #tpu.memory_space<vmem>>, vector<16xi32>,
    %dma_start3A_312 = arith.constant 0 : i32
    %dma_start3A_313 = arith.constant 0 : i32
    %dma_start3A_314 = tpu.memref_slice %arg6[%dma_start3A_312, %dma_start3A_313] : memref<10240x128xf32, #tpu.memory_space<vmem_shared>> -> memref<10240x128xf32, #tpu.memory_space<vmem_shared>>
    tpu.enqueue_indirect_dma source(%arg13 : memref<128x128xf32, #tpu.memory_space<vmem>>) target(%dma_start3A_314 : memref<10240x128xf32, #tpu.memory_space<vmem_shared>>) offsets(%arg10 : memref<128xi32, #tpu.memory_space<vmem>>) semaphore(%arg15 : memref<!tpu.dma_semaphore, #tpu.memory_space<semaphore_mem>>) {add = true}
    %get3A_315 = arith.constant 2 : i32
    %get3A_316 = arith.index_cast %get3A_315 : i32 to index
    %get3A_317 = arith.constant 0 : index
    %get3A_318 = tpu.vector_load %arg7[%get3A_316, %get3A_317] {strides = array<i32>} : memref<80x128xi32, #tpu.memory_space<vmem>>, vector<1x16xi32>,
    %get3A_319 = vector.shape_cast %get3A_318 : vector<1x16xi32> to vector<16xi32>
    %and3A_320 = arith.constant 16383 : i32
    %and3A_321 = vector.broadcast %and3A_320 : i32 to vector<16xi32>
    %and3A_322 = arith.andi %get3A_319, %and3A_321 : vector<16xi32>
    %swap3A_323 = arith.constant 0 : index
    %swap3A_324 = tpu.vector_load %arg8[%swap3A_323] {strides = array<i32>} : memref<128xi32, #tpu.memory_space<vmem>>, vector<16xi32>,
    %swap3A_325 = vector.shape_cast %swap3A_324 : vector<16xi32> to vector<16xi32>
    %swap3A_326 = vector.shape_cast %and3A_322 : vector<16xi32> to vector<16xi32>
    tpu.vector_store %arg8[%swap3A_323], %swap3A_326 {strides = array<i32>} : memref<128xi32, #tpu.memory_space<vmem>>, vector<16xi32>,
    %shift_right_logical3A_327 = arith.constant 14 : i32
    %shift_right_logical3A_328 = vector.broadcast %shift_right_logical3A_327 : i32 to vector<16xi32>
    %shift_right_logical3A_329 = arith.shrui %get3A_319, %shift_right_logical3A_328 : vector<16xi32>
    %swap3A_330 = arith.constant 0 : index
    %swap3A_331 = tpu.vector_load %arg11[%swap3A_330] {strides = array<i32>} : memref<128xi32, #tpu.memory_space<vmem>>, vector<16xi32>,
    %swap3A_332 = vector.shape_cast %swap3A_331 : vector<16xi32> to vector<16xi32>
    %swap3A_333 = vector.shape_cast %shift_right_logical3A_329 : vector<16xi32> to vector<16xi32>
    tpu.vector_store %arg11[%swap3A_330], %swap3A_333 {strides = array<i32>} : memref<128xi32, #tpu.memory_space<vmem>>, vector<16xi32>,
    %get3A_334 = arith.constant 2 : i32
    %get3A_335 = arith.index_cast %get3A_334 : i32 to index
    %get3A_336 = arith.constant 16 : index
    %get3A_337 = tpu.vector_load %arg7[%get3A_335, %get3A_336] {strides = array<i32>} : memref<80x128xi32, #tpu.memory_space<vmem>>, vector<1x16xi32>,
    %get3A_338 = vector.shape_cast %get3A_337 : vector<1x16xi32> to vector<16xi32>
    %and3A_339 = arith.constant 16383 : i32
    %and3A_340 = vector.broadcast %and3A_339 : i32 to vector<16xi32>
    %and3A_341 = arith.andi %get3A_338, %and3A_340 : vector<16xi32>
    %swap3A_342 = arith.constant 16 : index
    %swap3A_343 = tpu.vector_load %arg8[%swap3A_342] {strides = array<i32>} : memref<128xi32, #tpu.memory_space<vmem>>, vector<16xi32>,
    %swap3A_344 = vector.shape_cast %swap3A_343 : vector<16xi32> to vector<16xi32>
    %swap3A_345 = vector.shape_cast %and3A_341 : vector<16xi32> to vector<16xi32>
    tpu.vector_store %arg8[%swap3A_342], %swap3A_345 {strides = array<i32>} : memref<128xi32, #tpu.memory_space<vmem>>, vector<16xi32>,
    %shift_right_logical3A_346 = arith.constant 14 : i32
    %shift_right_logical3A_347 = vector.broadcast %shift_right_logical3A_346 : i32 to vector<16xi32>
    %shift_right_logical3A_348 = arith.shrui %get3A_338, %shift_right_logical3A_347 : vector<16xi32>
    %swap3A_349 = arith.constant 16 : index
    %swap3A_350 = tpu.vector_load %arg11[%swap3A_349] {strides = array<i32>} : memref<128xi32, #tpu.memory_space<vmem>>, vector<16xi32>,
    %swap3A_351 = vector.shape_cast %swap3A_350 : vector<16xi32> to vector<16xi32>
    %swap3A_352 = vector.shape_cast %shift_right_logical3A_348 : vector<16xi32> to vector<16xi32>
    tpu.vector_store %arg11[%swap3A_349], %swap3A_352 {strides = array<i32>} : memref<128xi32, #tpu.memory_space<vmem>>, vector<16xi32>,
    %get3A_353 = arith.constant 2 : i32
    %get3A_354 = arith.index_cast %get3A_353 : i32 to index
    %get3A_355 = arith.constant 32 : index
    %get3A_356 = tpu.vector_load %arg7[%get3A_354, %get3A_355] {strides = array<i32>} : memref<80x128xi32, #tpu.memory_space<vmem>>, vector<1x16xi32>,
    %get3A_357 = vector.shape_cast %get3A_356 : vector<1x16xi32> to vector<16xi32>
    %and3A_358 = arith.constant 16383 : i32
    %and3A_359 = vector.broadcast %and3A_358 : i32 to vector<16xi32>
    %and3A_360 = arith.andi %get3A_357, %and3A_359 : vector<16xi32>
    %swap3A_361 = arith.constant 32 : index
    %swap3A_362 = tpu.vector_load %arg8[%swap3A_361] {strides = array<i32>} : memref<128xi32, #tpu.memory_space<vmem>>, vector<16xi32>,
    %swap3A_363 = vector.shape_cast %swap3A_362 : vector<16xi32> to vector<16xi32>
    %swap3A_364 = vector.shape_cast %and3A_360 : vector<16xi32> to vector<16xi32>
    tpu.vector_store %arg8[%swap3A_361], %swap3A_364 {strides = array<i32>} : memref<128xi32, #tpu.memory_space<vmem>>, vector<16xi32>,
    %shift_right_logical3A_365 = arith.constant 14 : i32
    %shift_right_logical3A_366 = vector.broadcast %shift_right_logical3A_365 : i32 to vector<16xi32>
    %shift_right_logical3A_367 = arith.shrui %get3A_357, %shift_right_logical3A_366 : vector<16xi32>
    %swap3A_368 = arith.constant 32 : index
    %swap3A_369 = tpu.vector_load %arg11[%swap3A_368] {strides = array<i32>} : memref<128xi32, #tpu.memory_space<vmem>>, vector<16xi32>,
    %swap3A_370 = vector.shape_cast %swap3A_369 : vector<16xi32> to vector<16xi32>
    %swap3A_371 = vector.shape_cast %shift_right_logical3A_367 : vector<16xi32> to vector<16xi32>
    tpu.vector_store %arg11[%swap3A_368], %swap3A_371 {strides = array<i32>} : memref<128xi32, #tpu.memory_space<vmem>>, vector<16xi32>,
    %get3A_372 = arith.constant 2 : i32
    %get3A_373 = arith.index_cast %get3A_372 : i32 to index
    %get3A_374 = arith.constant 48 : index
    %get3A_375 = tpu.vector_load %arg7[%get3A_373, %get3A_374] {strides = array<i32>} : memref<80x128xi32, #tpu.memory_space<vmem>>, vector<1x16xi32>,
    %get3A_376 = vector.shape_cast %get3A_375 : vector<1x16xi32> to vector<16xi32>
    %and3A_377 = arith.constant 16383 : i32
    %and3A_378 = vector.broadcast %and3A_377 : i32 to vector<16xi32>
    %and3A_379 = arith.andi %get3A_376, %and3A_378 : vector<16xi32>
    %swap3A_380 = arith.constant 48 : index
    %swap3A_381 = tpu.vector_load %arg8[%swap3A_380] {strides = array<i32>} : memref<128xi32, #tpu.memory_space<vmem>>, vector<16xi32>,
    %swap3A_382 = vector.shape_cast %swap3A_381 : vector<16xi32> to vector<16xi32>
    %swap3A_383 = vector.shape_cast %and3A_379 : vector<16xi32> to vector<16xi32>
    tpu.vector_store %arg8[%swap3A_380], %swap3A_383 {strides = array<i32>} : memref<128xi32, #tpu.memory_space<vmem>>, vector<16xi32>,
    %shift_right_logical3A_384 = arith.constant 14 : i32
    %shift_right_logical3A_385 = vector.broadcast %shift_right_logical3A_384 : i32 to vector<16xi32>
    %shift_right_logical3A_386 = arith.shrui %get3A_376, %shift_right_logical3A_385 : vector<16xi32>
    %swap3A_387 = arith.constant 48 : index
    %swap3A_388 = tpu.vector_load %arg11[%swap3A_387] {strides = array<i32>} : memref<128xi32, #tpu.memory_space<vmem>>, vector<16xi32>,
    %swap3A_389 = vector.shape_cast %swap3A_388 : vector<16xi32> to vector<16xi32>
    %swap3A_390 = vector.shape_cast %shift_right_logical3A_386 : vector<16xi32> to vector<16xi32>
    tpu.vector_store %arg11[%swap3A_387], %swap3A_390 {strides = array<i32>} : memref<128xi32, #tpu.memory_space<vmem>>, vector<16xi32>,
    %get3A_391 = arith.constant 2 : i32
    %get3A_392 = arith.index_cast %get3A_391 : i32 to index
    %get3A_393 = arith.constant 64 : index
    %get3A_394 = tpu.vector_load %arg7[%get3A_392, %get3A_393] {strides = array<i32>} : memref<80x128xi32, #tpu.memory_space<vmem>>, vector<1x16xi32>,
    %get3A_395 = vector.shape_cast %get3A_394 : vector<1x16xi32> to vector<16xi32>
    %and3A_396 = arith.constant 16383 : i32
    %and3A_397 = vector.broadcast %and3A_396 : i32 to vector<16xi32>
    %and3A_398 = arith.andi %get3A_395, %and3A_397 : vector<16xi32>
    %swap3A_399 = arith.constant 64 : index
    %swap3A_400 = tpu.vector_load %arg8[%swap3A_399] {strides = array<i32>} : memref<128xi32, #tpu.memory_space<vmem>>, vector<16xi32>,
    %swap3A_401 = vector.shape_cast %swap3A_400 : vector<16xi32> to vector<16xi32>
    %swap3A_402 = vector.shape_cast %and3A_398 : vector<16xi32> to vector<16xi32>
    tpu.vector_store %arg8[%swap3A_399], %swap3A_402 {strides = array<i32>} : memref<128xi32, #tpu.memory_space<vmem>>, vector<16xi32>,
    %shift_right_logical3A_403 = arith.constant 14 : i32
    %shift_right_logical3A_404 = vector.broadcast %shift_right_logical3A_403 : i32 to vector<16xi32>
    %shift_right_logical3A_405 = arith.shrui %get3A_395, %shift_right_logical3A_404 : vector<16xi32>
    %swap3A_406 = arith.constant 64 : index
    %swap3A_407 = tpu.vector_load %arg11[%swap3A_406] {strides = array<i32>} : memref<128xi32, #tpu.memory_space<vmem>>, vector<16xi32>,
    %swap3A_408 = vector.shape_cast %swap3A_407 : vector<16xi32> to vector<16xi32>
    %swap3A_409 = vector.shape_cast %shift_right_logical3A_405 : vector<16xi32> to vector<16xi32>
    tpu.vector_store %arg11[%swap3A_406], %swap3A_409 {strides = array<i32>} : memref<128xi32, #tpu.memory_space<vmem>>, vector<16xi32>,
    %get3A_410 = arith.constant 2 : i32
    %get3A_411 = arith.index_cast %get3A_410 : i32 to index
    %get3A_412 = arith.constant 80 : index
    %get3A_413 = tpu.vector_load %arg7[%get3A_411, %get3A_412] {strides = array<i32>} : memref<80x128xi32, #tpu.memory_space<vmem>>, vector<1x16xi32>,
    %get3A_414 = vector.shape_cast %get3A_413 : vector<1x16xi32> to vector<16xi32>
    %and3A_415 = arith.constant 16383 : i32
    %and3A_416 = vector.broadcast %and3A_415 : i32 to vector<16xi32>
    %and3A_417 = arith.andi %get3A_414, %and3A_416 : vector<16xi32>
    %swap3A_418 = arith.constant 80 : index
    %swap3A_419 = tpu.vector_load %arg8[%swap3A_418] {strides = array<i32>} : memref<128xi32, #tpu.memory_space<vmem>>, vector<16xi32>,
    %swap3A_420 = vector.shape_cast %swap3A_419 : vector<16xi32> to vector<16xi32>
    %swap3A_421 = vector.shape_cast %and3A_417 : vector<16xi32> to vector<16xi32>
    tpu.vector_store %arg8[%swap3A_418], %swap3A_421 {strides = array<i32>} : memref<128xi32, #tpu.memory_space<vmem>>, vector<16xi32>,
    %shift_right_logical3A_422 = arith.constant 14 : i32
    %shift_right_logical3A_423 = vector.broadcast %shift_right_logical3A_422 : i32 to vector<16xi32>
    %shift_right_logical3A_424 = arith.shrui %get3A_414, %shift_right_logical3A_423 : vector<16xi32>
    %swap3A_425 = arith.constant 80 : index
    %swap3A_426 = tpu.vector_load %arg11[%swap3A_425] {strides = array<i32>} : memref<128xi32, #tpu.memory_space<vmem>>, vector<16xi32>,
    %swap3A_427 = vector.shape_cast %swap3A_426 : vector<16xi32> to vector<16xi32>
    %swap3A_428 = vector.shape_cast %shift_right_logical3A_424 : vector<16xi32> to vector<16xi32>
    tpu.vector_store %arg11[%swap3A_425], %swap3A_428 {strides = array<i32>} : memref<128xi32, #tpu.memory_space<vmem>>, vector<16xi32>,
    %get3A_429 = arith.constant 2 : i32
    %get3A_430 = arith.index_cast %get3A_429 : i32 to index
    %get3A_431 = arith.constant 96 : index
    %get3A_432 = tpu.vector_load %arg7[%get3A_430, %get3A_431] {strides = array<i32>} : memref<80x128xi32, #tpu.memory_space<vmem>>, vector<1x16xi32>,
    %get3A_433 = vector.shape_cast %get3A_432 : vector<1x16xi32> to vector<16xi32>
    %and3A_434 = arith.constant 16383 : i32
    %and3A_435 = vector.broadcast %and3A_434 : i32 to vector<16xi32>
    %and3A_436 = arith.andi %get3A_433, %and3A_435 : vector<16xi32>
    %swap3A_437 = arith.constant 96 : index
    %swap3A_438 = tpu.vector_load %arg8[%swap3A_437] {strides = array<i32>} : memref<128xi32, #tpu.memory_space<vmem>>, vector<16xi32>,
    %swap3A_439 = vector.shape_cast %swap3A_438 : vector<16xi32> to vector<16xi32>
    %swap3A_440 = vector.shape_cast %and3A_436 : vector<16xi32> to vector<16xi32>
    tpu.vector_store %arg8[%swap3A_437], %swap3A_440 {strides = array<i32>} : memref<128xi32, #tpu.memory_space<vmem>>, vector<16xi32>,
    %shift_right_logical3A_441 = arith.constant 14 : i32
    %shift_right_logical3A_442 = vector.broadcast %shift_right_logical3A_441 : i32 to vector<16xi32>
    %shift_right_logical3A_443 = arith.shrui %get3A_433, %shift_right_logical3A_442 : vector<16xi32>
    %swap3A_444 = arith.constant 96 : index
    %swap3A_445 = tpu.vector_load %arg11[%swap3A_444] {strides = array<i32>} : memref<128xi32, #tpu.memory_space<vmem>>, vector<16xi32>,
    %swap3A_446 = vector.shape_cast %swap3A_445 : vector<16xi32> to vector<16xi32>
    %swap3A_447 = vector.shape_cast %shift_right_logical3A_443 : vector<16xi32> to vector<16xi32>
    tpu.vector_store %arg11[%swap3A_444], %swap3A_447 {strides = array<i32>} : memref<128xi32, #tpu.memory_space<vmem>>, vector<16xi32>,
    %get3A_448 = arith.constant 2 : i32
    %get3A_449 = arith.index_cast %get3A_448 : i32 to index
    %get3A_450 = arith.constant 112 : index
    %get3A_451 = tpu.vector_load %arg7[%get3A_449, %get3A_450] {strides = array<i32>} : memref<80x128xi32, #tpu.memory_space<vmem>>, vector<1x16xi32>,
    %get3A_452 = vector.shape_cast %get3A_451 : vector<1x16xi32> to vector<16xi32>
    %and3A_453 = arith.constant 16383 : i32
    %and3A_454 = vector.broadcast %and3A_453 : i32 to vector<16xi32>
    %and3A_455 = arith.andi %get3A_452, %and3A_454 : vector<16xi32>
    %swap3A_456 = arith.constant 112 : index
    %swap3A_457 = tpu.vector_load %arg8[%swap3A_456] {strides = array<i32>} : memref<128xi32, #tpu.memory_space<vmem>>, vector<16xi32>,
    %swap3A_458 = vector.shape_cast %swap3A_457 : vector<16xi32> to vector<16xi32>
    %swap3A_459 = vector.shape_cast %and3A_455 : vector<16xi32> to vector<16xi32>
    tpu.vector_store %arg8[%swap3A_456], %swap3A_459 {strides = array<i32>} : memref<128xi32, #tpu.memory_space<vmem>>, vector<16xi32>,
    %shift_right_logical3A_460 = arith.constant 14 : i32
    %shift_right_logical3A_461 = vector.broadcast %shift_right_logical3A_460 : i32 to vector<16xi32>
    %shift_right_logical3A_462 = arith.shrui %get3A_452, %shift_right_logical3A_461 : vector<16xi32>
    %swap3A_463 = arith.constant 112 : index
    %swap3A_464 = tpu.vector_load %arg11[%swap3A_463] {strides = array<i32>} : memref<128xi32, #tpu.memory_space<vmem>>, vector<16xi32>,
    %swap3A_465 = vector.shape_cast %swap3A_464 : vector<16xi32> to vector<16xi32>
    %swap3A_466 = vector.shape_cast %shift_right_logical3A_462 : vector<16xi32> to vector<16xi32>
    tpu.vector_store %arg11[%swap3A_463], %swap3A_466 {strides = array<i32>} : memref<128xi32, #tpu.memory_space<vmem>>, vector<16xi32>,
    %dma_start3A_467 = arith.constant 0 : i32
    %dma_start3A_468 = arith.constant 0 : i32
    %dma_start3A_469 = tpu.memref_slice %arg6[%dma_start3A_467, %dma_start3A_468] : memref<10240x128xf32, #tpu.memory_space<vmem_shared>> -> memref<10240x128xf32, #tpu.memory_space<vmem_shared>>
    tpu.enqueue_indirect_dma source(%arg13 : memref<128x128xf32, #tpu.memory_space<vmem>>) target(%dma_start3A_469 : memref<10240x128xf32, #tpu.memory_space<vmem_shared>>) offsets(%arg11 : memref<128xi32, #tpu.memory_space<vmem>>) semaphore(%arg16 : memref<!tpu.dma_semaphore, #tpu.memory_space<semaphore_mem>>) {add = true}
    %get3A_470 = arith.constant 3 : i32
    %get3A_471 = arith.index_cast %get3A_470 : i32 to index
    %get3A_472 = arith.constant 0 : index
    %get3A_473 = tpu.vector_load %arg7[%get3A_471, %get3A_472] {strides = array<i32>} : memref<80x128xi32, #tpu.memory_space<vmem>>, vector<1x16xi32>,
    %get3A_474 = vector.shape_cast %get3A_473 : vector<1x16xi32> to vector<16xi32>
    %and3A_475 = arith.constant 16383 : i32
    %and3A_476 = vector.broadcast %and3A_475 : i32 to vector<16xi32>
    %and3A_477 = arith.andi %get3A_474, %and3A_476 : vector<16xi32>
    %swap3A_478 = arith.constant 0 : index
    %swap3A_479 = tpu.vector_load %arg8[%swap3A_478] {strides = array<i32>} : memref<128xi32, #tpu.memory_space<vmem>>, vector<16xi32>,
    %swap3A_480 = vector.shape_cast %swap3A_479 : vector<16xi32> to vector<16xi32>
    %swap3A_481 = vector.shape_cast %and3A_477 : vector<16xi32> to vector<16xi32>
    tpu.vector_store %arg8[%swap3A_478], %swap3A_481 {strides = array<i32>} : memref<128xi32, #tpu.memory_space<vmem>>, vector<16xi32>,
    %shift_right_logical3A_482 = arith.constant 14 : i32
    %shift_right_logical3A_483 = vector.broadcast %shift_right_logical3A_482 : i32 to vector<16xi32>
    %shift_right_logical3A_484 = arith.shrui %get3A_474, %shift_right_logical3A_483 : vector<16xi32>
    %swap3A_485 = arith.constant 0 : index
    %swap3A_486 = tpu.vector_load %arg12[%swap3A_485] {strides = array<i32>} : memref<128xi32, #tpu.memory_space<vmem>>, vector<16xi32>,
    %swap3A_487 = vector.shape_cast %swap3A_486 : vector<16xi32> to vector<16xi32>
    %swap3A_488 = vector.shape_cast %shift_right_logical3A_484 : vector<16xi32> to vector<16xi32>
    tpu.vector_store %arg12[%swap3A_485], %swap3A_488 {strides = array<i32>} : memref<128xi32, #tpu.memory_space<vmem>>, vector<16xi32>,
    %get3A_489 = arith.constant 3 : i32
    %get3A_490 = arith.index_cast %get3A_489 : i32 to index
    %get3A_491 = arith.constant 16 : index
    %get3A_492 = tpu.vector_load %arg7[%get3A_490, %get3A_491] {strides = array<i32>} : memref<80x128xi32, #tpu.memory_space<vmem>>, vector<1x16xi32>,
    %get3A_493 = vector.shape_cast %get3A_492 : vector<1x16xi32> to vector<16xi32>
    %and3A_494 = arith.constant 16383 : i32
    %and3A_495 = vector.broadcast %and3A_494 : i32 to vector<16xi32>
    %and3A_496 = arith.andi %get3A_493, %and3A_495 : vector<16xi32>
    %swap3A_497 = arith.constant 16 : index
    %swap3A_498 = tpu.vector_load %arg8[%swap3A_497] {strides = array<i32>} : memref<128xi32, #tpu.memory_space<vmem>>, vector<16xi32>,
    %swap3A_499 = vector.shape_cast %swap3A_498 : vector<16xi32> to vector<16xi32>
    %swap3A_500 = vector.shape_cast %and3A_496 : vector<16xi32> to vector<16xi32>
    tpu.vector_store %arg8[%swap3A_497], %swap3A_500 {strides = array<i32>} : memref<128xi32, #tpu.memory_space<vmem>>, vector<16xi32>,
    %shift_right_logical3A_501 = arith.constant 14 : i32
    %shift_right_logical3A_502 = vector.broadcast %shift_right_logical3A_501 : i32 to vector<16xi32>
    %shift_right_logical3A_503 = arith.shrui %get3A_493, %shift_right_logical3A_502 : vector<16xi32>
    %swap3A_504 = arith.constant 16 : index
    %swap3A_505 = tpu.vector_load %arg12[%swap3A_504] {strides = array<i32>} : memref<128xi32, #tpu.memory_space<vmem>>, vector<16xi32>,
    %swap3A_506 = vector.shape_cast %swap3A_505 : vector<16xi32> to vector<16xi32>
    %swap3A_507 = vector.shape_cast %shift_right_logical3A_503 : vector<16xi32> to vector<16xi32>
    tpu.vector_store %arg12[%swap3A_504], %swap3A_507 {strides = array<i32>} : memref<128xi32, #tpu.memory_space<vmem>>, vector<16xi32>,
    %get3A_508 = arith.constant 3 : i32
    %get3A_509 = arith.index_cast %get3A_508 : i32 to index
    %get3A_510 = arith.constant 32 : index
    %get3A_511 = tpu.vector_load %arg7[%get3A_509, %get3A_510] {strides = array<i32>} : memref<80x128xi32, #tpu.memory_space<vmem>>, vector<1x16xi32>,
    %get3A_512 = vector.shape_cast %get3A_511 : vector<1x16xi32> to vector<16xi32>
    %and3A_513 = arith.constant 16383 : i32
    %and3A_514 = vector.broadcast %and3A_513 : i32 to vector<16xi32>
    %and3A_515 = arith.andi %get3A_512, %and3A_514 : vector<16xi32>
    %swap3A_516 = arith.constant 32 : index
    %swap3A_517 = tpu.vector_load %arg8[%swap3A_516] {strides = array<i32>} : memref<128xi32, #tpu.memory_space<vmem>>, vector<16xi32>,
    %swap3A_518 = vector.shape_cast %swap3A_517 : vector<16xi32> to vector<16xi32>
    %swap3A_519 = vector.shape_cast %and3A_515 : vector<16xi32> to vector<16xi32>
    tpu.vector_store %arg8[%swap3A_516], %swap3A_519 {strides = array<i32>} : memref<128xi32, #tpu.memory_space<vmem>>, vector<16xi32>,
    %shift_right_logical3A_520 = arith.constant 14 : i32
    %shift_right_logical3A_521 = vector.broadcast %shift_right_logical3A_520 : i32 to vector<16xi32>
    %shift_right_logical3A_522 = arith.shrui %get3A_512, %shift_right_logical3A_521 : vector<16xi32>
    %swap3A_523 = arith.constant 32 : index
    %swap3A_524 = tpu.vector_load %arg12[%swap3A_523] {strides = array<i32>} : memref<128xi32, #tpu.memory_space<vmem>>, vector<16xi32>,
    %swap3A_525 = vector.shape_cast %swap3A_524 : vector<16xi32> to vector<16xi32>
    %swap3A_526 = vector.shape_cast %shift_right_logical3A_522 : vector<16xi32> to vector<16xi32>
    tpu.vector_store %arg12[%swap3A_523], %swap3A_526 {strides = array<i32>} : memref<128xi32, #tpu.memory_space<vmem>>, vector<16xi32>,
    %get3A_527 = arith.constant 3 : i32
    %get3A_528 = arith.index_cast %get3A_527 : i32 to index
    %get3A_529 = arith.constant 48 : index
    %get3A_530 = tpu.vector_load %arg7[%get3A_528, %get3A_529] {strides = array<i32>} : memref<80x128xi32, #tpu.memory_space<vmem>>, vector<1x16xi32>,
    %get3A_531 = vector.shape_cast %get3A_530 : vector<1x16xi32> to vector<16xi32>
    %and3A_532 = arith.constant 16383 : i32
    %and3A_533 = vector.broadcast %and3A_532 : i32 to vector<16xi32>
    %and3A_534 = arith.andi %get3A_531, %and3A_533 : vector<16xi32>
    %swap3A_535 = arith.constant 48 : index
    %swap3A_536 = tpu.vector_load %arg8[%swap3A_535] {strides = array<i32>} : memref<128xi32, #tpu.memory_space<vmem>>, vector<16xi32>,
    %swap3A_537 = vector.shape_cast %swap3A_536 : vector<16xi32> to vector<16xi32>
    %swap3A_538 = vector.shape_cast %and3A_534 : vector<16xi32> to vector<16xi32>
    tpu.vector_store %arg8[%swap3A_535], %swap3A_538 {strides = array<i32>} : memref<128xi32, #tpu.memory_space<vmem>>, vector<16xi32>,
    %shift_right_logical3A_539 = arith.constant 14 : i32
    %shift_right_logical3A_540 = vector.broadcast %shift_right_logical3A_539 : i32 to vector<16xi32>
    %shift_right_logical3A_541 = arith.shrui %get3A_531, %shift_right_logical3A_540 : vector<16xi32>
    %swap3A_542 = arith.constant 48 : index
    %swap3A_543 = tpu.vector_load %arg12[%swap3A_542] {strides = array<i32>} : memref<128xi32, #tpu.memory_space<vmem>>, vector<16xi32>,
    %swap3A_544 = vector.shape_cast %swap3A_543 : vector<16xi32> to vector<16xi32>
    %swap3A_545 = vector.shape_cast %shift_right_logical3A_541 : vector<16xi32> to vector<16xi32>
    tpu.vector_store %arg12[%swap3A_542], %swap3A_545 {strides = array<i32>} : memref<128xi32, #tpu.memory_space<vmem>>, vector<16xi32>,
    %get3A_546 = arith.constant 3 : i32
    %get3A_547 = arith.index_cast %get3A_546 : i32 to index
    %get3A_548 = arith.constant 64 : index
    %get3A_549 = tpu.vector_load %arg7[%get3A_547, %get3A_548] {strides = array<i32>} : memref<80x128xi32, #tpu.memory_space<vmem>>, vector<1x16xi32>,
    %get3A_550 = vector.shape_cast %get3A_549 : vector<1x16xi32> to vector<16xi32>
    %and3A_551 = arith.constant 16383 : i32
    %and3A_552 = vector.broadcast %and3A_551 : i32 to vector<16xi32>
    %and3A_553 = arith.andi %get3A_550, %and3A_552 : vector<16xi32>
    %swap3A_554 = arith.constant 64 : index
    %swap3A_555 = tpu.vector_load %arg8[%swap3A_554] {strides = array<i32>} : memref<128xi32, #tpu.memory_space<vmem>>, vector<16xi32>,
    %swap3A_556 = vector.shape_cast %swap3A_555 : vector<16xi32> to vector<16xi32>
    %swap3A_557 = vector.shape_cast %and3A_553 : vector<16xi32> to vector<16xi32>
    tpu.vector_store %arg8[%swap3A_554], %swap3A_557 {strides = array<i32>} : memref<128xi32, #tpu.memory_space<vmem>>, vector<16xi32>,
    %shift_right_logical3A_558 = arith.constant 14 : i32
    %shift_right_logical3A_559 = vector.broadcast %shift_right_logical3A_558 : i32 to vector<16xi32>
    %shift_right_logical3A_560 = arith.shrui %get3A_550, %shift_right_logical3A_559 : vector<16xi32>
    %swap3A_561 = arith.constant 64 : index
    %swap3A_562 = tpu.vector_load %arg12[%swap3A_561] {strides = array<i32>} : memref<128xi32, #tpu.memory_space<vmem>>, vector<16xi32>,
    %swap3A_563 = vector.shape_cast %swap3A_562 : vector<16xi32> to vector<16xi32>
    %swap3A_564 = vector.shape_cast %shift_right_logical3A_560 : vector<16xi32> to vector<16xi32>
    tpu.vector_store %arg12[%swap3A_561], %swap3A_564 {strides = array<i32>} : memref<128xi32, #tpu.memory_space<vmem>>, vector<16xi32>,
    %get3A_565 = arith.constant 3 : i32
    %get3A_566 = arith.index_cast %get3A_565 : i32 to index
    %get3A_567 = arith.constant 80 : index
    %get3A_568 = tpu.vector_load %arg7[%get3A_566, %get3A_567] {strides = array<i32>} : memref<80x128xi32, #tpu.memory_space<vmem>>, vector<1x16xi32>,
    %get3A_569 = vector.shape_cast %get3A_568 : vector<1x16xi32> to vector<16xi32>
    %and3A_570 = arith.constant 16383 : i32
    %and3A_571 = vector.broadcast %and3A_570 : i32 to vector<16xi32>
    %and3A_572 = arith.andi %get3A_569, %and3A_571 : vector<16xi32>
    %swap3A_573 = arith.constant 80 : index
    %swap3A_574 = tpu.vector_load %arg8[%swap3A_573] {strides = array<i32>} : memref<128xi32, #tpu.memory_space<vmem>>, vector<16xi32>,
    %swap3A_575 = vector.shape_cast %swap3A_574 : vector<16xi32> to vector<16xi32>
    %swap3A_576 = vector.shape_cast %and3A_572 : vector<16xi32> to vector<16xi32>
    tpu.vector_store %arg8[%swap3A_573], %swap3A_576 {strides = array<i32>} : memref<128xi32, #tpu.memory_space<vmem>>, vector<16xi32>,
    %shift_right_logical3A_577 = arith.constant 14 : i32
    %shift_right_logical3A_578 = vector.broadcast %shift_right_logical3A_577 : i32 to vector<16xi32>
    %shift_right_logical3A_579 = arith.shrui %get3A_569, %shift_right_logical3A_578 : vector<16xi32>
    %swap3A_580 = arith.constant 80 : index
    %swap3A_581 = tpu.vector_load %arg12[%swap3A_580] {strides = array<i32>} : memref<128xi32, #tpu.memory_space<vmem>>, vector<16xi32>,
    %swap3A_582 = vector.shape_cast %swap3A_581 : vector<16xi32> to vector<16xi32>
    %swap3A_583 = vector.shape_cast %shift_right_logical3A_579 : vector<16xi32> to vector<16xi32>
    tpu.vector_store %arg12[%swap3A_580], %swap3A_583 {strides = array<i32>} : memref<128xi32, #tpu.memory_space<vmem>>, vector<16xi32>,
    %get3A_584 = arith.constant 3 : i32
    %get3A_585 = arith.index_cast %get3A_584 : i32 to index
    %get3A_586 = arith.constant 96 : index
    %get3A_587 = tpu.vector_load %arg7[%get3A_585, %get3A_586] {strides = array<i32>} : memref<80x128xi32, #tpu.memory_space<vmem>>, vector<1x16xi32>,
    %get3A_588 = vector.shape_cast %get3A_587 : vector<1x16xi32> to vector<16xi32>
    %and3A_589 = arith.constant 16383 : i32
    %and3A_590 = vector.broadcast %and3A_589 : i32 to vector<16xi32>
    %and3A_591 = arith.andi %get3A_588, %and3A_590 : vector<16xi32>
    %swap3A_592 = arith.constant 96 : index
    %swap3A_593 = tpu.vector_load %arg8[%swap3A_592] {strides = array<i32>} : memref<128xi32, #tpu.memory_space<vmem>>, vector<16xi32>,
    %swap3A_594 = vector.shape_cast %swap3A_593 : vector<16xi32> to vector<16xi32>
    %swap3A_595 = vector.shape_cast %and3A_591 : vector<16xi32> to vector<16xi32>
    tpu.vector_store %arg8[%swap3A_592], %swap3A_595 {strides = array<i32>} : memref<128xi32, #tpu.memory_space<vmem>>, vector<16xi32>,
    %shift_right_logical3A_596 = arith.constant 14 : i32
    %shift_right_logical3A_597 = vector.broadcast %shift_right_logical3A_596 : i32 to vector<16xi32>
    %shift_right_logical3A_598 = arith.shrui %get3A_588, %shift_right_logical3A_597 : vector<16xi32>
    %swap3A_599 = arith.constant 96 : index
    %swap3A_600 = tpu.vector_load %arg12[%swap3A_599] {strides = array<i32>} : memref<128xi32, #tpu.memory_space<vmem>>, vector<16xi32>,
    %swap3A_601 = vector.shape_cast %swap3A_600 : vector<16xi32> to vector<16xi32>
    %swap3A_602 = vector.shape_cast %shift_right_logical3A_598 : vector<16xi32> to vector<16xi32>
    tpu.vector_store %arg12[%swap3A_599], %swap3A_602 {strides = array<i32>} : memref<128xi32, #tpu.memory_space<vmem>>, vector<16xi32>,
    %get3A_603 = arith.constant 3 : i32
    %get3A_604 = arith.index_cast %get3A_603 : i32 to index
    %get3A_605 = arith.constant 112 : index
    %get3A_606 = tpu.vector_load %arg7[%get3A_604, %get3A_605] {strides = array<i32>} : memref<80x128xi32, #tpu.memory_space<vmem>>, vector<1x16xi32>,
    %get3A_607 = vector.shape_cast %get3A_606 : vector<1x16xi32> to vector<16xi32>
    %and3A_608 = arith.constant 16383 : i32
    %and3A_609 = vector.broadcast %and3A_608 : i32 to vector<16xi32>
    %and3A_610 = arith.andi %get3A_607, %and3A_609 : vector<16xi32>
    %swap3A_611 = arith.constant 112 : index
    %swap3A_612 = tpu.vector_load %arg8[%swap3A_611] {strides = array<i32>} : memref<128xi32, #tpu.memory_space<vmem>>, vector<16xi32>,
    %swap3A_613 = vector.shape_cast %swap3A_612 : vector<16xi32> to vector<16xi32>
    %swap3A_614 = vector.shape_cast %and3A_610 : vector<16xi32> to vector<16xi32>
    tpu.vector_store %arg8[%swap3A_611], %swap3A_614 {strides = array<i32>} : memref<128xi32, #tpu.memory_space<vmem>>, vector<16xi32>,
    %shift_right_logical3A_615 = arith.constant 14 : i32
    %shift_right_logical3A_616 = vector.broadcast %shift_right_logical3A_615 : i32 to vector<16xi32>
    %shift_right_logical3A_617 = arith.shrui %get3A_607, %shift_right_logical3A_616 : vector<16xi32>
    %swap3A_618 = arith.constant 112 : index
    %swap3A_619 = tpu.vector_load %arg12[%swap3A_618] {strides = array<i32>} : memref<128xi32, #tpu.memory_space<vmem>>, vector<16xi32>,
    %swap3A_620 = vector.shape_cast %swap3A_619 : vector<16xi32> to vector<16xi32>
    %swap3A_621 = vector.shape_cast %shift_right_logical3A_617 : vector<16xi32> to vector<16xi32>
    tpu.vector_store %arg12[%swap3A_618], %swap3A_621 {strides = array<i32>} : memref<128xi32, #tpu.memory_space<vmem>>, vector<16xi32>,
    %dma_start3A_622 = arith.constant 0 : i32
    %dma_start3A_623 = arith.constant 0 : i32
    %dma_start3A_624 = tpu.memref_slice %arg6[%dma_start3A_622, %dma_start3A_623] : memref<10240x128xf32, #tpu.memory_space<vmem_shared>> -> memref<10240x128xf32, #tpu.memory_space<vmem_shared>>
    tpu.enqueue_indirect_dma source(%arg13 : memref<128x128xf32, #tpu.memory_space<vmem>>) target(%dma_start3A_624 : memref<10240x128xf32, #tpu.memory_space<vmem_shared>>) offsets(%arg12 : memref<128xi32, #tpu.memory_space<vmem>>) semaphore(%arg17 : memref<!tpu.dma_semaphore, #tpu.memory_space<semaphore_mem>>) {add = true}
    %scan3A = arith.constant 0 : i32
    %scan3A_625 = arith.constant 20 : i32
    %scan3A_626 = arith.addi %scan3A, %scan3A_625 : i32
    %scan3A_627 = arith.constant 1 : i32
    scf.for %scan3A_630 = %scan3A to %scan3A_626 step %scan3A_627  : i32 {
      %mul3A_631 = arith.constant 4 : i32
      %mul3A_632 = arith.muli %mul3A_631, %scan3A_630 : i32
      %dma_wait3A_633 = arith.constant 0 : i32
      %dma_wait3A_634 = arith.constant 0 : i32
      %dma_wait3A_635 = tpu.memref_slice %arg6[%dma_wait3A_633, %dma_wait3A_634] : memref<10240x128xf32, #tpu.memory_space<vmem_shared>> -> memref<10240x128xf32, #tpu.memory_space<vmem_shared>>
      tpu.wait_indirect_dma semaphore(%arg14 : memref<!tpu.dma_semaphore, #tpu.memory_space<semaphore_mem>>) src(%arg13 : memref<128x128xf32, #tpu.memory_space<vmem>>) dst(%dma_wait3A_635 : memref<10240x128xf32, #tpu.memory_space<vmem_shared>>)
      %add3A_636 = arith.constant 4 : i32
      %add3A_637 = arith.addi %mul3A_632, %add3A_636 : i32
      %add3A_638 = arith.constant 0 : i32
      %add3A_639 = arith.addi %add3A_637, %add3A_638 : i32
      %lt3A = arith.constant 80 : i32
      %lt3A_640 = arith.cmpi slt, %add3A_639, %lt3A : i32
      %convert_element_type3A = arith.extui %lt3A_640 : i1 to i32
      %cond3A = arith.constant 0 : i32
      %cond3A_641 = arith.cmpi ne, %convert_element_type3A, %cond3A : i32
      scf.if %cond3A_641 {
        %add3A_678 = arith.constant 4 : i32
        %add3A_679 = arith.addi %mul3A_632, %add3A_678 : i32
        %add3A_680 = arith.constant 0 : i32
        %add3A_681 = arith.addi %add3A_679, %add3A_680 : i32
        %get3A_682 = arith.index_cast %add3A_681 : i32 to index
        %get3A_683 = arith.constant 0 : index
        %get3A_684 = tpu.vector_load %arg7[%get3A_682, %get3A_683] {strides = array<i32>} : memref<80x128xi32, #tpu.memory_space<vmem>>, vector<1x16xi32>,
        %get3A_685 = vector.shape_cast %get3A_684 : vector<1x16xi32> to vector<16xi32>
        %and3A_686 = arith.constant 16383 : i32
        %and3A_687 = vector.broadcast %and3A_686 : i32 to vector<16xi32>
        %and3A_688 = arith.andi %get3A_685, %and3A_687 : vector<16xi32>
        %swap3A_689 = arith.constant 0 : index
        %swap3A_690 = tpu.vector_load %arg8[%swap3A_689] {strides = array<i32>} : memref<128xi32, #tpu.memory_space<vmem>>, vector<16xi32>,
        %swap3A_691 = vector.shape_cast %swap3A_690 : vector<16xi32> to vector<16xi32>
        %swap3A_692 = vector.shape_cast %and3A_688 : vector<16xi32> to vector<16xi32>
        tpu.vector_store %arg8[%swap3A_689], %swap3A_692 {strides = array<i32>} : memref<128xi32, #tpu.memory_space<vmem>>, vector<16xi32>,
        %shift_right_logical3A_693 = arith.constant 14 : i32
        %shift_right_logical3A_694 = vector.broadcast %shift_right_logical3A_693 : i32 to vector<16xi32>
        %shift_right_logical3A_695 = arith.shrui %get3A_685, %shift_right_logical3A_694 : vector<16xi32>
        %swap3A_696 = arith.constant 0 : index
        %swap3A_697 = tpu.vector_load %arg9[%swap3A_696] {strides = array<i32>} : memref<128xi32, #tpu.memory_space<vmem>>, vector<16xi32>,
        %swap3A_698 = vector.shape_cast %swap3A_697 : vector<16xi32> to vector<16xi32>
        %swap3A_699 = vector.shape_cast %shift_right_logical3A_695 : vector<16xi32> to vector<16xi32>
        tpu.vector_store %arg9[%swap3A_696], %swap3A_699 {strides = array<i32>} : memref<128xi32, #tpu.memory_space<vmem>>, vector<16xi32>,
        %get3A_700 = arith.index_cast %add3A_681 : i32 to index
        %get3A_701 = arith.constant 16 : index
        %get3A_702 = tpu.vector_load %arg7[%get3A_700, %get3A_701] {strides = array<i32>} : memref<80x128xi32, #tpu.memory_space<vmem>>, vector<1x16xi32>,
        %get3A_703 = vector.shape_cast %get3A_702 : vector<1x16xi32> to vector<16xi32>
        %and3A_704 = arith.constant 16383 : i32
        %and3A_705 = vector.broadcast %and3A_704 : i32 to vector<16xi32>
        %and3A_706 = arith.andi %get3A_703, %and3A_705 : vector<16xi32>
        %swap3A_707 = arith.constant 16 : index
        %swap3A_708 = tpu.vector_load %arg8[%swap3A_707] {strides = array<i32>} : memref<128xi32, #tpu.memory_space<vmem>>, vector<16xi32>,
        %swap3A_709 = vector.shape_cast %swap3A_708 : vector<16xi32> to vector<16xi32>
        %swap3A_710 = vector.shape_cast %and3A_706 : vector<16xi32> to vector<16xi32>
        tpu.vector_store %arg8[%swap3A_707], %swap3A_710 {strides = array<i32>} : memref<128xi32, #tpu.memory_space<vmem>>, vector<16xi32>,
        %shift_right_logical3A_711 = arith.constant 14 : i32
        %shift_right_logical3A_712 = vector.broadcast %shift_right_logical3A_711 : i32 to vector<16xi32>
        %shift_right_logical3A_713 = arith.shrui %get3A_703, %shift_right_logical3A_712 : vector<16xi32>
        %swap3A_714 = arith.constant 16 : index
        %swap3A_715 = tpu.vector_load %arg9[%swap3A_714] {strides = array<i32>} : memref<128xi32, #tpu.memory_space<vmem>>, vector<16xi32>,
        %swap3A_716 = vector.shape_cast %swap3A_715 : vector<16xi32> to vector<16xi32>
        %swap3A_717 = vector.shape_cast %shift_right_logical3A_713 : vector<16xi32> to vector<16xi32>
        tpu.vector_store %arg9[%swap3A_714], %swap3A_717 {strides = array<i32>} : memref<128xi32, #tpu.memory_space<vmem>>, vector<16xi32>,
        %get3A_718 = arith.index_cast %add3A_681 : i32 to index
        %get3A_719 = arith.constant 32 : index
        %get3A_720 = tpu.vector_load %arg7[%get3A_718, %get3A_719] {strides = array<i32>} : memref<80x128xi32, #tpu.memory_space<vmem>>, vector<1x16xi32>,
        %get3A_721 = vector.shape_cast %get3A_720 : vector<1x16xi32> to vector<16xi32>
        %and3A_722 = arith.constant 16383 : i32
        %and3A_723 = vector.broadcast %and3A_722 : i32 to vector<16xi32>
        %and3A_724 = arith.andi %get3A_721, %and3A_723 : vector<16xi32>
        %swap3A_725 = arith.constant 32 : index
        %swap3A_726 = tpu.vector_load %arg8[%swap3A_725] {strides = array<i32>} : memref<128xi32, #tpu.memory_space<vmem>>, vector<16xi32>,
        %swap3A_727 = vector.shape_cast %swap3A_726 : vector<16xi32> to vector<16xi32>
        %swap3A_728 = vector.shape_cast %and3A_724 : vector<16xi32> to vector<16xi32>
        tpu.vector_store %arg8[%swap3A_725], %swap3A_728 {strides = array<i32>} : memref<128xi32, #tpu.memory_space<vmem>>, vector<16xi32>,
        %shift_right_logical3A_729 = arith.constant 14 : i32
        %shift_right_logical3A_730 = vector.broadcast %shift_right_logical3A_729 : i32 to vector<16xi32>
        %shift_right_logical3A_731 = arith.shrui %get3A_721, %shift_right_logical3A_730 : vector<16xi32>
        %swap3A_732 = arith.constant 32 : index
        %swap3A_733 = tpu.vector_load %arg9[%swap3A_732] {strides = array<i32>} : memref<128xi32, #tpu.memory_space<vmem>>, vector<16xi32>,
        %swap3A_734 = vector.shape_cast %swap3A_733 : vector<16xi32> to vector<16xi32>
        %swap3A_735 = vector.shape_cast %shift_right_logical3A_731 : vector<16xi32> to vector<16xi32>
        tpu.vector_store %arg9[%swap3A_732], %swap3A_735 {strides = array<i32>} : memref<128xi32, #tpu.memory_space<vmem>>, vector<16xi32>,
        %get3A_736 = arith.index_cast %add3A_681 : i32 to index
        %get3A_737 = arith.constant 48 : index
        %get3A_738 = tpu.vector_load %arg7[%get3A_736, %get3A_737] {strides = array<i32>} : memref<80x128xi32, #tpu.memory_space<vmem>>, vector<1x16xi32>,
        %get3A_739 = vector.shape_cast %get3A_738 : vector<1x16xi32> to vector<16xi32>
        %and3A_740 = arith.constant 16383 : i32
        %and3A_741 = vector.broadcast %and3A_740 : i32 to vector<16xi32>
        %and3A_742 = arith.andi %get3A_739, %and3A_741 : vector<16xi32>
        %swap3A_743 = arith.constant 48 : index
        %swap3A_744 = tpu.vector_load %arg8[%swap3A_743] {strides = array<i32>} : memref<128xi32, #tpu.memory_space<vmem>>, vector<16xi32>,
        %swap3A_745 = vector.shape_cast %swap3A_744 : vector<16xi32> to vector<16xi32>
        %swap3A_746 = vector.shape_cast %and3A_742 : vector<16xi32> to vector<16xi32>
        tpu.vector_store %arg8[%swap3A_743], %swap3A_746 {strides = array<i32>} : memref<128xi32, #tpu.memory_space<vmem>>, vector<16xi32>,
        %shift_right_logical3A_747 = arith.constant 14 : i32
        %shift_right_logical3A_748 = vector.broadcast %shift_right_logical3A_747 : i32 to vector<16xi32>
        %shift_right_logical3A_749 = arith.shrui %get3A_739, %shift_right_logical3A_748 : vector<16xi32>
        %swap3A_750 = arith.constant 48 : index
        %swap3A_751 = tpu.vector_load %arg9[%swap3A_750] {strides = array<i32>} : memref<128xi32, #tpu.memory_space<vmem>>, vector<16xi32>,
        %swap3A_752 = vector.shape_cast %swap3A_751 : vector<16xi32> to vector<16xi32>
        %swap3A_753 = vector.shape_cast %shift_right_logical3A_749 : vector<16xi32> to vector<16xi32>
        tpu.vector_store %arg9[%swap3A_750], %swap3A_753 {strides = array<i32>} : memref<128xi32, #tpu.memory_space<vmem>>, vector<16xi32>,
        %get3A_754 = arith.index_cast %add3A_681 : i32 to index
        %get3A_755 = arith.constant 64 : index
        %get3A_756 = tpu.vector_load %arg7[%get3A_754, %get3A_755] {strides = array<i32>} : memref<80x128xi32, #tpu.memory_space<vmem>>, vector<1x16xi32>,
        %get3A_757 = vector.shape_cast %get3A_756 : vector<1x16xi32> to vector<16xi32>
        %and3A_758 = arith.constant 16383 : i32
        %and3A_759 = vector.broadcast %and3A_758 : i32 to vector<16xi32>
        %and3A_760 = arith.andi %get3A_757, %and3A_759 : vector<16xi32>
        %swap3A_761 = arith.constant 64 : index
        %swap3A_762 = tpu.vector_load %arg8[%swap3A_761] {strides = array<i32>} : memref<128xi32, #tpu.memory_space<vmem>>, vector<16xi32>,
        %swap3A_763 = vector.shape_cast %swap3A_762 : vector<16xi32> to vector<16xi32>
        %swap3A_764 = vector.shape_cast %and3A_760 : vector<16xi32> to vector<16xi32>
        tpu.vector_store %arg8[%swap3A_761], %swap3A_764 {strides = array<i32>} : memref<128xi32, #tpu.memory_space<vmem>>, vector<16xi32>,
        %shift_right_logical3A_765 = arith.constant 14 : i32
        %shift_right_logical3A_766 = vector.broadcast %shift_right_logical3A_765 : i32 to vector<16xi32>
        %shift_right_logical3A_767 = arith.shrui %get3A_757, %shift_right_logical3A_766 : vector<16xi32>
        %swap3A_768 = arith.constant 64 : index
        %swap3A_769 = tpu.vector_load %arg9[%swap3A_768] {strides = array<i32>} : memref<128xi32, #tpu.memory_space<vmem>>, vector<16xi32>,
        %swap3A_770 = vector.shape_cast %swap3A_769 : vector<16xi32> to vector<16xi32>
        %swap3A_771 = vector.shape_cast %shift_right_logical3A_767 : vector<16xi32> to vector<16xi32>
        tpu.vector_store %arg9[%swap3A_768], %swap3A_771 {strides = array<i32>} : memref<128xi32, #tpu.memory_space<vmem>>, vector<16xi32>,
        %get3A_772 = arith.index_cast %add3A_681 : i32 to index
        %get3A_773 = arith.constant 80 : index
        %get3A_774 = tpu.vector_load %arg7[%get3A_772, %get3A_773] {strides = array<i32>} : memref<80x128xi32, #tpu.memory_space<vmem>>, vector<1x16xi32>,
        %get3A_775 = vector.shape_cast %get3A_774 : vector<1x16xi32> to vector<16xi32>
        %and3A_776 = arith.constant 16383 : i32
        %and3A_777 = vector.broadcast %and3A_776 : i32 to vector<16xi32>
        %and3A_778 = arith.andi %get3A_775, %and3A_777 : vector<16xi32>
        %swap3A_779 = arith.constant 80 : index
        %swap3A_780 = tpu.vector_load %arg8[%swap3A_779] {strides = array<i32>} : memref<128xi32, #tpu.memory_space<vmem>>, vector<16xi32>,
        %swap3A_781 = vector.shape_cast %swap3A_780 : vector<16xi32> to vector<16xi32>
        %swap3A_782 = vector.shape_cast %and3A_778 : vector<16xi32> to vector<16xi32>
        tpu.vector_store %arg8[%swap3A_779], %swap3A_782 {strides = array<i32>} : memref<128xi32, #tpu.memory_space<vmem>>, vector<16xi32>,
        %shift_right_logical3A_783 = arith.constant 14 : i32
        %shift_right_logical3A_784 = vector.broadcast %shift_right_logical3A_783 : i32 to vector<16xi32>
        %shift_right_logical3A_785 = arith.shrui %get3A_775, %shift_right_logical3A_784 : vector<16xi32>
        %swap3A_786 = arith.constant 80 : index
        %swap3A_787 = tpu.vector_load %arg9[%swap3A_786] {strides = array<i32>} : memref<128xi32, #tpu.memory_space<vmem>>, vector<16xi32>,
        %swap3A_788 = vector.shape_cast %swap3A_787 : vector<16xi32> to vector<16xi32>
        %swap3A_789 = vector.shape_cast %shift_right_logical3A_785 : vector<16xi32> to vector<16xi32>
        tpu.vector_store %arg9[%swap3A_786], %swap3A_789 {strides = array<i32>} : memref<128xi32, #tpu.memory_space<vmem>>, vector<16xi32>,
        %get3A_790 = arith.index_cast %add3A_681 : i32 to index
        %get3A_791 = arith.constant 96 : index
        %get3A_792 = tpu.vector_load %arg7[%get3A_790, %get3A_791] {strides = array<i32>} : memref<80x128xi32, #tpu.memory_space<vmem>>, vector<1x16xi32>,
        %get3A_793 = vector.shape_cast %get3A_792 : vector<1x16xi32> to vector<16xi32>
        %and3A_794 = arith.constant 16383 : i32
        %and3A_795 = vector.broadcast %and3A_794 : i32 to vector<16xi32>
        %and3A_796 = arith.andi %get3A_793, %and3A_795 : vector<16xi32>
        %swap3A_797 = arith.constant 96 : index
        %swap3A_798 = tpu.vector_load %arg8[%swap3A_797] {strides = array<i32>} : memref<128xi32, #tpu.memory_space<vmem>>, vector<16xi32>,
        %swap3A_799 = vector.shape_cast %swap3A_798 : vector<16xi32> to vector<16xi32>
        %swap3A_800 = vector.shape_cast %and3A_796 : vector<16xi32> to vector<16xi32>
        tpu.vector_store %arg8[%swap3A_797], %swap3A_800 {strides = array<i32>} : memref<128xi32, #tpu.memory_space<vmem>>, vector<16xi32>,
        %shift_right_logical3A_801 = arith.constant 14 : i32
        %shift_right_logical3A_802 = vector.broadcast %shift_right_logical3A_801 : i32 to vector<16xi32>
        %shift_right_logical3A_803 = arith.shrui %get3A_793, %shift_right_logical3A_802 : vector<16xi32>
        %swap3A_804 = arith.constant 96 : index
        %swap3A_805 = tpu.vector_load %arg9[%swap3A_804] {strides = array<i32>} : memref<128xi32, #tpu.memory_space<vmem>>, vector<16xi32>,
        %swap3A_806 = vector.shape_cast %swap3A_805 : vector<16xi32> to vector<16xi32>
        %swap3A_807 = vector.shape_cast %shift_right_logical3A_803 : vector<16xi32> to vector<16xi32>
        tpu.vector_store %arg9[%swap3A_804], %swap3A_807 {strides = array<i32>} : memref<128xi32, #tpu.memory_space<vmem>>, vector<16xi32>,
        %get3A_808 = arith.index_cast %add3A_681 : i32 to index
        %get3A_809 = arith.constant 112 : index
        %get3A_810 = tpu.vector_load %arg7[%get3A_808, %get3A_809] {strides = array<i32>} : memref<80x128xi32, #tpu.memory_space<vmem>>, vector<1x16xi32>,
        %get3A_811 = vector.shape_cast %get3A_810 : vector<1x16xi32> to vector<16xi32>
        %and3A_812 = arith.constant 16383 : i32
        %and3A_813 = vector.broadcast %and3A_812 : i32 to vector<16xi32>
        %and3A_814 = arith.andi %get3A_811, %and3A_813 : vector<16xi32>
        %swap3A_815 = arith.constant 112 : index
        %swap3A_816 = tpu.vector_load %arg8[%swap3A_815] {strides = array<i32>} : memref<128xi32, #tpu.memory_space<vmem>>, vector<16xi32>,
        %swap3A_817 = vector.shape_cast %swap3A_816 : vector<16xi32> to vector<16xi32>
        %swap3A_818 = vector.shape_cast %and3A_814 : vector<16xi32> to vector<16xi32>
        tpu.vector_store %arg8[%swap3A_815], %swap3A_818 {strides = array<i32>} : memref<128xi32, #tpu.memory_space<vmem>>, vector<16xi32>,
        %shift_right_logical3A_819 = arith.constant 14 : i32
        %shift_right_logical3A_820 = vector.broadcast %shift_right_logical3A_819 : i32 to vector<16xi32>
        %shift_right_logical3A_821 = arith.shrui %get3A_811, %shift_right_logical3A_820 : vector<16xi32>
        %swap3A_822 = arith.constant 112 : index
        %swap3A_823 = tpu.vector_load %arg9[%swap3A_822] {strides = array<i32>} : memref<128xi32, #tpu.memory_space<vmem>>, vector<16xi32>,
        %swap3A_824 = vector.shape_cast %swap3A_823 : vector<16xi32> to vector<16xi32>
        %swap3A_825 = vector.shape_cast %shift_right_logical3A_821 : vector<16xi32> to vector<16xi32>
        tpu.vector_store %arg9[%swap3A_822], %swap3A_825 {strides = array<i32>} : memref<128xi32, #tpu.memory_space<vmem>>, vector<16xi32>,
        %dma_start3A_826 = arith.constant 0 : i32
        %dma_start3A_827 = arith.constant 0 : i32
        %dma_start3A_828 = tpu.memref_slice %arg6[%dma_start3A_826, %dma_start3A_827] : memref<10240x128xf32, #tpu.memory_space<vmem_shared>> -> memref<10240x128xf32, #tpu.memory_space<vmem_shared>>
        tpu.enqueue_indirect_dma source(%arg13 : memref<128x128xf32, #tpu.memory_space<vmem>>) target(%dma_start3A_828 : memref<10240x128xf32, #tpu.memory_space<vmem_shared>>) offsets(%arg9 : memref<128xi32, #tpu.memory_space<vmem>>) semaphore(%arg14 : memref<!tpu.dma_semaphore, #tpu.memory_space<semaphore_mem>>) {add = true}
      } else {
      }
      %dma_wait3A_642 = arith.constant 0 : i32
      %dma_wait3A_643 = arith.constant 0 : i32
      %dma_wait3A_644 = tpu.memref_slice %arg6[%dma_wait3A_642, %dma_wait3A_643] : memref<10240x128xf32, #tpu.memory_space<vmem_shared>> -> memref<10240x128xf32, #tpu.memory_space<vmem_shared>>
      tpu.wait_indirect_dma semaphore(%arg15 : memref<!tpu.dma_semaphore, #tpu.memory_space<semaphore_mem>>) src(%arg13 : memref<128x128xf32, #tpu.memory_space<vmem>>) dst(%dma_wait3A_644 : memref<10240x128xf32, #tpu.memory_space<vmem_shared>>)
      %add3A_645 = arith.constant 4 : i32
      %add3A_646 = arith.addi %mul3A_632, %add3A_645 : i32
      %add3A_647 = arith.constant 1 : i32
      %add3A_648 = arith.addi %add3A_646, %add3A_647 : i32
      %lt3A_649 = arith.constant 80 : i32
      %lt3A_650 = arith.cmpi slt, %add3A_648, %lt3A_649 : i32
      %convert_element_type3A_651 = arith.extui %lt3A_650 : i1 to i32
      %cond3A_652 = arith.constant 0 : i32
      %cond3A_653 = arith.cmpi ne, %convert_element_type3A_651, %cond3A_652 : i32
      scf.if %cond3A_653 {
        %add3A_678 = arith.constant 4 : i32
        %add3A_679 = arith.addi %mul3A_632, %add3A_678 : i32
        %add3A_680 = arith.constant 1 : i32
        %add3A_681 = arith.addi %add3A_679, %add3A_680 : i32
        %get3A_682 = arith.index_cast %add3A_681 : i32 to index
        %get3A_683 = arith.constant 0 : index
        %get3A_684 = tpu.vector_load %arg7[%get3A_682, %get3A_683] {strides = array<i32>} : memref<80x128xi32, #tpu.memory_space<vmem>>, vector<1x16xi32>,
        %get3A_685 = vector.shape_cast %get3A_684 : vector<1x16xi32> to vector<16xi32>
        %and3A_686 = arith.constant 16383 : i32
        %and3A_687 = vector.broadcast %and3A_686 : i32 to vector<16xi32>
        %and3A_688 = arith.andi %get3A_685, %and3A_687 : vector<16xi32>
        %swap3A_689 = arith.constant 0 : index
        %swap3A_690 = tpu.vector_load %arg8[%swap3A_689] {strides = array<i32>} : memref<128xi32, #tpu.memory_space<vmem>>, vector<16xi32>,
        %swap3A_691 = vector.shape_cast %swap3A_690 : vector<16xi32> to vector<16xi32>
        %swap3A_692 = vector.shape_cast %and3A_688 : vector<16xi32> to vector<16xi32>
        tpu.vector_store %arg8[%swap3A_689], %swap3A_692 {strides = array<i32>} : memref<128xi32, #tpu.memory_space<vmem>>, vector<16xi32>,
        %shift_right_logical3A_693 = arith.constant 14 : i32
        %shift_right_logical3A_694 = vector.broadcast %shift_right_logical3A_693 : i32 to vector<16xi32>
        %shift_right_logical3A_695 = arith.shrui %get3A_685, %shift_right_logical3A_694 : vector<16xi32>
        %swap3A_696 = arith.constant 0 : index
        %swap3A_697 = tpu.vector_load %arg10[%swap3A_696] {strides = array<i32>} : memref<128xi32, #tpu.memory_space<vmem>>, vector<16xi32>,
        %swap3A_698 = vector.shape_cast %swap3A_697 : vector<16xi32> to vector<16xi32>
        %swap3A_699 = vector.shape_cast %shift_right_logical3A_695 : vector<16xi32> to vector<16xi32>
        tpu.vector_store %arg10[%swap3A_696], %swap3A_699 {strides = array<i32>} : memref<128xi32, #tpu.memory_space<vmem>>, vector<16xi32>,
        %get3A_700 = arith.index_cast %add3A_681 : i32 to index
        %get3A_701 = arith.constant 16 : index
        %get3A_702 = tpu.vector_load %arg7[%get3A_700, %get3A_701] {strides = array<i32>} : memref<80x128xi32, #tpu.memory_space<vmem>>, vector<1x16xi32>,
        %get3A_703 = vector.shape_cast %get3A_702 : vector<1x16xi32> to vector<16xi32>
        %and3A_704 = arith.constant 16383 : i32
        %and3A_705 = vector.broadcast %and3A_704 : i32 to vector<16xi32>
        %and3A_706 = arith.andi %get3A_703, %and3A_705 : vector<16xi32>
        %swap3A_707 = arith.constant 16 : index
        %swap3A_708 = tpu.vector_load %arg8[%swap3A_707] {strides = array<i32>} : memref<128xi32, #tpu.memory_space<vmem>>, vector<16xi32>,
        %swap3A_709 = vector.shape_cast %swap3A_708 : vector<16xi32> to vector<16xi32>
        %swap3A_710 = vector.shape_cast %and3A_706 : vector<16xi32> to vector<16xi32>
        tpu.vector_store %arg8[%swap3A_707], %swap3A_710 {strides = array<i32>} : memref<128xi32, #tpu.memory_space<vmem>>, vector<16xi32>,
        %shift_right_logical3A_711 = arith.constant 14 : i32
        %shift_right_logical3A_712 = vector.broadcast %shift_right_logical3A_711 : i32 to vector<16xi32>
        %shift_right_logical3A_713 = arith.shrui %get3A_703, %shift_right_logical3A_712 : vector<16xi32>
        %swap3A_714 = arith.constant 16 : index
        %swap3A_715 = tpu.vector_load %arg10[%swap3A_714] {strides = array<i32>} : memref<128xi32, #tpu.memory_space<vmem>>, vector<16xi32>,
        %swap3A_716 = vector.shape_cast %swap3A_715 : vector<16xi32> to vector<16xi32>
        %swap3A_717 = vector.shape_cast %shift_right_logical3A_713 : vector<16xi32> to vector<16xi32>
        tpu.vector_store %arg10[%swap3A_714], %swap3A_717 {strides = array<i32>} : memref<128xi32, #tpu.memory_space<vmem>>, vector<16xi32>,
        %get3A_718 = arith.index_cast %add3A_681 : i32 to index
        %get3A_719 = arith.constant 32 : index
        %get3A_720 = tpu.vector_load %arg7[%get3A_718, %get3A_719] {strides = array<i32>} : memref<80x128xi32, #tpu.memory_space<vmem>>, vector<1x16xi32>,
        %get3A_721 = vector.shape_cast %get3A_720 : vector<1x16xi32> to vector<16xi32>
        %and3A_722 = arith.constant 16383 : i32
        %and3A_723 = vector.broadcast %and3A_722 : i32 to vector<16xi32>
        %and3A_724 = arith.andi %get3A_721, %and3A_723 : vector<16xi32>
        %swap3A_725 = arith.constant 32 : index
        %swap3A_726 = tpu.vector_load %arg8[%swap3A_725] {strides = array<i32>} : memref<128xi32, #tpu.memory_space<vmem>>, vector<16xi32>,
        %swap3A_727 = vector.shape_cast %swap3A_726 : vector<16xi32> to vector<16xi32>
        %swap3A_728 = vector.shape_cast %and3A_724 : vector<16xi32> to vector<16xi32>
        tpu.vector_store %arg8[%swap3A_725], %swap3A_728 {strides = array<i32>} : memref<128xi32, #tpu.memory_space<vmem>>, vector<16xi32>,
        %shift_right_logical3A_729 = arith.constant 14 : i32
        %shift_right_logical3A_730 = vector.broadcast %shift_right_logical3A_729 : i32 to vector<16xi32>
        %shift_right_logical3A_731 = arith.shrui %get3A_721, %shift_right_logical3A_730 : vector<16xi32>
        %swap3A_732 = arith.constant 32 : index
        %swap3A_733 = tpu.vector_load %arg10[%swap3A_732] {strides = array<i32>} : memref<128xi32, #tpu.memory_space<vmem>>, vector<16xi32>,
        %swap3A_734 = vector.shape_cast %swap3A_733 : vector<16xi32> to vector<16xi32>
        %swap3A_735 = vector.shape_cast %shift_right_logical3A_731 : vector<16xi32> to vector<16xi32>
        tpu.vector_store %arg10[%swap3A_732], %swap3A_735 {strides = array<i32>} : memref<128xi32, #tpu.memory_space<vmem>>, vector<16xi32>,
        %get3A_736 = arith.index_cast %add3A_681 : i32 to index
        %get3A_737 = arith.constant 48 : index
        %get3A_738 = tpu.vector_load %arg7[%get3A_736, %get3A_737] {strides = array<i32>} : memref<80x128xi32, #tpu.memory_space<vmem>>, vector<1x16xi32>,
        %get3A_739 = vector.shape_cast %get3A_738 : vector<1x16xi32> to vector<16xi32>
        %and3A_740 = arith.constant 16383 : i32
        %and3A_741 = vector.broadcast %and3A_740 : i32 to vector<16xi32>
        %and3A_742 = arith.andi %get3A_739, %and3A_741 : vector<16xi32>
        %swap3A_743 = arith.constant 48 : index
        %swap3A_744 = tpu.vector_load %arg8[%swap3A_743] {strides = array<i32>} : memref<128xi32, #tpu.memory_space<vmem>>, vector<16xi32>,
        %swap3A_745 = vector.shape_cast %swap3A_744 : vector<16xi32> to vector<16xi32>
        %swap3A_746 = vector.shape_cast %and3A_742 : vector<16xi32> to vector<16xi32>
        tpu.vector_store %arg8[%swap3A_743], %swap3A_746 {strides = array<i32>} : memref<128xi32, #tpu.memory_space<vmem>>, vector<16xi32>,
        %shift_right_logical3A_747 = arith.constant 14 : i32
        %shift_right_logical3A_748 = vector.broadcast %shift_right_logical3A_747 : i32 to vector<16xi32>
        %shift_right_logical3A_749 = arith.shrui %get3A_739, %shift_right_logical3A_748 : vector<16xi32>
        %swap3A_750 = arith.constant 48 : index
        %swap3A_751 = tpu.vector_load %arg10[%swap3A_750] {strides = array<i32>} : memref<128xi32, #tpu.memory_space<vmem>>, vector<16xi32>,
        %swap3A_752 = vector.shape_cast %swap3A_751 : vector<16xi32> to vector<16xi32>
        %swap3A_753 = vector.shape_cast %shift_right_logical3A_749 : vector<16xi32> to vector<16xi32>
        tpu.vector_store %arg10[%swap3A_750], %swap3A_753 {strides = array<i32>} : memref<128xi32, #tpu.memory_space<vmem>>, vector<16xi32>,
        %get3A_754 = arith.index_cast %add3A_681 : i32 to index
        %get3A_755 = arith.constant 64 : index
        %get3A_756 = tpu.vector_load %arg7[%get3A_754, %get3A_755] {strides = array<i32>} : memref<80x128xi32, #tpu.memory_space<vmem>>, vector<1x16xi32>,
        %get3A_757 = vector.shape_cast %get3A_756 : vector<1x16xi32> to vector<16xi32>
        %and3A_758 = arith.constant 16383 : i32
        %and3A_759 = vector.broadcast %and3A_758 : i32 to vector<16xi32>
        %and3A_760 = arith.andi %get3A_757, %and3A_759 : vector<16xi32>
        %swap3A_761 = arith.constant 64 : index
        %swap3A_762 = tpu.vector_load %arg8[%swap3A_761] {strides = array<i32>} : memref<128xi32, #tpu.memory_space<vmem>>, vector<16xi32>,
        %swap3A_763 = vector.shape_cast %swap3A_762 : vector<16xi32> to vector<16xi32>
        %swap3A_764 = vector.shape_cast %and3A_760 : vector<16xi32> to vector<16xi32>
        tpu.vector_store %arg8[%swap3A_761], %swap3A_764 {strides = array<i32>} : memref<128xi32, #tpu.memory_space<vmem>>, vector<16xi32>,
        %shift_right_logical3A_765 = arith.constant 14 : i32
        %shift_right_logical3A_766 = vector.broadcast %shift_right_logical3A_765 : i32 to vector<16xi32>
        %shift_right_logical3A_767 = arith.shrui %get3A_757, %shift_right_logical3A_766 : vector<16xi32>
        %swap3A_768 = arith.constant 64 : index
        %swap3A_769 = tpu.vector_load %arg10[%swap3A_768] {strides = array<i32>} : memref<128xi32, #tpu.memory_space<vmem>>, vector<16xi32>,
        %swap3A_770 = vector.shape_cast %swap3A_769 : vector<16xi32> to vector<16xi32>
        %swap3A_771 = vector.shape_cast %shift_right_logical3A_767 : vector<16xi32> to vector<16xi32>
        tpu.vector_store %arg10[%swap3A_768], %swap3A_771 {strides = array<i32>} : memref<128xi32, #tpu.memory_space<vmem>>, vector<16xi32>,
        %get3A_772 = arith.index_cast %add3A_681 : i32 to index
        %get3A_773 = arith.constant 80 : index
        %get3A_774 = tpu.vector_load %arg7[%get3A_772, %get3A_773] {strides = array<i32>} : memref<80x128xi32, #tpu.memory_space<vmem>>, vector<1x16xi32>,
        %get3A_775 = vector.shape_cast %get3A_774 : vector<1x16xi32> to vector<16xi32>
        %and3A_776 = arith.constant 16383 : i32
        %and3A_777 = vector.broadcast %and3A_776 : i32 to vector<16xi32>
        %and3A_778 = arith.andi %get3A_775, %and3A_777 : vector<16xi32>
        %swap3A_779 = arith.constant 80 : index
        %swap3A_780 = tpu.vector_load %arg8[%swap3A_779] {strides = array<i32>} : memref<128xi32, #tpu.memory_space<vmem>>, vector<16xi32>,
        %swap3A_781 = vector.shape_cast %swap3A_780 : vector<16xi32> to vector<16xi32>
        %swap3A_782 = vector.shape_cast %and3A_778 : vector<16xi32> to vector<16xi32>
        tpu.vector_store %arg8[%swap3A_779], %swap3A_782 {strides = array<i32>} : memref<128xi32, #tpu.memory_space<vmem>>, vector<16xi32>,
        %shift_right_logical3A_783 = arith.constant 14 : i32
        %shift_right_logical3A_784 = vector.broadcast %shift_right_logical3A_783 : i32 to vector<16xi32>
        %shift_right_logical3A_785 = arith.shrui %get3A_775, %shift_right_logical3A_784 : vector<16xi32>
        %swap3A_786 = arith.constant 80 : index
        %swap3A_787 = tpu.vector_load %arg10[%swap3A_786] {strides = array<i32>} : memref<128xi32, #tpu.memory_space<vmem>>, vector<16xi32>,
        %swap3A_788 = vector.shape_cast %swap3A_787 : vector<16xi32> to vector<16xi32>
        %swap3A_789 = vector.shape_cast %shift_right_logical3A_785 : vector<16xi32> to vector<16xi32>
        tpu.vector_store %arg10[%swap3A_786], %swap3A_789 {strides = array<i32>} : memref<128xi32, #tpu.memory_space<vmem>>, vector<16xi32>,
        %get3A_790 = arith.index_cast %add3A_681 : i32 to index
        %get3A_791 = arith.constant 96 : index
        %get3A_792 = tpu.vector_load %arg7[%get3A_790, %get3A_791] {strides = array<i32>} : memref<80x128xi32, #tpu.memory_space<vmem>>, vector<1x16xi32>,
        %get3A_793 = vector.shape_cast %get3A_792 : vector<1x16xi32> to vector<16xi32>
        %and3A_794 = arith.constant 16383 : i32
        %and3A_795 = vector.broadcast %and3A_794 : i32 to vector<16xi32>
        %and3A_796 = arith.andi %get3A_793, %and3A_795 : vector<16xi32>
        %swap3A_797 = arith.constant 96 : index
        %swap3A_798 = tpu.vector_load %arg8[%swap3A_797] {strides = array<i32>} : memref<128xi32, #tpu.memory_space<vmem>>, vector<16xi32>,
        %swap3A_799 = vector.shape_cast %swap3A_798 : vector<16xi32> to vector<16xi32>
        %swap3A_800 = vector.shape_cast %and3A_796 : vector<16xi32> to vector<16xi32>
        tpu.vector_store %arg8[%swap3A_797], %swap3A_800 {strides = array<i32>} : memref<128xi32, #tpu.memory_space<vmem>>, vector<16xi32>,
        %shift_right_logical3A_801 = arith.constant 14 : i32
        %shift_right_logical3A_802 = vector.broadcast %shift_right_logical3A_801 : i32 to vector<16xi32>
        %shift_right_logical3A_803 = arith.shrui %get3A_793, %shift_right_logical3A_802 : vector<16xi32>
        %swap3A_804 = arith.constant 96 : index
        %swap3A_805 = tpu.vector_load %arg10[%swap3A_804] {strides = array<i32>} : memref<128xi32, #tpu.memory_space<vmem>>, vector<16xi32>,
        %swap3A_806 = vector.shape_cast %swap3A_805 : vector<16xi32> to vector<16xi32>
        %swap3A_807 = vector.shape_cast %shift_right_logical3A_803 : vector<16xi32> to vector<16xi32>
        tpu.vector_store %arg10[%swap3A_804], %swap3A_807 {strides = array<i32>} : memref<128xi32, #tpu.memory_space<vmem>>, vector<16xi32>,
        %get3A_808 = arith.index_cast %add3A_681 : i32 to index
        %get3A_809 = arith.constant 112 : index
        %get3A_810 = tpu.vector_load %arg7[%get3A_808, %get3A_809] {strides = array<i32>} : memref<80x128xi32, #tpu.memory_space<vmem>>, vector<1x16xi32>,
        %get3A_811 = vector.shape_cast %get3A_810 : vector<1x16xi32> to vector<16xi32>
        %and3A_812 = arith.constant 16383 : i32
        %and3A_813 = vector.broadcast %and3A_812 : i32 to vector<16xi32>
        %and3A_814 = arith.andi %get3A_811, %and3A_813 : vector<16xi32>
        %swap3A_815 = arith.constant 112 : index
        %swap3A_816 = tpu.vector_load %arg8[%swap3A_815] {strides = array<i32>} : memref<128xi32, #tpu.memory_space<vmem>>, vector<16xi32>,
        %swap3A_817 = vector.shape_cast %swap3A_816 : vector<16xi32> to vector<16xi32>
        %swap3A_818 = vector.shape_cast %and3A_814 : vector<16xi32> to vector<16xi32>
        tpu.vector_store %arg8[%swap3A_815], %swap3A_818 {strides = array<i32>} : memref<128xi32, #tpu.memory_space<vmem>>, vector<16xi32>,
        %shift_right_logical3A_819 = arith.constant 14 : i32
        %shift_right_logical3A_820 = vector.broadcast %shift_right_logical3A_819 : i32 to vector<16xi32>
        %shift_right_logical3A_821 = arith.shrui %get3A_811, %shift_right_logical3A_820 : vector<16xi32>
        %swap3A_822 = arith.constant 112 : index
        %swap3A_823 = tpu.vector_load %arg10[%swap3A_822] {strides = array<i32>} : memref<128xi32, #tpu.memory_space<vmem>>, vector<16xi32>,
        %swap3A_824 = vector.shape_cast %swap3A_823 : vector<16xi32> to vector<16xi32>
        %swap3A_825 = vector.shape_cast %shift_right_logical3A_821 : vector<16xi32> to vector<16xi32>
        tpu.vector_store %arg10[%swap3A_822], %swap3A_825 {strides = array<i32>} : memref<128xi32, #tpu.memory_space<vmem>>, vector<16xi32>,
        %dma_start3A_826 = arith.constant 0 : i32
        %dma_start3A_827 = arith.constant 0 : i32
        %dma_start3A_828 = tpu.memref_slice %arg6[%dma_start3A_826, %dma_start3A_827] : memref<10240x128xf32, #tpu.memory_space<vmem_shared>> -> memref<10240x128xf32, #tpu.memory_space<vmem_shared>>
        tpu.enqueue_indirect_dma source(%arg13 : memref<128x128xf32, #tpu.memory_space<vmem>>) target(%dma_start3A_828 : memref<10240x128xf32, #tpu.memory_space<vmem_shared>>) offsets(%arg10 : memref<128xi32, #tpu.memory_space<vmem>>) semaphore(%arg15 : memref<!tpu.dma_semaphore, #tpu.memory_space<semaphore_mem>>) {add = true}
      } else {
      }
      %dma_wait3A_654 = arith.constant 0 : i32
      %dma_wait3A_655 = arith.constant 0 : i32
      %dma_wait3A_656 = tpu.memref_slice %arg6[%dma_wait3A_654, %dma_wait3A_655] : memref<10240x128xf32, #tpu.memory_space<vmem_shared>> -> memref<10240x128xf32, #tpu.memory_space<vmem_shared>>
      tpu.wait_indirect_dma semaphore(%arg16 : memref<!tpu.dma_semaphore, #tpu.memory_space<semaphore_mem>>) src(%arg13 : memref<128x128xf32, #tpu.memory_space<vmem>>) dst(%dma_wait3A_656 : memref<10240x128xf32, #tpu.memory_space<vmem_shared>>)
      %add3A_657 = arith.constant 4 : i32
      %add3A_658 = arith.addi %mul3A_632, %add3A_657 : i32
      %add3A_659 = arith.constant 2 : i32
      %add3A_660 = arith.addi %add3A_658, %add3A_659 : i32
      %lt3A_661 = arith.constant 80 : i32
      %lt3A_662 = arith.cmpi slt, %add3A_660, %lt3A_661 : i32
      %convert_element_type3A_663 = arith.extui %lt3A_662 : i1 to i32
      %cond3A_664 = arith.constant 0 : i32
      %cond3A_665 = arith.cmpi ne, %convert_element_type3A_663, %cond3A_664 : i32
      scf.if %cond3A_665 {
        %add3A_678 = arith.constant 4 : i32
        %add3A_679 = arith.addi %mul3A_632, %add3A_678 : i32
        %add3A_680 = arith.constant 2 : i32
        %add3A_681 = arith.addi %add3A_679, %add3A_680 : i32
        %get3A_682 = arith.index_cast %add3A_681 : i32 to index
        %get3A_683 = arith.constant 0 : index
        %get3A_684 = tpu.vector_load %arg7[%get3A_682, %get3A_683] {strides = array<i32>} : memref<80x128xi32, #tpu.memory_space<vmem>>, vector<1x16xi32>,
        %get3A_685 = vector.shape_cast %get3A_684 : vector<1x16xi32> to vector<16xi32>
        %and3A_686 = arith.constant 16383 : i32
        %and3A_687 = vector.broadcast %and3A_686 : i32 to vector<16xi32>
        %and3A_688 = arith.andi %get3A_685, %and3A_687 : vector<16xi32>
        %swap3A_689 = arith.constant 0 : index
        %swap3A_690 = tpu.vector_load %arg8[%swap3A_689] {strides = array<i32>} : memref<128xi32, #tpu.memory_space<vmem>>, vector<16xi32>,
        %swap3A_691 = vector.shape_cast %swap3A_690 : vector<16xi32> to vector<16xi32>
        %swap3A_692 = vector.shape_cast %and3A_688 : vector<16xi32> to vector<16xi32>
        tpu.vector_store %arg8[%swap3A_689], %swap3A_692 {strides = array<i32>} : memref<128xi32, #tpu.memory_space<vmem>>, vector<16xi32>,
        %shift_right_logical3A_693 = arith.constant 14 : i32
        %shift_right_logical3A_694 = vector.broadcast %shift_right_logical3A_693 : i32 to vector<16xi32>
        %shift_right_logical3A_695 = arith.shrui %get3A_685, %shift_right_logical3A_694 : vector<16xi32>
        %swap3A_696 = arith.constant 0 : index
        %swap3A_697 = tpu.vector_load %arg11[%swap3A_696] {strides = array<i32>} : memref<128xi32, #tpu.memory_space<vmem>>, vector<16xi32>,
        %swap3A_698 = vector.shape_cast %swap3A_697 : vector<16xi32> to vector<16xi32>
        %swap3A_699 = vector.shape_cast %shift_right_logical3A_695 : vector<16xi32> to vector<16xi32>
        tpu.vector_store %arg11[%swap3A_696], %swap3A_699 {strides = array<i32>} : memref<128xi32, #tpu.memory_space<vmem>>, vector<16xi32>,
        %get3A_700 = arith.index_cast %add3A_681 : i32 to index
        %get3A_701 = arith.constant 16 : index
        %get3A_702 = tpu.vector_load %arg7[%get3A_700, %get3A_701] {strides = array<i32>} : memref<80x128xi32, #tpu.memory_space<vmem>>, vector<1x16xi32>,
        %get3A_703 = vector.shape_cast %get3A_702 : vector<1x16xi32> to vector<16xi32>
        %and3A_704 = arith.constant 16383 : i32
        %and3A_705 = vector.broadcast %and3A_704 : i32 to vector<16xi32>
        %and3A_706 = arith.andi %get3A_703, %and3A_705 : vector<16xi32>
        %swap3A_707 = arith.constant 16 : index
        %swap3A_708 = tpu.vector_load %arg8[%swap3A_707] {strides = array<i32>} : memref<128xi32, #tpu.memory_space<vmem>>, vector<16xi32>,
        %swap3A_709 = vector.shape_cast %swap3A_708 : vector<16xi32> to vector<16xi32>
        %swap3A_710 = vector.shape_cast %and3A_706 : vector<16xi32> to vector<16xi32>
        tpu.vector_store %arg8[%swap3A_707], %swap3A_710 {strides = array<i32>} : memref<128xi32, #tpu.memory_space<vmem>>, vector<16xi32>,
        %shift_right_logical3A_711 = arith.constant 14 : i32
        %shift_right_logical3A_712 = vector.broadcast %shift_right_logical3A_711 : i32 to vector<16xi32>
        %shift_right_logical3A_713 = arith.shrui %get3A_703, %shift_right_logical3A_712 : vector<16xi32>
        %swap3A_714 = arith.constant 16 : index
        %swap3A_715 = tpu.vector_load %arg11[%swap3A_714] {strides = array<i32>} : memref<128xi32, #tpu.memory_space<vmem>>, vector<16xi32>,
        %swap3A_716 = vector.shape_cast %swap3A_715 : vector<16xi32> to vector<16xi32>
        %swap3A_717 = vector.shape_cast %shift_right_logical3A_713 : vector<16xi32> to vector<16xi32>
        tpu.vector_store %arg11[%swap3A_714], %swap3A_717 {strides = array<i32>} : memref<128xi32, #tpu.memory_space<vmem>>, vector<16xi32>,
        %get3A_718 = arith.index_cast %add3A_681 : i32 to index
        %get3A_719 = arith.constant 32 : index
        %get3A_720 = tpu.vector_load %arg7[%get3A_718, %get3A_719] {strides = array<i32>} : memref<80x128xi32, #tpu.memory_space<vmem>>, vector<1x16xi32>,
        %get3A_721 = vector.shape_cast %get3A_720 : vector<1x16xi32> to vector<16xi32>
        %and3A_722 = arith.constant 16383 : i32
        %and3A_723 = vector.broadcast %and3A_722 : i32 to vector<16xi32>
        %and3A_724 = arith.andi %get3A_721, %and3A_723 : vector<16xi32>
        %swap3A_725 = arith.constant 32 : index
        %swap3A_726 = tpu.vector_load %arg8[%swap3A_725] {strides = array<i32>} : memref<128xi32, #tpu.memory_space<vmem>>, vector<16xi32>,
        %swap3A_727 = vector.shape_cast %swap3A_726 : vector<16xi32> to vector<16xi32>
        %swap3A_728 = vector.shape_cast %and3A_724 : vector<16xi32> to vector<16xi32>
        tpu.vector_store %arg8[%swap3A_725], %swap3A_728 {strides = array<i32>} : memref<128xi32, #tpu.memory_space<vmem>>, vector<16xi32>,
        %shift_right_logical3A_729 = arith.constant 14 : i32
        %shift_right_logical3A_730 = vector.broadcast %shift_right_logical3A_729 : i32 to vector<16xi32>
        %shift_right_logical3A_731 = arith.shrui %get3A_721, %shift_right_logical3A_730 : vector<16xi32>
        %swap3A_732 = arith.constant 32 : index
        %swap3A_733 = tpu.vector_load %arg11[%swap3A_732] {strides = array<i32>} : memref<128xi32, #tpu.memory_space<vmem>>, vector<16xi32>,
        %swap3A_734 = vector.shape_cast %swap3A_733 : vector<16xi32> to vector<16xi32>
        %swap3A_735 = vector.shape_cast %shift_right_logical3A_731 : vector<16xi32> to vector<16xi32>
        tpu.vector_store %arg11[%swap3A_732], %swap3A_735 {strides = array<i32>} : memref<128xi32, #tpu.memory_space<vmem>>, vector<16xi32>,
        %get3A_736 = arith.index_cast %add3A_681 : i32 to index
        %get3A_737 = arith.constant 48 : index
        %get3A_738 = tpu.vector_load %arg7[%get3A_736, %get3A_737] {strides = array<i32>} : memref<80x128xi32, #tpu.memory_space<vmem>>, vector<1x16xi32>,
        %get3A_739 = vector.shape_cast %get3A_738 : vector<1x16xi32> to vector<16xi32>
        %and3A_740 = arith.constant 16383 : i32
        %and3A_741 = vector.broadcast %and3A_740 : i32 to vector<16xi32>
        %and3A_742 = arith.andi %get3A_739, %and3A_741 : vector<16xi32>
        %swap3A_743 = arith.constant 48 : index
        %swap3A_744 = tpu.vector_load %arg8[%swap3A_743] {strides = array<i32>} : memref<128xi32, #tpu.memory_space<vmem>>, vector<16xi32>,
        %swap3A_745 = vector.shape_cast %swap3A_744 : vector<16xi32> to vector<16xi32>
        %swap3A_746 = vector.shape_cast %and3A_742 : vector<16xi32> to vector<16xi32>
        tpu.vector_store %arg8[%swap3A_743], %swap3A_746 {strides = array<i32>} : memref<128xi32, #tpu.memory_space<vmem>>, vector<16xi32>,
        %shift_right_logical3A_747 = arith.constant 14 : i32
        %shift_right_logical3A_748 = vector.broadcast %shift_right_logical3A_747 : i32 to vector<16xi32>
        %shift_right_logical3A_749 = arith.shrui %get3A_739, %shift_right_logical3A_748 : vector<16xi32>
        %swap3A_750 = arith.constant 48 : index
        %swap3A_751 = tpu.vector_load %arg11[%swap3A_750] {strides = array<i32>} : memref<128xi32, #tpu.memory_space<vmem>>, vector<16xi32>,
        %swap3A_752 = vector.shape_cast %swap3A_751 : vector<16xi32> to vector<16xi32>
        %swap3A_753 = vector.shape_cast %shift_right_logical3A_749 : vector<16xi32> to vector<16xi32>
        tpu.vector_store %arg11[%swap3A_750], %swap3A_753 {strides = array<i32>} : memref<128xi32, #tpu.memory_space<vmem>>, vector<16xi32>,
        %get3A_754 = arith.index_cast %add3A_681 : i32 to index
        %get3A_755 = arith.constant 64 : index
        %get3A_756 = tpu.vector_load %arg7[%get3A_754, %get3A_755] {strides = array<i32>} : memref<80x128xi32, #tpu.memory_space<vmem>>, vector<1x16xi32>,
        %get3A_757 = vector.shape_cast %get3A_756 : vector<1x16xi32> to vector<16xi32>
        %and3A_758 = arith.constant 16383 : i32
        %and3A_759 = vector.broadcast %and3A_758 : i32 to vector<16xi32>
        %and3A_760 = arith.andi %get3A_757, %and3A_759 : vector<16xi32>
        %swap3A_761 = arith.constant 64 : index
        %swap3A_762 = tpu.vector_load %arg8[%swap3A_761] {strides = array<i32>} : memref<128xi32, #tpu.memory_space<vmem>>, vector<16xi32>,
        %swap3A_763 = vector.shape_cast %swap3A_762 : vector<16xi32> to vector<16xi32>
        %swap3A_764 = vector.shape_cast %and3A_760 : vector<16xi32> to vector<16xi32>
        tpu.vector_store %arg8[%swap3A_761], %swap3A_764 {strides = array<i32>} : memref<128xi32, #tpu.memory_space<vmem>>, vector<16xi32>,
        %shift_right_logical3A_765 = arith.constant 14 : i32
        %shift_right_logical3A_766 = vector.broadcast %shift_right_logical3A_765 : i32 to vector<16xi32>
        %shift_right_logical3A_767 = arith.shrui %get3A_757, %shift_right_logical3A_766 : vector<16xi32>
        %swap3A_768 = arith.constant 64 : index
        %swap3A_769 = tpu.vector_load %arg11[%swap3A_768] {strides = array<i32>} : memref<128xi32, #tpu.memory_space<vmem>>, vector<16xi32>,
        %swap3A_770 = vector.shape_cast %swap3A_769 : vector<16xi32> to vector<16xi32>
        %swap3A_771 = vector.shape_cast %shift_right_logical3A_767 : vector<16xi32> to vector<16xi32>
        tpu.vector_store %arg11[%swap3A_768], %swap3A_771 {strides = array<i32>} : memref<128xi32, #tpu.memory_space<vmem>>, vector<16xi32>,
        %get3A_772 = arith.index_cast %add3A_681 : i32 to index
        %get3A_773 = arith.constant 80 : index
        %get3A_774 = tpu.vector_load %arg7[%get3A_772, %get3A_773] {strides = array<i32>} : memref<80x128xi32, #tpu.memory_space<vmem>>, vector<1x16xi32>,
        %get3A_775 = vector.shape_cast %get3A_774 : vector<1x16xi32> to vector<16xi32>
        %and3A_776 = arith.constant 16383 : i32
        %and3A_777 = vector.broadcast %and3A_776 : i32 to vector<16xi32>
        %and3A_778 = arith.andi %get3A_775, %and3A_777 : vector<16xi32>
        %swap3A_779 = arith.constant 80 : index
        %swap3A_780 = tpu.vector_load %arg8[%swap3A_779] {strides = array<i32>} : memref<128xi32, #tpu.memory_space<vmem>>, vector<16xi32>,
        %swap3A_781 = vector.shape_cast %swap3A_780 : vector<16xi32> to vector<16xi32>
        %swap3A_782 = vector.shape_cast %and3A_778 : vector<16xi32> to vector<16xi32>
        tpu.vector_store %arg8[%swap3A_779], %swap3A_782 {strides = array<i32>} : memref<128xi32, #tpu.memory_space<vmem>>, vector<16xi32>,
        %shift_right_logical3A_783 = arith.constant 14 : i32
        %shift_right_logical3A_784 = vector.broadcast %shift_right_logical3A_783 : i32 to vector<16xi32>
        %shift_right_logical3A_785 = arith.shrui %get3A_775, %shift_right_logical3A_784 : vector<16xi32>
        %swap3A_786 = arith.constant 80 : index
        %swap3A_787 = tpu.vector_load %arg11[%swap3A_786] {strides = array<i32>} : memref<128xi32, #tpu.memory_space<vmem>>, vector<16xi32>,
        %swap3A_788 = vector.shape_cast %swap3A_787 : vector<16xi32> to vector<16xi32>
        %swap3A_789 = vector.shape_cast %shift_right_logical3A_785 : vector<16xi32> to vector<16xi32>
        tpu.vector_store %arg11[%swap3A_786], %swap3A_789 {strides = array<i32>} : memref<128xi32, #tpu.memory_space<vmem>>, vector<16xi32>,
        %get3A_790 = arith.index_cast %add3A_681 : i32 to index
        %get3A_791 = arith.constant 96 : index
        %get3A_792 = tpu.vector_load %arg7[%get3A_790, %get3A_791] {strides = array<i32>} : memref<80x128xi32, #tpu.memory_space<vmem>>, vector<1x16xi32>,
        %get3A_793 = vector.shape_cast %get3A_792 : vector<1x16xi32> to vector<16xi32>
        %and3A_794 = arith.constant 16383 : i32
        %and3A_795 = vector.broadcast %and3A_794 : i32 to vector<16xi32>
        %and3A_796 = arith.andi %get3A_793, %and3A_795 : vector<16xi32>
        %swap3A_797 = arith.constant 96 : index
        %swap3A_798 = tpu.vector_load %arg8[%swap3A_797] {strides = array<i32>} : memref<128xi32, #tpu.memory_space<vmem>>, vector<16xi32>,
        %swap3A_799 = vector.shape_cast %swap3A_798 : vector<16xi32> to vector<16xi32>
        %swap3A_800 = vector.shape_cast %and3A_796 : vector<16xi32> to vector<16xi32>
        tpu.vector_store %arg8[%swap3A_797], %swap3A_800 {strides = array<i32>} : memref<128xi32, #tpu.memory_space<vmem>>, vector<16xi32>,
        %shift_right_logical3A_801 = arith.constant 14 : i32
        %shift_right_logical3A_802 = vector.broadcast %shift_right_logical3A_801 : i32 to vector<16xi32>
        %shift_right_logical3A_803 = arith.shrui %get3A_793, %shift_right_logical3A_802 : vector<16xi32>
        %swap3A_804 = arith.constant 96 : index
        %swap3A_805 = tpu.vector_load %arg11[%swap3A_804] {strides = array<i32>} : memref<128xi32, #tpu.memory_space<vmem>>, vector<16xi32>,
        %swap3A_806 = vector.shape_cast %swap3A_805 : vector<16xi32> to vector<16xi32>
        %swap3A_807 = vector.shape_cast %shift_right_logical3A_803 : vector<16xi32> to vector<16xi32>
        tpu.vector_store %arg11[%swap3A_804], %swap3A_807 {strides = array<i32>} : memref<128xi32, #tpu.memory_space<vmem>>, vector<16xi32>,
        %get3A_808 = arith.index_cast %add3A_681 : i32 to index
        %get3A_809 = arith.constant 112 : index
        %get3A_810 = tpu.vector_load %arg7[%get3A_808, %get3A_809] {strides = array<i32>} : memref<80x128xi32, #tpu.memory_space<vmem>>, vector<1x16xi32>,
        %get3A_811 = vector.shape_cast %get3A_810 : vector<1x16xi32> to vector<16xi32>
        %and3A_812 = arith.constant 16383 : i32
        %and3A_813 = vector.broadcast %and3A_812 : i32 to vector<16xi32>
        %and3A_814 = arith.andi %get3A_811, %and3A_813 : vector<16xi32>
        %swap3A_815 = arith.constant 112 : index
        %swap3A_816 = tpu.vector_load %arg8[%swap3A_815] {strides = array<i32>} : memref<128xi32, #tpu.memory_space<vmem>>, vector<16xi32>,
        %swap3A_817 = vector.shape_cast %swap3A_816 : vector<16xi32> to vector<16xi32>
        %swap3A_818 = vector.shape_cast %and3A_814 : vector<16xi32> to vector<16xi32>
        tpu.vector_store %arg8[%swap3A_815], %swap3A_818 {strides = array<i32>} : memref<128xi32, #tpu.memory_space<vmem>>, vector<16xi32>,
        %shift_right_logical3A_819 = arith.constant 14 : i32
        %shift_right_logical3A_820 = vector.broadcast %shift_right_logical3A_819 : i32 to vector<16xi32>
        %shift_right_logical3A_821 = arith.shrui %get3A_811, %shift_right_logical3A_820 : vector<16xi32>
        %swap3A_822 = arith.constant 112 : index
        %swap3A_823 = tpu.vector_load %arg11[%swap3A_822] {strides = array<i32>} : memref<128xi32, #tpu.memory_space<vmem>>, vector<16xi32>,
        %swap3A_824 = vector.shape_cast %swap3A_823 : vector<16xi32> to vector<16xi32>
        %swap3A_825 = vector.shape_cast %shift_right_logical3A_821 : vector<16xi32> to vector<16xi32>
        tpu.vector_store %arg11[%swap3A_822], %swap3A_825 {strides = array<i32>} : memref<128xi32, #tpu.memory_space<vmem>>, vector<16xi32>,
        %dma_start3A_826 = arith.constant 0 : i32
        %dma_start3A_827 = arith.constant 0 : i32
        %dma_start3A_828 = tpu.memref_slice %arg6[%dma_start3A_826, %dma_start3A_827] : memref<10240x128xf32, #tpu.memory_space<vmem_shared>> -> memref<10240x128xf32, #tpu.memory_space<vmem_shared>>
        tpu.enqueue_indirect_dma source(%arg13 : memref<128x128xf32, #tpu.memory_space<vmem>>) target(%dma_start3A_828 : memref<10240x128xf32, #tpu.memory_space<vmem_shared>>) offsets(%arg11 : memref<128xi32, #tpu.memory_space<vmem>>) semaphore(%arg16 : memref<!tpu.dma_semaphore, #tpu.memory_space<semaphore_mem>>) {add = true}
      } else {
      }
      %dma_wait3A_666 = arith.constant 0 : i32
      %dma_wait3A_667 = arith.constant 0 : i32
      %dma_wait3A_668 = tpu.memref_slice %arg6[%dma_wait3A_666, %dma_wait3A_667] : memref<10240x128xf32, #tpu.memory_space<vmem_shared>> -> memref<10240x128xf32, #tpu.memory_space<vmem_shared>>
      tpu.wait_indirect_dma semaphore(%arg17 : memref<!tpu.dma_semaphore, #tpu.memory_space<semaphore_mem>>) src(%arg13 : memref<128x128xf32, #tpu.memory_space<vmem>>) dst(%dma_wait3A_668 : memref<10240x128xf32, #tpu.memory_space<vmem_shared>>)
      %add3A_669 = arith.constant 4 : i32
      %add3A_670 = arith.addi %mul3A_632, %add3A_669 : i32
      %add3A_671 = arith.constant 3 : i32
      %add3A_672 = arith.addi %add3A_670, %add3A_671 : i32
      %lt3A_673 = arith.constant 80 : i32
      %lt3A_674 = arith.cmpi slt, %add3A_672, %lt3A_673 : i32
      %convert_element_type3A_675 = arith.extui %lt3A_674 : i1 to i32
      %cond3A_676 = arith.constant 0 : i32
      %cond3A_677 = arith.cmpi ne, %convert_element_type3A_675, %cond3A_676 : i32
      scf.if %cond3A_677 {
        %add3A_678 = arith.constant 4 : i32
        %add3A_679 = arith.addi %mul3A_632, %add3A_678 : i32
        %add3A_680 = arith.constant 3 : i32
        %add3A_681 = arith.addi %add3A_679, %add3A_680 : i32
        %get3A_682 = arith.index_cast %add3A_681 : i32 to index
        %get3A_683 = arith.constant 0 : index
        %get3A_684 = tpu.vector_load %arg7[%get3A_682, %get3A_683] {strides = array<i32>} : memref<80x128xi32, #tpu.memory_space<vmem>>, vector<1x16xi32>,
        %get3A_685 = vector.shape_cast %get3A_684 : vector<1x16xi32> to vector<16xi32>
        %and3A_686 = arith.constant 16383 : i32
        %and3A_687 = vector.broadcast %and3A_686 : i32 to vector<16xi32>
        %and3A_688 = arith.andi %get3A_685, %and3A_687 : vector<16xi32>
        %swap3A_689 = arith.constant 0 : index
        %swap3A_690 = tpu.vector_load %arg8[%swap3A_689] {strides = array<i32>} : memref<128xi32, #tpu.memory_space<vmem>>, vector<16xi32>,
        %swap3A_691 = vector.shape_cast %swap3A_690 : vector<16xi32> to vector<16xi32>
        %swap3A_692 = vector.shape_cast %and3A_688 : vector<16xi32> to vector<16xi32>
        tpu.vector_store %arg8[%swap3A_689], %swap3A_692 {strides = array<i32>} : memref<128xi32, #tpu.memory_space<vmem>>, vector<16xi32>,
        %shift_right_logical3A_693 = arith.constant 14 : i32
        %shift_right_logical3A_694 = vector.broadcast %shift_right_logical3A_693 : i32 to vector<16xi32>
        %shift_right_logical3A_695 = arith.shrui %get3A_685, %shift_right_logical3A_694 : vector<16xi32>
        %swap3A_696 = arith.constant 0 : index
        %swap3A_697 = tpu.vector_load %arg12[%swap3A_696] {strides = array<i32>} : memref<128xi32, #tpu.memory_space<vmem>>, vector<16xi32>,
        %swap3A_698 = vector.shape_cast %swap3A_697 : vector<16xi32> to vector<16xi32>
        %swap3A_699 = vector.shape_cast %shift_right_logical3A_695 : vector<16xi32> to vector<16xi32>
        tpu.vector_store %arg12[%swap3A_696], %swap3A_699 {strides = array<i32>} : memref<128xi32, #tpu.memory_space<vmem>>, vector<16xi32>,
        %get3A_700 = arith.index_cast %add3A_681 : i32 to index
        %get3A_701 = arith.constant 16 : index
        %get3A_702 = tpu.vector_load %arg7[%get3A_700, %get3A_701] {strides = array<i32>} : memref<80x128xi32, #tpu.memory_space<vmem>>, vector<1x16xi32>,
        %get3A_703 = vector.shape_cast %get3A_702 : vector<1x16xi32> to vector<16xi32>
        %and3A_704 = arith.constant 16383 : i32
        %and3A_705 = vector.broadcast %and3A_704 : i32 to vector<16xi32>
        %and3A_706 = arith.andi %get3A_703, %and3A_705 : vector<16xi32>
        %swap3A_707 = arith.constant 16 : index
        %swap3A_708 = tpu.vector_load %arg8[%swap3A_707] {strides = array<i32>} : memref<128xi32, #tpu.memory_space<vmem>>, vector<16xi32>,
        %swap3A_709 = vector.shape_cast %swap3A_708 : vector<16xi32> to vector<16xi32>
        %swap3A_710 = vector.shape_cast %and3A_706 : vector<16xi32> to vector<16xi32>
        tpu.vector_store %arg8[%swap3A_707], %swap3A_710 {strides = array<i32>} : memref<128xi32, #tpu.memory_space<vmem>>, vector<16xi32>,
        %shift_right_logical3A_711 = arith.constant 14 : i32
        %shift_right_logical3A_712 = vector.broadcast %shift_right_logical3A_711 : i32 to vector<16xi32>
        %shift_right_logical3A_713 = arith.shrui %get3A_703, %shift_right_logical3A_712 : vector<16xi32>
        %swap3A_714 = arith.constant 16 : index
        %swap3A_715 = tpu.vector_load %arg12[%swap3A_714] {strides = array<i32>} : memref<128xi32, #tpu.memory_space<vmem>>, vector<16xi32>,
        %swap3A_716 = vector.shape_cast %swap3A_715 : vector<16xi32> to vector<16xi32>
        %swap3A_717 = vector.shape_cast %shift_right_logical3A_713 : vector<16xi32> to vector<16xi32>
        tpu.vector_store %arg12[%swap3A_714], %swap3A_717 {strides = array<i32>} : memref<128xi32, #tpu.memory_space<vmem>>, vector<16xi32>,
        %get3A_718 = arith.index_cast %add3A_681 : i32 to index
        %get3A_719 = arith.constant 32 : index
        %get3A_720 = tpu.vector_load %arg7[%get3A_718, %get3A_719] {strides = array<i32>} : memref<80x128xi32, #tpu.memory_space<vmem>>, vector<1x16xi32>,
        %get3A_721 = vector.shape_cast %get3A_720 : vector<1x16xi32> to vector<16xi32>
        %and3A_722 = arith.constant 16383 : i32
        %and3A_723 = vector.broadcast %and3A_722 : i32 to vector<16xi32>
        %and3A_724 = arith.andi %get3A_721, %and3A_723 : vector<16xi32>
        %swap3A_725 = arith.constant 32 : index
        %swap3A_726 = tpu.vector_load %arg8[%swap3A_725] {strides = array<i32>} : memref<128xi32, #tpu.memory_space<vmem>>, vector<16xi32>,
        %swap3A_727 = vector.shape_cast %swap3A_726 : vector<16xi32> to vector<16xi32>
        %swap3A_728 = vector.shape_cast %and3A_724 : vector<16xi32> to vector<16xi32>
        tpu.vector_store %arg8[%swap3A_725], %swap3A_728 {strides = array<i32>} : memref<128xi32, #tpu.memory_space<vmem>>, vector<16xi32>,
        %shift_right_logical3A_729 = arith.constant 14 : i32
        %shift_right_logical3A_730 = vector.broadcast %shift_right_logical3A_729 : i32 to vector<16xi32>
        %shift_right_logical3A_731 = arith.shrui %get3A_721, %shift_right_logical3A_730 : vector<16xi32>
        %swap3A_732 = arith.constant 32 : index
        %swap3A_733 = tpu.vector_load %arg12[%swap3A_732] {strides = array<i32>} : memref<128xi32, #tpu.memory_space<vmem>>, vector<16xi32>,
        %swap3A_734 = vector.shape_cast %swap3A_733 : vector<16xi32> to vector<16xi32>
        %swap3A_735 = vector.shape_cast %shift_right_logical3A_731 : vector<16xi32> to vector<16xi32>
        tpu.vector_store %arg12[%swap3A_732], %swap3A_735 {strides = array<i32>} : memref<128xi32, #tpu.memory_space<vmem>>, vector<16xi32>,
        %get3A_736 = arith.index_cast %add3A_681 : i32 to index
        %get3A_737 = arith.constant 48 : index
        %get3A_738 = tpu.vector_load %arg7[%get3A_736, %get3A_737] {strides = array<i32>} : memref<80x128xi32, #tpu.memory_space<vmem>>, vector<1x16xi32>,
        %get3A_739 = vector.shape_cast %get3A_738 : vector<1x16xi32> to vector<16xi32>
        %and3A_740 = arith.constant 16383 : i32
        %and3A_741 = vector.broadcast %and3A_740 : i32 to vector<16xi32>
        %and3A_742 = arith.andi %get3A_739, %and3A_741 : vector<16xi32>
        %swap3A_743 = arith.constant 48 : index
        %swap3A_744 = tpu.vector_load %arg8[%swap3A_743] {strides = array<i32>} : memref<128xi32, #tpu.memory_space<vmem>>, vector<16xi32>,
        %swap3A_745 = vector.shape_cast %swap3A_744 : vector<16xi32> to vector<16xi32>
        %swap3A_746 = vector.shape_cast %and3A_742 : vector<16xi32> to vector<16xi32>
        tpu.vector_store %arg8[%swap3A_743], %swap3A_746 {strides = array<i32>} : memref<128xi32, #tpu.memory_space<vmem>>, vector<16xi32>,
        %shift_right_logical3A_747 = arith.constant 14 : i32
        %shift_right_logical3A_748 = vector.broadcast %shift_right_logical3A_747 : i32 to vector<16xi32>
        %shift_right_logical3A_749 = arith.shrui %get3A_739, %shift_right_logical3A_748 : vector<16xi32>
        %swap3A_750 = arith.constant 48 : index
        %swap3A_751 = tpu.vector_load %arg12[%swap3A_750] {strides = array<i32>} : memref<128xi32, #tpu.memory_space<vmem>>, vector<16xi32>,
        %swap3A_752 = vector.shape_cast %swap3A_751 : vector<16xi32> to vector<16xi32>
        %swap3A_753 = vector.shape_cast %shift_right_logical3A_749 : vector<16xi32> to vector<16xi32>
        tpu.vector_store %arg12[%swap3A_750], %swap3A_753 {strides = array<i32>} : memref<128xi32, #tpu.memory_space<vmem>>, vector<16xi32>,
        %get3A_754 = arith.index_cast %add3A_681 : i32 to index
        %get3A_755 = arith.constant 64 : index
        %get3A_756 = tpu.vector_load %arg7[%get3A_754, %get3A_755] {strides = array<i32>} : memref<80x128xi32, #tpu.memory_space<vmem>>, vector<1x16xi32>,
        %get3A_757 = vector.shape_cast %get3A_756 : vector<1x16xi32> to vector<16xi32>
        %and3A_758 = arith.constant 16383 : i32
        %and3A_759 = vector.broadcast %and3A_758 : i32 to vector<16xi32>
        %and3A_760 = arith.andi %get3A_757, %and3A_759 : vector<16xi32>
        %swap3A_761 = arith.constant 64 : index
        %swap3A_762 = tpu.vector_load %arg8[%swap3A_761] {strides = array<i32>} : memref<128xi32, #tpu.memory_space<vmem>>, vector<16xi32>,
        %swap3A_763 = vector.shape_cast %swap3A_762 : vector<16xi32> to vector<16xi32>
        %swap3A_764 = vector.shape_cast %and3A_760 : vector<16xi32> to vector<16xi32>
        tpu.vector_store %arg8[%swap3A_761], %swap3A_764 {strides = array<i32>} : memref<128xi32, #tpu.memory_space<vmem>>, vector<16xi32>,
        %shift_right_logical3A_765 = arith.constant 14 : i32
        %shift_right_logical3A_766 = vector.broadcast %shift_right_logical3A_765 : i32 to vector<16xi32>
        %shift_right_logical3A_767 = arith.shrui %get3A_757, %shift_right_logical3A_766 : vector<16xi32>
        %swap3A_768 = arith.constant 64 : index
        %swap3A_769 = tpu.vector_load %arg12[%swap3A_768] {strides = array<i32>} : memref<128xi32, #tpu.memory_space<vmem>>, vector<16xi32>,
        %swap3A_770 = vector.shape_cast %swap3A_769 : vector<16xi32> to vector<16xi32>
        %swap3A_771 = vector.shape_cast %shift_right_logical3A_767 : vector<16xi32> to vector<16xi32>
        tpu.vector_store %arg12[%swap3A_768], %swap3A_771 {strides = array<i32>} : memref<128xi32, #tpu.memory_space<vmem>>, vector<16xi32>,
        %get3A_772 = arith.index_cast %add3A_681 : i32 to index
        %get3A_773 = arith.constant 80 : index
        %get3A_774 = tpu.vector_load %arg7[%get3A_772, %get3A_773] {strides = array<i32>} : memref<80x128xi32, #tpu.memory_space<vmem>>, vector<1x16xi32>,
        %get3A_775 = vector.shape_cast %get3A_774 : vector<1x16xi32> to vector<16xi32>
        %and3A_776 = arith.constant 16383 : i32
        %and3A_777 = vector.broadcast %and3A_776 : i32 to vector<16xi32>
        %and3A_778 = arith.andi %get3A_775, %and3A_777 : vector<16xi32>
        %swap3A_779 = arith.constant 80 : index
        %swap3A_780 = tpu.vector_load %arg8[%swap3A_779] {strides = array<i32>} : memref<128xi32, #tpu.memory_space<vmem>>, vector<16xi32>,
        %swap3A_781 = vector.shape_cast %swap3A_780 : vector<16xi32> to vector<16xi32>
        %swap3A_782 = vector.shape_cast %and3A_778 : vector<16xi32> to vector<16xi32>
        tpu.vector_store %arg8[%swap3A_779], %swap3A_782 {strides = array<i32>} : memref<128xi32, #tpu.memory_space<vmem>>, vector<16xi32>,
        %shift_right_logical3A_783 = arith.constant 14 : i32
        %shift_right_logical3A_784 = vector.broadcast %shift_right_logical3A_783 : i32 to vector<16xi32>
        %shift_right_logical3A_785 = arith.shrui %get3A_775, %shift_right_logical3A_784 : vector<16xi32>
        %swap3A_786 = arith.constant 80 : index
        %swap3A_787 = tpu.vector_load %arg12[%swap3A_786] {strides = array<i32>} : memref<128xi32, #tpu.memory_space<vmem>>, vector<16xi32>,
        %swap3A_788 = vector.shape_cast %swap3A_787 : vector<16xi32> to vector<16xi32>
        %swap3A_789 = vector.shape_cast %shift_right_logical3A_785 : vector<16xi32> to vector<16xi32>
        tpu.vector_store %arg12[%swap3A_786], %swap3A_789 {strides = array<i32>} : memref<128xi32, #tpu.memory_space<vmem>>, vector<16xi32>,
        %get3A_790 = arith.index_cast %add3A_681 : i32 to index
        %get3A_791 = arith.constant 96 : index
        %get3A_792 = tpu.vector_load %arg7[%get3A_790, %get3A_791] {strides = array<i32>} : memref<80x128xi32, #tpu.memory_space<vmem>>, vector<1x16xi32>,
        %get3A_793 = vector.shape_cast %get3A_792 : vector<1x16xi32> to vector<16xi32>
        %and3A_794 = arith.constant 16383 : i32
        %and3A_795 = vector.broadcast %and3A_794 : i32 to vector<16xi32>
        %and3A_796 = arith.andi %get3A_793, %and3A_795 : vector<16xi32>
        %swap3A_797 = arith.constant 96 : index
        %swap3A_798 = tpu.vector_load %arg8[%swap3A_797] {strides = array<i32>} : memref<128xi32, #tpu.memory_space<vmem>>, vector<16xi32>,
        %swap3A_799 = vector.shape_cast %swap3A_798 : vector<16xi32> to vector<16xi32>
        %swap3A_800 = vector.shape_cast %and3A_796 : vector<16xi32> to vector<16xi32>
        tpu.vector_store %arg8[%swap3A_797], %swap3A_800 {strides = array<i32>} : memref<128xi32, #tpu.memory_space<vmem>>, vector<16xi32>,
        %shift_right_logical3A_801 = arith.constant 14 : i32
        %shift_right_logical3A_802 = vector.broadcast %shift_right_logical3A_801 : i32 to vector<16xi32>
        %shift_right_logical3A_803 = arith.shrui %get3A_793, %shift_right_logical3A_802 : vector<16xi32>
        %swap3A_804 = arith.constant 96 : index
        %swap3A_805 = tpu.vector_load %arg12[%swap3A_804] {strides = array<i32>} : memref<128xi32, #tpu.memory_space<vmem>>, vector<16xi32>,
        %swap3A_806 = vector.shape_cast %swap3A_805 : vector<16xi32> to vector<16xi32>
        %swap3A_807 = vector.shape_cast %shift_right_logical3A_803 : vector<16xi32> to vector<16xi32>
        tpu.vector_store %arg12[%swap3A_804], %swap3A_807 {strides = array<i32>} : memref<128xi32, #tpu.memory_space<vmem>>, vector<16xi32>,
        %get3A_808 = arith.index_cast %add3A_681 : i32 to index
        %get3A_809 = arith.constant 112 : index
        %get3A_810 = tpu.vector_load %arg7[%get3A_808, %get3A_809] {strides = array<i32>} : memref<80x128xi32, #tpu.memory_space<vmem>>, vector<1x16xi32>,
        %get3A_811 = vector.shape_cast %get3A_810 : vector<1x16xi32> to vector<16xi32>
        %and3A_812 = arith.constant 16383 : i32
        %and3A_813 = vector.broadcast %and3A_812 : i32 to vector<16xi32>
        %and3A_814 = arith.andi %get3A_811, %and3A_813 : vector<16xi32>
        %swap3A_815 = arith.constant 112 : index
        %swap3A_816 = tpu.vector_load %arg8[%swap3A_815] {strides = array<i32>} : memref<128xi32, #tpu.memory_space<vmem>>, vector<16xi32>,
        %swap3A_817 = vector.shape_cast %swap3A_816 : vector<16xi32> to vector<16xi32>
        %swap3A_818 = vector.shape_cast %and3A_814 : vector<16xi32> to vector<16xi32>
        tpu.vector_store %arg8[%swap3A_815], %swap3A_818 {strides = array<i32>} : memref<128xi32, #tpu.memory_space<vmem>>, vector<16xi32>,
        %shift_right_logical3A_819 = arith.constant 14 : i32
        %shift_right_logical3A_820 = vector.broadcast %shift_right_logical3A_819 : i32 to vector<16xi32>
        %shift_right_logical3A_821 = arith.shrui %get3A_811, %shift_right_logical3A_820 : vector<16xi32>
        %swap3A_822 = arith.constant 112 : index
        %swap3A_823 = tpu.vector_load %arg12[%swap3A_822] {strides = array<i32>} : memref<128xi32, #tpu.memory_space<vmem>>, vector<16xi32>,
        %swap3A_824 = vector.shape_cast %swap3A_823 : vector<16xi32> to vector<16xi32>
        %swap3A_825 = vector.shape_cast %shift_right_logical3A_821 : vector<16xi32> to vector<16xi32>
        tpu.vector_store %arg12[%swap3A_822], %swap3A_825 {strides = array<i32>} : memref<128xi32, #tpu.memory_space<vmem>>, vector<16xi32>,
        %dma_start3A_826 = arith.constant 0 : i32
        %dma_start3A_827 = arith.constant 0 : i32
        %dma_start3A_828 = tpu.memref_slice %arg6[%dma_start3A_826, %dma_start3A_827] : memref<10240x128xf32, #tpu.memory_space<vmem_shared>> -> memref<10240x128xf32, #tpu.memory_space<vmem_shared>>
        tpu.enqueue_indirect_dma source(%arg13 : memref<128x128xf32, #tpu.memory_space<vmem>>) target(%dma_start3A_828 : memref<10240x128xf32, #tpu.memory_space<vmem_shared>>) offsets(%arg12 : memref<128xi32, #tpu.memory_space<vmem>>) semaphore(%arg17 : memref<!tpu.dma_semaphore, #tpu.memory_space<semaphore_mem>>) {add = true}
      } else {
      }
    }
    %scan3A_628 = arith.constant 20 : i32
    %barrier3A_629 = arith.constant 0 : index
    tpu.barrier barrier_id(%barrier3A_629)
    "tpu.region"() ({
      %run_scoped3A = tpu.sem_alloc : memref<!tpu.dma_semaphore, #tpu.memory_space<semaphore_mem>>
      %dma_start3A_630 = arith.constant 0 : i32
      %dma_start3A_631 = tpu.memref_slice %arg5[%arg0, %mul3A_2, %dma_start3A_630] : memref<2x10240x128xf32, #tpu.memory_space<hbm>> -> memref<1x640x128xf32, #tpu.memory_space<hbm>>
      %dma_start3A_632 = tpu.memref_squeeze %dma_start3A_631 : memref<1x640x128xf32, #tpu.memory_space<hbm>> -> memref<640x128xf32, #tpu.memory_space<hbm>>
      %dma_start3A_633 = arith.constant 0 : i32
      %dma_start3A_634 = tpu.memref_slice %arg6[%mul3A_2, %dma_start3A_633] : memref<10240x128xf32, #tpu.memory_space<vmem_shared>> -> memref<640x128xf32, #tpu.memory_space<vmem_shared>>
      tpu.enqueue_dma source(%dma_start3A_634 : memref<640x128xf32, #tpu.memory_space<vmem_shared>>) target(%dma_start3A_632 : memref<640x128xf32, #tpu.memory_space<hbm>>) target_semaphore(%run_scoped3A : memref<!tpu.dma_semaphore, #tpu.memory_space<semaphore_mem>>)
      %dma_wait3A_635 = arith.constant 0 : i32
      %dma_wait3A_636 = tpu.memref_slice %arg5[%arg0, %mul3A_2, %dma_wait3A_635] : memref<2x10240x128xf32, #tpu.memory_space<hbm>> -> memref<1x640x128xf32, #tpu.memory_space<hbm>>
      %dma_wait3A_637 = tpu.memref_squeeze %dma_wait3A_636 : memref<1x640x128xf32, #tpu.memory_space<hbm>> -> memref<640x128xf32, #tpu.memory_space<hbm>>
      %dma_wait3A_638 = arith.constant 0 : i32
      %dma_wait3A_639 = tpu.memref_slice %arg6[%mul3A_2, %dma_wait3A_638] : memref<10240x128xf32, #tpu.memory_space<vmem_shared>> -> memref<640x128xf32, #tpu.memory_space<vmem_shared>>
      tpu.wait_dma2 semaphore(%run_scoped3A : memref<!tpu.dma_semaphore, #tpu.memory_space<semaphore_mem>>) src(%dma_wait3A_639 : memref<640x128xf32, #tpu.memory_space<vmem_shared>>) dst(%dma_wait3A_637 : memref<640x128xf32, #tpu.memory_space<hbm>>)
      tpu.yield
    }) : () -> ()
    return
  }
}

module attributes {stable_mosaic.version = 14 : i64} {
  func.func @_tc1_body(%arg0: i32, %arg1: memref<2x1024x128xf32, #tpu.memory_space<vmem>>, %arg2: memref<1024x128xf32, #tpu.memory_space<vmem>>, %arg3: memref<128x128xf32, #tpu.memory_space<vmem>>, %arg4: memref<1024x128xf32, #tpu.memory_space<vmem>>, %arg5: memref<1024x1xf32, #tpu.memory_space<vmem>>) attributes {dimension_semantics = [#tpu.dimension_semantics<arbitrary>], iteration_bounds = array<i64: 10>, scalar_prefetch = 0 : i64, scratch_operands = 0 : i64, tpu.core_type = #tpu.core_type<tc>, window_params = [{transform_indices = @transform_0, window_bounds = array<i64: 2, 1024, 128>}, {transform_indices = @transform_1, window_bounds = array<i64: 1024, 128>}, {pipeline_mode = #tpu.pipeline_mode<synchronous>, transform_indices = @transform_2, window_bounds = array<i64: 128, 128>}, {transform_indices = @transform_3, window_bounds = array<i64: 1024, 128>}, {transform_indices = @transform_4, window_bounds = array<i64: 1024, 1>}]} {
    %get3A = arith.constant 0 : index
    %get3A_0 = arith.constant 0 : index
    %get3A_1 = arith.constant 0 : index
    %get3A_2 = vector.load %arg1[%get3A, %get3A_0, %get3A_1] : memref<2x1024x128xf32, #tpu.memory_space<vmem>>, vector<1x1024x1xf32>
    %get3A_3 = vector.shape_cast %get3A_2 : vector<1x1024x1xf32> to vector<1024x1xf32>
    %get3A_4 = arith.constant 1 : index
    %get3A_5 = arith.constant 0 : index
    %get3A_6 = arith.constant 0 : index
    %get3A_7 = vector.load %arg1[%get3A_4, %get3A_5, %get3A_6] : memref<2x1024x128xf32, #tpu.memory_space<vmem>>, vector<1x1024x1xf32>
    %get3A_8 = vector.shape_cast %get3A_7 : vector<1x1024x1xf32> to vector<1024x1xf32>
    %add3A = arith.addf %get3A_3, %get3A_8 : vector<1024x1xf32>
    %add3A_9 = arith.constant 1.000000e+00 : f32
    %add3A_10 = vector.broadcast %add3A_9 : f32 to vector<1024x1xf32>
    %add3A_11 = arith.addf %add3A, %add3A_10 : vector<1024x1xf32>
    %rsqrt3A = math.rsqrt %add3A_11 : vector<1024x1xf32>
    %broadcast_in_dim3A = vector.shape_cast %rsqrt3A : vector<1024x1xf32> to vector<1024x1xf32>
    %broadcast_in_dim3A_12 = vector.broadcast %broadcast_in_dim3A : vector<1024x1xf32> to vector<1024x128xf32>
    %get3A_13 = arith.constant 0 : index
    %get3A_14 = arith.constant 0 : index
    %get3A_15 = vector.load %arg2[%get3A_13, %get3A_14] : memref<1024x128xf32, #tpu.memory_space<vmem>>, vector<1024x128xf32>
    %get3A_16 = arith.constant 0 : index
    %get3A_17 = arith.constant 0 : index
    %get3A_18 = vector.load %arg3[%get3A_16, %get3A_17] : memref<128x128xf32, #tpu.memory_space<vmem>>, vector<128x128xf32>
    %dot_general3A = arith.constant dense<0.000000e+00> : vector<1024x128xf32>
    %dot_general3A_19 = tpu.matmul %get3A_15, %get3A_18, %dot_general3A {dimension_numbers = #tpu.dot_dimension_numbers<[1], [0], [0], [1], [0, 0, 1, 1], [], []>, transpose_lhs_hint = false} : vector<1024x128xf32>, vector<128x128xf32>, vector<1024x128xf32> -> vector<1024x128xf32>
    %mul3A = arith.mulf %broadcast_in_dim3A_12, %dot_general3A_19 : vector<1024x128xf32>
    %swap3A = arith.constant 0 : index
    %swap3A_20 = arith.constant 0 : index
    %swap3A_21 = vector.load %arg4[%swap3A, %swap3A_20] : memref<1024x128xf32, #tpu.memory_space<vmem>>, vector<1024x128xf32>
    tpu.vector_store %arg4[%swap3A, %swap3A_20], %mul3A {strides = array<i32>} : memref<1024x128xf32, #tpu.memory_space<vmem>>, vector<1024x128xf32>,
    %swap3A_22 = arith.constant 0 : index
    %swap3A_23 = arith.constant 0 : index
    %swap3A_24 = vector.load %arg5[%swap3A_22, %swap3A_23] : memref<1024x1xf32, #tpu.memory_space<vmem>>, vector<1024x1xf32>
    tpu.vector_store %arg5[%swap3A_22, %swap3A_23], %rsqrt3A {strides = array<i32>} : memref<1024x1xf32, #tpu.memory_space<vmem>>, vector<1024x1xf32>,
    return
  }
  func.func @transform_0(%arg0: i32) -> (i32, i32, i32) {
    %c0_i32 = arith.constant 0 : i32
    %c0_i32_0 = arith.constant 0 : i32
    %c0_i32_1 = arith.constant 0 : i32
    return %c0_i32, %arg0, %c0_i32_0 : i32, i32, i32
  }
  func.func @transform_1(%arg0: i32) -> (i32, i32) {
    %c0_i32 = arith.constant 0 : i32
    %c0_i32_0 = arith.constant 0 : i32
    return %arg0, %c0_i32 : i32, i32
  }
  func.func @transform_2(%arg0: i32) -> (i32, i32) {
    %c0_i32 = arith.constant 0 : i32
    %c0_i32_0 = arith.constant 0 : i32
    %c0_i32_1 = arith.constant 0 : i32
    return %c0_i32, %c0_i32_0 : i32, i32
  }
  func.func @transform_3(%arg0: i32) -> (i32, i32) {
    %c0_i32 = arith.constant 0 : i32
    %c0_i32_0 = arith.constant 0 : i32
    return %arg0, %c0_i32 : i32, i32
  }
  func.func @transform_4(%arg0: i32) -> (i32, i32) {
    %c0_i32 = arith.constant 0 : i32
    %c0_i32_0 = arith.constant 0 : i32
    return %arg0, %c0_i32 : i32, i32
  }
}

module attributes {stable_mosaic.version = 14 : i64} {
  func.func @_tc2_body(%arg0: i32, %arg1: memref<2x1024x128xf32, #tpu.memory_space<vmem>>, %arg2: memref<1024x1xf32, #tpu.memory_space<vmem>>, %arg3: memref<1x128xf32, #tpu.memory_space<vmem>>, %arg4: memref<128x128xf32, #tpu.memory_space<vmem>>, %arg5: memref<1024x128xf32, #tpu.memory_space<vmem>>) attributes {dimension_semantics = [#tpu.dimension_semantics<arbitrary>], iteration_bounds = array<i64: 10>, scalar_prefetch = 0 : i64, scratch_operands = 0 : i64, tpu.core_type = #tpu.core_type<tc>, window_params = [{transform_indices = @transform_0, window_bounds = array<i64: 2, 1024, 128>}, {transform_indices = @transform_1, window_bounds = array<i64: 1024, 1>}, {pipeline_mode = #tpu.pipeline_mode<synchronous>, transform_indices = @transform_2, window_bounds = array<i64: 1, 128>}, {pipeline_mode = #tpu.pipeline_mode<synchronous>, transform_indices = @transform_3, window_bounds = array<i64: 128, 128>}, {transform_indices = @transform_4, window_bounds = array<i64: 1024, 128>}]} {
    %get3A = arith.constant 0 : index
    %get3A_0 = arith.constant 0 : index
    %get3A_1 = vector.load %arg2[%get3A, %get3A_0] : memref<1024x1xf32, #tpu.memory_space<vmem>>, vector<1024x1xf32>
    %broadcast_in_dim3A = vector.shape_cast %get3A_1 : vector<1024x1xf32> to vector<1024x1xf32>
    %broadcast_in_dim3A_2 = vector.broadcast %broadcast_in_dim3A : vector<1024x1xf32> to vector<1024x128xf32>
    %get3A_3 = arith.constant 0 : index
    %get3A_4 = arith.constant 0 : index
    %get3A_5 = arith.constant 0 : index
    %get3A_6 = vector.load %arg1[%get3A_3, %get3A_4, %get3A_5] : memref<2x1024x128xf32, #tpu.memory_space<vmem>>, vector<1x1024x128xf32>
    %get3A_7 = vector.shape_cast %get3A_6 : vector<1x1024x128xf32> to vector<1024x128xf32>
    %get3A_8 = arith.constant 1 : index
    %get3A_9 = arith.constant 0 : index
    %get3A_10 = arith.constant 0 : index
    %get3A_11 = vector.load %arg1[%get3A_8, %get3A_9, %get3A_10] : memref<2x1024x128xf32, #tpu.memory_space<vmem>>, vector<1x1024x128xf32>
    %get3A_12 = vector.shape_cast %get3A_11 : vector<1x1024x128xf32> to vector<1024x128xf32>
    %add3A = arith.addf %get3A_7, %get3A_12 : vector<1024x128xf32>
    %mul3A = arith.mulf %broadcast_in_dim3A_2, %add3A : vector<1024x128xf32>
    %get3A_13 = arith.constant 0 : index
    %get3A_14 = arith.constant 0 : index
    %get3A_15 = vector.load %arg3[%get3A_13, %get3A_14] : memref<1x128xf32, #tpu.memory_space<vmem>>, vector<1x128xf32>
    %add3A_16 = vector.broadcast %get3A_15 : vector<1x128xf32> to vector<1024x128xf32>
    %add3A_17 = arith.addf %mul3A, %add3A_16 : vector<1024x128xf32>
    %max3A = arith.constant 0.000000e+00 : f32
    %max3A_18 = vector.broadcast %max3A : f32 to vector<1024x128xf32>
    %max3A_19 = arith.maximumf %add3A_17, %max3A_18 : vector<1024x128xf32>
    %get3A_20 = arith.constant 0 : index
    %get3A_21 = arith.constant 0 : index
    %get3A_22 = vector.load %arg4[%get3A_20, %get3A_21] : memref<128x128xf32, #tpu.memory_space<vmem>>, vector<128x128xf32>
    %dot_general3A = arith.constant dense<0.000000e+00> : vector<1024x128xf32>
    %dot_general3A_23 = tpu.matmul %max3A_19, %get3A_22, %dot_general3A {dimension_numbers = #tpu.dot_dimension_numbers<[1], [0], [0], [1], [0, 0, 1, 1], [], []>, transpose_lhs_hint = false} : vector<1024x128xf32>, vector<128x128xf32>, vector<1024x128xf32> -> vector<1024x128xf32>
    %mul3A_24 = arith.mulf %broadcast_in_dim3A_2, %dot_general3A_23 : vector<1024x128xf32>
    %swap3A = arith.constant 0 : index
    %swap3A_25 = arith.constant 0 : index
    %swap3A_26 = vector.load %arg5[%swap3A, %swap3A_25] : memref<1024x128xf32, #tpu.memory_space<vmem>>, vector<1024x128xf32>
    tpu.vector_store %arg5[%swap3A, %swap3A_25], %mul3A_24 {strides = array<i32>} : memref<1024x128xf32, #tpu.memory_space<vmem>>, vector<1024x128xf32>,
    return
  }
  func.func @transform_0(%arg0: i32) -> (i32, i32, i32) {
    %c0_i32 = arith.constant 0 : i32
    %c0_i32_0 = arith.constant 0 : i32
    %c0_i32_1 = arith.constant 0 : i32
    return %c0_i32, %arg0, %c0_i32_0 : i32, i32, i32
  }
  func.func @transform_1(%arg0: i32) -> (i32, i32) {
    %c0_i32 = arith.constant 0 : i32
    %c0_i32_0 = arith.constant 0 : i32
    return %arg0, %c0_i32 : i32, i32
  }
  func.func @transform_2(%arg0: i32) -> (i32, i32) {
    %c0_i32 = arith.constant 0 : i32
    %c0_i32_0 = arith.constant 0 : i32
    %c0_i32_1 = arith.constant 0 : i32
    return %c0_i32, %c0_i32_0 : i32, i32
  }
  func.func @transform_3(%arg0: i32) -> (i32, i32) {
    %c0_i32 = arith.constant 0 : i32
    %c0_i32_0 = arith.constant 0 : i32
    %c0_i32_1 = arith.constant 0 : i32
    return %c0_i32, %c0_i32_0 : i32, i32
  }
  func.func @transform_4(%arg0: i32) -> (i32, i32) {
    %c0_i32 = arith.constant 0 : i32
    %c0_i32_0 = arith.constant 0 : i32
    return %arg0, %c0_i32 : i32, i32
  }
}

module attributes {stable_mosaic.version = 14 : i64} {
  func.func @_tc3_body(%arg0: i32, %arg1: memref<2x1024x128xf32, #tpu.memory_space<vmem>>, %arg2: memref<1024x1xf32, #tpu.memory_space<vmem>>, %arg3: memref<1x128xf32, #tpu.memory_space<vmem>>, %arg4: memref<1024x128xf32, #tpu.memory_space<vmem>>) attributes {dimension_semantics = [#tpu.dimension_semantics<arbitrary>], iteration_bounds = array<i64: 10>, scalar_prefetch = 0 : i64, scratch_operands = 0 : i64, tpu.core_type = #tpu.core_type<tc>, window_params = [{transform_indices = @transform_0, window_bounds = array<i64: 2, 1024, 128>}, {transform_indices = @transform_1, window_bounds = array<i64: 1024, 1>}, {pipeline_mode = #tpu.pipeline_mode<synchronous>, transform_indices = @transform_2, window_bounds = array<i64: 1, 128>}, {transform_indices = @transform_3, window_bounds = array<i64: 1024, 128>}]} {
    %get3A = arith.constant 0 : index
    %get3A_0 = arith.constant 0 : index
    %get3A_1 = vector.load %arg2[%get3A, %get3A_0] : memref<1024x1xf32, #tpu.memory_space<vmem>>, vector<1024x1xf32>
    %broadcast_in_dim3A = vector.shape_cast %get3A_1 : vector<1024x1xf32> to vector<1024x1xf32>
    %broadcast_in_dim3A_2 = vector.broadcast %broadcast_in_dim3A : vector<1024x1xf32> to vector<1024x128xf32>
    %get3A_3 = arith.constant 0 : index
    %get3A_4 = arith.constant 0 : index
    %get3A_5 = arith.constant 0 : index
    %get3A_6 = vector.load %arg1[%get3A_3, %get3A_4, %get3A_5] : memref<2x1024x128xf32, #tpu.memory_space<vmem>>, vector<1x1024x128xf32>
    %get3A_7 = vector.shape_cast %get3A_6 : vector<1x1024x128xf32> to vector<1024x128xf32>
    %get3A_8 = arith.constant 1 : index
    %get3A_9 = arith.constant 0 : index
    %get3A_10 = arith.constant 0 : index
    %get3A_11 = vector.load %arg1[%get3A_8, %get3A_9, %get3A_10] : memref<2x1024x128xf32, #tpu.memory_space<vmem>>, vector<1x1024x128xf32>
    %get3A_12 = vector.shape_cast %get3A_11 : vector<1x1024x128xf32> to vector<1024x128xf32>
    %add3A = arith.addf %get3A_7, %get3A_12 : vector<1024x128xf32>
    %mul3A = arith.mulf %broadcast_in_dim3A_2, %add3A : vector<1024x128xf32>
    %get3A_13 = arith.constant 0 : index
    %get3A_14 = arith.constant 0 : index
    %get3A_15 = vector.load %arg3[%get3A_13, %get3A_14] : memref<1x128xf32, #tpu.memory_space<vmem>>, vector<1x128xf32>
    %add3A_16 = vector.broadcast %get3A_15 : vector<1x128xf32> to vector<1024x128xf32>
    %add3A_17 = arith.addf %mul3A, %add3A_16 : vector<1024x128xf32>
    %swap3A = arith.constant 0 : index
    %swap3A_18 = arith.constant 0 : index
    %swap3A_19 = vector.load %arg4[%swap3A, %swap3A_18] : memref<1024x128xf32, #tpu.memory_space<vmem>>, vector<1024x128xf32>
    tpu.vector_store %arg4[%swap3A, %swap3A_18], %add3A_17 {strides = array<i32>} : memref<1024x128xf32, #tpu.memory_space<vmem>>, vector<1024x128xf32>,
    return
  }
  func.func @transform_0(%arg0: i32) -> (i32, i32, i32) {
    %c0_i32 = arith.constant 0 : i32
    %c0_i32_0 = arith.constant 0 : i32
    %c0_i32_1 = arith.constant 0 : i32
    return %c0_i32, %arg0, %c0_i32_0 : i32, i32, i32
  }
  func.func @transform_1(%arg0: i32) -> (i32, i32) {
    %c0_i32 = arith.constant 0 : i32
    %c0_i32_0 = arith.constant 0 : i32
    return %arg0, %c0_i32 : i32, i32
  }
  func.func @transform_2(%arg0: i32) -> (i32, i32) {
    %c0_i32 = arith.constant 0 : i32
    %c0_i32_0 = arith.constant 0 : i32
    %c0_i32_1 = arith.constant 0 : i32
    return %c0_i32, %c0_i32_0 : i32, i32
  }
  func.func @transform_3(%arg0: i32) -> (i32, i32) {
    %c0_i32 = arith.constant 0 : i32
    %c0_i32_0 = arith.constant 0 : i32
    return %arg0, %c0_i32 : i32, i32
  }
}

</mosaic_0001>

<sc_bundles>
// kernel: kernel.11.cloned.1.call-start
scs
__scs_entry_jumppad:
0x0: {  	(pc) =	sbr.rel $0x88, $3  }
0x1: {  	(tag) =	ssettag $0x0;
	lr =	simm.s32 $0x1  }
0x2: {  	[smem:$0x3F9B] =	sst lr;
	_ =	strace $0xD0000000  }
0x3: {  	_ = 	snop  }
0x4: {  	_ = 	snop  }
0x5: {  	_ = 	snop  }
0x6: {  	_ = 	snop  }
0x7: {  	_ = 	snop  }
__scs_overlays_trampoline_lowered:
0x8: {  	[smem:$0x3FAA] =	sst s0  }
0x9: {  	[smem:$0x3FAB] =	sst s1  }
0xa: {  	[smem:$0x3FAC] =	sst s2  }
0xb: {  	[smem:$0x3FAD] =	sst s3  }
0xc: {  	[smem:$0x3FAE] =	sst s4  }
0xd: {  	[smem:$0x3FAF] =	sst s5  }
0xe: {  	[smem:$0x3FB0] =	sst s6  }
0xf: {  	[smem:$0x3FB1] =	sst s7  }
0x10: {  	[smem:$0x3FB2] =	sst s8  }
0x11: {  	[smem:$0x3FB3] =	sst s9;
	s0 =	simm.s32 @!p0 $0x0  }
0x12: {  	s1 =	sld [smem:$0x3F99];
	s0 =	simm.s32 @p0 $0x1  }
0x13: {  	[smem:$0x3FB4] =	sst s0;
	s0 =	simm.s32 @!p1 $0x0  }
0x14: {  	s2 =	sld [smem:$0x3F98];
	s0 =	simm.s32 @p1 $0x1  }
0x15: {  	[smem:$0x3FB5] =	sst s0;
	s0 =	simm.s32 @!p2 $0x0  }
0x16: {  	s3 =	sld [smem:$0x3FDB];
	s0 =	simm.s32 @p2 $0x1  }
0x17: {  	s4 =	simm.s32 $0x1BF5;
	[smem:$0x3FB7] =	sst s0  }
0x18: {  	s0 =	sld [smem:$0x3F9A];
	_ =	swait.ge [sflag:s4], $0x0  }
0x19: {  	s7 =	sld [smem:$0x3F9B]  }
0x1a: {  	s8 =	sadd.s32 $0xFFFFE003, lr  }
0x1b: {  	s9 =	sadd.s32 $0xFFFFFEF7, lr;
	s5 =	simm.s32 $0xFFFFFFFF;
	p2 =	slt.u32 s8, $0xFFFFF086  }
0x1c: {  	p1 =	slt.u32 s9, $0xF7A;
	s5 =	simm.s32 @!p2 $0x0  }
0x1d: {  	s5 =	simm.s32 @p1 $0x1;
	p0 =	seq.s32 s7, s2  }
0x1e: {  	s7 =	smul.u32 @!p0 $0xF7A, s2;
	p2 =	seq.s32 @!p0 s5, $0x0  }
0x1f: {  	s9 =	smul.u32 $0xF7A, s1;
	s8 =	simm.s32 @!p0 $0x1BF5;
	p2 =	por !p2, p0  }
0x20: {  	[sflag:s8] =	ssyncset.s32 @!p0 $0xFFFFF086;
	s6 =	sadd.s32 @!p0 s3, s7;
	s7 =	simm.s32 @!p0 $0x108  }
0x21: {  	s3 =	sadd.s32 s3, s9;
	s6 =	sadd.s32 @!p0 $0x88, s6;
	s7 =	simm.s32 @p2 $0x1082  }
0x22: {  	[simem:s7], [sflag:s8] =	dma.local @!p0 [hbm:s6], $0xF7A  }
0x23: {  	s9 =	sor.u32 $0xD0000000, s2;
	s6 =	simm.s32 $0x108;
	_ =	swait.ge @!p0 [sflag:s8], $0x0  }
0x24: {  	s3 =	sadd.s32 $0x88, s3;
	s6 =	simm.s32 @!p1 $0x1082;
	[sflag:s4] =	ssyncset.s32 $0xFFFFF086  }
0x25: {  	[simem:s6], [sflag:s4] =	dma.local [hbm:s3], $0xF7A  }
0x26: {  	[smem:$0x3F9B] =	sst s1;
	(tag) =	ssettag s2;
	_ =	strace s9  }
0x27: {  	s1 =	sld [smem:$0x3FAB]  }
0x28: {  	s2 =	sld [smem:$0x3FAC]  }
0x29: {  	s4 =	sld [smem:$0x3FAE]  }
0x2a: {  	p0 =	seq.s32 s5, $0x0;
	s5 =	sld [smem:$0x3FAF]  }
0x2b: {  	s6 =	sld [smem:$0x3FB0]  }
0x2c: {  	s7 =	sld [smem:$0x3FB1]  }
0x2d: {  	s3 =	simm.s32 $0x108;
	s8 =	sld [smem:$0x3FB2]  }
0x2e: {  	s3 =	simm.s32 @!p0 $0x1082;
	s9 =	sld [smem:$0x3FB3]  }
0x2f: {  	lr =	sadd.s32 s0, s3;
	s0 =	sld [smem:$0x3FAA]  }
0x30: {  	s3 =	sld [smem:$0x3FAD]  }
0x31: {  	[smem:$0x3FB6] =	sst s10  }
0x32: {  	s10 =	sld [smem:$0x3FB4];
	_ =	sdelay $0x3  }
0x33: {  	p0 =	seq.s32 s10, $0x1;
	s10 =	sld [smem:$0x3FB6];
	_ =	sdelay $0x3  }
0x34: {  	[smem:$0x3FB6] =	sst s10  }
0x35: {  	s10 =	sld [smem:$0x3FB5];
	_ =	sdelay $0x3  }
0x36: {  	p1 =	seq.s32 s10, $0x1;
	s10 =	sld [smem:$0x3FB6];
	_ =	sdelay $0x3  }
0x37: {  	[smem:$0x3FB6] =	sst s10  }
0x38: {  	s10 =	sld [smem:$0x3FB7]  }
0x39: {  	_ = 	snop;
	(pc) =	sbr.ind lr, $3  }
0x3a: {  	_ = 	snop  }
0x3b: {  	_ = 	snop  }
0x3c: {  	p2 =	seq.s32 s10, $0x1;
	s10 =	sld [smem:$0x3FB6]  }
0x3d: {  	_ =	shalt  }
0x3e: {  	_ =	shalt  }
0x3f: {  	_ =	shalt  }
0x40: {  	_ =	shalt  }
0x41: {  	_ =	shalt  }
0x42: {  	_ =	shalt  }
0x43: {  	_ =	shalt  }
0x44: {  	_ =	shalt  }
0x45: {  	_ =	shalt  }
0x46: {  	_ =	shalt  }
0x47: {  	_ =	shalt  }
0x48: {  	_ =	shalt  }
0x49: {  	_ =	shalt  }
0x4a: {  	_ =	shalt  }
0x4b: {  	_ =	shalt  }
0x4c: {  	_ =	shalt  }
0x4d: {  	_ =	shalt  }
0x4e: {  	_ =	shalt  }
0x4f: {  	_ =	shalt  }
0x50: {  	_ =	shalt  }
0x51: {  	_ =	shalt  }
0x52: {  	_ =	shalt  }
0x53: {  	_ =	shalt  }
0x54: {  	_ =	shalt  }
0x55: {  	_ =	shalt  }
0x56: {  	_ =	shalt  }
0x57: {  	_ =	shalt  }
0x58: {  	_ =	shalt  }
0x59: {  	_ =	shalt  }
0x5a: {  	_ =	shalt  }
0x5b: {  	_ =	shalt  }
0x5c: {  	_ =	shalt  }
0x5d: {  	_ =	shalt  }
0x5e: {  	_ =	shalt  }
0x5f: {  	_ =	shalt  }
0x60: {  	_ =	shalt  }
0x61: {  	_ =	shalt  }
0x62: {  	_ =	shalt  }
0x63: {  	_ =	shalt  }
0x64: {  	_ =	shalt  }
0x65: {  	_ =	shalt  }
0x66: {  	_ =	shalt  }
0x67: {  	_ =	shalt  }
0x68: {  	_ =	shalt  }
0x69: {  	_ =	shalt  }
0x6a: {  	_ =	shalt  }
0x6b: {  	_ =	shalt  }
0x6c: {  	_ =	shalt  }
0x6d: {  	_ =	shalt  }
0x6e: {  	_ =	shalt  }
0x6f: {  	_ =	shalt  }
0x70: {  	_ =	shalt  }
0x71: {  	_ =	shalt  }
0x72: {  	_ =	shalt  }
0x73: {  	_ =	shalt  }
0x74: {  	_ =	shalt  }
0x75: {  	_ =	shalt  }
0x76: {  	_ =	shalt  }
0x77: {  	_ =	shalt  }
0x78: {  	_ =	shalt  }
0x79: {  	_ =	shalt  }
0x7a: {  	_ =	shalt  }
0x7b: {  	_ =	shalt  }
0x7c: {  	_ =	shalt  }
0x7d: {  	_ =	shalt  }
0x7e: {  	_ =	shalt  }
0x7f: {  	_ =	shalt  }
0x80: {  	_ =	shalt  }
0x81: {  	_ =	shalt  }
0x82: {  	_ =	shalt  }
0x83: {  	_ =	shalt  }
0x84: {  	_ =	shalt  }
0x85: {  	_ =	shalt  }
0x86: {  	_ =	shalt  }
0x87: {  	_ =	shalt  }
.Lfunc_end0:
.L_simem_size_0:
called_computation.1_lowered:
.L_overlay_start_0:
0x88: {  	s2 =	sld [smem:$0x3FD9]  }
0x89: {  	s3 =	sld [smem:$0x3FFE];
	_ =	sdelay $0x1  }
0x8a: {  	s1 =	srdreg.scid  }
0x8b: {  	s0 =	sand.u32 $0x1, s1  }
0x8c: {  	s17 =	sshll.u32 s0, $0xA;
	s2 =	sadd.s32 s3, s2  }
0x8d: {  	s2 =	sadd.s32 s2, s17  }
0x8e: {  	[smem:$0x3FC2] =	sst s2  }
0x8f: {  	_ = 	snop  }
0x90: {  	s2 =	sld [smem:$0x3FD0];
	(tm) =	ssettm $0x1  }
0x91: {  	s18 =	sld [smem:$0x3FFB];
	_ =	sdelay $0x3  }
0x92: {  	_ =	strace s18  }
0x93: {  	s3 =	sld [smem:$0x3FFC];
	_ =	sdelay $0x3  }
0x94: {  	_ =	strace s3  }
0x95: {  	s3 =	sld [smem:$0x3FFD];
	_ =	sdelay $0x3  }
0x96: {  	_ =	strace s3  }
0x97: {  	_ =	strace $0x8FFFFFFF  }
0x98: {  	s19 =	sld [smem:$0x3FDB];
	_ =	sdelay $0x1  }
0x99: {  	s4 =	simm.s32 $_scs_section_size  }
0x9a: {  	s5 =	simm.s32 $_size__tile_overlayer_lowered;
	s6 =	simm.s32 $_tile_overlayer_lowered  }
0x9b: {  	s22 =	simm.s32 $0x1BFF;
	s21 =	sshll.u32 s6, $0x1;
	s3 =	sadd.s32 s4, s19  }
0x9c: {  	s7 =	simm.s32 $0x0;
	s20 =	sshll.u32 s5, $0x1;
	s5 =	sadd.s32 s21, s3  }
0x9d: {  	[timem:s7], [sflag:s22] =	dma.local [hbm:s5], s20  }
0x9e: {  	_ =	swait.ge [sflag:s22], s20  }
0x9f: {  	s4 =	ssub.s32 $0x0, s20;
	[sflag:s22] =	ssyncset.done $0x0  }
0xa0: {  	[sflag:s22] =	ssyncadd.s32 s4;
	_ =	sdelay $0x1  }
0xa1: {  	s23 =	simm.s32 $0x1B8B  }
0xa2: {  	_ =	swait.ge [sflag:s23], $0x1  }
0xa3: {  	[sflag:s23] =	ssyncset.done $0x0  }
0xa4: {  	s25 =	simm.s32 $0x1B8E;
	s24 =	sld [smem:$0x3FFE];
	[sflag:s23] =	ssyncadd.s32 $0xFFFFFFFF  }
0xa5: {  	s26 =	simm.s32 $execute0_lowered;
	[smem:$0x3FD2] =	sst s25  }
0xa6: {  	s5 =	sshll.u32 s26, $0x1;
	_ =	strace $0x80000049;
	[dreg:$0x1] =	wrdreg $0xFFFFFFFF  }
0xa7: {  	s28 =	simm.s32 $_size_execute0_lowered;
	s3 =	sadd.s32 s3, s5;
	[dreg:$0x0] =	wrdreg $0x0  }
0xa8: {  	s5 =	sshll.u32 s28, $0x1;
	[dreg:$0x2] =	wrdreg s3  }
0xa9: {  	[dreg:$0x3] =	wrdreg s5  }
0xaa: {  	[dreg:$0x4] =	wrdreg $0xC0  }
0xab: {  	_ =	task [dreg:s7], $0x5FFFF  }
0xac: {  	[dreg:$0x1] =	wrdreg $0xFFFFFFFF  }
0xad: {  	[dreg:$0x0] =	wrdreg $0x60  }
0xae: {  	[dreg:$0x2] =	wrdreg s24  }
0xaf: {  	[dreg:$0x3] =	wrdreg s2  }
0xb0: {  	[dreg:$0x4] =	wrdreg $0x0  }
0xb1: {  	[dreg:$0x5] =	wrdreg $0x9  }
0xb2: {  	_ =	task.clear_ibuf [dreg:s7], $0x6FFFF;
	_ =	strace $0x90000049  }
0xb3: {  	s29 =	simm.s32 $0x9;
	_ =	strace $0x8000004B  }
0xb4: {  	_ =	swait.ge [sflag:s29], $0x1  }
0xb5: {  	[sflag:s29] =	ssyncadd.s32 $0xFFFFFFFF  }
0xb6: {  	_ =	strace $0x9000004B  }
0xb7: {  	_ =	sfence  }
0xb8: {  	s30 =	sld [smem:$0x0];
	_ =	sdelay $0x2  }
0xb9: {  	s31 =	sshll.u32 s1, $0xD;
	s1 =	sshrl.u32 s1, $0x2  }
0xba: {  	s3 =	sand.u32 $0x4000, s31;
	s1 =	sadd.s32 s1, s30  }
0xbb: {  	s0 =	sor.u32 s3, s0;
	s1 =	sshll.u32 s1, $0x11  }
0xbc: {  	s0 =	sor.u32 s1, s0  }
0xbd: {  	s0 =	sadd.s32 $0x8F2B, s0  }
0xbe: {  	[sflag:s0] =	ssyncadd.remote.s32 $0x1  }
0xbf: {  	_ =	sfence.sel $0xFFFF  }
0xc0: {  	[dreg:$0x0] =	wrdreg $0xFFFFFFFF;
	(pc) =	sbr.abs _section_cstart, $3  }
0xc1: {  	[dreg:$0x1] =	wrdreg $0xFFFFFFFF  }
0xc2: {  	_ =	task.clear_ibuf [dreg:s7], $0x2FFFF;
	_ =	strace $0x9FFFFFFF  }
0xc3: {  	(tm) =	ssettm $0x7FFFFFFF  }
tec
execute0_lowered:
.L_overlay_start_1:
0x0: {  	(tag) =	ssettag $0x1  }
0x1: {  	s5 =	rddreg [dreg:$0x0]  }
0x2: {  	s6 =	rddreg [dreg:$0x1]  }
0x3: {  	s0 =	srdreg.scid;
	s2 =	rddreg [dreg:$0x2]  }
0x4: {  	s1 =	stileid.u32;
	s3 =	simm.s32 $0x0;
	s14 =	simm.s32 $0x80  }
0x5: {  	s15 =	simm.s32 $0x16800;
	s16 =	simm.s32 $0x16A00;
	s17 =	simm.s32 $0x16880  }
0x6: {  	s18 =	simm.s32 $0x1AA00;
	s19 =	simm.s32 $0x16900;
	s20 =	simm.s32 $0x2  }
0x7: {  	s21 =	simm.s32 $0x16980;
	s23 =	simm.s32 $0x0;
	s8 =	smul.u32 $0x14000, s1  }
0x8: {  	s7 =	sand.u32 $0x1, s0;
	s0 =	rddreg [dreg:$0x3];
	s12 =	smul.u32 $0x50000, s1  }
0x9: {  	[smem:$0x7FF] =	sst s3;
	s9 =	sadd.s32 $0x2600, s5;
	s13 =	smul.u32 $0x2800, s1  }
0xa: {  	s11 =	sshll.u32 s1, $0x1;
	s22 =	sshll.u32 s1, $0x6;
	s4 =	smul.u32 $0x140000, s7  }
0xb: {  	_ =	strace $0x8000004A;
	s10 =	ssub.s32 $0x2, s7;
	s11 =	sor.u32 s7, s11  }
0xc: {  	p0 =	seq.s32 s7, $0x0;
	s30 =	sshrl.u32 s10, $0x1;
	s31 =	sshrl.u32 s12, $0x2  }
0xd: {  	s11 =	smul.u32 $0x500, s11;
	s8 =	sadd.s32 s8, s4;
	s4 =	sadd.s32 $0x2A600, s5  }
0xe: {  	s10 =	ssub.s32 s10, s30;
	s12 =	sadd.s32 s31, s2;
	s8 =	sshrl.u32 s8, $0x3  }
0xf: {  	s9 =	smov.u32 @p0 s4;
	s7 =	smax.u32 s10, $0x1;
	s10 =	sshrl.u32 s12, $0x3  }
0x10: {  	s12 =	simm.s32 $0x3;
	s8 =	sadd.s32 s8, s5;
	s5 =	sadd.s32 s6, s11  }
0x11: {  	s11 =	simm.s32 $0x14000;
	s6 =	sadd.s32 $0x52600, s8;
	s8 =	sadd.s32 s9, s13  }
0x12: {  	s9 =	sor.u32 $0x1C01, s22;
	s13 =	simm.s32 $0x1;
	s22 =	sor.u32 $0x1C03, s22  }
.LBB2_1:
0x13: {  	[spmem:s10], [sflag:s9] =	dma.local [hbm:s8], $0x2800  }
0x14: {  	[tilespmem:s11], [sflag:$0x3] =	stream.linear.gather [hbm4b:s5+s3], $0x2800, $0x38;
	[tilespmem:$0x1EA00] =	vst v63  }
0x15: {  	_ =	swait.ge [sflag:s12], $0x2800  }
0x16: {  	[sflag:s12] =	ssyncset.done $0x0  }
0x17: {  	[sflag:s12] =	ssyncadd.s32 $0xFFFFD800  }
0x18: {  	_ =	swait.ge [sflag:s13], $0x2800  }
0x19: {  	[sflag:s13] =	ssyncset.done $0x0  }
0x1a: {  	[sflag:s13] =	ssyncadd.s32 $0xFFFFD800  }
0x1b: {  	[bflag:$0x0] =	sbarrier.arrive $0xFFFF  }
0x1c: {  	v0 =	vld [tilespmem:$0x14000];
	_ =	sdelay $0x1  }
0x1d: {  	v1 =	vld [tilespmem:$0x14010];
	_ =	sdelay $0x1  }
0x1e: {  	v2 =	vld [tilespmem:$0x14020]  }
0x1f: {  	v3 =	vand.u32 $0x3FFF, v0  }
0x20: {  	v0 =	vshrl.u32 v0, $0xE;
	[tilespmem:$0x16800] =	vst v3;
	v3 =	vld [tilespmem:$0x14030]  }
0x21: {  	[tilespmem:$0x16900] =	vst v0;
	v0 =	vand.u32 $0x3FFF, v1  }
0x22: {  	[tilespmem:$0x16810] =	vst v0;
	v0 =	vshrl.u32 v1, $0xE;
	v1 =	vld [tilespmem:$0x14040]  }
0x23: {  	[tilespmem:$0x16910] =	vst v0;
	v0 =	vand.u32 $0x3FFF, v2  }
0x24: {  	[tilespmem:$0x16820] =	vst v0;
	v0 =	vshrl.u32 v2, $0xE;
	v2 =	vld [tilespmem:$0x14050]  }
0x25: {  	[tilespmem:$0x16920] =	vst v0;
	v0 =	vand.u32 $0x3FFF, v3  }
0x26: {  	[tilespmem:$0x16830] =	vst v0;
	v0 =	vshrl.u32 v3, $0xE;
	v3 =	vld [tilespmem:$0x14060]  }
0x27: {  	[tilespmem:$0x16930] =	vst v0;
	v0 =	vand.u32 $0x3FFF, v1  }
0x28: {  	[tilespmem:$0x16840] =	vst v0;
	v0 =	vshrl.u32 v1, $0xE;
	v1 =	vld [tilespmem:$0x14070]  }
0x29: {  	[tilespmem:$0x16940] =	vst v0;
	v0 =	vand.u32 $0x3FFF, v2  }
0x2a: {  	[tilespmem:$0x16850] =	vst v0;
	v0 =	vshrl.u32 v2, $0xE  }
0x2b: {  	[tilespmem:$0x16950] =	vst v0;
	v0 =	vand.u32 $0x3FFF, v3  }
0x2c: {  	[tilespmem:$0x16860] =	vst v0;
	v0 =	vshrl.u32 v3, $0xE  }
0x2d: {  	[tilespmem:$0x16960] =	vst v0;
	v0 =	vand.u32 $0x3FFF, v1  }
0x2e: {  	[tilespmem:$0x16870] =	vst v0;
	v0 =	vshrl.u32 v1, $0xE  }
0x2f: {  	[tilespmem:$0x16970] =	vst v0  }
0x30: {  	[tilespmem:s16], [sflag:$0x1] =	stream.indirect.gather [hbm4b:s4+s14], $0x80, s15, s14, $0xb8;
	[tilespmem:$0x1EA00] =	vst v63  }
0x31: {  	v0 =	vld [tilespmem:$0x14080];
	_ =	sdelay $0x1  }
0x32: {  	v1 =	vld [tilespmem:$0x14090];
	_ =	sdelay $0x1  }
0x33: {  	v2 =	vld [tilespmem:$0x140A0]  }
0x34: {  	v3 =	vand.u32 $0x3FFF, v0  }
0x35: {  	v0 =	vshrl.u32 v0, $0xE;
	[tilespmem:$0x16880] =	vst v3;
	v3 =	vld [tilespmem:$0x140B0]  }
0x36: {  	[tilespmem:$0x16980] =	vst v0;
	v0 =	vand.u32 $0x3FFF, v1  }
0x37: {  	[tilespmem:$0x16890] =	vst v0;
	v0 =	vshrl.u32 v1, $0xE;
	v1 =	vld [tilespmem:$0x140C0]  }
0x38: {  	[tilespmem:$0x16990] =	vst v0;
	v0 =	vand.u32 $0x3FFF, v2  }
0x39: {  	[tilespmem:$0x168A0] =	vst v0;
	v0 =	vshrl.u32 v2, $0xE;
	v2 =	vld [tilespmem:$0x140D0]  }
0x3a: {  	[tilespmem:$0x169A0] =	vst v0;
	v0 =	vand.u32 $0x3FFF, v3  }
0x3b: {  	[tilespmem:$0x168B0] =	vst v0;
	v0 =	vshrl.u32 v3, $0xE;
	v3 =	vld [tilespmem:$0x140E0]  }
0x3c: {  	[tilespmem:$0x169B0] =	vst v0;
	v0 =	vand.u32 $0x3FFF, v1  }
0x3d: {  	[tilespmem:$0x168C0] =	vst v0;
	v0 =	vshrl.u32 v1, $0xE;
	v1 =	vld [tilespmem:$0x140F0]  }
0x3e: {  	[tilespmem:$0x169C0] =	vst v0;
	v0 =	vand.u32 $0x3FFF, v2  }
0x3f: {  	[tilespmem:$0x168D0] =	vst v0;
	v0 =	vshrl.u32 v2, $0xE  }
0x40: {  	[tilespmem:$0x169D0] =	vst v0;
	v0 =	vand.u32 $0x3FFF, v3  }
0x41: {  	[tilespmem:$0x168E0] =	vst v0;
	v0 =	vshrl.u32 v3, $0xE  }
0x42: {  	[tilespmem:$0x169E0] =	vst v0;
	v0 =	vand.u32 $0x3FFF, v1  }
0x43: {  	[tilespmem:$0x168F0] =	vst v0;
	v0 =	vshrl.u32 v1, $0xE  }
0x44: {  	[tilespmem:$0x169F0] =	vst v0  }
0x45: {  	[tilespmem:s18], [sflag:$0x2] =	stream.indirect.gather [hbm4b:s4+s14], $0x80, s17, s14, $0xb8;
	[tilespmem:$0x1EA00] =	vst v63  }
0x46: {  	_ =	swait.ge [sflag:s13], $0x4000  }
0x47: {  	[sflag:s13] =	ssyncset.done $0x0  }
0x48: {  	[sflag:s13] =	ssyncadd.s32 $0xFFFFC000  }
0x49: {  	[spmem:s2] =	stream.indirect.scatter.add.f32 [tilespmem:s16], [sflag:$0x3], $0x80, s19, s14, $0xb8;
	[tilespmem:$0x1EA00] =	vst v63  }
0x4a: {  	_ =	swait.ge [sflag:s12], $0x4000  }
0x4b: {  	[sflag:s12] =	ssyncset.done $0x0  }
0x4c: {  	s24 =	simm.s32 $0x1F0;
	[sflag:s12] =	ssyncadd.s32 $0xFFFFC000  }
0x4d: {  	v0 =	vld [tilespmem:s24+$0x13F10];
	_ =	sdelay $0x4  }
0x4e: {  	v1 =	vand.u32 $0x3FFF, v0  }
0x4f: {  	v0 =	vshrl.u32 v0, $0xE;
	[tilespmem:$0x16800] =	vst v1  }
0x50: {  	[tilespmem:$0x16900] =	vst v0  }
0x51: {  	v0 =	vld [tilespmem:s24+$0x13F20];
	_ =	sdelay $0x4  }
0x52: {  	v1 =	vand.u32 $0x3FFF, v0  }
0x53: {  	v0 =	vshrl.u32 v0, $0xE;
	[tilespmem:$0x16810] =	vst v1  }
0x54: {  	[tilespmem:$0x16910] =	vst v0  }
0x55: {  	v0 =	vld [tilespmem:s24+$0x13F30];
	_ =	sdelay $0x4  }
0x56: {  	v1 =	vand.u32 $0x3FFF, v0  }
0x57: {  	v0 =	vshrl.u32 v0, $0xE;
	[tilespmem:$0x16820] =	vst v1  }
0x58: {  	[tilespmem:$0x16920] =	vst v0  }
0x59: {  	v0 =	vld [tilespmem:s24+$0x13F40];
	_ =	sdelay $0x4  }
0x5a: {  	v1 =	vand.u32 $0x3FFF, v0  }
0x5b: {  	v0 =	vshrl.u32 v0, $0xE;
	[tilespmem:$0x16830] =	vst v1  }
0x5c: {  	[tilespmem:$0x16930] =	vst v0  }
0x5d: {  	v0 =	vld [tilespmem:s24+$0x13F50];
	_ =	sdelay $0x4  }
0x5e: {  	v1 =	vand.u32 $0x3FFF, v0  }
0x5f: {  	v0 =	vshrl.u32 v0, $0xE;
	[tilespmem:$0x16840] =	vst v1  }
0x60: {  	[tilespmem:$0x16940] =	vst v0  }
0x61: {  	v0 =	vld [tilespmem:s24+$0x13F60];
	_ =	sdelay $0x4  }
0x62: {  	v1 =	vand.u32 $0x3FFF, v0  }
0x63: {  	v0 =	vshrl.u32 v0, $0xE;
	[tilespmem:$0x16850] =	vst v1  }
0x64: {  	[tilespmem:$0x16950] =	vst v0  }
0x65: {  	v0 =	vld [tilespmem:s24+$0x13F70];
	_ =	sdelay $0x4  }
0x66: {  	v1 =	vand.u32 $0x3FFF, v0  }
0x67: {  	v0 =	vshrl.u32 v0, $0xE;
	[tilespmem:$0x16860] =	vst v1  }
0x68: {  	[tilespmem:$0x16960] =	vst v0  }
0x69: {  	v0 =	vld [tilespmem:s24+$0x13F80];
	_ =	sdelay $0x4  }
0x6a: {  	v1 =	vand.u32 $0x3FFF, v0  }
0x6b: {  	v0 =	vshrl.u32 v0, $0xE;
	[tilespmem:$0x16870] =	vst v1  }
0x6c: {  	[tilespmem:$0x16970] =	vst v0  }
0x6d: {  	[tilespmem:s16], [sflag:$0x1] =	stream.indirect.gather [hbm4b:s4+s14], $0x80, s15, s14, $0xb8;
	[tilespmem:$0x1EA00] =	vst v63  }
0x6e: {  	_ =	swait.ge [sflag:s20], $0x4000  }
0x6f: {  	[sflag:s20] =	ssyncset.done $0x0  }
0x70: {  	[sflag:s20] =	ssyncadd.s32 $0xFFFFC000  }
0x71: {  	[spmem:s2] =	stream.indirect.scatter.add.f32 [tilespmem:s18], [sflag:$0x3], $0x80, s21, s14, $0xb8;
	[tilespmem:$0x1EA00] =	vst v63  }
0x72: {  	_ =	swait.ge [sflag:s12], $0x4000  }
0x73: {  	[sflag:s12] =	ssyncset.done $0x0  }
0x74: {  	[sflag:s12] =	ssyncadd.s32 $0xFFFFC000  }
0x75: {  	v0 =	vld [tilespmem:s24+$0x13F90];
	_ =	sdelay $0x4  }
0x76: {  	v1 =	vand.u32 $0x3FFF, v0  }
0x77: {  	v0 =	vshrl.u32 v0, $0xE;
	[tilespmem:$0x16880] =	vst v1  }
0x78: {  	[tilespmem:$0x16980] =	vst v0  }
0x79: {  	v0 =	vld [tilespmem:s24+$0x13FA0];
	_ =	sdelay $0x4  }
0x7a: {  	v1 =	vand.u32 $0x3FFF, v0  }
0x7b: {  	v0 =	vshrl.u32 v0, $0xE;
	[tilespmem:$0x16890] =	vst v1  }
0x7c: {  	[tilespmem:$0x16990] =	vst v0  }
0x7d: {  	v0 =	vld [tilespmem:s24+$0x13FB0];
	_ =	sdelay $0x4  }
0x7e: {  	v1 =	vand.u32 $0x3FFF, v0  }
0x7f: {  	v0 =	vshrl.u32 v0, $0xE;
	[tilespmem:$0x168A0] =	vst v1  }
0x80: {  	[tilespmem:$0x169A0] =	vst v0  }
0x81: {  	v0 =	vld [tilespmem:s24+$0x13FC0];
	_ =	sdelay $0x4  }
0x82: {  	v1 =	vand.u32 $0x3FFF, v0  }
0x83: {  	v0 =	vshrl.u32 v0, $0xE;
	[tilespmem:$0x168B0] =	vst v1  }
0x84: {  	[tilespmem:$0x169B0] =	vst v0  }
0x85: {  	v0 =	vld [tilespmem:s24+$0x13FD0];
	_ =	sdelay $0x4  }
0x86: {  	v1 =	vand.u32 $0x3FFF, v0  }
0x87: {  	v0 =	vshrl.u32 v0, $0xE;
	[tilespmem:$0x168C0] =	vst v1  }
0x88: {  	[tilespmem:$0x169C0] =	vst v0  }
0x89: {  	v0 =	vld [tilespmem:s24+$0x13FE0];
	_ =	sdelay $0x4  }
0x8a: {  	v1 =	vand.u32 $0x3FFF, v0  }
0x8b: {  	v0 =	vshrl.u32 v0, $0xE;
	[tilespmem:$0x168D0] =	vst v1  }
0x8c: {  	[tilespmem:$0x169D0] =	vst v0  }
0x8d: {  	v0 =	vld [tilespmem:s24+$0x13FF0];
	_ =	sdelay $0x4  }
0x8e: {  	v1 =	vand.u32 $0x3FFF, v0  }
0x8f: {  	s25 =	simm.s32 $0xBC0;
	v0 =	vshrl.u32 v0, $0xE;
	[tilespmem:$0x168E0] =	vst v1  }
.LBB2_2:
0x90: {  	p0 =	sne.s32 s25, $0x9FC0;
	[tilespmem:$0x169E0] =	vst v0;
	s26 =	smov.u32 s25;
	s25 =	sadd.s32 $0x400, s25  }
0x91: {  	v0 =	vld [tilespmem:s24+$0x14000];
	_ =	sdelay $0x4  }
0x92: {  	v1 =	vand.u32 $0x3FFF, v0;
	v0 =	vshrl.u32 v0, $0xE  }
0x93: {  	[tilespmem:$0x168F0] =	vst v1  }
0x94: {  	[tilespmem:$0x169F0] =	vst v0  }
0x95: {  	[tilespmem:s18], [sflag:$0x2] =	stream.indirect.gather [hbm4b:s4+s14], $0x80, s17, s14, $0xb8;
	[tilespmem:$0x1EA00] =	vst v63  }
0x96: {  	_ =	swait.ge [sflag:s13], $0x4000  }
0x97: {  	[sflag:s13] =	ssyncset.done $0x0  }
0x98: {  	[sflag:s13] =	ssyncadd.s32 $0xFFFFC000  }
0x99: {  	[spmem:s2] =	stream.indirect.scatter.add.f32 [tilespmem:s16], [sflag:$0x3], $0x80, s19, s14, $0xb8;
	[tilespmem:$0x1EA00] =	vst v63  }
0x9a: {  	_ =	swait.ge [sflag:s12], $0x4000  }
0x9b: {  	[sflag:s12] =	ssyncset.done $0x0  }
0x9c: {  	s24 =	sshra.s32 s26, $0x2;
	[sflag:s12] =	ssyncadd.s32 $0xFFFFC000  }
0x9d: {  	v0 =	vld [tilespmem:s24+$0x13F10];
	_ =	sdelay $0x4  }
0x9e: {  	v1 =	vand.u32 $0x3FFF, v0;
	v0 =	vshrl.u32 v0, $0xE  }
0x9f: {  	[tilespmem:$0x16800] =	vst v1  }
0xa0: {  	[tilespmem:$0x16900] =	vst v0  }
0xa1: {  	v0 =	vld [tilespmem:s24+$0x13F20];
	_ =	sdelay $0x4  }
0xa2: {  	v1 =	vand.u32 $0x3FFF, v0;
	v0 =	vshrl.u32 v0, $0xE  }
0xa3: {  	[tilespmem:$0x16810] =	vst v1  }
0xa4: {  	[tilespmem:$0x16910] =	vst v0  }
0xa5: {  	v0 =	vld [tilespmem:s24+$0x13F30];
	_ =	sdelay $0x4  }
0xa6: {  	v1 =	vand.u32 $0x3FFF, v0;
	v0 =	vshrl.u32 v0, $0xE  }
0xa7: {  	[tilespmem:$0x16820] =	vst v1  }
0xa8: {  	[tilespmem:$0x16920] =	vst v0  }
0xa9: {  	v0 =	vld [tilespmem:s24+$0x13F40];
	_ =	sdelay $0x4  }
0xaa: {  	v1 =	vand.u32 $0x3FFF, v0;
	v0 =	vshrl.u32 v0, $0xE  }
0xab: {  	[tilespmem:$0x16830] =	vst v1  }
0xac: {  	[tilespmem:$0x16930] =	vst v0  }
0xad: {  	v0 =	vld [tilespmem:s24+$0x13F50];
	_ =	sdelay $0x4  }
0xae: {  	v1 =	vand.u32 $0x3FFF, v0;
	v0 =	vshrl.u32 v0, $0xE  }
0xaf: {  	[tilespmem:$0x16840] =	vst v1  }
0xb0: {  	[tilespmem:$0x16940] =	vst v0  }
0xb1: {  	v0 =	vld [tilespmem:s24+$0x13F60];
	_ =	sdelay $0x4  }
0xb2: {  	v1 =	vand.u32 $0x3FFF, v0;
	v0 =	vshrl.u32 v0, $0xE  }
0xb3: {  	[tilespmem:$0x16850] =	vst v1  }
0xb4: {  	[tilespmem:$0x16950] =	vst v0  }
0xb5: {  	v0 =	vld [tilespmem:s24+$0x13F70];
	_ =	sdelay $0x4  }
0xb6: {  	v1 =	vand.u32 $0x3FFF, v0;
	v0 =	vshrl.u32 v0, $0xE  }
0xb7: {  	[tilespmem:$0x16860] =	vst v1  }
0xb8: {  	[tilespmem:$0x16960] =	vst v0  }
0xb9: {  	v0 =	vld [tilespmem:s24+$0x13F80];
	_ =	sdelay $0x4  }
0xba: {  	v1 =	vand.u32 $0x3FFF, v0;
	v0 =	vshrl.u32 v0, $0xE  }
0xbb: {  	[tilespmem:$0x16870] =	vst v1  }
0xbc: {  	[tilespmem:$0x16970] =	vst v0  }
0xbd: {  	[tilespmem:s16], [sflag:$0x1] =	stream.indirect.gather [hbm4b:s4+s14], $0x80, s15, s14, $0xb8;
	[tilespmem:$0x1EA00] =	vst v63  }
0xbe: {  	_ =	swait.ge [sflag:s20], $0x4000  }
0xbf: {  	[sflag:s20] =	ssyncset.done $0x0  }
0xc0: {  	[sflag:s20] =	ssyncadd.s32 $0xFFFFC000  }
0xc1: {  	[spmem:s2] =	stream.indirect.scatter.add.f32 [tilespmem:s18], [sflag:$0x3], $0x80, s21, s14, $0xb8;
	[tilespmem:$0x1EA00] =	vst v63  }
0xc2: {  	_ =	swait.ge [sflag:s12], $0x4000  }
0xc3: {  	[sflag:s12] =	ssyncset.done $0x0  }
0xc4: {  	[sflag:s12] =	ssyncadd.s32 $0xFFFFC000  }
0xc5: {  	v0 =	vld [tilespmem:s24+$0x13F90];
	_ =	sdelay $0x4  }
0xc6: {  	v1 =	vand.u32 $0x3FFF, v0;
	v0 =	vshrl.u32 v0, $0xE  }
0xc7: {  	[tilespmem:$0x16880] =	vst v1  }
0xc8: {  	[tilespmem:$0x16980] =	vst v0  }
0xc9: {  	v0 =	vld [tilespmem:s24+$0x13FA0];
	_ =	sdelay $0x4  }
0xca: {  	v1 =	vand.u32 $0x3FFF, v0;
	v0 =	vshrl.u32 v0, $0xE  }
0xcb: {  	[tilespmem:$0x16890] =	vst v1  }
0xcc: {  	[tilespmem:$0x16990] =	vst v0  }
0xcd: {  	v0 =	vld [tilespmem:s24+$0x13FB0];
	_ =	sdelay $0x4  }
0xce: {  	v1 =	vand.u32 $0x3FFF, v0;
	v0 =	vshrl.u32 v0, $0xE  }
0xcf: {  	[tilespmem:$0x168A0] =	vst v1  }
0xd0: {  	[tilespmem:$0x169A0] =	vst v0  }
0xd1: {  	v0 =	vld [tilespmem:s24+$0x13FC0];
	_ =	sdelay $0x4  }
0xd2: {  	v1 =	vand.u32 $0x3FFF, v0;
	v0 =	vshrl.u32 v0, $0xE  }
0xd3: {  	[tilespmem:$0x168B0] =	vst v1  }
0xd4: {  	[tilespmem:$0x169B0] =	vst v0  }
0xd5: {  	v0 =	vld [tilespmem:s24+$0x13FD0];
	_ =	sdelay $0x4  }
0xd6: {  	v1 =	vand.u32 $0x3FFF, v0;
	v0 =	vshrl.u32 v0, $0xE  }
0xd7: {  	[tilespmem:$0x168C0] =	vst v1  }
0xd8: {  	[tilespmem:$0x169C0] =	vst v0  }
0xd9: {  	v0 =	vld [tilespmem:s24+$0x13FE0];
	_ =	sdelay $0x4  }
0xda: {  	v1 =	vand.u32 $0x3FFF, v0;
	v0 =	vshrl.u32 v0, $0xE  }
0xdb: {  	[tilespmem:$0x168D0] =	vst v1  }
0xdc: {  	[tilespmem:$0x169D0] =	vst v0  }
0xdd: {  	v0 =	vld [tilespmem:s24+$0x13FF0];
	_ =	sdelay $0x1  }
.Ltmp0:
0xde: {  	(pc) =	sbr.rel @p0 .LBB2_2-.Ltmp0, $3  }
0xdf: {  	_ =	sdelay $0x1  }
0xe0: {  	v1 =	vand.u32 $0x3FFF, v0;
	v0 =	vshrl.u32 v0, $0xE  }
0xe1: {  	[tilespmem:$0x168E0] =	vst v1  }
0xe2: {  	[tilespmem:$0x169E0] =	vst v0  }
0xe3: {  	v0 =	vld [tilespmem:s24+$0x14000];
	_ =	sdelay $0x4  }
0xe4: {  	v1 =	vand.u32 $0x3FFF, v0  }
0xe5: {  	v0 =	vshrl.u32 v0, $0xE;
	[tilespmem:$0x168F0] =	vst v1  }
0xe6: {  	[tilespmem:$0x169F0] =	vst v0  }
0xe7: {  	[tilespmem:s18], [sflag:$0x2] =	stream.indirect.gather [hbm4b:s4+s14], $0x80, s17, s14, $0xb8;
	[tilespmem:$0x1EA00] =	vst v63  }
0xe8: {  	_ =	swait.ge [sflag:s13], $0x4000  }
0xe9: {  	[sflag:s13] =	ssyncset.done $0x0  }
0xea: {  	[sflag:s13] =	ssyncadd.s32 $0xFFFFC000  }
0xeb: {  	[spmem:s2] =	stream.indirect.scatter.add.f32 [tilespmem:s16], [sflag:$0x3], $0x80, s19, s14, $0xb8;
	[tilespmem:$0x1EA00] =	vst v63  }
0xec: {  	_ =	swait.ge [sflag:s12], $0x4000  }
0xed: {  	[sflag:s12] =	ssyncset.done $0x0  }
0xee: {  	[sflag:s12] =	ssyncadd.s32 $0xFFFFC000  }
0xef: {  	_ =	swait.ge [sflag:s20], $0x4000  }
0xf0: {  	[sflag:s20] =	ssyncset.done $0x0  }
0xf1: {  	[sflag:s20] =	ssyncadd.s32 $0xFFFFC000  }
0xf2: {  	[spmem:s2] =	stream.indirect.scatter.add.f32 [tilespmem:s18], [sflag:$0x3], $0x80, s21, s14, $0xb8;
	[tilespmem:$0x1EA00] =	vst v63  }
0xf3: {  	_ =	swait.ge [sflag:s12], $0x4000  }
0xf4: {  	s23 =	sadd.s32 $0x1, s23;
	[sflag:s12] =	ssyncset.done $0x0  }
0xf5: {  	p0 =	sne.s32 s23, s7;
	[sflag:s12] =	ssyncadd.s32 $0xFFFFC000  }
.Ltmp1:
0xf6: {  	[bflag:$0x0] =	sbarrier.arrive $0xFFFF;
	(pc) =	sbr.rel @p0 .LBB2_1-.Ltmp1, $4  }
0xf7: {  	[hbm:s6], [sflag:s22] =	dma.local [spmem:s10], $0x2800  }
0xf8: {  	_ =	swait.ge [sflag:s12], $0x2800  }
0xf9: {  	[sflag:s12] =	ssyncset.done $0x0  }
0xfa: {  	[sflag:s12] =	ssyncadd.s32 $0xFFFFD800  }
0xfb: {  	_ =	sfence.sel $0x180000  }
0xfc: {  	[bflag:$0x0] =	sbarrier.arrive $0xFFFF  }
0xfd: {  	p0 =	sne.s32 s1, $0x0;
	_ =	strace $0x9000004A  }
0xfe: {  	s0 =	sadd.s32 @!p0 $0x100000, s0;
	[bflag:$0x2] =	sbarrier.arrive $0xFFFF  }
0xff: {  	[sflag:s0] =	ssyncadd.tile.s32 @!p0 $0x1;
	_ =	shalt  }
.Lfunc_end2:
_tile_overlayer_lowered:
.L_overlay_start_2:
0x100: {  	(tag) =	ssettag $0x2  }
0x101: {  	s0 =	rddreg [dreg:$0x0];
	s2 =	stileid.u32  }
0x102: {  	s1 =	rddreg [dreg:$0x1];
	p0 =	sne.s32 s2, $0x0  }
0x103: {  	s3 =	rddreg [dreg:$0x2];
	[bflag:$0x3] =	sbarrier.arrive $0xFFFF;
	s2 =	simm.s32 @!p0 $0x1C03  }
0x104: {  	[timem:s3], [sflag:s2] =	dma.local @!p0 [hbm:s0], s1  }
0x105: {  	s0 =	simm.s32 @!p0 $0x3  }
0x106: {  	_ =	swait.ge @!p0 [sflag:s0], s1  }
0x107: {  	s1 =	ssub.s32 @!p0 $0x0, s1;
	[sflag:s0] =	ssyncset.done @!p0 $0x0  }
0x108: {  	[sflag:s0] =	ssyncadd.s32 @!p0 s1  }
0x109: {  	[bflag:$0x3] =	sbarrier.arrive $0xFFFF  }
0x10a: {  	_ =	shalt  }

// kernel: kernel.14.cloned.1.call-start
scs
__scs_entry_jumppad:
0x0: {  	(pc) =	sbr.rel $0x88, $3  }
0x1: {  	(tag) =	ssettag $0x0;
	lr =	simm.s32 $0x1  }
0x2: {  	[smem:$0x3F9B] =	sst lr;
	_ =	strace $0xD0000000  }
0x3: {  	_ = 	snop  }
0x4: {  	_ = 	snop  }
0x5: {  	_ = 	snop  }
0x6: {  	_ = 	snop  }
0x7: {  	_ = 	snop  }
__scs_overlays_trampoline_lowered:
0x8: {  	[smem:$0x3FAA] =	sst s0  }
0x9: {  	[smem:$0x3FAB] =	sst s1  }
0xa: {  	[smem:$0x3FAC] =	sst s2  }
0xb: {  	[smem:$0x3FAD] =	sst s3  }
0xc: {  	[smem:$0x3FAE] =	sst s4  }
0xd: {  	[smem:$0x3FAF] =	sst s5  }
0xe: {  	[smem:$0x3FB0] =	sst s6  }
0xf: {  	[smem:$0x3FB1] =	sst s7  }
0x10: {  	[smem:$0x3FB2] =	sst s8  }
0x11: {  	[smem:$0x3FB3] =	sst s9;
	s0 =	simm.s32 @!p0 $0x0  }
0x12: {  	s1 =	sld [smem:$0x3F99];
	s0 =	simm.s32 @p0 $0x1  }
0x13: {  	[smem:$0x3FB4] =	sst s0;
	s0 =	simm.s32 @!p1 $0x0  }
0x14: {  	s2 =	sld [smem:$0x3F98];
	s0 =	simm.s32 @p1 $0x1  }
0x15: {  	[smem:$0x3FB5] =	sst s0;
	s0 =	simm.s32 @!p2 $0x0  }
0x16: {  	s3 =	sld [smem:$0x3FDB];
	s0 =	simm.s32 @p2 $0x1  }
0x17: {  	s4 =	simm.s32 $0x1BF5;
	[smem:$0x3FB7] =	sst s0  }
0x18: {  	s0 =	sld [smem:$0x3F9A];
	_ =	swait.ge [sflag:s4], $0x0  }
0x19: {  	s7 =	sld [smem:$0x3F9B]  }
0x1a: {  	s8 =	sadd.s32 $0xFFFFE003, lr  }
0x1b: {  	s9 =	sadd.s32 $0xFFFFFEF7, lr;
	s5 =	simm.s32 $0xFFFFFFFF;
	p2 =	slt.u32 s8, $0xFFFFF086  }
0x1c: {  	p1 =	slt.u32 s9, $0xF7A;
	s5 =	simm.s32 @!p2 $0x0  }
0x1d: {  	s5 =	simm.s32 @p1 $0x1;
	p0 =	seq.s32 s7, s2  }
0x1e: {  	s7 =	smul.u32 @!p0 $0xF7A, s2;
	p2 =	seq.s32 @!p0 s5, $0x0  }
0x1f: {  	s9 =	smul.u32 $0xF7A, s1;
	s8 =	simm.s32 @!p0 $0x1BF5;
	p2 =	por !p2, p0  }
0x20: {  	[sflag:s8] =	ssyncset.s32 @!p0 $0xFFFFF086;
	s6 =	sadd.s32 @!p0 s3, s7;
	s7 =	simm.s32 @!p0 $0x108  }
0x21: {  	s3 =	sadd.s32 s3, s9;
	s6 =	sadd.s32 @!p0 $0x88, s6;
	s7 =	simm.s32 @p2 $0x1082  }
0x22: {  	[simem:s7], [sflag:s8] =	dma.local @!p0 [hbm:s6], $0xF7A  }
0x23: {  	s9 =	sor.u32 $0xD0000000, s2;
	s6 =	simm.s32 $0x108;
	_ =	swait.ge @!p0 [sflag:s8], $0x0  }
0x24: {  	s3 =	sadd.s32 $0x88, s3;
	s6 =	simm.s32 @!p1 $0x1082;
	[sflag:s4] =	ssyncset.s32 $0xFFFFF086  }
0x25: {  	[simem:s6], [sflag:s4] =	dma.local [hbm:s3], $0xF7A  }
0x26: {  	[smem:$0x3F9B] =	sst s1;
	(tag) =	ssettag s2;
	_ =	strace s9  }
0x27: {  	s1 =	sld [smem:$0x3FAB]  }
0x28: {  	s2 =	sld [smem:$0x3FAC]  }
0x29: {  	s4 =	sld [smem:$0x3FAE]  }
0x2a: {  	p0 =	seq.s32 s5, $0x0;
	s5 =	sld [smem:$0x3FAF]  }
0x2b: {  	s6 =	sld [smem:$0x3FB0]  }
0x2c: {  	s7 =	sld [smem:$0x3FB1]  }
0x2d: {  	s3 =	simm.s32 $0x108;
	s8 =	sld [smem:$0x3FB2]  }
0x2e: {  	s3 =	simm.s32 @!p0 $0x1082;
	s9 =	sld [smem:$0x3FB3]  }
0x2f: {  	lr =	sadd.s32 s0, s3;
	s0 =	sld [smem:$0x3FAA]  }
0x30: {  	s3 =	sld [smem:$0x3FAD]  }
0x31: {  	[smem:$0x3FB6] =	sst s10  }
0x32: {  	s10 =	sld [smem:$0x3FB4];
	_ =	sdelay $0x3  }
0x33: {  	p0 =	seq.s32 s10, $0x1;
	s10 =	sld [smem:$0x3FB6];
	_ =	sdelay $0x3  }
0x34: {  	[smem:$0x3FB6] =	sst s10  }
0x35: {  	s10 =	sld [smem:$0x3FB5];
	_ =	sdelay $0x3  }
0x36: {  	p1 =	seq.s32 s10, $0x1;
	s10 =	sld [smem:$0x3FB6];
	_ =	sdelay $0x3  }
0x37: {  	[smem:$0x3FB6] =	sst s10  }
0x38: {  	s10 =	sld [smem:$0x3FB7]  }
0x39: {  	_ = 	snop;
	(pc) =	sbr.ind lr, $3  }
0x3a: {  	_ = 	snop  }
0x3b: {  	_ = 	snop  }
0x3c: {  	p2 =	seq.s32 s10, $0x1;
	s10 =	sld [smem:$0x3FB6]  }
0x3d: {  	_ =	shalt  }
0x3e: {  	_ =	shalt  }
0x3f: {  	_ =	shalt  }
0x40: {  	_ =	shalt  }
0x41: {  	_ =	shalt  }
0x42: {  	_ =	shalt  }
0x43: {  	_ =	shalt  }
0x44: {  	_ =	shalt  }
0x45: {  	_ =	shalt  }
0x46: {  	_ =	shalt  }
0x47: {  	_ =	shalt  }
0x48: {  	_ =	shalt  }
0x49: {  	_ =	shalt  }
0x4a: {  	_ =	shalt  }
0x4b: {  	_ =	shalt  }
0x4c: {  	_ =	shalt  }
0x4d: {  	_ =	shalt  }
0x4e: {  	_ =	shalt  }
0x4f: {  	_ =	shalt  }
0x50: {  	_ =	shalt  }
0x51: {  	_ =	shalt  }
0x52: {  	_ =	shalt  }
0x53: {  	_ =	shalt  }
0x54: {  	_ =	shalt  }
0x55: {  	_ =	shalt  }
0x56: {  	_ =	shalt  }
0x57: {  	_ =	shalt  }
0x58: {  	_ =	shalt  }
0x59: {  	_ =	shalt  }
0x5a: {  	_ =	shalt  }
0x5b: {  	_ =	shalt  }
0x5c: {  	_ =	shalt  }
0x5d: {  	_ =	shalt  }
0x5e: {  	_ =	shalt  }
0x5f: {  	_ =	shalt  }
0x60: {  	_ =	shalt  }
0x61: {  	_ =	shalt  }
0x62: {  	_ =	shalt  }
0x63: {  	_ =	shalt  }
0x64: {  	_ =	shalt  }
0x65: {  	_ =	shalt  }
0x66: {  	_ =	shalt  }
0x67: {  	_ =	shalt  }
0x68: {  	_ =	shalt  }
0x69: {  	_ =	shalt  }
0x6a: {  	_ =	shalt  }
0x6b: {  	_ =	shalt  }
0x6c: {  	_ =	shalt  }
0x6d: {  	_ =	shalt  }
0x6e: {  	_ =	shalt  }
0x6f: {  	_ =	shalt  }
0x70: {  	_ =	shalt  }
0x71: {  	_ =	shalt  }
0x72: {  	_ =	shalt  }
0x73: {  	_ =	shalt  }
0x74: {  	_ =	shalt  }
0x75: {  	_ =	shalt  }
0x76: {  	_ =	shalt  }
0x77: {  	_ =	shalt  }
0x78: {  	_ =	shalt  }
0x79: {  	_ =	shalt  }
0x7a: {  	_ =	shalt  }
0x7b: {  	_ =	shalt  }
0x7c: {  	_ =	shalt  }
0x7d: {  	_ =	shalt  }
0x7e: {  	_ =	shalt  }
0x7f: {  	_ =	shalt  }
0x80: {  	_ =	shalt  }
0x81: {  	_ =	shalt  }
0x82: {  	_ =	shalt  }
0x83: {  	_ =	shalt  }
0x84: {  	_ =	shalt  }
0x85: {  	_ =	shalt  }
0x86: {  	_ =	shalt  }
0x87: {  	_ =	shalt  }
.Lfunc_end0:
.L_simem_size_0:
called_computation.2_lowered:
.L_overlay_start_0:
0x88: {  	s2 =	sld [smem:$0x3FD9]  }
0x89: {  	s3 =	sld [smem:$0x3FFE];
	_ =	sdelay $0x1  }
0x8a: {  	s1 =	srdreg.scid  }
0x8b: {  	s0 =	sand.u32 $0x1, s1  }
0x8c: {  	s17 =	sshll.u32 s0, $0xA;
	s2 =	sadd.s32 s3, s2  }
0x8d: {  	s2 =	sadd.s32 s2, s17  }
0x8e: {  	[smem:$0x3FC2] =	sst s2  }
0x8f: {  	_ = 	snop  }
0x90: {  	s2 =	sld [smem:$0x3FD0];
	(tm) =	ssettm $0x1  }
0x91: {  	s18 =	sld [smem:$0x3FFB];
	_ =	sdelay $0x3  }
0x92: {  	_ =	strace s18  }
0x93: {  	s3 =	sld [smem:$0x3FFC];
	_ =	sdelay $0x3  }
0x94: {  	_ =	strace s3  }
0x95: {  	s3 =	sld [smem:$0x3FFD];
	_ =	sdelay $0x3  }
0x96: {  	_ =	strace s3  }
0x97: {  	_ =	strace $0x8FFFFFFF  }
0x98: {  	s19 =	sld [smem:$0x3FDB];
	_ =	sdelay $0x1  }
0x99: {  	s4 =	simm.s32 $_scs_section_size  }
0x9a: {  	s5 =	simm.s32 $_size__tile_overlayer_lowered;
	s6 =	simm.s32 $_tile_overlayer_lowered  }
0x9b: {  	s22 =	simm.s32 $0x1BFF;
	s21 =	sshll.u32 s6, $0x1;
	s3 =	sadd.s32 s4, s19  }
0x9c: {  	s7 =	simm.s32 $0x0;
	s20 =	sshll.u32 s5, $0x1;
	s5 =	sadd.s32 s21, s3  }
0x9d: {  	[timem:s7], [sflag:s22] =	dma.local [hbm:s5], s20  }
0x9e: {  	_ =	swait.ge [sflag:s22], s20  }
0x9f: {  	s4 =	ssub.s32 $0x0, s20;
	[sflag:s22] =	ssyncset.done $0x0  }
0xa0: {  	[sflag:s22] =	ssyncadd.s32 s4;
	_ =	sdelay $0x1  }
0xa1: {  	s23 =	simm.s32 $0x1B8B  }
0xa2: {  	_ =	swait.ge [sflag:s23], $0x1  }
0xa3: {  	[sflag:s23] =	ssyncset.done $0x0  }
0xa4: {  	s25 =	simm.s32 $0x1B8E;
	s24 =	sld [smem:$0x3FFE];
	[sflag:s23] =	ssyncadd.s32 $0xFFFFFFFF  }
0xa5: {  	s26 =	simm.s32 $execute0_lowered;
	[smem:$0x3FD2] =	sst s25  }
0xa6: {  	s5 =	sshll.u32 s26, $0x1;
	_ =	strace $0x8000004C;
	[dreg:$0x1] =	wrdreg $0xFFFFFFFF  }
0xa7: {  	s28 =	simm.s32 $_size_execute0_lowered;
	s3 =	sadd.s32 s3, s5;
	[dreg:$0x0] =	wrdreg $0x0  }
0xa8: {  	s5 =	sshll.u32 s28, $0x1;
	[dreg:$0x2] =	wrdreg s3  }
0xa9: {  	[dreg:$0x3] =	wrdreg s5  }
0xaa: {  	[dreg:$0x4] =	wrdreg $0xC0  }
0xab: {  	_ =	task [dreg:s7], $0x5FFFF  }
0xac: {  	[dreg:$0x1] =	wrdreg $0xFFFFFFFF  }
0xad: {  	[dreg:$0x0] =	wrdreg $0x60  }
0xae: {  	[dreg:$0x2] =	wrdreg s24  }
0xaf: {  	[dreg:$0x3] =	wrdreg s2  }
0xb0: {  	[dreg:$0x4] =	wrdreg $0x0  }
0xb1: {  	[dreg:$0x5] =	wrdreg $0x9  }
0xb2: {  	_ =	task.clear_ibuf [dreg:s7], $0x6FFFF;
	_ =	strace $0x9000004C  }
0xb3: {  	s29 =	simm.s32 $0x9;
	_ =	strace $0x8000004E  }
0xb4: {  	_ =	swait.ge [sflag:s29], $0x1  }
0xb5: {  	[sflag:s29] =	ssyncadd.s32 $0xFFFFFFFF  }
0xb6: {  	_ =	strace $0x9000004E  }
0xb7: {  	_ =	sfence  }
0xb8: {  	s30 =	sld [smem:$0x0];
	_ =	sdelay $0x2  }
0xb9: {  	s31 =	sshll.u32 s1, $0xD;
	s1 =	sshrl.u32 s1, $0x2  }
0xba: {  	s3 =	sand.u32 $0x4000, s31;
	s1 =	sadd.s32 s1, s30  }
0xbb: {  	s0 =	sor.u32 s3, s0;
	s1 =	sshll.u32 s1, $0x11  }
0xbc: {  	s0 =	sor.u32 s1, s0  }
0xbd: {  	s0 =	sadd.s32 $0x8F2B, s0  }
0xbe: {  	[sflag:s0] =	ssyncadd.remote.s32 $0x1  }
0xbf: {  	_ =	sfence.sel $0xFFFF  }
0xc0: {  	[dreg:$0x0] =	wrdreg $0xFFFFFFFF;
	(pc) =	sbr.abs _section_cstart, $3  }
0xc1: {  	[dreg:$0x1] =	wrdreg $0xFFFFFFFF  }
0xc2: {  	_ =	task.clear_ibuf [dreg:s7], $0x2FFFF;
	_ =	strace $0x9FFFFFFF  }
0xc3: {  	(tm) =	ssettm $0x7FFFFFFF  }
tec
execute0_lowered:
.L_overlay_start_1:
0x0: {  	(tag) =	ssettag $0x1  }
0x1: {  	s5 =	rddreg [dreg:$0x0]  }
0x2: {  	s6 =	rddreg [dreg:$0x1]  }
0x3: {  	s0 =	srdreg.scid;
	s2 =	rddreg [dreg:$0x2]  }
0x4: {  	s1 =	stileid.u32;
	s3 =	simm.s32 $0x0;
	s14 =	simm.s32 $0x80  }
0x5: {  	s15 =	simm.s32 $0x16800;
	s16 =	simm.s32 $0x16A00;
	s17 =	simm.s32 $0x16880  }
0x6: {  	s18 =	simm.s32 $0x1AA00;
	s19 =	simm.s32 $0x16900;
	s20 =	simm.s32 $0x2  }
0x7: {  	s21 =	simm.s32 $0x16980;
	s23 =	simm.s32 $0x0;
	s8 =	smul.u32 $0x14000, s1  }
0x8: {  	s7 =	sand.u32 $0x1, s0;
	s0 =	rddreg [dreg:$0x3];
	s12 =	smul.u32 $0x50000, s1  }
0x9: {  	[smem:$0x7FF] =	sst s3;
	s9 =	sadd.s32 $0x2600, s5;
	s13 =	smul.u32 $0x2800, s1  }
0xa: {  	s11 =	sshll.u32 s1, $0x1;
	s22 =	sshll.u32 s1, $0x6;
	s4 =	smul.u32 $0x140000, s7  }
0xb: {  	_ =	strace $0x8000004D;
	s10 =	ssub.s32 $0x2, s7;
	s11 =	sor.u32 s7, s11  }
0xc: {  	p0 =	seq.s32 s7, $0x0;
	s30 =	sshrl.u32 s10, $0x1;
	s31 =	sshrl.u32 s12, $0x2  }
0xd: {  	s11 =	smul.u32 $0x500, s11;
	s8 =	sadd.s32 s8, s4;
	s4 =	sadd.s32 $0x2A600, s5  }
0xe: {  	s10 =	ssub.s32 s10, s30;
	s12 =	sadd.s32 s31, s2;
	s8 =	sshrl.u32 s8, $0x3  }
0xf: {  	s9 =	smov.u32 @p0 s4;
	s7 =	smax.u32 s10, $0x1;
	s10 =	sshrl.u32 s12, $0x3  }
0x10: {  	s12 =	simm.s32 $0x3;
	s8 =	sadd.s32 s8, s5;
	s5 =	sadd.s32 s6, s11  }
0x11: {  	s11 =	simm.s32 $0x14000;
	s6 =	sadd.s32 $0x52600, s8;
	s8 =	sadd.s32 s9, s13  }
0x12: {  	s9 =	sor.u32 $0x1C01, s22;
	s13 =	simm.s32 $0x1;
	s22 =	sor.u32 $0x1C03, s22  }
.LBB2_1:
0x13: {  	[spmem:s10], [sflag:s9] =	dma.local [hbm:s8], $0x2800  }
0x14: {  	[tilespmem:s11], [sflag:$0x3] =	stream.linear.gather [hbm4b:s5+s3], $0x2800, $0x38;
	[tilespmem:$0x1EA00] =	vst v63  }
0x15: {  	_ =	swait.ge [sflag:s12], $0x2800  }
0x16: {  	[sflag:s12] =	ssyncset.done $0x0  }
0x17: {  	[sflag:s12] =	ssyncadd.s32 $0xFFFFD800  }
0x18: {  	_ =	swait.ge [sflag:s13], $0x2800  }
0x19: {  	[sflag:s13] =	ssyncset.done $0x0  }
0x1a: {  	[sflag:s13] =	ssyncadd.s32 $0xFFFFD800  }
0x1b: {  	[bflag:$0x0] =	sbarrier.arrive $0xFFFF  }
0x1c: {  	v0 =	vld [tilespmem:$0x14000];
	_ =	sdelay $0x1  }
0x1d: {  	v1 =	vld [tilespmem:$0x14010];
	_ =	sdelay $0x1  }
0x1e: {  	v2 =	vld [tilespmem:$0x14020]  }
0x1f: {  	v3 =	vand.u32 $0x3FFF, v0  }
0x20: {  	v0 =	vshrl.u32 v0, $0xE;
	[tilespmem:$0x16800] =	vst v3;
	v3 =	vld [tilespmem:$0x14030]  }
0x21: {  	[tilespmem:$0x16900] =	vst v0;
	v0 =	vand.u32 $0x3FFF, v1  }
0x22: {  	[tilespmem:$0x16810] =	vst v0;
	v0 =	vshrl.u32 v1, $0xE;
	v1 =	vld [tilespmem:$0x14040]  }
0x23: {  	[tilespmem:$0x16910] =	vst v0;
	v0 =	vand.u32 $0x3FFF, v2  }
0x24: {  	[tilespmem:$0x16820] =	vst v0;
	v0 =	vshrl.u32 v2, $0xE;
	v2 =	vld [tilespmem:$0x14050]  }
0x25: {  	[tilespmem:$0x16920] =	vst v0;
	v0 =	vand.u32 $0x3FFF, v3  }
0x26: {  	[tilespmem:$0x16830] =	vst v0;
	v0 =	vshrl.u32 v3, $0xE;
	v3 =	vld [tilespmem:$0x14060]  }
0x27: {  	[tilespmem:$0x16930] =	vst v0;
	v0 =	vand.u32 $0x3FFF, v1  }
0x28: {  	[tilespmem:$0x16840] =	vst v0;
	v0 =	vshrl.u32 v1, $0xE;
	v1 =	vld [tilespmem:$0x14070]  }
0x29: {  	[tilespmem:$0x16940] =	vst v0;
	v0 =	vand.u32 $0x3FFF, v2  }
0x2a: {  	[tilespmem:$0x16850] =	vst v0;
	v0 =	vshrl.u32 v2, $0xE  }
0x2b: {  	[tilespmem:$0x16950] =	vst v0;
	v0 =	vand.u32 $0x3FFF, v3  }
0x2c: {  	[tilespmem:$0x16860] =	vst v0;
	v0 =	vshrl.u32 v3, $0xE  }
0x2d: {  	[tilespmem:$0x16960] =	vst v0;
	v0 =	vand.u32 $0x3FFF, v1  }
0x2e: {  	[tilespmem:$0x16870] =	vst v0;
	v0 =	vshrl.u32 v1, $0xE  }
0x2f: {  	[tilespmem:$0x16970] =	vst v0  }
0x30: {  	[tilespmem:s16], [sflag:$0x1] =	stream.indirect.gather [hbm4b:s4+s14], $0x80, s15, s14, $0xb8;
	[tilespmem:$0x1EA00] =	vst v63  }
0x31: {  	v0 =	vld [tilespmem:$0x14080];
	_ =	sdelay $0x1  }
0x32: {  	v1 =	vld [tilespmem:$0x14090];
	_ =	sdelay $0x1  }
0x33: {  	v2 =	vld [tilespmem:$0x140A0]  }
0x34: {  	v3 =	vand.u32 $0x3FFF, v0  }
0x35: {  	v0 =	vshrl.u32 v0, $0xE;
	[tilespmem:$0x16880] =	vst v3;
	v3 =	vld [tilespmem:$0x140B0]  }
0x36: {  	[tilespmem:$0x16980] =	vst v0;
	v0 =	vand.u32 $0x3FFF, v1  }
0x37: {  	[tilespmem:$0x16890] =	vst v0;
	v0 =	vshrl.u32 v1, $0xE;
	v1 =	vld [tilespmem:$0x140C0]  }
0x38: {  	[tilespmem:$0x16990] =	vst v0;
	v0 =	vand.u32 $0x3FFF, v2  }
0x39: {  	[tilespmem:$0x168A0] =	vst v0;
	v0 =	vshrl.u32 v2, $0xE;
	v2 =	vld [tilespmem:$0x140D0]  }
0x3a: {  	[tilespmem:$0x169A0] =	vst v0;
	v0 =	vand.u32 $0x3FFF, v3  }
0x3b: {  	[tilespmem:$0x168B0] =	vst v0;
	v0 =	vshrl.u32 v3, $0xE;
	v3 =	vld [tilespmem:$0x140E0]  }
0x3c: {  	[tilespmem:$0x169B0] =	vst v0;
	v0 =	vand.u32 $0x3FFF, v1  }
0x3d: {  	[tilespmem:$0x168C0] =	vst v0;
	v0 =	vshrl.u32 v1, $0xE;
	v1 =	vld [tilespmem:$0x140F0]  }
0x3e: {  	[tilespmem:$0x169C0] =	vst v0;
	v0 =	vand.u32 $0x3FFF, v2  }
0x3f: {  	[tilespmem:$0x168D0] =	vst v0;
	v0 =	vshrl.u32 v2, $0xE  }
0x40: {  	[tilespmem:$0x169D0] =	vst v0;
	v0 =	vand.u32 $0x3FFF, v3  }
0x41: {  	[tilespmem:$0x168E0] =	vst v0;
	v0 =	vshrl.u32 v3, $0xE  }
0x42: {  	[tilespmem:$0x169E0] =	vst v0;
	v0 =	vand.u32 $0x3FFF, v1  }
0x43: {  	[tilespmem:$0x168F0] =	vst v0;
	v0 =	vshrl.u32 v1, $0xE  }
0x44: {  	[tilespmem:$0x169F0] =	vst v0  }
0x45: {  	[tilespmem:s18], [sflag:$0x2] =	stream.indirect.gather [hbm4b:s4+s14], $0x80, s17, s14, $0xb8;
	[tilespmem:$0x1EA00] =	vst v63  }
0x46: {  	_ =	swait.ge [sflag:s13], $0x4000  }
0x47: {  	[sflag:s13] =	ssyncset.done $0x0  }
0x48: {  	[sflag:s13] =	ssyncadd.s32 $0xFFFFC000  }
0x49: {  	[spmem:s2] =	stream.indirect.scatter.add.f32 [tilespmem:s16], [sflag:$0x3], $0x80, s19, s14, $0xb8;
	[tilespmem:$0x1EA00] =	vst v63  }
0x4a: {  	_ =	swait.ge [sflag:s12], $0x4000  }
0x4b: {  	[sflag:s12] =	ssyncset.done $0x0  }
0x4c: {  	s24 =	simm.s32 $0x1F0;
	[sflag:s12] =	ssyncadd.s32 $0xFFFFC000  }
0x4d: {  	v0 =	vld [tilespmem:s24+$0x13F10];
	_ =	sdelay $0x4  }
0x4e: {  	v1 =	vand.u32 $0x3FFF, v0  }
0x4f: {  	v0 =	vshrl.u32 v0, $0xE;
	[tilespmem:$0x16800] =	vst v1  }
0x50: {  	[tilespmem:$0x16900] =	vst v0  }
0x51: {  	v0 =	vld [tilespmem:s24+$0x13F20];
	_ =	sdelay $0x4  }
0x52: {  	v1 =	vand.u32 $0x3FFF, v0  }
0x53: {  	v0 =	vshrl.u32 v0, $0xE;
	[tilespmem:$0x16810] =	vst v1  }
0x54: {  	[tilespmem:$0x16910] =	vst v0  }
0x55: {  	v0 =	vld [tilespmem:s24+$0x13F30];
	_ =	sdelay $0x4  }
0x56: {  	v1 =	vand.u32 $0x3FFF, v0  }
0x57: {  	v0 =	vshrl.u32 v0, $0xE;
	[tilespmem:$0x16820] =	vst v1  }
0x58: {  	[tilespmem:$0x16920] =	vst v0  }
0x59: {  	v0 =	vld [tilespmem:s24+$0x13F40];
	_ =	sdelay $0x4  }
0x5a: {  	v1 =	vand.u32 $0x3FFF, v0  }
0x5b: {  	v0 =	vshrl.u32 v0, $0xE;
	[tilespmem:$0x16830] =	vst v1  }
0x5c: {  	[tilespmem:$0x16930] =	vst v0  }
0x5d: {  	v0 =	vld [tilespmem:s24+$0x13F50];
	_ =	sdelay $0x4  }
0x5e: {  	v1 =	vand.u32 $0x3FFF, v0  }
0x5f: {  	v0 =	vshrl.u32 v0, $0xE;
	[tilespmem:$0x16840] =	vst v1  }
0x60: {  	[tilespmem:$0x16940] =	vst v0  }
0x61: {  	v0 =	vld [tilespmem:s24+$0x13F60];
	_ =	sdelay $0x4  }
0x62: {  	v1 =	vand.u32 $0x3FFF, v0  }
0x63: {  	v0 =	vshrl.u32 v0, $0xE;
	[tilespmem:$0x16850] =	vst v1  }
0x64: {  	[tilespmem:$0x16950] =	vst v0  }
0x65: {  	v0 =	vld [tilespmem:s24+$0x13F70];
	_ =	sdelay $0x4  }
0x66: {  	v1 =	vand.u32 $0x3FFF, v0  }
0x67: {  	v0 =	vshrl.u32 v0, $0xE;
	[tilespmem:$0x16860] =	vst v1  }
0x68: {  	[tilespmem:$0x16960] =	vst v0  }
0x69: {  	v0 =	vld [tilespmem:s24+$0x13F80];
	_ =	sdelay $0x4  }
0x6a: {  	v1 =	vand.u32 $0x3FFF, v0  }
0x6b: {  	v0 =	vshrl.u32 v0, $0xE;
	[tilespmem:$0x16870] =	vst v1  }
0x6c: {  	[tilespmem:$0x16970] =	vst v0  }
0x6d: {  	[tilespmem:s16], [sflag:$0x1] =	stream.indirect.gather [hbm4b:s4+s14], $0x80, s15, s14, $0xb8;
	[tilespmem:$0x1EA00] =	vst v63  }
0x6e: {  	_ =	swait.ge [sflag:s20], $0x4000  }
0x6f: {  	[sflag:s20] =	ssyncset.done $0x0  }
0x70: {  	[sflag:s20] =	ssyncadd.s32 $0xFFFFC000  }
0x71: {  	[spmem:s2] =	stream.indirect.scatter.add.f32 [tilespmem:s18], [sflag:$0x3], $0x80, s21, s14, $0xb8;
	[tilespmem:$0x1EA00] =	vst v63  }
0x72: {  	_ =	swait.ge [sflag:s12], $0x4000  }
0x73: {  	[sflag:s12] =	ssyncset.done $0x0  }
0x74: {  	[sflag:s12] =	ssyncadd.s32 $0xFFFFC000  }
0x75: {  	v0 =	vld [tilespmem:s24+$0x13F90];
	_ =	sdelay $0x4  }
0x76: {  	v1 =	vand.u32 $0x3FFF, v0  }
0x77: {  	v0 =	vshrl.u32 v0, $0xE;
	[tilespmem:$0x16880] =	vst v1  }
0x78: {  	[tilespmem:$0x16980] =	vst v0  }
0x79: {  	v0 =	vld [tilespmem:s24+$0x13FA0];
	_ =	sdelay $0x4  }
0x7a: {  	v1 =	vand.u32 $0x3FFF, v0  }
0x7b: {  	v0 =	vshrl.u32 v0, $0xE;
	[tilespmem:$0x16890] =	vst v1  }
0x7c: {  	[tilespmem:$0x16990] =	vst v0  }
0x7d: {  	v0 =	vld [tilespmem:s24+$0x13FB0];
	_ =	sdelay $0x4  }
0x7e: {  	v1 =	vand.u32 $0x3FFF, v0  }
0x7f: {  	v0 =	vshrl.u32 v0, $0xE;
	[tilespmem:$0x168A0] =	vst v1  }
0x80: {  	[tilespmem:$0x169A0] =	vst v0  }
0x81: {  	v0 =	vld [tilespmem:s24+$0x13FC0];
	_ =	sdelay $0x4  }
0x82: {  	v1 =	vand.u32 $0x3FFF, v0  }
0x83: {  	v0 =	vshrl.u32 v0, $0xE;
	[tilespmem:$0x168B0] =	vst v1  }
0x84: {  	[tilespmem:$0x169B0] =	vst v0  }
0x85: {  	v0 =	vld [tilespmem:s24+$0x13FD0];
	_ =	sdelay $0x4  }
0x86: {  	v1 =	vand.u32 $0x3FFF, v0  }
0x87: {  	v0 =	vshrl.u32 v0, $0xE;
	[tilespmem:$0x168C0] =	vst v1  }
0x88: {  	[tilespmem:$0x169C0] =	vst v0  }
0x89: {  	v0 =	vld [tilespmem:s24+$0x13FE0];
	_ =	sdelay $0x4  }
0x8a: {  	v1 =	vand.u32 $0x3FFF, v0  }
0x8b: {  	v0 =	vshrl.u32 v0, $0xE;
	[tilespmem:$0x168D0] =	vst v1  }
0x8c: {  	[tilespmem:$0x169D0] =	vst v0  }
0x8d: {  	v0 =	vld [tilespmem:s24+$0x13FF0];
	_ =	sdelay $0x4  }
0x8e: {  	v1 =	vand.u32 $0x3FFF, v0  }
0x8f: {  	s25 =	simm.s32 $0xBC0;
	v0 =	vshrl.u32 v0, $0xE;
	[tilespmem:$0x168E0] =	vst v1  }
.LBB2_2:
0x90: {  	p0 =	sne.s32 s25, $0x9FC0;
	[tilespmem:$0x169E0] =	vst v0;
	s26 =	smov.u32 s25;
	s25 =	sadd.s32 $0x400, s25  }
0x91: {  	v0 =	vld [tilespmem:s24+$0x14000];
	_ =	sdelay $0x4  }
0x92: {  	v1 =	vand.u32 $0x3FFF, v0;
	v0 =	vshrl.u32 v0, $0xE  }
0x93: {  	[tilespmem:$0x168F0] =	vst v1  }
0x94: {  	[tilespmem:$0x169F0] =	vst v0  }
0x95: {  	[tilespmem:s18], [sflag:$0x2] =	stream.indirect.gather [hbm4b:s4+s14], $0x80, s17, s14, $0xb8;
	[tilespmem:$0x1EA00] =	vst v63  }
0x96: {  	_ =	swait.ge [sflag:s13], $0x4000  }
0x97: {  	[sflag:s13] =	ssyncset.done $0x0  }
0x98: {  	[sflag:s13] =	ssyncadd.s32 $0xFFFFC000  }
0x99: {  	[spmem:s2] =	stream.indirect.scatter.add.f32 [tilespmem:s16], [sflag:$0x3], $0x80, s19, s14, $0xb8;
	[tilespmem:$0x1EA00] =	vst v63  }
0x9a: {  	_ =	swait.ge [sflag:s12], $0x4000  }
0x9b: {  	[sflag:s12] =	ssyncset.done $0x0  }
0x9c: {  	s24 =	sshra.s32 s26, $0x2;
	[sflag:s12] =	ssyncadd.s32 $0xFFFFC000  }
0x9d: {  	v0 =	vld [tilespmem:s24+$0x13F10];
	_ =	sdelay $0x4  }
0x9e: {  	v1 =	vand.u32 $0x3FFF, v0;
	v0 =	vshrl.u32 v0, $0xE  }
0x9f: {  	[tilespmem:$0x16800] =	vst v1  }
0xa0: {  	[tilespmem:$0x16900] =	vst v0  }
0xa1: {  	v0 =	vld [tilespmem:s24+$0x13F20];
	_ =	sdelay $0x4  }
0xa2: {  	v1 =	vand.u32 $0x3FFF, v0;
	v0 =	vshrl.u32 v0, $0xE  }
0xa3: {  	[tilespmem:$0x16810] =	vst v1  }
0xa4: {  	[tilespmem:$0x16910] =	vst v0  }
0xa5: {  	v0 =	vld [tilespmem:s24+$0x13F30];
	_ =	sdelay $0x4  }
0xa6: {  	v1 =	vand.u32 $0x3FFF, v0;
	v0 =	vshrl.u32 v0, $0xE  }
0xa7: {  	[tilespmem:$0x16820] =	vst v1  }
0xa8: {  	[tilespmem:$0x16920] =	vst v0  }
0xa9: {  	v0 =	vld [tilespmem:s24+$0x13F40];
	_ =	sdelay $0x4  }
0xaa: {  	v1 =	vand.u32 $0x3FFF, v0;
	v0 =	vshrl.u32 v0, $0xE  }
0xab: {  	[tilespmem:$0x16830] =	vst v1  }
0xac: {  	[tilespmem:$0x16930] =	vst v0  }
0xad: {  	v0 =	vld [tilespmem:s24+$0x13F50];
	_ =	sdelay $0x4  }
0xae: {  	v1 =	vand.u32 $0x3FFF, v0;
	v0 =	vshrl.u32 v0, $0xE  }
0xaf: {  	[tilespmem:$0x16840] =	vst v1  }
0xb0: {  	[tilespmem:$0x16940] =	vst v0  }
0xb1: {  	v0 =	vld [tilespmem:s24+$0x13F60];
	_ =	sdelay $0x4  }
0xb2: {  	v1 =	vand.u32 $0x3FFF, v0;
	v0 =	vshrl.u32 v0, $0xE  }
0xb3: {  	[tilespmem:$0x16850] =	vst v1  }
0xb4: {  	[tilespmem:$0x16950] =	vst v0  }
0xb5: {  	v0 =	vld [tilespmem:s24+$0x13F70];
	_ =	sdelay $0x4  }
0xb6: {  	v1 =	vand.u32 $0x3FFF, v0;
	v0 =	vshrl.u32 v0, $0xE  }
0xb7: {  	[tilespmem:$0x16860] =	vst v1  }
0xb8: {  	[tilespmem:$0x16960] =	vst v0  }
0xb9: {  	v0 =	vld [tilespmem:s24+$0x13F80];
	_ =	sdelay $0x4  }
0xba: {  	v1 =	vand.u32 $0x3FFF, v0;
	v0 =	vshrl.u32 v0, $0xE  }
0xbb: {  	[tilespmem:$0x16870] =	vst v1  }
0xbc: {  	[tilespmem:$0x16970] =	vst v0  }
0xbd: {  	[tilespmem:s16], [sflag:$0x1] =	stream.indirect.gather [hbm4b:s4+s14], $0x80, s15, s14, $0xb8;
	[tilespmem:$0x1EA00] =	vst v63  }
0xbe: {  	_ =	swait.ge [sflag:s20], $0x4000  }
0xbf: {  	[sflag:s20] =	ssyncset.done $0x0  }
0xc0: {  	[sflag:s20] =	ssyncadd.s32 $0xFFFFC000  }
0xc1: {  	[spmem:s2] =	stream.indirect.scatter.add.f32 [tilespmem:s18], [sflag:$0x3], $0x80, s21, s14, $0xb8;
	[tilespmem:$0x1EA00] =	vst v63  }
0xc2: {  	_ =	swait.ge [sflag:s12], $0x4000  }
0xc3: {  	[sflag:s12] =	ssyncset.done $0x0  }
0xc4: {  	[sflag:s12] =	ssyncadd.s32 $0xFFFFC000  }
0xc5: {  	v0 =	vld [tilespmem:s24+$0x13F90];
	_ =	sdelay $0x4  }
0xc6: {  	v1 =	vand.u32 $0x3FFF, v0;
	v0 =	vshrl.u32 v0, $0xE  }
0xc7: {  	[tilespmem:$0x16880] =	vst v1  }
0xc8: {  	[tilespmem:$0x16980] =	vst v0  }
0xc9: {  	v0 =	vld [tilespmem:s24+$0x13FA0];
	_ =	sdelay $0x4  }
0xca: {  	v1 =	vand.u32 $0x3FFF, v0;
	v0 =	vshrl.u32 v0, $0xE  }
0xcb: {  	[tilespmem:$0x16890] =	vst v1  }
0xcc: {  	[tilespmem:$0x16990] =	vst v0  }
0xcd: {  	v0 =	vld [tilespmem:s24+$0x13FB0];
	_ =	sdelay $0x4  }
0xce: {  	v1 =	vand.u32 $0x3FFF, v0;
	v0 =	vshrl.u32 v0, $0xE  }
0xcf: {  	[tilespmem:$0x168A0] =	vst v1  }
0xd0: {  	[tilespmem:$0x169A0] =	vst v0  }
0xd1: {  	v0 =	vld [tilespmem:s24+$0x13FC0];
	_ =	sdelay $0x4  }
0xd2: {  	v1 =	vand.u32 $0x3FFF, v0;
	v0 =	vshrl.u32 v0, $0xE  }
0xd3: {  	[tilespmem:$0x168B0] =	vst v1  }
0xd4: {  	[tilespmem:$0x169B0] =	vst v0  }
0xd5: {  	v0 =	vld [tilespmem:s24+$0x13FD0];
	_ =	sdelay $0x4  }
0xd6: {  	v1 =	vand.u32 $0x3FFF, v0;
	v0 =	vshrl.u32 v0, $0xE  }
0xd7: {  	[tilespmem:$0x168C0] =	vst v1  }
0xd8: {  	[tilespmem:$0x169C0] =	vst v0  }
0xd9: {  	v0 =	vld [tilespmem:s24+$0x13FE0];
	_ =	sdelay $0x4  }
0xda: {  	v1 =	vand.u32 $0x3FFF, v0;
	v0 =	vshrl.u32 v0, $0xE  }
0xdb: {  	[tilespmem:$0x168D0] =	vst v1  }
0xdc: {  	[tilespmem:$0x169D0] =	vst v0  }
0xdd: {  	v0 =	vld [tilespmem:s24+$0x13FF0];
	_ =	sdelay $0x1  }
.Ltmp0:
0xde: {  	(pc) =	sbr.rel @p0 .LBB2_2-.Ltmp0, $3  }
0xdf: {  	_ =	sdelay $0x1  }
0xe0: {  	v1 =	vand.u32 $0x3FFF, v0;
	v0 =	vshrl.u32 v0, $0xE  }
0xe1: {  	[tilespmem:$0x168E0] =	vst v1  }
0xe2: {  	[tilespmem:$0x169E0] =	vst v0  }
0xe3: {  	v0 =	vld [tilespmem:s24+$0x14000];
	_ =	sdelay $0x4  }
0xe4: {  	v1 =	vand.u32 $0x3FFF, v0  }
0xe5: {  	v0 =	vshrl.u32 v0, $0xE;
	[tilespmem:$0x168F0] =	vst v1  }
0xe6: {  	[tilespmem:$0x169F0] =	vst v0  }
0xe7: {  	[tilespmem:s18], [sflag:$0x2] =	stream.indirect.gather [hbm4b:s4+s14], $0x80, s17, s14, $0xb8;
	[tilespmem:$0x1EA00] =	vst v63  }
0xe8: {  	_ =	swait.ge [sflag:s13], $0x4000  }
0xe9: {  	[sflag:s13] =	ssyncset.done $0x0  }
0xea: {  	[sflag:s13] =	ssyncadd.s32 $0xFFFFC000  }
0xeb: {  	[spmem:s2] =	stream.indirect.scatter.add.f32 [tilespmem:s16], [sflag:$0x3], $0x80, s19, s14, $0xb8;
	[tilespmem:$0x1EA00] =	vst v63  }
0xec: {  	_ =	swait.ge [sflag:s12], $0x4000  }
0xed: {  	[sflag:s12] =	ssyncset.done $0x0  }
0xee: {  	[sflag:s12] =	ssyncadd.s32 $0xFFFFC000  }
0xef: {  	_ =	swait.ge [sflag:s20], $0x4000  }
0xf0: {  	[sflag:s20] =	ssyncset.done $0x0  }
0xf1: {  	[sflag:s20] =	ssyncadd.s32 $0xFFFFC000  }
0xf2: {  	[spmem:s2] =	stream.indirect.scatter.add.f32 [tilespmem:s18], [sflag:$0x3], $0x80, s21, s14, $0xb8;
	[tilespmem:$0x1EA00] =	vst v63  }
0xf3: {  	_ =	swait.ge [sflag:s12], $0x4000  }
0xf4: {  	s23 =	sadd.s32 $0x1, s23;
	[sflag:s12] =	ssyncset.done $0x0  }
0xf5: {  	p0 =	sne.s32 s23, s7;
	[sflag:s12] =	ssyncadd.s32 $0xFFFFC000  }
.Ltmp1:
0xf6: {  	[bflag:$0x0] =	sbarrier.arrive $0xFFFF;
	(pc) =	sbr.rel @p0 .LBB2_1-.Ltmp1, $4  }
0xf7: {  	[hbm:s6], [sflag:s22] =	dma.local [spmem:s10], $0x2800  }
0xf8: {  	_ =	swait.ge [sflag:s12], $0x2800  }
0xf9: {  	[sflag:s12] =	ssyncset.done $0x0  }
0xfa: {  	[sflag:s12] =	ssyncadd.s32 $0xFFFFD800  }
0xfb: {  	_ =	sfence.sel $0x180000  }
0xfc: {  	[bflag:$0x0] =	sbarrier.arrive $0xFFFF  }
0xfd: {  	p0 =	sne.s32 s1, $0x0;
	_ =	strace $0x9000004D  }
0xfe: {  	s0 =	sadd.s32 @!p0 $0x100000, s0;
	[bflag:$0x2] =	sbarrier.arrive $0xFFFF  }
0xff: {  	[sflag:s0] =	ssyncadd.tile.s32 @!p0 $0x1;
	_ =	shalt  }
.Lfunc_end2:
_tile_overlayer_lowered:
.L_overlay_start_2:
0x100: {  	(tag) =	ssettag $0x2  }
0x101: {  	s0 =	rddreg [dreg:$0x0];
	s2 =	stileid.u32  }
0x102: {  	s1 =	rddreg [dreg:$0x1];
	p0 =	sne.s32 s2, $0x0  }
0x103: {  	s3 =	rddreg [dreg:$0x2];
	[bflag:$0x3] =	sbarrier.arrive $0xFFFF;
	s2 =	simm.s32 @!p0 $0x1C03  }
0x104: {  	[timem:s3], [sflag:s2] =	dma.local @!p0 [hbm:s0], s1  }
0x105: {  	s0 =	simm.s32 @!p0 $0x3  }
0x106: {  	_ =	swait.ge @!p0 [sflag:s0], s1  }
0x107: {  	s1 =	ssub.s32 @!p0 $0x0, s1;
	[sflag:s0] =	ssyncset.done @!p0 $0x0  }
0x108: {  	[sflag:s0] =	ssyncadd.s32 @!p0 s1  }
0x109: {  	[bflag:$0x3] =	sbarrier.arrive $0xFFFF  }
0x10a: {  	_ =	shalt  }

// kernel: kernel.8.cloned.1.call-start
scs
__scs_entry_jumppad:
0x0: {  	(pc) =	sbr.rel $0x88, $3  }
0x1: {  	(tag) =	ssettag $0x0;
	lr =	simm.s32 $0x1  }
0x2: {  	[smem:$0x3F9B] =	sst lr;
	_ =	strace $0xD0000000  }
0x3: {  	_ = 	snop  }
0x4: {  	_ = 	snop  }
0x5: {  	_ = 	snop  }
0x6: {  	_ = 	snop  }
0x7: {  	_ = 	snop  }
__scs_overlays_trampoline_lowered:
0x8: {  	[smem:$0x3FAA] =	sst s0  }
0x9: {  	[smem:$0x3FAB] =	sst s1  }
0xa: {  	[smem:$0x3FAC] =	sst s2  }
0xb: {  	[smem:$0x3FAD] =	sst s3  }
0xc: {  	[smem:$0x3FAE] =	sst s4  }
0xd: {  	[smem:$0x3FAF] =	sst s5  }
0xe: {  	[smem:$0x3FB0] =	sst s6  }
0xf: {  	[smem:$0x3FB1] =	sst s7  }
0x10: {  	[smem:$0x3FB2] =	sst s8  }
0x11: {  	[smem:$0x3FB3] =	sst s9;
	s0 =	simm.s32 @!p0 $0x0  }
0x12: {  	s1 =	sld [smem:$0x3F99];
	s0 =	simm.s32 @p0 $0x1  }
0x13: {  	[smem:$0x3FB4] =	sst s0;
	s0 =	simm.s32 @!p1 $0x0  }
0x14: {  	s2 =	sld [smem:$0x3F98];
	s0 =	simm.s32 @p1 $0x1  }
0x15: {  	[smem:$0x3FB5] =	sst s0;
	s0 =	simm.s32 @!p2 $0x0  }
0x16: {  	s3 =	sld [smem:$0x3FDB];
	s0 =	simm.s32 @p2 $0x1  }
0x17: {  	s4 =	simm.s32 $0x1BF5;
	[smem:$0x3FB7] =	sst s0  }
0x18: {  	s0 =	sld [smem:$0x3F9A];
	_ =	swait.ge [sflag:s4], $0x0  }
0x19: {  	s7 =	sld [smem:$0x3F9B]  }
0x1a: {  	s8 =	sadd.s32 $0xFFFFE003, lr  }
0x1b: {  	s9 =	sadd.s32 $0xFFFFFEF7, lr;
	s5 =	simm.s32 $0xFFFFFFFF;
	p2 =	slt.u32 s8, $0xFFFFF086  }
0x1c: {  	p1 =	slt.u32 s9, $0xF7A;
	s5 =	simm.s32 @!p2 $0x0  }
0x1d: {  	s5 =	simm.s32 @p1 $0x1;
	p0 =	seq.s32 s7, s2  }
0x1e: {  	s7 =	smul.u32 @!p0 $0xF7A, s2;
	p2 =	seq.s32 @!p0 s5, $0x0  }
0x1f: {  	s9 =	smul.u32 $0xF7A, s1;
	s8 =	simm.s32 @!p0 $0x1BF5;
	p2 =	por !p2, p0  }
0x20: {  	[sflag:s8] =	ssyncset.s32 @!p0 $0xFFFFF086;
	s6 =	sadd.s32 @!p0 s3, s7;
	s7 =	simm.s32 @!p0 $0x108  }
0x21: {  	s3 =	sadd.s32 s3, s9;
	s6 =	sadd.s32 @!p0 $0x88, s6;
	s7 =	simm.s32 @p2 $0x1082  }
0x22: {  	[simem:s7], [sflag:s8] =	dma.local @!p0 [hbm:s6], $0xF7A  }
0x23: {  	s9 =	sor.u32 $0xD0000000, s2;
	s6 =	simm.s32 $0x108;
	_ =	swait.ge @!p0 [sflag:s8], $0x0  }
0x24: {  	s3 =	sadd.s32 $0x88, s3;
	s6 =	simm.s32 @!p1 $0x1082;
	[sflag:s4] =	ssyncset.s32 $0xFFFFF086  }
0x25: {  	[simem:s6], [sflag:s4] =	dma.local [hbm:s3], $0xF7A  }
0x26: {  	[smem:$0x3F9B] =	sst s1;
	(tag) =	ssettag s2;
	_ =	strace s9  }
0x27: {  	s1 =	sld [smem:$0x3FAB]  }
0x28: {  	s2 =	sld [smem:$0x3FAC]  }
0x29: {  	s4 =	sld [smem:$0x3FAE]  }
0x2a: {  	p0 =	seq.s32 s5, $0x0;
	s5 =	sld [smem:$0x3FAF]  }
0x2b: {  	s6 =	sld [smem:$0x3FB0]  }
0x2c: {  	s7 =	sld [smem:$0x3FB1]  }
0x2d: {  	s3 =	simm.s32 $0x108;
	s8 =	sld [smem:$0x3FB2]  }
0x2e: {  	s3 =	simm.s32 @!p0 $0x1082;
	s9 =	sld [smem:$0x3FB3]  }
0x2f: {  	lr =	sadd.s32 s0, s3;
	s0 =	sld [smem:$0x3FAA]  }
0x30: {  	s3 =	sld [smem:$0x3FAD]  }
0x31: {  	[smem:$0x3FB6] =	sst s10  }
0x32: {  	s10 =	sld [smem:$0x3FB4];
	_ =	sdelay $0x3  }
0x33: {  	p0 =	seq.s32 s10, $0x1;
	s10 =	sld [smem:$0x3FB6];
	_ =	sdelay $0x3  }
0x34: {  	[smem:$0x3FB6] =	sst s10  }
0x35: {  	s10 =	sld [smem:$0x3FB5];
	_ =	sdelay $0x3  }
0x36: {  	p1 =	seq.s32 s10, $0x1;
	s10 =	sld [smem:$0x3FB6];
	_ =	sdelay $0x3  }
0x37: {  	[smem:$0x3FB6] =	sst s10  }
0x38: {  	s10 =	sld [smem:$0x3FB7]  }
0x39: {  	_ = 	snop;
	(pc) =	sbr.ind lr, $3  }
0x3a: {  	_ = 	snop  }
0x3b: {  	_ = 	snop  }
0x3c: {  	p2 =	seq.s32 s10, $0x1;
	s10 =	sld [smem:$0x3FB6]  }
0x3d: {  	_ =	shalt  }
0x3e: {  	_ =	shalt  }
0x3f: {  	_ =	shalt  }
0x40: {  	_ =	shalt  }
0x41: {  	_ =	shalt  }
0x42: {  	_ =	shalt  }
0x43: {  	_ =	shalt  }
0x44: {  	_ =	shalt  }
0x45: {  	_ =	shalt  }
0x46: {  	_ =	shalt  }
0x47: {  	_ =	shalt  }
0x48: {  	_ =	shalt  }
0x49: {  	_ =	shalt  }
0x4a: {  	_ =	shalt  }
0x4b: {  	_ =	shalt  }
0x4c: {  	_ =	shalt  }
0x4d: {  	_ =	shalt  }
0x4e: {  	_ =	shalt  }
0x4f: {  	_ =	shalt  }
0x50: {  	_ =	shalt  }
0x51: {  	_ =	shalt  }
0x52: {  	_ =	shalt  }
0x53: {  	_ =	shalt  }
0x54: {  	_ =	shalt  }
0x55: {  	_ =	shalt  }
0x56: {  	_ =	shalt  }
0x57: {  	_ =	shalt  }
0x58: {  	_ =	shalt  }
0x59: {  	_ =	shalt  }
0x5a: {  	_ =	shalt  }
0x5b: {  	_ =	shalt  }
0x5c: {  	_ =	shalt  }
0x5d: {  	_ =	shalt  }
0x5e: {  	_ =	shalt  }
0x5f: {  	_ =	shalt  }
0x60: {  	_ =	shalt  }
0x61: {  	_ =	shalt  }
0x62: {  	_ =	shalt  }
0x63: {  	_ =	shalt  }
0x64: {  	_ =	shalt  }
0x65: {  	_ =	shalt  }
0x66: {  	_ =	shalt  }
0x67: {  	_ =	shalt  }
0x68: {  	_ =	shalt  }
0x69: {  	_ =	shalt  }
0x6a: {  	_ =	shalt  }
0x6b: {  	_ =	shalt  }
0x6c: {  	_ =	shalt  }
0x6d: {  	_ =	shalt  }
0x6e: {  	_ =	shalt  }
0x6f: {  	_ =	shalt  }
0x70: {  	_ =	shalt  }
0x71: {  	_ =	shalt  }
0x72: {  	_ =	shalt  }
0x73: {  	_ =	shalt  }
0x74: {  	_ =	shalt  }
0x75: {  	_ =	shalt  }
0x76: {  	_ =	shalt  }
0x77: {  	_ =	shalt  }
0x78: {  	_ =	shalt  }
0x79: {  	_ =	shalt  }
0x7a: {  	_ =	shalt  }
0x7b: {  	_ =	shalt  }
0x7c: {  	_ =	shalt  }
0x7d: {  	_ =	shalt  }
0x7e: {  	_ =	shalt  }
0x7f: {  	_ =	shalt  }
0x80: {  	_ =	shalt  }
0x81: {  	_ =	shalt  }
0x82: {  	_ =	shalt  }
0x83: {  	_ =	shalt  }
0x84: {  	_ =	shalt  }
0x85: {  	_ =	shalt  }
0x86: {  	_ =	shalt  }
0x87: {  	_ =	shalt  }
.Lfunc_end0:
.L_simem_size_0:
called_computation_lowered:
.L_overlay_start_0:
0x88: {  	s2 =	sld [smem:$0x3FD9]  }
0x89: {  	s3 =	sld [smem:$0x3FFE];
	_ =	sdelay $0x1  }
0x8a: {  	s1 =	srdreg.scid  }
0x8b: {  	s0 =	sand.u32 $0x1, s1  }
0x8c: {  	s17 =	sshll.u32 s0, $0xA;
	s2 =	sadd.s32 s3, s2  }
0x8d: {  	s2 =	sadd.s32 s2, s17  }
0x8e: {  	[smem:$0x3FC2] =	sst s2  }
0x8f: {  	_ = 	snop  }
0x90: {  	s2 =	sld [smem:$0x3FD0];
	(tm) =	ssettm $0x1  }
0x91: {  	s18 =	sld [smem:$0x3FFB];
	_ =	sdelay $0x3  }
0x92: {  	_ =	strace s18  }
0x93: {  	s3 =	sld [smem:$0x3FFC];
	_ =	sdelay $0x3  }
0x94: {  	_ =	strace s3  }
0x95: {  	s3 =	sld [smem:$0x3FFD];
	_ =	sdelay $0x3  }
0x96: {  	_ =	strace s3  }
0x97: {  	_ =	strace $0x8FFFFFFF  }
0x98: {  	s19 =	sld [smem:$0x3FDB];
	_ =	sdelay $0x1  }
0x99: {  	s4 =	simm.s32 $_scs_section_size  }
0x9a: {  	s5 =	simm.s32 $_size__tile_overlayer_lowered;
	s6 =	simm.s32 $_tile_overlayer_lowered  }
0x9b: {  	s22 =	simm.s32 $0x1BFF;
	s21 =	sshll.u32 s6, $0x1;
	s3 =	sadd.s32 s4, s19  }
0x9c: {  	s7 =	simm.s32 $0x0;
	s20 =	sshll.u32 s5, $0x1;
	s5 =	sadd.s32 s21, s3  }
0x9d: {  	[timem:s7], [sflag:s22] =	dma.local [hbm:s5], s20  }
0x9e: {  	_ =	swait.ge [sflag:s22], s20  }
0x9f: {  	s4 =	ssub.s32 $0x0, s20;
	[sflag:s22] =	ssyncset.done $0x0  }
0xa0: {  	[sflag:s22] =	ssyncadd.s32 s4;
	_ =	sdelay $0x1  }
0xa1: {  	s23 =	simm.s32 $0x1B8B  }
0xa2: {  	_ =	swait.ge [sflag:s23], $0x1  }
0xa3: {  	[sflag:s23] =	ssyncset.done $0x0  }
0xa4: {  	s25 =	simm.s32 $0x1B8E;
	s24 =	sld [smem:$0x3FFE];
	[sflag:s23] =	ssyncadd.s32 $0xFFFFFFFF  }
0xa5: {  	s26 =	simm.s32 $execute0_lowered;
	[smem:$0x3FD2] =	sst s25  }
0xa6: {  	s5 =	sshll.u32 s26, $0x1;
	_ =	strace $0x80000046;
	[dreg:$0x1] =	wrdreg $0xFFFFFFFF  }
0xa7: {  	s28 =	simm.s32 $_size_execute0_lowered;
	s3 =	sadd.s32 s3, s5;
	[dreg:$0x0] =	wrdreg $0x0  }
0xa8: {  	s5 =	sshll.u32 s28, $0x1;
	[dreg:$0x2] =	wrdreg s3  }
0xa9: {  	[dreg:$0x3] =	wrdreg s5  }
0xaa: {  	[dreg:$0x4] =	wrdreg $0xC0  }
0xab: {  	_ =	task [dreg:s7], $0x5FFFF  }
0xac: {  	[dreg:$0x1] =	wrdreg $0xFFFFFFFF  }
0xad: {  	[dreg:$0x0] =	wrdreg $0x60  }
0xae: {  	[dreg:$0x2] =	wrdreg s2  }
0xaf: {  	[dreg:$0x3] =	wrdreg s24  }
0xb0: {  	[dreg:$0x4] =	wrdreg $0x0  }
0xb1: {  	[dreg:$0x5] =	wrdreg $0x9  }
0xb2: {  	_ =	task.clear_ibuf [dreg:s7], $0x6FFFF;
	_ =	strace $0x90000046  }
0xb3: {  	s29 =	simm.s32 $0x9;
	_ =	strace $0x80000048  }
0xb4: {  	_ =	swait.ge [sflag:s29], $0x1  }
0xb5: {  	[sflag:s29] =	ssyncadd.s32 $0xFFFFFFFF  }
0xb6: {  	_ =	strace $0x90000048  }
0xb7: {  	_ =	sfence  }
0xb8: {  	s30 =	sld [smem:$0x0];
	_ =	sdelay $0x2  }
0xb9: {  	s31 =	sshll.u32 s1, $0xD;
	s1 =	sshrl.u32 s1, $0x2  }
0xba: {  	s3 =	sand.u32 $0x4000, s31;
	s1 =	sadd.s32 s1, s30  }
0xbb: {  	s0 =	sor.u32 s3, s0;
	s1 =	sshll.u32 s1, $0x11  }
0xbc: {  	s0 =	sor.u32 s1, s0  }
0xbd: {  	s0 =	sadd.s32 $0x8F2B, s0  }
0xbe: {  	[sflag:s0] =	ssyncadd.remote.s32 $0x1  }
0xbf: {  	_ =	sfence.sel $0xFFFF  }
0xc0: {  	[dreg:$0x0] =	wrdreg $0xFFFFFFFF;
	(pc) =	sbr.abs _section_cstart, $3  }
0xc1: {  	[dreg:$0x1] =	wrdreg $0xFFFFFFFF  }
0xc2: {  	_ =	task.clear_ibuf [dreg:s7], $0x2FFFF;
	_ =	strace $0x9FFFFFFF  }
0xc3: {  	(tm) =	ssettm $0x7FFFFFFF  }
tec
execute0_lowered:
.L_overlay_start_1:
0x0: {  	(tag) =	ssettag $0x1  }
0x1: {  	s7 =	rddreg [dreg:$0x0]  }
0x2: {  	s5 =	rddreg [dreg:$0x1]  }
0x3: {  	s2 =	rddreg [dreg:$0x2]  }
0x4: {  	s0 =	rddreg [dreg:$0x3]  }
0x5: {  	s1 =	stileid.u32;
	s4 =	srdreg.scid;
	s3 =	simm.s32 $0x0  }
0x6: {  	s15 =	simm.s32 $0x80;
	s16 =	simm.s32 $0x16880;
	s17 =	simm.s32 $0x16900  }
0x7: {  	s18 =	simm.s32 $0x16980;
	s19 =	simm.s32 $0x16A00;
	s20 =	simm.s32 $0x1  }
0x8: {  	s21 =	simm.s32 $0x2;
	s22 =	simm.s32 $0x3;
	s23 =	simm.s32 $0x4  }
0x9: {  	s25 =	simm.s32 $0x0;
	s6 =	smul.u32 $0x14000, s1;
	s8 =	sand.u32 $0x1, s4  }
0xa: {  	[smem:$0x7FF] =	sst s3;
	s4 =	sadd.s32 $0x1E00, s5;
	s28 =	smul.u32 $0x50000, s1  }
0xb: {  	s11 =	sshll.u32 s1, $0x1;
	s24 =	sshll.u32 s1, $0x6;
	s9 =	smul.u32 $0x140000, s8  }
0xc: {  	_ =	strace $0x80000047;
	s29 =	ssub.s32 $0x2, s8;
	s30 =	sor.u32 s8, s11  }
0xd: {  	s10 =	sshrl.u32 s6, $0x3;
	s31 =	sshrl.u32 s29, $0x1;
	s11 =	smul.u32 $0x500, s30  }
0xe: {  	s10 =	sadd.s32 s10, s5;
	s6 =	sadd.s32 s6, s9;
	s9 =	sshrl.u32 s28, $0x2  }
0xf: {  	s13 =	ssub.s32 s29, s31;
	s6 =	sshrl.u32 s6, $0x3;
	s14 =	sadd.s32 s9, s2  }
0x10: {  	s7 =	sadd.s32 s7, s11;
	s9 =	smax.u32 s13, $0x1;
	s11 =	simm.s32 $0x14000  }
0x11: {  	s13 =	simm.s32 $0x16A80;
	s12 =	sadd.s32 s6, s5;
	s5 =	sadd.s32 $0x2600, s10  }
0x12: {  	s6 =	sor.u32 $0x1C05, s24;
	s10 =	sshrl.u32 s14, $0x3;
	s14 =	simm.s32 $0x5  }
0x13: {  	s24 =	sor.u32 $0x1C06, s24;
	s8 =	sadd.s32 $0x2A600, s12;
	s12 =	simm.s32 $0x6  }
.LBB2_1:
0x14: {  	[spmem:s10], [sflag:s6] =	dma.local [hbm:s5], $0x2800  }
0x15: {  	[tilespmem:s11], [sflag:$0x6] =	stream.linear.gather [hbm4b:s7+s3], $0x2800, $0x38;
	[tilespmem:$0x1AA80] =	vst v63  }
0x16: {  	_ =	swait.ge [sflag:s12], $0x2800  }
0x17: {  	[sflag:s12] =	ssyncset.done $0x0  }
0x18: {  	[sflag:s12] =	ssyncadd.s32 $0xFFFFD800  }
0x19: {  	[tilespmem:s13], [sflag:$0x6] =	stream.linear.gather [hbm4b:s4+s3], $0x4000, $0x38;
	[tilespmem:$0x1AA80] =	vst v63  }
0x1a: {  	_ =	swait.ge [sflag:s12], $0x4000  }
0x1b: {  	[sflag:s12] =	ssyncset.done $0x0  }
0x1c: {  	[sflag:s12] =	ssyncadd.s32 $0xFFFFC000  }
0x1d: {  	_ =	swait.ge [sflag:s14], $0x2800  }
0x1e: {  	[sflag:s14] =	ssyncset.done $0x0  }
0x1f: {  	[sflag:s14] =	ssyncadd.s32 $0xFFFFD800  }
0x20: {  	[bflag:$0x0] =	sbarrier.arrive $0xFFFF  }
0x21: {  	v0 =	vld [tilespmem:$0x14000];
	_ =	sdelay $0x1  }
0x22: {  	v1 =	vld [tilespmem:$0x14010];
	_ =	sdelay $0x1  }
0x23: {  	v2 =	vld [tilespmem:$0x14020]  }
0x24: {  	v3 =	vand.u32 $0x3FFF, v0  }
0x25: {  	v0 =	vshrl.u32 v0, $0xE;
	[tilespmem:$0x16800] =	vst v3;
	v3 =	vld [tilespmem:$0x14030]  }
0x26: {  	[tilespmem:$0x16880] =	vst v0;
	v0 =	vand.u32 $0x3FFF, v1  }
0x27: {  	[tilespmem:$0x16810] =	vst v0;
	v0 =	vshrl.u32 v1, $0xE;
	v1 =	vld [tilespmem:$0x14040]  }
0x28: {  	[tilespmem:$0x16890] =	vst v0;
	v0 =	vand.u32 $0x3FFF, v2  }
0x29: {  	[tilespmem:$0x16820] =	vst v0;
	v0 =	vshrl.u32 v2, $0xE;
	v2 =	vld [tilespmem:$0x14050]  }
0x2a: {  	[tilespmem:$0x168A0] =	vst v0;
	v0 =	vand.u32 $0x3FFF, v3  }
0x2b: {  	[tilespmem:$0x16830] =	vst v0;
	v0 =	vshrl.u32 v3, $0xE;
	v3 =	vld [tilespmem:$0x14060]  }
0x2c: {  	[tilespmem:$0x168B0] =	vst v0;
	v0 =	vand.u32 $0x3FFF, v1  }
0x2d: {  	[tilespmem:$0x16840] =	vst v0;
	v0 =	vshrl.u32 v1, $0xE;
	v1 =	vld [tilespmem:$0x14070]  }
0x2e: {  	[tilespmem:$0x168C0] =	vst v0;
	v0 =	vand.u32 $0x3FFF, v2  }
0x2f: {  	[tilespmem:$0x16850] =	vst v0;
	v0 =	vshrl.u32 v2, $0xE  }
0x30: {  	[tilespmem:$0x168D0] =	vst v0;
	v0 =	vand.u32 $0x3FFF, v3  }
0x31: {  	[tilespmem:$0x16860] =	vst v0;
	v0 =	vshrl.u32 v3, $0xE  }
0x32: {  	[tilespmem:$0x168E0] =	vst v0;
	v0 =	vand.u32 $0x3FFF, v1  }
0x33: {  	[tilespmem:$0x16870] =	vst v0;
	v0 =	vshrl.u32 v1, $0xE  }
0x34: {  	[tilespmem:$0x168F0] =	vst v0  }
0x35: {  	[spmem:s2] =	stream.indirect.scatter.add.f32 [tilespmem:s13], [sflag:$0x1], $0x80, s16, s15, $0xb8;
	[tilespmem:$0x1AA80] =	vst v63  }
0x36: {  	v0 =	vld [tilespmem:$0x14080];
	_ =	sdelay $0x1  }
0x37: {  	v1 =	vld [tilespmem:$0x14090];
	_ =	sdelay $0x1  }
0x38: {  	v2 =	vld [tilespmem:$0x140A0]  }
0x39: {  	v3 =	vand.u32 $0x3FFF, v0  }
0x3a: {  	v0 =	vshrl.u32 v0, $0xE;
	[tilespmem:$0x16800] =	vst v3;
	v3 =	vld [tilespmem:$0x140B0]  }
0x3b: {  	[tilespmem:$0x16900] =	vst v0;
	v0 =	vand.u32 $0x3FFF, v1  }
0x3c: {  	[tilespmem:$0x16810] =	vst v0;
	v0 =	vshrl.u32 v1, $0xE;
	v1 =	vld [tilespmem:$0x140C0]  }
0x3d: {  	[tilespmem:$0x16910] =	vst v0;
	v0 =	vand.u32 $0x3FFF, v2  }
0x3e: {  	[tilespmem:$0x16820] =	vst v0;
	v0 =	vshrl.u32 v2, $0xE;
	v2 =	vld [tilespmem:$0x140D0]  }
0x3f: {  	[tilespmem:$0x16920] =	vst v0;
	v0 =	vand.u32 $0x3FFF, v3  }
0x40: {  	[tilespmem:$0x16830] =	vst v0;
	v0 =	vshrl.u32 v3, $0xE;
	v3 =	vld [tilespmem:$0x140E0]  }
0x41: {  	[tilespmem:$0x16930] =	vst v0;
	v0 =	vand.u32 $0x3FFF, v1  }
0x42: {  	[tilespmem:$0x16840] =	vst v0;
	v0 =	vshrl.u32 v1, $0xE;
	v1 =	vld [tilespmem:$0x140F0]  }
0x43: {  	[tilespmem:$0x16940] =	vst v0;
	v0 =	vand.u32 $0x3FFF, v2  }
0x44: {  	[tilespmem:$0x16850] =	vst v0;
	v0 =	vshrl.u32 v2, $0xE  }
0x45: {  	[tilespmem:$0x16950] =	vst v0;
	v0 =	vand.u32 $0x3FFF, v3  }
0x46: {  	[tilespmem:$0x16860] =	vst v0;
	v0 =	vshrl.u32 v3, $0xE  }
0x47: {  	[tilespmem:$0x16960] =	vst v0;
	v0 =	vand.u32 $0x3FFF, v1  }
0x48: {  	[tilespmem:$0x16870] =	vst v0;
	v0 =	vshrl.u32 v1, $0xE  }
0x49: {  	[tilespmem:$0x16970] =	vst v0  }
0x4a: {  	[spmem:s2] =	stream.indirect.scatter.add.f32 [tilespmem:s13], [sflag:$0x2], $0x80, s17, s15, $0xb8;
	[tilespmem:$0x1AA80] =	vst v63  }
0x4b: {  	v0 =	vld [tilespmem:$0x14100];
	_ =	sdelay $0x1  }
0x4c: {  	v1 =	vld [tilespmem:$0x14110];
	_ =	sdelay $0x1  }
0x4d: {  	v2 =	vld [tilespmem:$0x14120]  }
0x4e: {  	v3 =	vand.u32 $0x3FFF, v0  }
0x4f: {  	v0 =	vshrl.u32 v0, $0xE;
	[tilespmem:$0x16800] =	vst v3;
	v3 =	vld [tilespmem:$0x14130]  }
0x50: {  	[tilespmem:$0x16980] =	vst v0;
	v0 =	vand.u32 $0x3FFF, v1  }
0x51: {  	[tilespmem:$0x16810] =	vst v0;
	v0 =	vshrl.u32 v1, $0xE;
	v1 =	vld [tilespmem:$0x14140]  }
0x52: {  	[tilespmem:$0x16990] =	vst v0;
	v0 =	vand.u32 $0x3FFF, v2  }
0x53: {  	[tilespmem:$0x16820] =	vst v0;
	v0 =	vshrl.u32 v2, $0xE;
	v2 =	vld [tilespmem:$0x14150]  }
0x54: {  	[tilespmem:$0x169A0] =	vst v0;
	v0 =	vand.u32 $0x3FFF, v3  }
0x55: {  	[tilespmem:$0x16830] =	vst v0;
	v0 =	vshrl.u32 v3, $0xE;
	v3 =	vld [tilespmem:$0x14160]  }
0x56: {  	[tilespmem:$0x169B0] =	vst v0;
	v0 =	vand.u32 $0x3FFF, v1  }
0x57: {  	[tilespmem:$0x16840] =	vst v0;
	v0 =	vshrl.u32 v1, $0xE;
	v1 =	vld [tilespmem:$0x14170]  }
0x58: {  	[tilespmem:$0x169C0] =	vst v0;
	v0 =	vand.u32 $0x3FFF, v2  }
0x59: {  	[tilespmem:$0x16850] =	vst v0;
	v0 =	vshrl.u32 v2, $0xE  }
0x5a: {  	[tilespmem:$0x169D0] =	vst v0;
	v0 =	vand.u32 $0x3FFF, v3  }
0x5b: {  	[tilespmem:$0x16860] =	vst v0;
	v0 =	vshrl.u32 v3, $0xE  }
0x5c: {  	[tilespmem:$0x169E0] =	vst v0;
	v0 =	vand.u32 $0x3FFF, v1  }
0x5d: {  	[tilespmem:$0x16870] =	vst v0;
	v0 =	vshrl.u32 v1, $0xE  }
0x5e: {  	[tilespmem:$0x169F0] =	vst v0  }
0x5f: {  	[spmem:s2] =	stream.indirect.scatter.add.f32 [tilespmem:s13], [sflag:$0x3], $0x80, s18, s15, $0xb8;
	[tilespmem:$0x1AA80] =	vst v63  }
0x60: {  	v0 =	vld [tilespmem:$0x14180];
	_ =	sdelay $0x1  }
0x61: {  	v1 =	vld [tilespmem:$0x14190];
	_ =	sdelay $0x1  }
0x62: {  	v2 =	vld [tilespmem:$0x141A0]  }
0x63: {  	v3 =	vand.u32 $0x3FFF, v0  }
0x64: {  	v0 =	vshrl.u32 v0, $0xE;
	[tilespmem:$0x16800] =	vst v3;
	v3 =	vld [tilespmem:$0x141B0]  }
0x65: {  	[tilespmem:$0x16A00] =	vst v0;
	v0 =	vand.u32 $0x3FFF, v1  }
0x66: {  	[tilespmem:$0x16810] =	vst v0;
	v0 =	vshrl.u32 v1, $0xE;
	v1 =	vld [tilespmem:$0x141C0]  }
0x67: {  	[tilespmem:$0x16A10] =	vst v0;
	v0 =	vand.u32 $0x3FFF, v2  }
0x68: {  	[tilespmem:$0x16820] =	vst v0;
	v0 =	vshrl.u32 v2, $0xE;
	v2 =	vld [tilespmem:$0x141D0]  }
0x69: {  	[tilespmem:$0x16A20] =	vst v0;
	v0 =	vand.u32 $0x3FFF, v3  }
0x6a: {  	[tilespmem:$0x16830] =	vst v0;
	v0 =	vshrl.u32 v3, $0xE;
	v3 =	vld [tilespmem:$0x141E0]  }
0x6b: {  	[tilespmem:$0x16A30] =	vst v0;
	v0 =	vand.u32 $0x3FFF, v1  }
0x6c: {  	[tilespmem:$0x16840] =	vst v0;
	v0 =	vshrl.u32 v1, $0xE;
	v1 =	vld [tilespmem:$0x141F0]  }
0x6d: {  	[tilespmem:$0x16A40] =	vst v0;
	v0 =	vand.u32 $0x3FFF, v2  }
0x6e: {  	[tilespmem:$0x16850] =	vst v0;
	v0 =	vshrl.u32 v2, $0xE  }
0x6f: {  	[tilespmem:$0x16A50] =	vst v0;
	v0 =	vand.u32 $0x3FFF, v3  }
0x70: {  	[tilespmem:$0x16860] =	vst v0;
	v0 =	vshrl.u32 v3, $0xE  }
0x71: {  	[tilespmem:$0x16A60] =	vst v0;
	v0 =	vand.u32 $0x3FFF, v1  }
0x72: {  	[tilespmem:$0x16870] =	vst v0;
	v0 =	vshrl.u32 v1, $0xE  }
0x73: {  	[tilespmem:$0x16A70] =	vst v0  }
0x74: {  	[spmem:s2] =	stream.indirect.scatter.add.f32 [tilespmem:s13], [sflag:$0x4], $0x80, s19, s15, $0xb8;
	[tilespmem:$0x1AA80] =	vst v63  }
0x75: {  	_ =	swait.ge [sflag:s20], $0x4000  }
0x76: {  	[sflag:s20] =	ssyncset.done $0x0  }
0x77: {  	s26 =	simm.s32 $0x3F0;
	[sflag:s20] =	ssyncadd.s32 $0xFFFFC000  }
0x78: {  	v0 =	vld [tilespmem:s26+$0x13E10];
	_ =	sdelay $0x4  }
0x79: {  	v1 =	vand.u32 $0x3FFF, v0  }
0x7a: {  	v0 =	vshrl.u32 v0, $0xE;
	[tilespmem:$0x16800] =	vst v1  }
0x7b: {  	[tilespmem:$0x16880] =	vst v0  }
0x7c: {  	v0 =	vld [tilespmem:s26+$0x13E20];
	_ =	sdelay $0x4  }
0x7d: {  	v1 =	vand.u32 $0x3FFF, v0  }
0x7e: {  	v0 =	vshrl.u32 v0, $0xE;
	[tilespmem:$0x16810] =	vst v1  }
0x7f: {  	[tilespmem:$0x16890] =	vst v0  }
0x80: {  	v0 =	vld [tilespmem:s26+$0x13E30];
	_ =	sdelay $0x4  }
0x81: {  	v1 =	vand.u32 $0x3FFF, v0  }
0x82: {  	v0 =	vshrl.u32 v0, $0xE;
	[tilespmem:$0x16820] =	vst v1  }
0x83: {  	[tilespmem:$0x168A0] =	vst v0  }
0x84: {  	v0 =	vld [tilespmem:s26+$0x13E40];
	_ =	sdelay $0x4  }
0x85: {  	v1 =	vand.u32 $0x3FFF, v0  }
0x86: {  	v0 =	vshrl.u32 v0, $0xE;
	[tilespmem:$0x16830] =	vst v1  }
0x87: {  	[tilespmem:$0x168B0] =	vst v0  }
0x88: {  	v0 =	vld [tilespmem:s26+$0x13E50];
	_ =	sdelay $0x4  }
0x89: {  	v1 =	vand.u32 $0x3FFF, v0  }
0x8a: {  	v0 =	vshrl.u32 v0, $0xE;
	[tilespmem:$0x16840] =	vst v1  }
0x8b: {  	[tilespmem:$0x168C0] =	vst v0  }
0x8c: {  	v0 =	vld [tilespmem:s26+$0x13E60];
	_ =	sdelay $0x4  }
0x8d: {  	v1 =	vand.u32 $0x3FFF, v0  }
0x8e: {  	v0 =	vshrl.u32 v0, $0xE;
	[tilespmem:$0x16850] =	vst v1  }
0x8f: {  	[tilespmem:$0x168D0] =	vst v0  }
0x90: {  	v0 =	vld [tilespmem:s26+$0x13E70];
	_ =	sdelay $0x4  }
0x91: {  	v1 =	vand.u32 $0x3FFF, v0  }
0x92: {  	v0 =	vshrl.u32 v0, $0xE;
	[tilespmem:$0x16860] =	vst v1  }
0x93: {  	[tilespmem:$0x168E0] =	vst v0  }
0x94: {  	v0 =	vld [tilespmem:s26+$0x13E80];
	_ =	sdelay $0x4  }
0x95: {  	v1 =	vand.u32 $0x3FFF, v0  }
0x96: {  	v0 =	vshrl.u32 v0, $0xE;
	[tilespmem:$0x16870] =	vst v1  }
0x97: {  	[tilespmem:$0x168F0] =	vst v0  }
0x98: {  	[spmem:s2] =	stream.indirect.scatter.add.f32 [tilespmem:s13], [sflag:$0x1], $0x80, s16, s15, $0xb8;
	[tilespmem:$0x1AA80] =	vst v63  }
0x99: {  	_ =	swait.ge [sflag:s21], $0x4000  }
0x9a: {  	[sflag:s21] =	ssyncset.done $0x0  }
0x9b: {  	[sflag:s21] =	ssyncadd.s32 $0xFFFFC000  }
0x9c: {  	v0 =	vld [tilespmem:s26+$0x13E90];
	_ =	sdelay $0x4  }
0x9d: {  	v1 =	vand.u32 $0x3FFF, v0  }
0x9e: {  	v0 =	vshrl.u32 v0, $0xE;
	[tilespmem:$0x16800] =	vst v1  }
0x9f: {  	[tilespmem:$0x16900] =	vst v0  }
0xa0: {  	v0 =	vld [tilespmem:s26+$0x13EA0];
	_ =	sdelay $0x4  }
0xa1: {  	v1 =	vand.u32 $0x3FFF, v0  }
0xa2: {  	v0 =	vshrl.u32 v0, $0xE;
	[tilespmem:$0x16810] =	vst v1  }
0xa3: {  	[tilespmem:$0x16910] =	vst v0  }
0xa4: {  	v0 =	vld [tilespmem:s26+$0x13EB0];
	_ =	sdelay $0x4  }
0xa5: {  	v1 =	vand.u32 $0x3FFF, v0  }
0xa6: {  	v0 =	vshrl.u32 v0, $0xE;
	[tilespmem:$0x16820] =	vst v1  }
0xa7: {  	[tilespmem:$0x16920] =	vst v0  }
0xa8: {  	v0 =	vld [tilespmem:s26+$0x13EC0];
	_ =	sdelay $0x4  }
0xa9: {  	v1 =	vand.u32 $0x3FFF, v0  }
0xaa: {  	v0 =	vshrl.u32 v0, $0xE;
	[tilespmem:$0x16830] =	vst v1  }
0xab: {  	[tilespmem:$0x16930] =	vst v0  }
0xac: {  	v0 =	vld [tilespmem:s26+$0x13ED0];
	_ =	sdelay $0x4  }
0xad: {  	v1 =	vand.u32 $0x3FFF, v0  }
0xae: {  	v0 =	vshrl.u32 v0, $0xE;
	[tilespmem:$0x16840] =	vst v1  }
0xaf: {  	[tilespmem:$0x16940] =	vst v0  }
0xb0: {  	v0 =	vld [tilespmem:s26+$0x13EE0];
	_ =	sdelay $0x4  }
0xb1: {  	v1 =	vand.u32 $0x3FFF, v0  }
0xb2: {  	v0 =	vshrl.u32 v0, $0xE;
	[tilespmem:$0x16850] =	vst v1  }
0xb3: {  	[tilespmem:$0x16950] =	vst v0  }
0xb4: {  	v0 =	vld [tilespmem:s26+$0x13EF0];
	_ =	sdelay $0x4  }
0xb5: {  	v1 =	vand.u32 $0x3FFF, v0  }
0xb6: {  	v0 =	vshrl.u32 v0, $0xE;
	[tilespmem:$0x16860] =	vst v1  }
0xb7: {  	[tilespmem:$0x16960] =	vst v0  }
0xb8: {  	v0 =	vld [tilespmem:s26+$0x13F00];
	_ =	sdelay $0x4  }
0xb9: {  	v1 =	vand.u32 $0x3FFF, v0  }
0xba: {  	v0 =	vshrl.u32 v0, $0xE;
	[tilespmem:$0x16870] =	vst v1  }
0xbb: {  	[tilespmem:$0x16970] =	vst v0  }
0xbc: {  	[spmem:s2] =	stream.indirect.scatter.add.f32 [tilespmem:s13], [sflag:$0x2], $0x80, s17, s15, $0xb8;
	[tilespmem:$0x1AA80] =	vst v63  }
0xbd: {  	_ =	swait.ge [sflag:s22], $0x4000  }
0xbe: {  	[sflag:s22] =	ssyncset.done $0x0  }
0xbf: {  	[sflag:s22] =	ssyncadd.s32 $0xFFFFC000  }
0xc0: {  	v0 =	vld [tilespmem:s26+$0x13F10];
	_ =	sdelay $0x4  }
0xc1: {  	v1 =	vand.u32 $0x3FFF, v0  }
0xc2: {  	v0 =	vshrl.u32 v0, $0xE;
	[tilespmem:$0x16800] =	vst v1  }
0xc3: {  	[tilespmem:$0x16980] =	vst v0  }
0xc4: {  	v0 =	vld [tilespmem:s26+$0x13F20];
	_ =	sdelay $0x4  }
0xc5: {  	v1 =	vand.u32 $0x3FFF, v0  }
0xc6: {  	v0 =	vshrl.u32 v0, $0xE;
	[tilespmem:$0x16810] =	vst v1  }
0xc7: {  	[tilespmem:$0x16990] =	vst v0  }
0xc8: {  	v0 =	vld [tilespmem:s26+$0x13F30];
	_ =	sdelay $0x4  }
0xc9: {  	v1 =	vand.u32 $0x3FFF, v0  }
0xca: {  	v0 =	vshrl.u32 v0, $0xE;
	[tilespmem:$0x16820] =	vst v1  }
0xcb: {  	[tilespmem:$0x169A0] =	vst v0  }
0xcc: {  	v0 =	vld [tilespmem:s26+$0x13F40];
	_ =	sdelay $0x4  }
0xcd: {  	v1 =	vand.u32 $0x3FFF, v0  }
0xce: {  	v0 =	vshrl.u32 v0, $0xE;
	[tilespmem:$0x16830] =	vst v1  }
0xcf: {  	[tilespmem:$0x169B0] =	vst v0  }
0xd0: {  	v0 =	vld [tilespmem:s26+$0x13F50];
	_ =	sdelay $0x4  }
0xd1: {  	v1 =	vand.u32 $0x3FFF, v0  }
0xd2: {  	v0 =	vshrl.u32 v0, $0xE;
	[tilespmem:$0x16840] =	vst v1  }
0xd3: {  	[tilespmem:$0x169C0] =	vst v0  }
0xd4: {  	v0 =	vld [tilespmem:s26+$0x13F60];
	_ =	sdelay $0x4  }
0xd5: {  	v1 =	vand.u32 $0x3FFF, v0  }
0xd6: {  	v0 =	vshrl.u32 v0, $0xE;
	[tilespmem:$0x16850] =	vst v1  }
0xd7: {  	[tilespmem:$0x169D0] =	vst v0  }
0xd8: {  	v0 =	vld [tilespmem:s26+$0x13F70];
	_ =	sdelay $0x4  }
0xd9: {  	v1 =	vand.u32 $0x3FFF, v0  }
0xda: {  	v0 =	vshrl.u32 v0, $0xE;
	[tilespmem:$0x16860] =	vst v1  }
0xdb: {  	[tilespmem:$0x169E0] =	vst v0  }
0xdc: {  	v0 =	vld [tilespmem:s26+$0x13F80];
	_ =	sdelay $0x4  }
0xdd: {  	v1 =	vand.u32 $0x3FFF, v0  }
0xde: {  	v0 =	vshrl.u32 v0, $0xE;
	[tilespmem:$0x16870] =	vst v1  }
0xdf: {  	[tilespmem:$0x169F0] =	vst v0  }
0xe0: {  	[spmem:s2] =	stream.indirect.scatter.add.f32 [tilespmem:s13], [sflag:$0x3], $0x80, s18, s15, $0xb8;
	[tilespmem:$0x1AA80] =	vst v63  }
0xe1: {  	_ =	swait.ge [sflag:s23], $0x4000  }
0xe2: {  	[sflag:s23] =	ssyncset.done $0x0  }
0xe3: {  	[sflag:s23] =	ssyncadd.s32 $0xFFFFC000  }
0xe4: {  	v0 =	vld [tilespmem:s26+$0x13F90];
	_ =	sdelay $0x4  }
0xe5: {  	v1 =	vand.u32 $0x3FFF, v0  }
0xe6: {  	v0 =	vshrl.u32 v0, $0xE;
	[tilespmem:$0x16800] =	vst v1  }
0xe7: {  	[tilespmem:$0x16A00] =	vst v0  }
0xe8: {  	v0 =	vld [tilespmem:s26+$0x13FA0];
	_ =	sdelay $0x4  }
0xe9: {  	v1 =	vand.u32 $0x3FFF, v0  }
0xea: {  	v0 =	vshrl.u32 v0, $0xE;
	[tilespmem:$0x16810] =	vst v1  }
0xeb: {  	[tilespmem:$0x16A10] =	vst v0  }
0xec: {  	v0 =	vld [tilespmem:s26+$0x13FB0];
	_ =	sdelay $0x4  }
0xed: {  	v1 =	vand.u32 $0x3FFF, v0  }
0xee: {  	v0 =	vshrl.u32 v0, $0xE;
	[tilespmem:$0x16820] =	vst v1  }
0xef: {  	[tilespmem:$0x16A20] =	vst v0  }
0xf0: {  	v0 =	vld [tilespmem:s26+$0x13FC0];
	_ =	sdelay $0x4  }
0xf1: {  	v1 =	vand.u32 $0x3FFF, v0  }
0xf2: {  	v0 =	vshrl.u32 v0, $0xE;
	[tilespmem:$0x16830] =	vst v1  }
0xf3: {  	[tilespmem:$0x16A30] =	vst v0  }
0xf4: {  	s28 =	simm.s32 $0x17C0;
	v0 =	vld [tilespmem:s26+$0x13FD0]  }
.LBB2_2:
0xf5: {  	_ =	sdelay $0x1  }
0xf6: {  	p0 =	sne.s32 s28, $0x9FC0;
	s29 =	smov.u32 s28;
	s28 =	sadd.s32 $0x800, s28  }
0xf7: {  	_ = 	snop  }
0xf8: {  	v1 =	vand.u32 $0x3FFF, v0;
	v0 =	vshrl.u32 v0, $0xE  }
0xf9: {  	[tilespmem:$0x16840] =	vst v1  }
0xfa: {  	[tilespmem:$0x16A40] =	vst v0  }
0xfb: {  	v0 =	vld [tilespmem:s26+$0x13FE0];
	_ =	sdelay $0x4  }
0xfc: {  	v1 =	vand.u32 $0x3FFF, v0;
	v0 =	vshrl.u32 v0, $0xE  }
0xfd: {  	[tilespmem:$0x16850] =	vst v1  }
0xfe: {  	[tilespmem:$0x16A50] =	vst v0  }
0xff: {  	v0 =	vld [tilespmem:s26+$0x13FF0];
	_ =	sdelay $0x4  }
0x100: {  	v1 =	vand.u32 $0x3FFF, v0;
	v0 =	vshrl.u32 v0, $0xE  }
0x101: {  	[tilespmem:$0x16860] =	vst v1  }
0x102: {  	[tilespmem:$0x16A60] =	vst v0  }
0x103: {  	v0 =	vld [tilespmem:s26+$0x14000];
	_ =	sdelay $0x4  }
0x104: {  	v1 =	vand.u32 $0x3FFF, v0;
	v0 =	vshrl.u32 v0, $0xE  }
0x105: {  	[tilespmem:$0x16870] =	vst v1  }
0x106: {  	[tilespmem:$0x16A70] =	vst v0  }
0x107: {  	[spmem:s2] =	stream.indirect.scatter.add.f32 [tilespmem:s13], [sflag:$0x4], $0x80, s19, s15, $0xb8;
	[tilespmem:$0x1AA80] =	vst v63  }
0x108: {  	_ =	swait.ge [sflag:s20], $0x4000  }
0x109: {  	[sflag:s20] =	ssyncset.done $0x0  }
0x10a: {  	s26 =	sshra.s32 s29, $0x2;
	[sflag:s20] =	ssyncadd.s32 $0xFFFFC000  }
0x10b: {  	v0 =	vld [tilespmem:s26+$0x13E10];
	_ =	sdelay $0x4  }
0x10c: {  	v1 =	vand.u32 $0x3FFF, v0;
	v0 =	vshrl.u32 v0, $0xE  }
0x10d: {  	[tilespmem:$0x16800] =	vst v1  }
0x10e: {  	[tilespmem:$0x16880] =	vst v0  }
0x10f: {  	v0 =	vld [tilespmem:s26+$0x13E20];
	_ =	sdelay $0x4  }
0x110: {  	v1 =	vand.u32 $0x3FFF, v0;
	v0 =	vshrl.u32 v0, $0xE  }
0x111: {  	[tilespmem:$0x16810] =	vst v1  }
0x112: {  	[tilespmem:$0x16890] =	vst v0  }
0x113: {  	v0 =	vld [tilespmem:s26+$0x13E30];
	_ =	sdelay $0x4  }
0x114: {  	v1 =	vand.u32 $0x3FFF, v0;
	v0 =	vshrl.u32 v0, $0xE  }
0x115: {  	[tilespmem:$0x16820] =	vst v1  }
0x116: {  	[tilespmem:$0x168A0] =	vst v0  }
0x117: {  	v0 =	vld [tilespmem:s26+$0x13E40];
	_ =	sdelay $0x4  }
0x118: {  	v1 =	vand.u32 $0x3FFF, v0;
	v0 =	vshrl.u32 v0, $0xE  }
0x119: {  	[tilespmem:$0x16830] =	vst v1  }
0x11a: {  	[tilespmem:$0x168B0] =	vst v0  }
0x11b: {  	v0 =	vld [tilespmem:s26+$0x13E50];
	_ =	sdelay $0x4  }
0x11c: {  	v1 =	vand.u32 $0x3FFF, v0;
	v0 =	vshrl.u32 v0, $0xE  }
0x11d: {  	[tilespmem:$0x16840] =	vst v1  }
0x11e: {  	[tilespmem:$0x168C0] =	vst v0  }
0x11f: {  	v0 =	vld [tilespmem:s26+$0x13E60];
	_ =	sdelay $0x4  }
0x120: {  	v1 =	vand.u32 $0x3FFF, v0;
	v0 =	vshrl.u32 v0, $0xE  }
0x121: {  	[tilespmem:$0x16850] =	vst v1  }
0x122: {  	[tilespmem:$0x168D0] =	vst v0  }
0x123: {  	v0 =	vld [tilespmem:s26+$0x13E70];
	_ =	sdelay $0x4  }
0x124: {  	v1 =	vand.u32 $0x3FFF, v0;
	v0 =	vshrl.u32 v0, $0xE  }
0x125: {  	[tilespmem:$0x16860] =	vst v1  }
0x126: {  	[tilespmem:$0x168E0] =	vst v0  }
0x127: {  	v0 =	vld [tilespmem:s26+$0x13E80];
	_ =	sdelay $0x4  }
0x128: {  	v1 =	vand.u32 $0x3FFF, v0;
	v0 =	vshrl.u32 v0, $0xE  }
0x129: {  	[tilespmem:$0x16870] =	vst v1  }
0x12a: {  	[tilespmem:$0x168F0] =	vst v0  }
0x12b: {  	[spmem:s2] =	stream.indirect.scatter.add.f32 [tilespmem:s13], [sflag:$0x1], $0x80, s16, s15, $0xb8;
	[tilespmem:$0x1AA80] =	vst v63  }
0x12c: {  	_ =	swait.ge [sflag:s21], $0x4000  }
0x12d: {  	[sflag:s21] =	ssyncset.done $0x0  }
0x12e: {  	[sflag:s21] =	ssyncadd.s32 $0xFFFFC000  }
0x12f: {  	v0 =	vld [tilespmem:s26+$0x13E90];
	_ =	sdelay $0x4  }
0x130: {  	v1 =	vand.u32 $0x3FFF, v0;
	v0 =	vshrl.u32 v0, $0xE  }
0x131: {  	[tilespmem:$0x16800] =	vst v1  }
0x132: {  	[tilespmem:$0x16900] =	vst v0  }
0x133: {  	v0 =	vld [tilespmem:s26+$0x13EA0];
	_ =	sdelay $0x4  }
0x134: {  	v1 =	vand.u32 $0x3FFF, v0;
	v0 =	vshrl.u32 v0, $0xE  }
0x135: {  	[tilespmem:$0x16810] =	vst v1  }
0x136: {  	[tilespmem:$0x16910] =	vst v0  }
0x137: {  	v0 =	vld [tilespmem:s26+$0x13EB0];
	_ =	sdelay $0x4  }
0x138: {  	v1 =	vand.u32 $0x3FFF, v0;
	v0 =	vshrl.u32 v0, $0xE  }
0x139: {  	[tilespmem:$0x16820] =	vst v1  }
0x13a: {  	[tilespmem:$0x16920] =	vst v0  }
0x13b: {  	v0 =	vld [tilespmem:s26+$0x13EC0];
	_ =	sdelay $0x4  }
0x13c: {  	v1 =	vand.u32 $0x3FFF, v0;
	v0 =	vshrl.u32 v0, $0xE  }
0x13d: {  	[tilespmem:$0x16830] =	vst v1  }
0x13e: {  	[tilespmem:$0x16930] =	vst v0  }
0x13f: {  	v0 =	vld [tilespmem:s26+$0x13ED0];
	_ =	sdelay $0x4  }
0x140: {  	v1 =	vand.u32 $0x3FFF, v0;
	v0 =	vshrl.u32 v0, $0xE  }
0x141: {  	[tilespmem:$0x16840] =	vst v1  }
0x142: {  	[tilespmem:$0x16940] =	vst v0  }
0x143: {  	v0 =	vld [tilespmem:s26+$0x13EE0];
	_ =	sdelay $0x4  }
0x144: {  	v1 =	vand.u32 $0x3FFF, v0;
	v0 =	vshrl.u32 v0, $0xE  }
0x145: {  	[tilespmem:$0x16850] =	vst v1  }
0x146: {  	[tilespmem:$0x16950] =	vst v0  }
0x147: {  	v0 =	vld [tilespmem:s26+$0x13EF0];
	_ =	sdelay $0x4  }
0x148: {  	v1 =	vand.u32 $0x3FFF, v0;
	v0 =	vshrl.u32 v0, $0xE  }
0x149: {  	[tilespmem:$0x16860] =	vst v1  }
0x14a: {  	[tilespmem:$0x16960] =	vst v0  }
0x14b: {  	v0 =	vld [tilespmem:s26+$0x13F00];
	_ =	sdelay $0x4  }
0x14c: {  	v1 =	vand.u32 $0x3FFF, v0;
	v0 =	vshrl.u32 v0, $0xE  }
0x14d: {  	[tilespmem:$0x16870] =	vst v1  }
0x14e: {  	[tilespmem:$0x16970] =	vst v0  }
0x14f: {  	[spmem:s2] =	stream.indirect.scatter.add.f32 [tilespmem:s13], [sflag:$0x2], $0x80, s17, s15, $0xb8;
	[tilespmem:$0x1AA80] =	vst v63  }
0x150: {  	_ =	swait.ge [sflag:s22], $0x4000  }
0x151: {  	[sflag:s22] =	ssyncset.done $0x0  }
0x152: {  	[sflag:s22] =	ssyncadd.s32 $0xFFFFC000  }
0x153: {  	v0 =	vld [tilespmem:s26+$0x13F10];
	_ =	sdelay $0x4  }
0x154: {  	v1 =	vand.u32 $0x3FFF, v0;
	v0 =	vshrl.u32 v0, $0xE  }
0x155: {  	[tilespmem:$0x16800] =	vst v1  }
0x156: {  	[tilespmem:$0x16980] =	vst v0  }
0x157: {  	v0 =	vld [tilespmem:s26+$0x13F20];
	_ =	sdelay $0x4  }
0x158: {  	v1 =	vand.u32 $0x3FFF, v0;
	v0 =	vshrl.u32 v0, $0xE  }
0x159: {  	[tilespmem:$0x16810] =	vst v1  }
0x15a: {  	[tilespmem:$0x16990] =	vst v0  }
0x15b: {  	v0 =	vld [tilespmem:s26+$0x13F30];
	_ =	sdelay $0x4  }
0x15c: {  	v1 =	vand.u32 $0x3FFF, v0;
	v0 =	vshrl.u32 v0, $0xE  }
0x15d: {  	[tilespmem:$0x16820] =	vst v1  }
0x15e: {  	[tilespmem:$0x169A0] =	vst v0  }
0x15f: {  	v0 =	vld [tilespmem:s26+$0x13F40];
	_ =	sdelay $0x4  }
0x160: {  	v1 =	vand.u32 $0x3FFF, v0;
	v0 =	vshrl.u32 v0, $0xE  }
0x161: {  	[tilespmem:$0x16830] =	vst v1  }
0x162: {  	[tilespmem:$0x169B0] =	vst v0  }
0x163: {  	v0 =	vld [tilespmem:s26+$0x13F50];
	_ =	sdelay $0x4  }
0x164: {  	v1 =	vand.u32 $0x3FFF, v0;
	v0 =	vshrl.u32 v0, $0xE  }
0x165: {  	[tilespmem:$0x16840] =	vst v1  }
0x166: {  	[tilespmem:$0x169C0] =	vst v0  }
0x167: {  	v0 =	vld [tilespmem:s26+$0x13F60];
	_ =	sdelay $0x4  }
0x168: {  	v1 =	vand.u32 $0x3FFF, v0;
	v0 =	vshrl.u32 v0, $0xE  }
0x169: {  	[tilespmem:$0x16850] =	vst v1  }
0x16a: {  	[tilespmem:$0x169D0] =	vst v0  }
0x16b: {  	v0 =	vld [tilespmem:s26+$0x13F70];
	_ =	sdelay $0x4  }
0x16c: {  	v1 =	vand.u32 $0x3FFF, v0;
	v0 =	vshrl.u32 v0, $0xE  }
0x16d: {  	[tilespmem:$0x16860] =	vst v1  }
0x16e: {  	[tilespmem:$0x169E0] =	vst v0  }
0x16f: {  	v0 =	vld [tilespmem:s26+$0x13F80];
	_ =	sdelay $0x4  }
0x170: {  	v1 =	vand.u32 $0x3FFF, v0;
	v0 =	vshrl.u32 v0, $0xE  }
0x171: {  	[tilespmem:$0x16870] =	vst v1  }
0x172: {  	[tilespmem:$0x169F0] =	vst v0  }
0x173: {  	[spmem:s2] =	stream.indirect.scatter.add.f32 [tilespmem:s13], [sflag:$0x3], $0x80, s18, s15, $0xb8;
	[tilespmem:$0x1AA80] =	vst v63  }
0x174: {  	_ =	swait.ge [sflag:s23], $0x4000  }
0x175: {  	[sflag:s23] =	ssyncset.done $0x0  }
0x176: {  	[sflag:s23] =	ssyncadd.s32 $0xFFFFC000  }
0x177: {  	v0 =	vld [tilespmem:s26+$0x13F90];
	_ =	sdelay $0x4  }
0x178: {  	v1 =	vand.u32 $0x3FFF, v0;
	v0 =	vshrl.u32 v0, $0xE  }
0x179: {  	[tilespmem:$0x16800] =	vst v1  }
0x17a: {  	[tilespmem:$0x16A00] =	vst v0  }
0x17b: {  	v0 =	vld [tilespmem:s26+$0x13FA0];
	_ =	sdelay $0x4  }
0x17c: {  	v1 =	vand.u32 $0x3FFF, v0;
	v0 =	vshrl.u32 v0, $0xE  }
0x17d: {  	[tilespmem:$0x16810] =	vst v1  }
0x17e: {  	[tilespmem:$0x16A10] =	vst v0  }
0x17f: {  	v0 =	vld [tilespmem:s26+$0x13FB0];
	_ =	sdelay $0x4  }
0x180: {  	v1 =	vand.u32 $0x3FFF, v0;
	v0 =	vshrl.u32 v0, $0xE  }
0x181: {  	[tilespmem:$0x16820] =	vst v1  }
0x182: {  	[tilespmem:$0x16A20] =	vst v0  }
0x183: {  	v0 =	vld [tilespmem:s26+$0x13FC0];
	_ =	sdelay $0x3  }
.Ltmp0:
0x184: {  	(pc) =	sbr.rel @p0 .LBB2_2-.Ltmp0, $4  }
0x185: {  	v1 =	vand.u32 $0x3FFF, v0;
	v0 =	vshrl.u32 v0, $0xE  }
0x186: {  	[tilespmem:$0x16830] =	vst v1  }
0x187: {  	[tilespmem:$0x16A30] =	vst v0  }
0x188: {  	v0 =	vld [tilespmem:s26+$0x13FD0]  }
0x189: {  	_ =	sdelay $0x3  }
0x18a: {  	v1 =	vand.u32 $0x3FFF, v0  }
0x18b: {  	v60 =	vshrl.u32 v0, $0xE;
	[tilespmem:$0x16840] =	vst v1  }
0x18c: {  	[tilespmem:$0x16A40] =	vst v60  }
0x18d: {  	v0 =	vld [tilespmem:s26+$0x13FE0];
	_ =	sdelay $0x4  }
0x18e: {  	v61 =	vand.u32 $0x3FFF, v0  }
0x18f: {  	v0 =	vshrl.u32 v0, $0xE;
	[tilespmem:$0x16850] =	vst v61  }
0x190: {  	[tilespmem:$0x16A50] =	vst v0  }
0x191: {  	v0 =	vld [tilespmem:s26+$0x13FF0];
	_ =	sdelay $0x4  }
0x192: {  	v62 =	vand.u32 $0x3FFF, v0  }
0x193: {  	v0 =	vshrl.u32 v0, $0xE;
	[tilespmem:$0x16860] =	vst v62  }
0x194: {  	[tilespmem:$0x16A60] =	vst v0  }
0x195: {  	v0 =	vld [tilespmem:s26+$0x14000];
	_ =	sdelay $0x4  }
0x196: {  	v63 =	vand.u32 $0x3FFF, v0  }
0x197: {  	v0 =	vshrl.u32 v0, $0xE;
	[tilespmem:$0x16870] =	vst v63  }
0x198: {  	[tilespmem:$0x16A70] =	vst v0  }
0x199: {  	[spmem:s2] =	stream.indirect.scatter.add.f32 [tilespmem:s13], [sflag:$0x4], $0x80, s19, s15, $0xb8;
	[tilespmem:$0x1AA80] =	vst v63  }
0x19a: {  	_ =	swait.ge [sflag:s20], $0x4000  }
0x19b: {  	[sflag:s20] =	ssyncset.done $0x0  }
0x19c: {  	[sflag:s20] =	ssyncadd.s32 $0xFFFFC000  }
0x19d: {  	_ =	swait.ge [sflag:s21], $0x4000  }
0x19e: {  	[sflag:s21] =	ssyncset.done $0x0  }
0x19f: {  	[sflag:s21] =	ssyncadd.s32 $0xFFFFC000  }
0x1a0: {  	_ =	swait.ge [sflag:s22], $0x4000  }
0x1a1: {  	[sflag:s22] =	ssyncset.done $0x0  }
0x1a2: {  	[sflag:s22] =	ssyncadd.s32 $0xFFFFC000  }
0x1a3: {  	_ =	swait.ge [sflag:s23], $0x4000  }
0x1a4: {  	s25 =	sadd.s32 $0x1, s25;
	[sflag:s23] =	ssyncset.done $0x0  }
0x1a5: {  	p0 =	sne.s32 s25, s9;
	[sflag:s23] =	ssyncadd.s32 $0xFFFFC000  }
.Ltmp1:
0x1a6: {  	[bflag:$0x0] =	sbarrier.arrive $0xFFFF;
	(pc) =	sbr.rel @p0 .LBB2_1-.Ltmp1, $4  }
0x1a7: {  	[hbm:s8], [sflag:s24] =	dma.local [spmem:s10], $0x2800  }
0x1a8: {  	_ =	swait.ge [sflag:s12], $0x2800  }
0x1a9: {  	[sflag:s12] =	ssyncset.done $0x0  }
0x1aa: {  	[sflag:s12] =	ssyncadd.s32 $0xFFFFD800  }
0x1ab: {  	_ =	sfence.sel $0x180000  }
0x1ac: {  	[bflag:$0x0] =	sbarrier.arrive $0xFFFF  }
0x1ad: {  	p0 =	sne.s32 s1, $0x0;
	_ =	strace $0x90000047  }
0x1ae: {  	s0 =	sadd.s32 @!p0 $0x100000, s0;
	[bflag:$0x2] =	sbarrier.arrive $0xFFFF  }
0x1af: {  	[sflag:s0] =	ssyncadd.tile.s32 @!p0 $0x1;
	_ =	shalt  }
.Lfunc_end2:
_tile_overlayer_lowered:
.L_overlay_start_2:
0x1b0: {  	(tag) =	ssettag $0x2  }
0x1b1: {  	s0 =	rddreg [dreg:$0x0];
	s2 =	stileid.u32  }
0x1b2: {  	s1 =	rddreg [dreg:$0x1];
	p0 =	sne.s32 s2, $0x0  }
0x1b3: {  	s3 =	rddreg [dreg:$0x2];
	[bflag:$0x3] =	sbarrier.arrive $0xFFFF;
	s2 =	simm.s32 @!p0 $0x1C06  }
0x1b4: {  	[timem:s3], [sflag:s2] =	dma.local @!p0 [hbm:s0], s1  }
0x1b5: {  	s0 =	simm.s32 @!p0 $0x6  }
0x1b6: {  	_ =	swait.ge @!p0 [sflag:s0], s1  }
0x1b7: {  	s1 =	ssub.s32 @!p0 $0x0, s1;
	[sflag:s0] =	ssyncset.done @!p0 $0x0  }
0x1b8: {  	[sflag:s0] =	ssyncadd.s32 @!p0 s1  }
0x1b9: {  	[bflag:$0x3] =	sbarrier.arrive $0xFFFF  }
0x1ba: {  	_ =	shalt  }

</sc_bundles>
